<compile_context>
chip_gen: v7x
topology: tpu7x:2x2x1
jax: 0.10.2.dev20260603
libtpu: 0.0.44.dev20260713+nightly
codegen_flags: <defaults>
</compile_context>

<pallas_src>
import functools

import jax
import jax.numpy as jnp
from jax import lax
from jax.experimental import pallas as pl
from jax.experimental.pallas import tpu as pltpu
from jax.experimental.pallas import tpu_sc as plsc

T = 2048
D = 1024
E = 8
F = 512
SF = 512

BLK = 128
PBLK = 512
P = 2 * T + E * PBLK
NBLK = P // BLK
NPAIR = P // PBLK
NW = 32
CH = T // NW
SUB = 32
CHK = 256



def _route_kernel(x_ref, gw_ref, p1_ref, p2_ref, w1_ref, be_ref):
    x = x_ref[...]
    logits = jnp.dot(x, gw_ref[...].T, preferred_element_type=jnp.float32)
    logits = logits - jnp.max(logits, axis=-1, keepdims=True)
    ex = jnp.exp(logits)
    probs = ex / jnp.sum(ex, axis=-1, keepdims=True)

    col = lax.broadcasted_iota(jnp.int32, (T, E), 1)
    a1 = jnp.argmax(probs, axis=-1)
    m1 = jnp.max(probs, axis=-1)
    oh1 = (col == a1[:, None]).astype(jnp.float32)
    masked = jnp.where(oh1 > 0, -jnp.inf, probs)
    a2 = jnp.argmax(masked, axis=-1)
    m2 = jnp.max(masked, axis=-1)
    oh2 = (col == a2[:, None]).astype(jnp.float32)
    s = m1 + m2

    M = oh1 + oh2
    ri = lax.broadcasted_iota(jnp.int32, (CHK, CHK), 0)
    ci = lax.broadcasted_iota(jnp.int32, (CHK, CHK), 1)
    tril = (ci < ri).astype(jnp.float32)
    acc = jnp.zeros((1, E), jnp.float32)
    segs = []
    for ch in range(T // CHK):
        Mc = M[ch * CHK:(ch + 1) * CHK]
        segs.append(jnp.dot(tril, Mc, preferred_element_type=jnp.float32) + acc)
        acc = acc + jnp.sum(Mc, axis=0, keepdims=True)
    S = jnp.concatenate(segs, axis=0)
    counts = acc

    padded = jnp.ceil(counts * (1.0 / PBLK)) * PBLK
    er = lax.broadcasted_iota(jnp.int32, (E, E), 0)
    ec = lax.broadcasted_iota(jnp.int32, (E, E), 1)
    upper = (er < ec).astype(jnp.float32)
    off = jnp.dot(padded, upper, preferred_element_type=jnp.float32)

    rank1 = jnp.sum(S * oh1, axis=1)
    rank2 = jnp.sum(S * oh2, axis=1)
    base1 = jnp.sum(off * oh1, axis=1)
    base2 = jnp.sum(off * oh2, axis=1)
    p1_ref[...] = (base1 + rank1).astype(jnp.int32).reshape(1, T)
    p2_ref[...] = (base2 + rank2).astype(jnp.int32).reshape(1, T)
    w1_ref[...] = jnp.broadcast_to((m1 / s)[:, None], (T, 16))

    ends = off + padded
    ends_b = jnp.broadcast_to(ends, (NBLK, E))
    sb = lax.broadcasted_iota(jnp.int32, (NBLK, E), 0).astype(
        jnp.float32) * float(BLK)
    cnt = jnp.sum((ends_b <= sb).astype(jnp.int32), axis=1)
    be_ref[...] = jnp.minimum(cnt, E - 1).reshape(1, NBLK)


def _route(x, gate_w):
    return pl.pallas_call(
        _route_kernel,
        out_shape=(
            jax.ShapeDtypeStruct((1, T), jnp.int32),
            jax.ShapeDtypeStruct((1, T), jnp.int32),
            jax.ShapeDtypeStruct((T, 16), jnp.float32),
            jax.ShapeDtypeStruct((1, NBLK), jnp.int32),
        ),
    )(x, gate_w)



def _shared_kernel(x_ref, sgu_ref, sdown_ref, out_ref):
    sh = jnp.dot(x_ref[...], sgu_ref[...], preferred_element_type=jnp.float32)
    sg = sh[:, :SF]
    su = sh[:, SF:]
    act = (sg * jax.nn.sigmoid(sg)) * su
    out_ref[...] = jnp.dot(act, sdown_ref[...], preferred_element_type=jnp.float32)


def _shared(x, sgu, sdown):
    return pl.pallas_call(
        _shared_kernel,
        out_shape=jax.ShapeDtypeStruct((T, D), jnp.float32),
    )(x, sgu, sdown)



@functools.lru_cache(maxsize=None)
def _make_dispatch():
    mesh = plsc.VectorSubcoreMesh(core_axis_name="c", subcore_axis_name="s")

    @functools.partial(
        pl.kernel,
        mesh=mesh,
        out_type=jax.ShapeDtypeStruct((P, D), jnp.float32),
        scratch_types=[
            pltpu.VMEM((CH,), jnp.int32),
            pltpu.VMEM((CH,), jnp.int32),
            pltpu.VMEM((CH, D), jnp.float32),
            pltpu.SemaphoreType.DMA,
            pltpu.SemaphoreType.DMA,
        ],
    )
    def _dispatch(x_hbm, p1_hbm, p2_hbm, xs_hbm, idx1, idx2, xbuf, sem1, sem2):
        wid = lax.axis_index("s") * 2 + lax.axis_index("c")
        base = wid * CH
        pltpu.sync_copy(p1_hbm.at[pl.ds(base, CH)], idx1)
        pltpu.sync_copy(p2_hbm.at[pl.ds(base, CH)], idx2)
        pltpu.sync_copy(x_hbm.at[pl.ds(base, CH)], xbuf)
        cp1 = pltpu.async_copy(xbuf, xs_hbm.at[idx1], sem1)
        cp2 = pltpu.async_copy(xbuf, xs_hbm.at[idx2], sem2)
        cp1.wait()
        cp2.wait()

    return _dispatch



def _gmm_kernel(be_ref, xs_ref, gu_ref, dn_ref, ys_ref):
    del be_ref
    HB = PBLK // 2
    x0 = xs_ref[:HB]
    x1 = xs_ref[HB:]
    h0 = jnp.dot(x0, gu_ref[0], preferred_element_type=jnp.float32)
    h1 = jnp.dot(x1, gu_ref[0], preferred_element_type=jnp.float32)
    a0 = (h0[:, :F] * jax.nn.sigmoid(h0[:, :F])) * h0[:, F:]
    a1 = (h1[:, :F] * jax.nn.sigmoid(h1[:, :F])) * h1[:, F:]
    ys_ref[:HB] = jnp.dot(a0, dn_ref[0], preferred_element_type=jnp.float32)
    ys_ref[HB:] = jnp.dot(a1, dn_ref[0], preferred_element_type=jnp.float32)


def _gmm(be, xs, gu, dn):
    grid_spec = pltpu.PrefetchScalarGridSpec(
        num_scalar_prefetch=1,
        grid=(NPAIR,),
        in_specs=[
            pl.BlockSpec((PBLK, D), lambda b, be: (b, 0)),
            pl.BlockSpec((1, D, 2 * F),
                         lambda b, be: (be[(PBLK // BLK) * b], 0, 0)),
            pl.BlockSpec((1, F, D),
                         lambda b, be: (be[(PBLK // BLK) * b], 0, 0)),
        ],
        out_specs=pl.BlockSpec((PBLK, D), lambda b, be: (b, 0)),
    )
    return pl.pallas_call(
        _gmm_kernel,
        grid_spec=grid_spec,
        out_shape=jax.ShapeDtypeStruct((P, D), jnp.float32),
        compiler_params=pltpu.CompilerParams(
            dimension_semantics=("arbitrary",),
            vmem_limit_bytes=100 * 1024 * 1024,
        ),
    )(be, xs, gu, dn)



@functools.lru_cache(maxsize=None)
def _make_combine():
    mesh = plsc.VectorSubcoreMesh(core_axis_name="c", subcore_axis_name="s")

    @functools.partial(
        pl.kernel,
        mesh=mesh,
        out_type=jax.ShapeDtypeStruct((T, D), jnp.float32),
        scratch_types=[
            pltpu.VMEM((CH,), jnp.int32),
            pltpu.VMEM((CH,), jnp.int32),
            pltpu.VMEM((CH, 16), jnp.float32),
            pltpu.VMEM((SUB, D), jnp.float32),
            pltpu.VMEM((SUB, D), jnp.float32),
            pltpu.VMEM((SUB, D), jnp.float32),
            pltpu.SemaphoreType.DMA,
            pltpu.SemaphoreType.DMA,
        ],
    )
    def _combine(ys_hbm, oi_hbm, p1_hbm, p2_hbm, w1_hbm, out_hbm,
                 idx1, idx2, w1b, y1, y2, ob, sem1, sem2):
        wid = lax.axis_index("s") * 2 + lax.axis_index("c")
        base = wid * CH
        pltpu.sync_copy(p1_hbm.at[pl.ds(base, CH)], idx1)
        pltpu.sync_copy(p2_hbm.at[pl.ds(base, CH)], idx2)
        pltpu.sync_copy(w1_hbm.at[pl.ds(base, CH)], w1b)
        for sc in range(CH // SUB):
            rb = base + sc * SUB
            cp1 = pltpu.async_copy(ys_hbm.at[idx1.at[pl.ds(sc * SUB, SUB)]], y1,
                                   sem1)
            cp2 = pltpu.async_copy(ys_hbm.at[idx2.at[pl.ds(sc * SUB, SUB)]], y2,
                                   sem2)
            pltpu.sync_copy(oi_hbm.at[pl.ds(rb, SUB)], ob)
            cp1.wait()
            cp2.wait()

            def row_body(r, carry):
                tok = sc * SUB + r
                w1v = w1b[tok, :]
                for cc in range(D // 16):
                    sl = pl.ds(cc * 16, 16)
                    a = y1[r, sl]
                    b = y2[r, sl]
                    ob[r, sl] = ob[r, sl] + a + (1.0 - w1v) * (b - a)
                return carry

            lax.fori_loop(0, SUB, row_body, 0)
            pltpu.sync_copy(ob, out_hbm.at[pl.ds(rb, SUB)])

    return _combine



@jax.jit
def kernel(hidden_states, gate_w, expert_gate_up, expert_down, shared_gate_up,
           shared_down):
    p1w, p2w, w1x, bew = _route(hidden_states, gate_w)
    p1 = p1w.reshape(T)
    p2 = p2w.reshape(T)
    be = bew.reshape(NBLK)
    out_init = _shared(hidden_states, shared_gate_up, shared_down)
    xs = _make_dispatch()(hidden_states, p1, p2)
    ys = _gmm(be, xs, expert_gate_up, expert_down)
    return _make_combine()(ys, out_init, p1, p2, w1x)

# --- scband reference (transcript-rebuilt; emitter-appended) ---
"""Pipeline reference for scband-bailing-moe-block-87333864996962 (READ-ONLY COPY).

The authoritative reference and input builder live on the scoring server;
editing this copy changes nothing except your own understanding.
"""

import jax, jax.numpy as jnp
import numpy as np

T = 2048
D = 1024
E = 8
K = 2
F = 512
SF = 512
ROUTED_SCALING = 1.0


def setup_inputs(seed: int = 0) -> dict:
    key = jax.random.key(seed)
    ks = jax.random.split(key, 6)
    hidden_states = jax.random.normal(ks[0], (T, D), dtype=jnp.float32)
    gate_w = jax.random.normal(ks[1], (E, D), dtype=jnp.float32) * 0.02
    expert_gate_up = jax.random.normal(ks[2], (E, D, 2 * F), dtype=jnp.float32) * 0.02
    expert_down = jax.random.normal(ks[3], (E, F, D), dtype=jnp.float32) * 0.02
    shared_gate_up = jax.random.normal(ks[4], (D, 2 * SF), dtype=jnp.float32) * 0.02
    shared_down = jax.random.normal(ks[5], (SF, D), dtype=jnp.float32) * 0.02
    return {
        "hidden_states": hidden_states,
        "gate_w": gate_w,
        "expert_gate_up": expert_gate_up,
        "expert_down": expert_down,
        "shared_gate_up": shared_gate_up,
        "shared_down": shared_down,
    }


def reference(hidden_states, gate_w, expert_gate_up, expert_down, shared_gate_up, shared_down):
    x = hidden_states
    # router: gate = nn.Linear(hidden_size, num_experts, bias=False)
    router_logits = x @ gate_w.T
    # scoring_func = softmax, top_k selection, renormalize (norm_topk_prob=True)
    probs = jax.nn.softmax(router_logits.astype(jnp.float32), axis=-1)
    topk_vals, topk_idx = jax.lax.top_k(probs, K)
    topk_vals = topk_vals / jnp.sum(topk_vals, axis=-1, keepdims=True)
    # combine weights [T, E] via one-hot scatter of top-k weights
    combine = jnp.sum(
        jax.nn.one_hot(topk_idx, E, dtype=x.dtype) * topk_vals[..., None].astype(x.dtype),
        axis=1,
    )
    # routed experts: each expert is BailingMLP (gate_up -> SiluAndMul -> down)
    h = jnp.einsum("td,edf->tef", x, expert_gate_up)
    g, u = jnp.split(h, 2, axis=-1)
    h = jax.nn.silu(g) * u
    expert_out = jnp.einsum("tef,efd->ted", h, expert_down)
    routed = jnp.sum(combine[..., None] * expert_out, axis=1)
    routed = routed * ROUTED_SCALING
    # shared experts (num_shared_experts=1) - BailingMLP, reduce_results=False
    sh = x @ shared_gate_up
    sg, su = jnp.split(sh, 2, axis=-1)
    shared = (jax.nn.silu(sg) * su) @ shared_down
    return routed + shared

if __name__ == "__main__":
    import jax
    _d = setup_inputs()
    print(jax.jit(kernel)(*tuple(_d.values())))

</pallas_src>

<mosaic_0001>
#map = affine_map<(d0, d1) -> (0, 0)>
#map1 = affine_map<(d0, d1) -> (0)>
module attributes {stable_mosaic.version = 14 : i64} {
  func.func @_combine(%arg0: i32, %arg1: i32, %arg2: memref<8192x1024xf32, #tpu.memory_space<hbm>>, %arg3: memref<2048x1024xf32, #tpu.memory_space<hbm>>, %arg4: memref<2048xi32, #tpu.memory_space<hbm>>, %arg5: memref<2048xi32, #tpu.memory_space<hbm>>, %arg6: memref<2048x16xf32, #tpu.memory_space<hbm>>, %arg7: memref<2048x1024xf32, #tpu.memory_space<hbm>>, %arg8: memref<64xi32, #tpu.memory_space<vmem>>, %arg9: memref<64xi32, #tpu.memory_space<vmem>>, %arg10: memref<64x16xf32, #tpu.memory_space<vmem>>, %arg11: memref<32x1024xf32, #tpu.memory_space<vmem>>, %arg12: memref<32x1024xf32, #tpu.memory_space<vmem>>, %arg13: memref<32x1024xf32, #tpu.memory_space<vmem>>, %arg14: memref<!tpu.dma_semaphore, #tpu.memory_space<semaphore_mem>>, %arg15: memref<!tpu.dma_semaphore, #tpu.memory_space<semaphore_mem>>) attributes {dimension_semantics = [#tpu.dimension_semantics<core_parallel>, #tpu.dimension_semantics<subcore_parallel>], iteration_bounds = array<i64: 2, 16>, scalar_prefetch = 0 : i64, scratch_operands = 8 : i64, tpu.core_type = #tpu.core_type<sc_vector_subcore>, window_params = [{transform_indices = #map}, {transform_indices = #map}, {transform_indices = #map1}, {transform_indices = #map1}, {transform_indices = #map}, {transform_indices = #map}]} {
    %mul3A = arith.constant 2 : i32
    %mul3A_0 = arith.muli %arg1, %mul3A : i32
    %add3A = arith.addi %mul3A_0, %arg0 : i32
    %mul3A_1 = arith.constant 64 : i32
    %mul3A_2 = arith.muli %add3A, %mul3A_1 : i32
    "tpu.region"() ({
      %run_scoped3A = tpu.sem_alloc : memref<!tpu.dma_semaphore, #tpu.memory_space<semaphore_mem>>
      %dma_start3A_56 = tpu.memref_slice %arg4[%mul3A_2] : memref<2048xi32, #tpu.memory_space<hbm>> -> memref<64xi32, #tpu.memory_space<hbm>>
      %dma_start3A_57 = tpu.memref_slice %arg4[%mul3A_2] : memref<2048xi32, #tpu.memory_space<hbm>> -> memref<64xi32, #tpu.memory_space<hbm>>
      tpu.enqueue_dma source(%dma_start3A_57 : memref<64xi32, #tpu.memory_space<hbm>>) target(%arg8 : memref<64xi32, #tpu.memory_space<vmem>>) target_semaphore(%run_scoped3A : memref<!tpu.dma_semaphore, #tpu.memory_space<semaphore_mem>>)
      %dma_wait3A_58 = tpu.memref_slice %arg4[%mul3A_2] : memref<2048xi32, #tpu.memory_space<hbm>> -> memref<64xi32, #tpu.memory_space<hbm>>
      %dma_wait3A_59 = tpu.memref_slice %arg4[%mul3A_2] : memref<2048xi32, #tpu.memory_space<hbm>> -> memref<64xi32, #tpu.memory_space<hbm>>
      tpu.wait_dma2 semaphore(%run_scoped3A : memref<!tpu.dma_semaphore, #tpu.memory_space<semaphore_mem>>) src(%dma_wait3A_59 : memref<64xi32, #tpu.memory_space<hbm>>) dst(%arg8 : memref<64xi32, #tpu.memory_space<vmem>>)
      tpu.yield
    }) : () -> ()
    "tpu.region"() ({
      %run_scoped3A = tpu.sem_alloc : memref<!tpu.dma_semaphore, #tpu.memory_space<semaphore_mem>>
      %dma_start3A_56 = tpu.memref_slice %arg5[%mul3A_2] : memref<2048xi32, #tpu.memory_space<hbm>> -> memref<64xi32, #tpu.memory_space<hbm>>
      %dma_start3A_57 = tpu.memref_slice %arg5[%mul3A_2] : memref<2048xi32, #tpu.memory_space<hbm>> -> memref<64xi32, #tpu.memory_space<hbm>>
      tpu.enqueue_dma source(%dma_start3A_57 : memref<64xi32, #tpu.memory_space<hbm>>) target(%arg9 : memref<64xi32, #tpu.memory_space<vmem>>) target_semaphore(%run_scoped3A : memref<!tpu.dma_semaphore, #tpu.memory_space<semaphore_mem>>)
      %dma_wait3A_58 = tpu.memref_slice %arg5[%mul3A_2] : memref<2048xi32, #tpu.memory_space<hbm>> -> memref<64xi32, #tpu.memory_space<hbm>>
      %dma_wait3A_59 = tpu.memref_slice %arg5[%mul3A_2] : memref<2048xi32, #tpu.memory_space<hbm>> -> memref<64xi32, #tpu.memory_space<hbm>>
      tpu.wait_dma2 semaphore(%run_scoped3A : memref<!tpu.dma_semaphore, #tpu.memory_space<semaphore_mem>>) src(%dma_wait3A_59 : memref<64xi32, #tpu.memory_space<hbm>>) dst(%arg9 : memref<64xi32, #tpu.memory_space<vmem>>)
      tpu.yield
    }) : () -> ()
    "tpu.region"() ({
      %run_scoped3A = tpu.sem_alloc : memref<!tpu.dma_semaphore, #tpu.memory_space<semaphore_mem>>
      %dma_start3A_56 = arith.constant 0 : i32
      %dma_start3A_57 = tpu.memref_slice %arg6[%mul3A_2, %dma_start3A_56] : memref<2048x16xf32, #tpu.memory_space<hbm>> -> memref<64x16xf32, #tpu.memory_space<hbm>>
      %dma_start3A_58 = arith.constant 0 : i32
      %dma_start3A_59 = tpu.memref_slice %arg6[%mul3A_2, %dma_start3A_58] : memref<2048x16xf32, #tpu.memory_space<hbm>> -> memref<64x16xf32, #tpu.memory_space<hbm>>
      tpu.enqueue_dma source(%dma_start3A_59 : memref<64x16xf32, #tpu.memory_space<hbm>>) target(%arg10 : memref<64x16xf32, #tpu.memory_space<vmem>>) target_semaphore(%run_scoped3A : memref<!tpu.dma_semaphore, #tpu.memory_space<semaphore_mem>>)
      %dma_wait3A_60 = arith.constant 0 : i32
      %dma_wait3A_61 = tpu.memref_slice %arg6[%mul3A_2, %dma_wait3A_60] : memref<2048x16xf32, #tpu.memory_space<hbm>> -> memref<64x16xf32, #tpu.memory_space<hbm>>
      %dma_wait3A_62 = arith.constant 0 : i32
      %dma_wait3A_63 = tpu.memref_slice %arg6[%mul3A_2, %dma_wait3A_62] : memref<2048x16xf32, #tpu.memory_space<hbm>> -> memref<64x16xf32, #tpu.memory_space<hbm>>
      tpu.wait_dma2 semaphore(%run_scoped3A : memref<!tpu.dma_semaphore, #tpu.memory_space<semaphore_mem>>) src(%dma_wait3A_63 : memref<64x16xf32, #tpu.memory_space<hbm>>) dst(%arg10 : memref<64x16xf32, #tpu.memory_space<vmem>>)
      tpu.yield
    }) : () -> ()
    %add3A_3 = arith.constant 0 : i32
    %add3A_4 = arith.addi %mul3A_2, %add3A_3 : i32
    %dma_start3A = arith.constant 0 : i32
    %dma_start3A_5 = tpu.memref_slice %arg8[%dma_start3A] : memref<64xi32, #tpu.memory_space<vmem>> -> memref<32xi32, #tpu.memory_space<vmem>>
    %dma_start3A_6 = arith.constant 0 : i32
    %dma_start3A_7 = arith.constant 0 : i32
    %dma_start3A_8 = tpu.memref_slice %arg2[%dma_start3A_6, %dma_start3A_7] : memref<8192x1024xf32, #tpu.memory_space<hbm>> -> memref<8192x1024xf32, #tpu.memory_space<hbm>>
    tpu.enqueue_indirect_dma source(%dma_start3A_8 : memref<8192x1024xf32, #tpu.memory_space<hbm>>) target(%arg11 : memref<32x1024xf32, #tpu.memory_space<vmem>>) offsets(%dma_start3A_5 : memref<32xi32, #tpu.memory_space<vmem>>) semaphore(%arg14 : memref<!tpu.dma_semaphore, #tpu.memory_space<semaphore_mem>>)
    %dma_start3A_9 = arith.constant 0 : i32
    %dma_start3A_10 = tpu.memref_slice %arg9[%dma_start3A_9] : memref<64xi32, #tpu.memory_space<vmem>> -> memref<32xi32, #tpu.memory_space<vmem>>
    %dma_start3A_11 = arith.constant 0 : i32
    %dma_start3A_12 = arith.constant 0 : i32
    %dma_start3A_13 = tpu.memref_slice %arg2[%dma_start3A_11, %dma_start3A_12] : memref<8192x1024xf32, #tpu.memory_space<hbm>> -> memref<8192x1024xf32, #tpu.memory_space<hbm>>
    tpu.enqueue_indirect_dma source(%dma_start3A_13 : memref<8192x1024xf32, #tpu.memory_space<hbm>>) target(%arg12 : memref<32x1024xf32, #tpu.memory_space<vmem>>) offsets(%dma_start3A_10 : memref<32xi32, #tpu.memory_space<vmem>>) semaphore(%arg15 : memref<!tpu.dma_semaphore, #tpu.memory_space<semaphore_mem>>)
    "tpu.region"() ({
      %run_scoped3A = tpu.sem_alloc : memref<!tpu.dma_semaphore, #tpu.memory_space<semaphore_mem>>
      %dma_start3A_56 = arith.constant 0 : i32
      %dma_start3A_57 = tpu.memref_slice %arg3[%add3A_4, %dma_start3A_56] : memref<2048x1024xf32, #tpu.memory_space<hbm>> -> memref<32x1024xf32, #tpu.memory_space<hbm>>
      %dma_start3A_58 = arith.constant 0 : i32
      %dma_start3A_59 = tpu.memref_slice %arg3[%add3A_4, %dma_start3A_58] : memref<2048x1024xf32, #tpu.memory_space<hbm>> -> memref<32x1024xf32, #tpu.memory_space<hbm>>
      tpu.enqueue_dma source(%dma_start3A_59 : memref<32x1024xf32, #tpu.memory_space<hbm>>) target(%arg13 : memref<32x1024xf32, #tpu.memory_space<vmem>>) target_semaphore(%run_scoped3A : memref<!tpu.dma_semaphore, #tpu.memory_space<semaphore_mem>>)
      %dma_wait3A_60 = arith.constant 0 : i32
      %dma_wait3A_61 = tpu.memref_slice %arg3[%add3A_4, %dma_wait3A_60] : memref<2048x1024xf32, #tpu.memory_space<hbm>> -> memref<32x1024xf32, #tpu.memory_space<hbm>>
      %dma_wait3A_62 = arith.constant 0 : i32
      %dma_wait3A_63 = tpu.memref_slice %arg3[%add3A_4, %dma_wait3A_62] : memref<2048x1024xf32, #tpu.memory_space<hbm>> -> memref<32x1024xf32, #tpu.memory_space<hbm>>
      tpu.wait_dma2 semaphore(%run_scoped3A : memref<!tpu.dma_semaphore, #tpu.memory_space<semaphore_mem>>) src(%dma_wait3A_63 : memref<32x1024xf32, #tpu.memory_space<hbm>>) dst(%arg13 : memref<32x1024xf32, #tpu.memory_space<vmem>>)
      tpu.yield
    }) : () -> ()
    %dma_wait3A = arith.constant 0 : i32
    %dma_wait3A_14 = tpu.memref_slice %arg8[%dma_wait3A] : memref<64xi32, #tpu.memory_space<vmem>> -> memref<32xi32, #tpu.memory_space<vmem>>
    %dma_wait3A_15 = arith.constant 0 : i32
    %dma_wait3A_16 = arith.constant 0 : i32
    %dma_wait3A_17 = tpu.memref_slice %arg2[%dma_wait3A_15, %dma_wait3A_16] : memref<8192x1024xf32, #tpu.memory_space<hbm>> -> memref<8192x1024xf32, #tpu.memory_space<hbm>>
    tpu.wait_indirect_dma semaphore(%arg14 : memref<!tpu.dma_semaphore, #tpu.memory_space<semaphore_mem>>) src(%dma_wait3A_17 : memref<8192x1024xf32, #tpu.memory_space<hbm>>) dst(%arg11 : memref<32x1024xf32, #tpu.memory_space<vmem>>)
    %dma_wait3A_18 = arith.constant 0 : i32
    %dma_wait3A_19 = tpu.memref_slice %arg9[%dma_wait3A_18] : memref<64xi32, #tpu.memory_space<vmem>> -> memref<32xi32, #tpu.memory_space<vmem>>
    %dma_wait3A_20 = arith.constant 0 : i32
    %dma_wait3A_21 = arith.constant 0 : i32
    %dma_wait3A_22 = tpu.memref_slice %arg2[%dma_wait3A_20, %dma_wait3A_21] : memref<8192x1024xf32, #tpu.memory_space<hbm>> -> memref<8192x1024xf32, #tpu.memory_space<hbm>>
    tpu.wait_indirect_dma semaphore(%arg15 : memref<!tpu.dma_semaphore, #tpu.memory_space<semaphore_mem>>) src(%dma_wait3A_22 : memref<8192x1024xf32, #tpu.memory_space<hbm>>) dst(%arg12 : memref<32x1024xf32, #tpu.memory_space<vmem>>)
    %scan3A = arith.constant 0 : i32
    %scan3A_23 = arith.constant 0 : i32
    %scan3A_24 = arith.constant 32 : i32
    %scan3A_25 = arith.addi %scan3A_23, %scan3A_24 : i32
    %scan3A_26 = arith.constant 1 : i32
    scf.for %scan3A_56 = %scan3A_23 to %scan3A_25 step %scan3A_26  : i32 {
      %add3A_57 = arith.constant 0 : i32
      %add3A_58 = arith.addi %add3A_57, %scan3A_56 : i32
      %get3A = arith.index_cast %add3A_58 : i32 to index
      %get3A_59 = arith.constant 0 : index
      %get3A_60 = tpu.vector_load %arg10[%get3A, %get3A_59] {strides = array<i32>} : memref<64x16xf32, #tpu.memory_space<vmem>>, vector<1x16xf32>,
      %get3A_61 = vector.shape_cast %get3A_60 : vector<1x16xf32> to vector<16xf32>
      %get3A_62 = arith.index_cast %scan3A_56 : i32 to index
      %get3A_63 = arith.constant 0 : index
      %get3A_64 = tpu.vector_load %arg11[%get3A_62, %get3A_63] {strides = array<i32>} : memref<32x1024xf32, #tpu.memory_space<vmem>>, vector<1x16xf32>,
      %get3A_65 = vector.shape_cast %get3A_64 : vector<1x16xf32> to vector<16xf32>
      %get3A_66 = arith.index_cast %scan3A_56 : i32 to index
      %get3A_67 = arith.constant 0 : index
      %get3A_68 = tpu.vector_load %arg12[%get3A_66, %get3A_67] {strides = array<i32>} : memref<32x1024xf32, #tpu.memory_space<vmem>>, vector<1x16xf32>,
      %get3A_69 = vector.shape_cast %get3A_68 : vector<1x16xf32> to vector<16xf32>
      %get3A_70 = arith.index_cast %scan3A_56 : i32 to index
      %get3A_71 = arith.constant 0 : index
      %get3A_72 = tpu.vector_load %arg13[%get3A_70, %get3A_71] {strides = array<i32>} : memref<32x1024xf32, #tpu.memory_space<vmem>>, vector<1x16xf32>,
      %get3A_73 = vector.shape_cast %get3A_72 : vector<1x16xf32> to vector<16xf32>
      %add3A_74 = arith.addf %get3A_73, %get3A_65 : vector<16xf32>
      %sub3A = arith.constant 1.000000e+00 : f32
      %sub3A_75 = vector.broadcast %sub3A : f32 to vector<16xf32>
      %sub3A_76 = arith.subf %sub3A_75, %get3A_61 : vector<16xf32>
      %sub3A_77 = arith.subf %get3A_69, %get3A_65 : vector<16xf32>
      %mul3A_78 = arith.mulf %sub3A_76, %sub3A_77 : vector<16xf32>
      %add3A_79 = arith.addf %add3A_74, %mul3A_78 : vector<16xf32>
      %swap3A = arith.index_cast %scan3A_56 : i32 to index
      %swap3A_80 = arith.constant 0 : index
      %swap3A_81 = tpu.vector_load %arg13[%swap3A, %swap3A_80] {strides = array<i32>} : memref<32x1024xf32, #tpu.memory_space<vmem>>, vector<1x16xf32>,
      %swap3A_82 = vector.shape_cast %swap3A_81 : vector<1x16xf32> to vector<16xf32>
      %swap3A_83 = vector.shape_cast %add3A_79 : vector<16xf32> to vector<1x16xf32>
      tpu.vector_store %arg13[%swap3A, %swap3A_80], %swap3A_83 {strides = array<i32>} : memref<32x1024xf32, #tpu.memory_space<vmem>>, vector<1x16xf32>,
      %get3A_84 = arith.index_cast %scan3A_56 : i32 to index
      %get3A_85 = arith.constant 16 : index
      %get3A_86 = tpu.vector_load %arg11[%get3A_84, %get3A_85] {strides = array<i32>} : memref<32x1024xf32, #tpu.memory_space<vmem>>, vector<1x16xf32>,
      %get3A_87 = vector.shape_cast %get3A_86 : vector<1x16xf32> to vector<16xf32>
      %get3A_88 = arith.index_cast %scan3A_56 : i32 to index
      %get3A_89 = arith.constant 16 : index
      %get3A_90 = tpu.vector_load %arg12[%get3A_88, %get3A_89] {strides = array<i32>} : memref<32x1024xf32, #tpu.memory_space<vmem>>, vector<1x16xf32>,
      %get3A_91 = vector.shape_cast %get3A_90 : vector<1x16xf32> to vector<16xf32>
      %get3A_92 = arith.index_cast %scan3A_56 : i32 to index
      %get3A_93 = arith.constant 16 : index
      %get3A_94 = tpu.vector_load %arg13[%get3A_92, %get3A_93] {strides = array<i32>} : memref<32x1024xf32, #tpu.memory_space<vmem>>, vector<1x16xf32>,
      %get3A_95 = vector.shape_cast %get3A_94 : vector<1x16xf32> to vector<16xf32>
      %add3A_96 = arith.addf %get3A_95, %get3A_87 : vector<16xf32>
      %sub3A_97 = arith.constant 1.000000e+00 : f32
      %sub3A_98 = vector.broadcast %sub3A_97 : f32 to vector<16xf32>
      %sub3A_99 = arith.subf %sub3A_98, %get3A_61 : vector<16xf32>
      %sub3A_100 = arith.subf %get3A_91, %get3A_87 : vector<16xf32>
      %mul3A_101 = arith.mulf %sub3A_99, %sub3A_100 : vector<16xf32>
      %add3A_102 = arith.addf %add3A_96, %mul3A_101 : vector<16xf32>
      %swap3A_103 = arith.index_cast %scan3A_56 : i32 to index
      %swap3A_104 = arith.constant 16 : index
      %swap3A_105 = tpu.vector_load %arg13[%swap3A_103, %swap3A_104] {strides = array<i32>} : memref<32x1024xf32, #tpu.memory_space<vmem>>, vector<1x16xf32>,
      %swap3A_106 = vector.shape_cast %swap3A_105 : vector<1x16xf32> to vector<16xf32>
      %swap3A_107 = vector.shape_cast %add3A_102 : vector<16xf32> to vector<1x16xf32>
      tpu.vector_store %arg13[%swap3A_103, %swap3A_104], %swap3A_107 {strides = array<i32>} : memref<32x1024xf32, #tpu.memory_space<vmem>>, vector<1x16xf32>,
      %get3A_108 = arith.index_cast %scan3A_56 : i32 to index
      %get3A_109 = arith.constant 32 : index
      %get3A_110 = tpu.vector_load %arg11[%get3A_108, %get3A_109] {strides = array<i32>} : memref<32x1024xf32, #tpu.memory_space<vmem>>, vector<1x16xf32>,
      %get3A_111 = vector.shape_cast %get3A_110 : vector<1x16xf32> to vector<16xf32>
      %get3A_112 = arith.index_cast %scan3A_56 : i32 to index
      %get3A_113 = arith.constant 32 : index
      %get3A_114 = tpu.vector_load %arg12[%get3A_112, %get3A_113] {strides = array<i32>} : memref<32x1024xf32, #tpu.memory_space<vmem>>, vector<1x16xf32>,
      %get3A_115 = vector.shape_cast %get3A_114 : vector<1x16xf32> to vector<16xf32>
      %get3A_116 = arith.index_cast %scan3A_56 : i32 to index
      %get3A_117 = arith.constant 32 : index
      %get3A_118 = tpu.vector_load %arg13[%get3A_116, %get3A_117] {strides = array<i32>} : memref<32x1024xf32, #tpu.memory_space<vmem>>, vector<1x16xf32>,
      %get3A_119 = vector.shape_cast %get3A_118 : vector<1x16xf32> to vector<16xf32>
      %add3A_120 = arith.addf %get3A_119, %get3A_111 : vector<16xf32>
      %sub3A_121 = arith.constant 1.000000e+00 : f32
      %sub3A_122 = vector.broadcast %sub3A_121 : f32 to vector<16xf32>
      %sub3A_123 = arith.subf %sub3A_122, %get3A_61 : vector<16xf32>
      %sub3A_124 = arith.subf %get3A_115, %get3A_111 : vector<16xf32>
      %mul3A_125 = arith.mulf %sub3A_123, %sub3A_124 : vector<16xf32>
      %add3A_126 = arith.addf %add3A_120, %mul3A_125 : vector<16xf32>
      %swap3A_127 = arith.index_cast %scan3A_56 : i32 to index
      %swap3A_128 = arith.constant 32 : index
      %swap3A_129 = tpu.vector_load %arg13[%swap3A_127, %swap3A_128] {strides = array<i32>} : memref<32x1024xf32, #tpu.memory_space<vmem>>, vector<1x16xf32>,
      %swap3A_130 = vector.shape_cast %swap3A_129 : vector<1x16xf32> to vector<16xf32>
      %swap3A_131 = vector.shape_cast %add3A_126 : vector<16xf32> to vector<1x16xf32>
      tpu.vector_store %arg13[%swap3A_127, %swap3A_128], %swap3A_131 {strides = array<i32>} : memref<32x1024xf32, #tpu.memory_space<vmem>>, vector<1x16xf32>,
      %get3A_132 = arith.index_cast %scan3A_56 : i32 to index
      %get3A_133 = arith.constant 48 : index
      %get3A_134 = tpu.vector_load %arg11[%get3A_132, %get3A_133] {strides = array<i32>} : memref<32x1024xf32, #tpu.memory_space<vmem>>, vector<1x16xf32>,
      %get3A_135 = vector.shape_cast %get3A_134 : vector<1x16xf32> to vector<16xf32>
      %get3A_136 = arith.index_cast %scan3A_56 : i32 to index
      %get3A_137 = arith.constant 48 : index
      %get3A_138 = tpu.vector_load %arg12[%get3A_136, %get3A_137] {strides = array<i32>} : memref<32x1024xf32, #tpu.memory_space<vmem>>, vector<1x16xf32>,
      %get3A_139 = vector.shape_cast %get3A_138 : vector<1x16xf32> to vector<16xf32>
      %get3A_140 = arith.index_cast %scan3A_56 : i32 to index
      %get3A_141 = arith.constant 48 : index
      %get3A_142 = tpu.vector_load %arg13[%get3A_140, %get3A_141] {strides = array<i32>} : memref<32x1024xf32, #tpu.memory_space<vmem>>, vector<1x16xf32>,
      %get3A_143 = vector.shape_cast %get3A_142 : vector<1x16xf32> to vector<16xf32>
      %add3A_144 = arith.addf %get3A_143, %get3A_135 : vector<16xf32>
      %sub3A_145 = arith.constant 1.000000e+00 : f32
      %sub3A_146 = vector.broadcast %sub3A_145 : f32 to vector<16xf32>
      %sub3A_147 = arith.subf %sub3A_146, %get3A_61 : vector<16xf32>
      %sub3A_148 = arith.subf %get3A_139, %get3A_135 : vector<16xf32>
      %mul3A_149 = arith.mulf %sub3A_147, %sub3A_148 : vector<16xf32>
      %add3A_150 = arith.addf %add3A_144, %mul3A_149 : vector<16xf32>
      %swap3A_151 = arith.index_cast %scan3A_56 : i32 to index
      %swap3A_152 = arith.constant 48 : index
      %swap3A_153 = tpu.vector_load %arg13[%swap3A_151, %swap3A_152] {strides = array<i32>} : memref<32x1024xf32, #tpu.memory_space<vmem>>, vector<1x16xf32>,
      %swap3A_154 = vector.shape_cast %swap3A_153 : vector<1x16xf32> to vector<16xf32>
      %swap3A_155 = vector.shape_cast %add3A_150 : vector<16xf32> to vector<1x16xf32>
      tpu.vector_store %arg13[%swap3A_151, %swap3A_152], %swap3A_155 {strides = array<i32>} : memref<32x1024xf32, #tpu.memory_space<vmem>>, vector<1x16xf32>,
      %get3A_156 = arith.index_cast %scan3A_56 : i32 to index
      %get3A_157 = arith.constant 64 : index
      %get3A_158 = tpu.vector_load %arg11[%get3A_156, %get3A_157] {strides = array<i32>} : memref<32x1024xf32, #tpu.memory_space<vmem>>, vector<1x16xf32>,
      %get3A_159 = vector.shape_cast %get3A_158 : vector<1x16xf32> to vector<16xf32>
      %get3A_160 = arith.index_cast %scan3A_56 : i32 to index
      %get3A_161 = arith.constant 64 : index
      %get3A_162 = tpu.vector_load %arg12[%get3A_160, %get3A_161] {strides = array<i32>} : memref<32x1024xf32, #tpu.memory_space<vmem>>, vector<1x16xf32>,
      %get3A_163 = vector.shape_cast %get3A_162 : vector<1x16xf32> to vector<16xf32>
      %get3A_164 = arith.index_cast %scan3A_56 : i32 to index
      %get3A_165 = arith.constant 64 : index
      %get3A_166 = tpu.vector_load %arg13[%get3A_164, %get3A_165] {strides = array<i32>} : memref<32x1024xf32, #tpu.memory_space<vmem>>, vector<1x16xf32>,
      %get3A_167 = vector.shape_cast %get3A_166 : vector<1x16xf32> to vector<16xf32>
      %add3A_168 = arith.addf %get3A_167, %get3A_159 : vector<16xf32>
      %sub3A_169 = arith.constant 1.000000e+00 : f32
      %sub3A_170 = vector.broadcast %sub3A_169 : f32 to vector<16xf32>
      %sub3A_171 = arith.subf %sub3A_170, %get3A_61 : vector<16xf32>
      %sub3A_172 = arith.subf %get3A_163, %get3A_159 : vector<16xf32>
      %mul3A_173 = arith.mulf %sub3A_171, %sub3A_172 : vector<16xf32>
      %add3A_174 = arith.addf %add3A_168, %mul3A_173 : vector<16xf32>
      %swap3A_175 = arith.index_cast %scan3A_56 : i32 to index
      %swap3A_176 = arith.constant 64 : index
      %swap3A_177 = tpu.vector_load %arg13[%swap3A_175, %swap3A_176] {strides = array<i32>} : memref<32x1024xf32, #tpu.memory_space<vmem>>, vector<1x16xf32>,
      %swap3A_178 = vector.shape_cast %swap3A_177 : vector<1x16xf32> to vector<16xf32>
      %swap3A_179 = vector.shape_cast %add3A_174 : vector<16xf32> to vector<1x16xf32>
      tpu.vector_store %arg13[%swap3A_175, %swap3A_176], %swap3A_179 {strides = array<i32>} : memref<32x1024xf32, #tpu.memory_space<vmem>>, vector<1x16xf32>,
      %get3A_180 = arith.index_cast %scan3A_56 : i32 to index
      %get3A_181 = arith.constant 80 : index
      %get3A_182 = tpu.vector_load %arg11[%get3A_180, %get3A_181] {strides = array<i32>} : memref<32x1024xf32, #tpu.memory_space<vmem>>, vector<1x16xf32>,
      %get3A_183 = vector.shape_cast %get3A_182 : vector<1x16xf32> to vector<16xf32>
      %get3A_184 = arith.index_cast %scan3A_56 : i32 to index
      %get3A_185 = arith.constant 80 : index
      %get3A_186 = tpu.vector_load %arg12[%get3A_184, %get3A_185] {strides = array<i32>} : memref<32x1024xf32, #tpu.memory_space<vmem>>, vector<1x16xf32>,
      %get3A_187 = vector.shape_cast %get3A_186 : vector<1x16xf32> to vector<16xf32>
      %get3A_188 = arith.index_cast %scan3A_56 : i32 to index
      %get3A_189 = arith.constant 80 : index
      %get3A_190 = tpu.vector_load %arg13[%get3A_188, %get3A_189] {strides = array<i32>} : memref<32x1024xf32, #tpu.memory_space<vmem>>, vector<1x16xf32>,
      %get3A_191 = vector.shape_cast %get3A_190 : vector<1x16xf32> to vector<16xf32>
      %add3A_192 = arith.addf %get3A_191, %get3A_183 : vector<16xf32>
      %sub3A_193 = arith.constant 1.000000e+00 : f32
      %sub3A_194 = vector.broadcast %sub3A_193 : f32 to vector<16xf32>
      %sub3A_195 = arith.subf %sub3A_194, %get3A_61 : vector<16xf32>
      %sub3A_196 = arith.subf %get3A_187, %get3A_183 : vector<16xf32>
      %mul3A_197 = arith.mulf %sub3A_195, %sub3A_196 : vector<16xf32>
      %add3A_198 = arith.addf %add3A_192, %mul3A_197 : vector<16xf32>
      %swap3A_199 = arith.index_cast %scan3A_56 : i32 to index
      %swap3A_200 = arith.constant 80 : index
      %swap3A_201 = tpu.vector_load %arg13[%swap3A_199, %swap3A_200] {strides = array<i32>} : memref<32x1024xf32, #tpu.memory_space<vmem>>, vector<1x16xf32>,
      %swap3A_202 = vector.shape_cast %swap3A_201 : vector<1x16xf32> to vector<16xf32>
      %swap3A_203 = vector.shape_cast %add3A_198 : vector<16xf32> to vector<1x16xf32>
      tpu.vector_store %arg13[%swap3A_199, %swap3A_200], %swap3A_203 {strides = array<i32>} : memref<32x1024xf32, #tpu.memory_space<vmem>>, vector<1x16xf32>,
      %get3A_204 = arith.index_cast %scan3A_56 : i32 to index
      %get3A_205 = arith.constant 96 : index
      %get3A_206 = tpu.vector_load %arg11[%get3A_204, %get3A_205] {strides = array<i32>} : memref<32x1024xf32, #tpu.memory_space<vmem>>, vector<1x16xf32>,
      %get3A_207 = vector.shape_cast %get3A_206 : vector<1x16xf32> to vector<16xf32>
      %get3A_208 = arith.index_cast %scan3A_56 : i32 to index
      %get3A_209 = arith.constant 96 : index
      %get3A_210 = tpu.vector_load %arg12[%get3A_208, %get3A_209] {strides = array<i32>} : memref<32x1024xf32, #tpu.memory_space<vmem>>, vector<1x16xf32>,
      %get3A_211 = vector.shape_cast %get3A_210 : vector<1x16xf32> to vector<16xf32>
      %get3A_212 = arith.index_cast %scan3A_56 : i32 to index
      %get3A_213 = arith.constant 96 : index
      %get3A_214 = tpu.vector_load %arg13[%get3A_212, %get3A_213] {strides = array<i32>} : memref<32x1024xf32, #tpu.memory_space<vmem>>, vector<1x16xf32>,
      %get3A_215 = vector.shape_cast %get3A_214 : vector<1x16xf32> to vector<16xf32>
      %add3A_216 = arith.addf %get3A_215, %get3A_207 : vector<16xf32>
      %sub3A_217 = arith.constant 1.000000e+00 : f32
      %sub3A_218 = vector.broadcast %sub3A_217 : f32 to vector<16xf32>
      %sub3A_219 = arith.subf %sub3A_218, %get3A_61 : vector<16xf32>
      %sub3A_220 = arith.subf %get3A_211, %get3A_207 : vector<16xf32>
      %mul3A_221 = arith.mulf %sub3A_219, %sub3A_220 : vector<16xf32>
      %add3A_222 = arith.addf %add3A_216, %mul3A_221 : vector<16xf32>
      %swap3A_223 = arith.index_cast %scan3A_56 : i32 to index
      %swap3A_224 = arith.constant 96 : index
      %swap3A_225 = tpu.vector_load %arg13[%swap3A_223, %swap3A_224] {strides = array<i32>} : memref<32x1024xf32, #tpu.memory_space<vmem>>, vector<1x16xf32>,
      %swap3A_226 = vector.shape_cast %swap3A_225 : vector<1x16xf32> to vector<16xf32>
      %swap3A_227 = vector.shape_cast %add3A_222 : vector<16xf32> to vector<1x16xf32>
      tpu.vector_store %arg13[%swap3A_223, %swap3A_224], %swap3A_227 {strides = array<i32>} : memref<32x1024xf32, #tpu.memory_space<vmem>>, vector<1x16xf32>,
      %get3A_228 = arith.index_cast %scan3A_56 : i32 to index
      %get3A_229 = arith.constant 112 : index
      %get3A_230 = tpu.vector_load %arg11[%get3A_228, %get3A_229] {strides = array<i32>} : memref<32x1024xf32, #tpu.memory_space<vmem>>, vector<1x16xf32>,
      %get3A_231 = vector.shape_cast %get3A_230 : vector<1x16xf32> to vector<16xf32>
      %get3A_232 = arith.index_cast %scan3A_56 : i32 to index
      %get3A_233 = arith.constant 112 : index
      %get3A_234 = tpu.vector_load %arg12[%get3A_232, %get3A_233] {strides = array<i32>} : memref<32x1024xf32, #tpu.memory_space<vmem>>, vector<1x16xf32>,
      %get3A_235 = vector.shape_cast %get3A_234 : vector<1x16xf32> to vector<16xf32>
      %get3A_236 = arith.index_cast %scan3A_56 : i32 to index
      %get3A_237 = arith.constant 112 : index
      %get3A_238 = tpu.vector_load %arg13[%get3A_236, %get3A_237] {strides = array<i32>} : memref<32x1024xf32, #tpu.memory_space<vmem>>, vector<1x16xf32>,
      %get3A_239 = vector.shape_cast %get3A_238 : vector<1x16xf32> to vector<16xf32>
      %add3A_240 = arith.addf %get3A_239, %get3A_231 : vector<16xf32>
      %sub3A_241 = arith.constant 1.000000e+00 : f32
      %sub3A_242 = vector.broadcast %sub3A_241 : f32 to vector<16xf32>
      %sub3A_243 = arith.subf %sub3A_242, %get3A_61 : vector<16xf32>
      %sub3A_244 = arith.subf %get3A_235, %get3A_231 : vector<16xf32>
      %mul3A_245 = arith.mulf %sub3A_243, %sub3A_244 : vector<16xf32>
      %add3A_246 = arith.addf %add3A_240, %mul3A_245 : vector<16xf32>
      %swap3A_247 = arith.index_cast %scan3A_56 : i32 to index
      %swap3A_248 = arith.constant 112 : index
      %swap3A_249 = tpu.vector_load %arg13[%swap3A_247, %swap3A_248] {strides = array<i32>} : memref<32x1024xf32, #tpu.memory_space<vmem>>, vector<1x16xf32>,
      %swap3A_250 = vector.shape_cast %swap3A_249 : vector<1x16xf32> to vector<16xf32>
      %swap3A_251 = vector.shape_cast %add3A_246 : vector<16xf32> to vector<1x16xf32>
      tpu.vector_store %arg13[%swap3A_247, %swap3A_248], %swap3A_251 {strides = array<i32>} : memref<32x1024xf32, #tpu.memory_space<vmem>>, vector<1x16xf32>,
      %get3A_252 = arith.index_cast %scan3A_56 : i32 to index
      %get3A_253 = arith.constant 128 : index
      %get3A_254 = tpu.vector_load %arg11[%get3A_252, %get3A_253] {strides = array<i32>} : memref<32x1024xf32, #tpu.memory_space<vmem>>, vector<1x16xf32>,
      %get3A_255 = vector.shape_cast %get3A_254 : vector<1x16xf32> to vector<16xf32>
      %get3A_256 = arith.index_cast %scan3A_56 : i32 to index
      %get3A_257 = arith.constant 128 : index
      %get3A_258 = tpu.vector_load %arg12[%get3A_256, %get3A_257] {strides = array<i32>} : memref<32x1024xf32, #tpu.memory_space<vmem>>, vector<1x16xf32>,
      %get3A_259 = vector.shape_cast %get3A_258 : vector<1x16xf32> to vector<16xf32>
      %get3A_260 = arith.index_cast %scan3A_56 : i32 to index
      %get3A_261 = arith.constant 128 : index
      %get3A_262 = tpu.vector_load %arg13[%get3A_260, %get3A_261] {strides = array<i32>} : memref<32x1024xf32, #tpu.memory_space<vmem>>, vector<1x16xf32>,
      %get3A_263 = vector.shape_cast %get3A_262 : vector<1x16xf32> to vector<16xf32>
      %add3A_264 = arith.addf %get3A_263, %get3A_255 : vector<16xf32>
      %sub3A_265 = arith.constant 1.000000e+00 : f32
      %sub3A_266 = vector.broadcast %sub3A_265 : f32 to vector<16xf32>
      %sub3A_267 = arith.subf %sub3A_266, %get3A_61 : vector<16xf32>
      %sub3A_268 = arith.subf %get3A_259, %get3A_255 : vector<16xf32>
      %mul3A_269 = arith.mulf %sub3A_267, %sub3A_268 : vector<16xf32>
      %add3A_270 = arith.addf %add3A_264, %mul3A_269 : vector<16xf32>
      %swap3A_271 = arith.index_cast %scan3A_56 : i32 to index
      %swap3A_272 = arith.constant 128 : index
      %swap3A_273 = tpu.vector_load %arg13[%swap3A_271, %swap3A_272] {strides = array<i32>} : memref<32x1024xf32, #tpu.memory_space<vmem>>, vector<1x16xf32>,
      %swap3A_274 = vector.shape_cast %swap3A_273 : vector<1x16xf32> to vector<16xf32>
      %swap3A_275 = vector.shape_cast %add3A_270 : vector<16xf32> to vector<1x16xf32>
      tpu.vector_store %arg13[%swap3A_271, %swap3A_272], %swap3A_275 {strides = array<i32>} : memref<32x1024xf32, #tpu.memory_space<vmem>>, vector<1x16xf32>,
      %get3A_276 = arith.index_cast %scan3A_56 : i32 to index
      %get3A_277 = arith.constant 144 : index
      %get3A_278 = tpu.vector_load %arg11[%get3A_276, %get3A_277] {strides = array<i32>} : memref<32x1024xf32, #tpu.memory_space<vmem>>, vector<1x16xf32>,
      %get3A_279 = vector.shape_cast %get3A_278 : vector<1x16xf32> to vector<16xf32>
      %get3A_280 = arith.index_cast %scan3A_56 : i32 to index
      %get3A_281 = arith.constant 144 : index
      %get3A_282 = tpu.vector_load %arg12[%get3A_280, %get3A_281] {strides = array<i32>} : memref<32x1024xf32, #tpu.memory_space<vmem>>, vector<1x16xf32>,
      %get3A_283 = vector.shape_cast %get3A_282 : vector<1x16xf32> to vector<16xf32>
      %get3A_284 = arith.index_cast %scan3A_56 : i32 to index
      %get3A_285 = arith.constant 144 : index
      %get3A_286 = tpu.vector_load %arg13[%get3A_284, %get3A_285] {strides = array<i32>} : memref<32x1024xf32, #tpu.memory_space<vmem>>, vector<1x16xf32>,
      %get3A_287 = vector.shape_cast %get3A_286 : vector<1x16xf32> to vector<16xf32>
      %add3A_288 = arith.addf %get3A_287, %get3A_279 : vector<16xf32>
      %sub3A_289 = arith.constant 1.000000e+00 : f32
      %sub3A_290 = vector.broadcast %sub3A_289 : f32 to vector<16xf32>
      %sub3A_291 = arith.subf %sub3A_290, %get3A_61 : vector<16xf32>
      %sub3A_292 = arith.subf %get3A_283, %get3A_279 : vector<16xf32>
      %mul3A_293 = arith.mulf %sub3A_291, %sub3A_292 : vector<16xf32>
      %add3A_294 = arith.addf %add3A_288, %mul3A_293 : vector<16xf32>
      %swap3A_295 = arith.index_cast %scan3A_56 : i32 to index
      %swap3A_296 = arith.constant 144 : index
      %swap3A_297 = tpu.vector_load %arg13[%swap3A_295, %swap3A_296] {strides = array<i32>} : memref<32x1024xf32, #tpu.memory_space<vmem>>, vector<1x16xf32>,
      %swap3A_298 = vector.shape_cast %swap3A_297 : vector<1x16xf32> to vector<16xf32>
      %swap3A_299 = vector.shape_cast %add3A_294 : vector<16xf32> to vector<1x16xf32>
      tpu.vector_store %arg13[%swap3A_295, %swap3A_296], %swap3A_299 {strides = array<i32>} : memref<32x1024xf32, #tpu.memory_space<vmem>>, vector<1x16xf32>,
      %get3A_300 = arith.index_cast %scan3A_56 : i32 to index
      %get3A_301 = arith.constant 160 : index
      %get3A_302 = tpu.vector_load %arg11[%get3A_300, %get3A_301] {strides = array<i32>} : memref<32x1024xf32, #tpu.memory_space<vmem>>, vector<1x16xf32>,
      %get3A_303 = vector.shape_cast %get3A_302 : vector<1x16xf32> to vector<16xf32>
      %get3A_304 = arith.index_cast %scan3A_56 : i32 to index
      %get3A_305 = arith.constant 160 : index
      %get3A_306 = tpu.vector_load %arg12[%get3A_304, %get3A_305] {strides = array<i32>} : memref<32x1024xf32, #tpu.memory_space<vmem>>, vector<1x16xf32>,
      %get3A_307 = vector.shape_cast %get3A_306 : vector<1x16xf32> to vector<16xf32>
      %get3A_308 = arith.index_cast %scan3A_56 : i32 to index
      %get3A_309 = arith.constant 160 : index
      %get3A_310 = tpu.vector_load %arg13[%get3A_308, %get3A_309] {strides = array<i32>} : memref<32x1024xf32, #tpu.memory_space<vmem>>, vector<1x16xf32>,
      %get3A_311 = vector.shape_cast %get3A_310 : vector<1x16xf32> to vector<16xf32>
      %add3A_312 = arith.addf %get3A_311, %get3A_303 : vector<16xf32>
      %sub3A_313 = arith.constant 1.000000e+00 : f32
      %sub3A_314 = vector.broadcast %sub3A_313 : f32 to vector<16xf32>
      %sub3A_315 = arith.subf %sub3A_314, %get3A_61 : vector<16xf32>
      %sub3A_316 = arith.subf %get3A_307, %get3A_303 : vector<16xf32>
      %mul3A_317 = arith.mulf %sub3A_315, %sub3A_316 : vector<16xf32>
      %add3A_318 = arith.addf %add3A_312, %mul3A_317 : vector<16xf32>
      %swap3A_319 = arith.index_cast %scan3A_56 : i32 to index
      %swap3A_320 = arith.constant 160 : index
      %swap3A_321 = tpu.vector_load %arg13[%swap3A_319, %swap3A_320] {strides = array<i32>} : memref<32x1024xf32, #tpu.memory_space<vmem>>, vector<1x16xf32>,
      %swap3A_322 = vector.shape_cast %swap3A_321 : vector<1x16xf32> to vector<16xf32>
      %swap3A_323 = vector.shape_cast %add3A_318 : vector<16xf32> to vector<1x16xf32>
      tpu.vector_store %arg13[%swap3A_319, %swap3A_320], %swap3A_323 {strides = array<i32>} : memref<32x1024xf32, #tpu.memory_space<vmem>>, vector<1x16xf32>,
      %get3A_324 = arith.index_cast %scan3A_56 : i32 to index
      %get3A_325 = arith.constant 176 : index
      %get3A_326 = tpu.vector_load %arg11[%get3A_324, %get3A_325] {strides = array<i32>} : memref<32x1024xf32, #tpu.memory_space<vmem>>, vector<1x16xf32>,
      %get3A_327 = vector.shape_cast %get3A_326 : vector<1x16xf32> to vector<16xf32>
      %get3A_328 = arith.index_cast %scan3A_56 : i32 to index
      %get3A_329 = arith.constant 176 : index
      %get3A_330 = tpu.vector_load %arg12[%get3A_328, %get3A_329] {strides = array<i32>} : memref<32x1024xf32, #tpu.memory_space<vmem>>, vector<1x16xf32>,
      %get3A_331 = vector.shape_cast %get3A_330 : vector<1x16xf32> to vector<16xf32>
      %get3A_332 = arith.index_cast %scan3A_56 : i32 to index
      %get3A_333 = arith.constant 176 : index
      %get3A_334 = tpu.vector_load %arg13[%get3A_332, %get3A_333] {strides = array<i32>} : memref<32x1024xf32, #tpu.memory_space<vmem>>, vector<1x16xf32>,
      %get3A_335 = vector.shape_cast %get3A_334 : vector<1x16xf32> to vector<16xf32>
      %add3A_336 = arith.addf %get3A_335, %get3A_327 : vector<16xf32>
      %sub3A_337 = arith.constant 1.000000e+00 : f32
      %sub3A_338 = vector.broadcast %sub3A_337 : f32 to vector<16xf32>
      %sub3A_339 = arith.subf %sub3A_338, %get3A_61 : vector<16xf32>
      %sub3A_340 = arith.subf %get3A_331, %get3A_327 : vector<16xf32>
      %mul3A_341 = arith.mulf %sub3A_339, %sub3A_340 : vector<16xf32>
      %add3A_342 = arith.addf %add3A_336, %mul3A_341 : vector<16xf32>
      %swap3A_343 = arith.index_cast %scan3A_56 : i32 to index
      %swap3A_344 = arith.constant 176 : index
      %swap3A_345 = tpu.vector_load %arg13[%swap3A_343, %swap3A_344] {strides = array<i32>} : memref<32x1024xf32, #tpu.memory_space<vmem>>, vector<1x16xf32>,
      %swap3A_346 = vector.shape_cast %swap3A_345 : vector<1x16xf32> to vector<16xf32>
      %swap3A_347 = vector.shape_cast %add3A_342 : vector<16xf32> to vector<1x16xf32>
      tpu.vector_store %arg13[%swap3A_343, %swap3A_344], %swap3A_347 {strides = array<i32>} : memref<32x1024xf32, #tpu.memory_space<vmem>>, vector<1x16xf32>,
      %get3A_348 = arith.index_cast %scan3A_56 : i32 to index
      %get3A_349 = arith.constant 192 : index
      %get3A_350 = tpu.vector_load %arg11[%get3A_348, %get3A_349] {strides = array<i32>} : memref<32x1024xf32, #tpu.memory_space<vmem>>, vector<1x16xf32>,
      %get3A_351 = vector.shape_cast %get3A_350 : vector<1x16xf32> to vector<16xf32>
      %get3A_352 = arith.index_cast %scan3A_56 : i32 to index
      %get3A_353 = arith.constant 192 : index
      %get3A_354 = tpu.vector_load %arg12[%get3A_352, %get3A_353] {strides = array<i32>} : memref<32x1024xf32, #tpu.memory_space<vmem>>, vector<1x16xf32>,
      %get3A_355 = vector.shape_cast %get3A_354 : vector<1x16xf32> to vector<16xf32>
      %get3A_356 = arith.index_cast %scan3A_56 : i32 to index
      %get3A_357 = arith.constant 192 : index
      %get3A_358 = tpu.vector_load %arg13[%get3A_356, %get3A_357] {strides = array<i32>} : memref<32x1024xf32, #tpu.memory_space<vmem>>, vector<1x16xf32>,
      %get3A_359 = vector.shape_cast %get3A_358 : vector<1x16xf32> to vector<16xf32>
      %add3A_360 = arith.addf %get3A_359, %get3A_351 : vector<16xf32>
      %sub3A_361 = arith.constant 1.000000e+00 : f32
      %sub3A_362 = vector.broadcast %sub3A_361 : f32 to vector<16xf32>
      %sub3A_363 = arith.subf %sub3A_362, %get3A_61 : vector<16xf32>
      %sub3A_364 = arith.subf %get3A_355, %get3A_351 : vector<16xf32>
      %mul3A_365 = arith.mulf %sub3A_363, %sub3A_364 : vector<16xf32>
      %add3A_366 = arith.addf %add3A_360, %mul3A_365 : vector<16xf32>
      %swap3A_367 = arith.index_cast %scan3A_56 : i32 to index
      %swap3A_368 = arith.constant 192 : index
      %swap3A_369 = tpu.vector_load %arg13[%swap3A_367, %swap3A_368] {strides = array<i32>} : memref<32x1024xf32, #tpu.memory_space<vmem>>, vector<1x16xf32>,
      %swap3A_370 = vector.shape_cast %swap3A_369 : vector<1x16xf32> to vector<16xf32>
      %swap3A_371 = vector.shape_cast %add3A_366 : vector<16xf32> to vector<1x16xf32>
      tpu.vector_store %arg13[%swap3A_367, %swap3A_368], %swap3A_371 {strides = array<i32>} : memref<32x1024xf32, #tpu.memory_space<vmem>>, vector<1x16xf32>,
      %get3A_372 = arith.index_cast %scan3A_56 : i32 to index
      %get3A_373 = arith.constant 208 : index
      %get3A_374 = tpu.vector_load %arg11[%get3A_372, %get3A_373] {strides = array<i32>} : memref<32x1024xf32, #tpu.memory_space<vmem>>, vector<1x16xf32>,
      %get3A_375 = vector.shape_cast %get3A_374 : vector<1x16xf32> to vector<16xf32>
      %get3A_376 = arith.index_cast %scan3A_56 : i32 to index
      %get3A_377 = arith.constant 208 : index
      %get3A_378 = tpu.vector_load %arg12[%get3A_376, %get3A_377] {strides = array<i32>} : memref<32x1024xf32, #tpu.memory_space<vmem>>, vector<1x16xf32>,
      %get3A_379 = vector.shape_cast %get3A_378 : vector<1x16xf32> to vector<16xf32>
      %get3A_380 = arith.index_cast %scan3A_56 : i32 to index
      %get3A_381 = arith.constant 208 : index
      %get3A_382 = tpu.vector_load %arg13[%get3A_380, %get3A_381] {strides = array<i32>} : memref<32x1024xf32, #tpu.memory_space<vmem>>, vector<1x16xf32>,
      %get3A_383 = vector.shape_cast %get3A_382 : vector<1x16xf32> to vector<16xf32>
      %add3A_384 = arith.addf %get3A_383, %get3A_375 : vector<16xf32>
      %sub3A_385 = arith.constant 1.000000e+00 : f32
      %sub3A_386 = vector.broadcast %sub3A_385 : f32 to vector<16xf32>
      %sub3A_387 = arith.subf %sub3A_386, %get3A_61 : vector<16xf32>
      %sub3A_388 = arith.subf %get3A_379, %get3A_375 : vector<16xf32>
      %mul3A_389 = arith.mulf %sub3A_387, %sub3A_388 : vector<16xf32>
      %add3A_390 = arith.addf %add3A_384, %mul3A_389 : vector<16xf32>
      %swap3A_391 = arith.index_cast %scan3A_56 : i32 to index
      %swap3A_392 = arith.constant 208 : index
      %swap3A_393 = tpu.vector_load %arg13[%swap3A_391, %swap3A_392] {strides = array<i32>} : memref<32x1024xf32, #tpu.memory_space<vmem>>, vector<1x16xf32>,
      %swap3A_394 = vector.shape_cast %swap3A_393 : vector<1x16xf32> to vector<16xf32>
      %swap3A_395 = vector.shape_cast %add3A_390 : vector<16xf32> to vector<1x16xf32>
      tpu.vector_store %arg13[%swap3A_391, %swap3A_392], %swap3A_395 {strides = array<i32>} : memref<32x1024xf32, #tpu.memory_space<vmem>>, vector<1x16xf32>,
      %get3A_396 = arith.index_cast %scan3A_56 : i32 to index
      %get3A_397 = arith.constant 224 : index
      %get3A_398 = tpu.vector_load %arg11[%get3A_396, %get3A_397] {strides = array<i32>} : memref<32x1024xf32, #tpu.memory_space<vmem>>, vector<1x16xf32>,
      %get3A_399 = vector.shape_cast %get3A_398 : vector<1x16xf32> to vector<16xf32>
      %get3A_400 = arith.index_cast %scan3A_56 : i32 to index
      %get3A_401 = arith.constant 224 : index
      %get3A_402 = tpu.vector_load %arg12[%get3A_400, %get3A_401] {strides = array<i32>} : memref<32x1024xf32, #tpu.memory_space<vmem>>, vector<1x16xf32>,
      %get3A_403 = vector.shape_cast %get3A_402 : vector<1x16xf32> to vector<16xf32>
      %get3A_404 = arith.index_cast %scan3A_56 : i32 to index
      %get3A_405 = arith.constant 224 : index
      %get3A_406 = tpu.vector_load %arg13[%get3A_404, %get3A_405] {strides = array<i32>} : memref<32x1024xf32, #tpu.memory_space<vmem>>, vector<1x16xf32>,
      %get3A_407 = vector.shape_cast %get3A_406 : vector<1x16xf32> to vector<16xf32>
      %add3A_408 = arith.addf %get3A_407, %get3A_399 : vector<16xf32>
      %sub3A_409 = arith.constant 1.000000e+00 : f32
      %sub3A_410 = vector.broadcast %sub3A_409 : f32 to vector<16xf32>
      %sub3A_411 = arith.subf %sub3A_410, %get3A_61 : vector<16xf32>
      %sub3A_412 = arith.subf %get3A_403, %get3A_399 : vector<16xf32>
      %mul3A_413 = arith.mulf %sub3A_411, %sub3A_412 : vector<16xf32>
      %add3A_414 = arith.addf %add3A_408, %mul3A_413 : vector<16xf32>
      %swap3A_415 = arith.index_cast %scan3A_56 : i32 to index
      %swap3A_416 = arith.constant 224 : index
      %swap3A_417 = tpu.vector_load %arg13[%swap3A_415, %swap3A_416] {strides = array<i32>} : memref<32x1024xf32, #tpu.memory_space<vmem>>, vector<1x16xf32>,
      %swap3A_418 = vector.shape_cast %swap3A_417 : vector<1x16xf32> to vector<16xf32>
      %swap3A_419 = vector.shape_cast %add3A_414 : vector<16xf32> to vector<1x16xf32>
      tpu.vector_store %arg13[%swap3A_415, %swap3A_416], %swap3A_419 {strides = array<i32>} : memref<32x1024xf32, #tpu.memory_space<vmem>>, vector<1x16xf32>,
      %get3A_420 = arith.index_cast %scan3A_56 : i32 to index
      %get3A_421 = arith.constant 240 : index
      %get3A_422 = tpu.vector_load %arg11[%get3A_420, %get3A_421] {strides = array<i32>} : memref<32x1024xf32, #tpu.memory_space<vmem>>, vector<1x16xf32>,
      %get3A_423 = vector.shape_cast %get3A_422 : vector<1x16xf32> to vector<16xf32>
      %get3A_424 = arith.index_cast %scan3A_56 : i32 to index
      %get3A_425 = arith.constant 240 : index
      %get3A_426 = tpu.vector_load %arg12[%get3A_424, %get3A_425] {strides = array<i32>} : memref<32x1024xf32, #tpu.memory_space<vmem>>, vector<1x16xf32>,
      %get3A_427 = vector.shape_cast %get3A_426 : vector<1x16xf32> to vector<16xf32>
      %get3A_428 = arith.index_cast %scan3A_56 : i32 to index
      %get3A_429 = arith.constant 240 : index
      %get3A_430 = tpu.vector_load %arg13[%get3A_428, %get3A_429] {strides = array<i32>} : memref<32x1024xf32, #tpu.memory_space<vmem>>, vector<1x16xf32>,
      %get3A_431 = vector.shape_cast %get3A_430 : vector<1x16xf32> to vector<16xf32>
      %add3A_432 = arith.addf %get3A_431, %get3A_423 : vector<16xf32>
      %sub3A_433 = arith.constant 1.000000e+00 : f32
      %sub3A_434 = vector.broadcast %sub3A_433 : f32 to vector<16xf32>
      %sub3A_435 = arith.subf %sub3A_434, %get3A_61 : vector<16xf32>
      %sub3A_436 = arith.subf %get3A_427, %get3A_423 : vector<16xf32>
      %mul3A_437 = arith.mulf %sub3A_435, %sub3A_436 : vector<16xf32>
      %add3A_438 = arith.addf %add3A_432, %mul3A_437 : vector<16xf32>
      %swap3A_439 = arith.index_cast %scan3A_56 : i32 to index
      %swap3A_440 = arith.constant 240 : index
      %swap3A_441 = tpu.vector_load %arg13[%swap3A_439, %swap3A_440] {strides = array<i32>} : memref<32x1024xf32, #tpu.memory_space<vmem>>, vector<1x16xf32>,
      %swap3A_442 = vector.shape_cast %swap3A_441 : vector<1x16xf32> to vector<16xf32>
      %swap3A_443 = vector.shape_cast %add3A_438 : vector<16xf32> to vector<1x16xf32>
      tpu.vector_store %arg13[%swap3A_439, %swap3A_440], %swap3A_443 {strides = array<i32>} : memref<32x1024xf32, #tpu.memory_space<vmem>>, vector<1x16xf32>,
      %get3A_444 = arith.index_cast %scan3A_56 : i32 to index
      %get3A_445 = arith.constant 256 : index
      %get3A_446 = tpu.vector_load %arg11[%get3A_444, %get3A_445] {strides = array<i32>} : memref<32x1024xf32, #tpu.memory_space<vmem>>, vector<1x16xf32>,
      %get3A_447 = vector.shape_cast %get3A_446 : vector<1x16xf32> to vector<16xf32>
      %get3A_448 = arith.index_cast %scan3A_56 : i32 to index
      %get3A_449 = arith.constant 256 : index
      %get3A_450 = tpu.vector_load %arg12[%get3A_448, %get3A_449] {strides = array<i32>} : memref<32x1024xf32, #tpu.memory_space<vmem>>, vector<1x16xf32>,
      %get3A_451 = vector.shape_cast %get3A_450 : vector<1x16xf32> to vector<16xf32>
      %get3A_452 = arith.index_cast %scan3A_56 : i32 to index
      %get3A_453 = arith.constant 256 : index
      %get3A_454 = tpu.vector_load %arg13[%get3A_452, %get3A_453] {strides = array<i32>} : memref<32x1024xf32, #tpu.memory_space<vmem>>, vector<1x16xf32>,
      %get3A_455 = vector.shape_cast %get3A_454 : vector<1x16xf32> to vector<16xf32>
      %add3A_456 = arith.addf %get3A_455, %get3A_447 : vector<16xf32>
      %sub3A_457 = arith.constant 1.000000e+00 : f32
      %sub3A_458 = vector.broadcast %sub3A_457 : f32 to vector<16xf32>
      %sub3A_459 = arith.subf %sub3A_458, %get3A_61 : vector<16xf32>
      %sub3A_460 = arith.subf %get3A_451, %get3A_447 : vector<16xf32>
      %mul3A_461 = arith.mulf %sub3A_459, %sub3A_460 : vector<16xf32>
      %add3A_462 = arith.addf %add3A_456, %mul3A_461 : vector<16xf32>
      %swap3A_463 = arith.index_cast %scan3A_56 : i32 to index
      %swap3A_464 = arith.constant 256 : index
      %swap3A_465 = tpu.vector_load %arg13[%swap3A_463, %swap3A_464] {strides = array<i32>} : memref<32x1024xf32, #tpu.memory_space<vmem>>, vector<1x16xf32>,
      %swap3A_466 = vector.shape_cast %swap3A_465 : vector<1x16xf32> to vector<16xf32>
      %swap3A_467 = vector.shape_cast %add3A_462 : vector<16xf32> to vector<1x16xf32>
      tpu.vector_store %arg13[%swap3A_463, %swap3A_464], %swap3A_467 {strides = array<i32>} : memref<32x1024xf32, #tpu.memory_space<vmem>>, vector<1x16xf32>,
      %get3A_468 = arith.index_cast %scan3A_56 : i32 to index
      %get3A_469 = arith.constant 272 : index
      %get3A_470 = tpu.vector_load %arg11[%get3A_468, %get3A_469] {strides = array<i32>} : memref<32x1024xf32, #tpu.memory_space<vmem>>, vector<1x16xf32>,
      %get3A_471 = vector.shape_cast %get3A_470 : vector<1x16xf32> to vector<16xf32>
      %get3A_472 = arith.index_cast %scan3A_56 : i32 to index
      %get3A_473 = arith.constant 272 : index
      %get3A_474 = tpu.vector_load %arg12[%get3A_472, %get3A_473] {strides = array<i32>} : memref<32x1024xf32, #tpu.memory_space<vmem>>, vector<1x16xf32>,
      %get3A_475 = vector.shape_cast %get3A_474 : vector<1x16xf32> to vector<16xf32>
      %get3A_476 = arith.index_cast %scan3A_56 : i32 to index
      %get3A_477 = arith.constant 272 : index
      %get3A_478 = tpu.vector_load %arg13[%get3A_476, %get3A_477] {strides = array<i32>} : memref<32x1024xf32, #tpu.memory_space<vmem>>, vector<1x16xf32>,
      %get3A_479 = vector.shape_cast %get3A_478 : vector<1x16xf32> to vector<16xf32>
      %add3A_480 = arith.addf %get3A_479, %get3A_471 : vector<16xf32>
      %sub3A_481 = arith.constant 1.000000e+00 : f32
      %sub3A_482 = vector.broadcast %sub3A_481 : f32 to vector<16xf32>
      %sub3A_483 = arith.subf %sub3A_482, %get3A_61 : vector<16xf32>
      %sub3A_484 = arith.subf %get3A_475, %get3A_471 : vector<16xf32>
      %mul3A_485 = arith.mulf %sub3A_483, %sub3A_484 : vector<16xf32>
      %add3A_486 = arith.addf %add3A_480, %mul3A_485 : vector<16xf32>
      %swap3A_487 = arith.index_cast %scan3A_56 : i32 to index
      %swap3A_488 = arith.constant 272 : index
      %swap3A_489 = tpu.vector_load %arg13[%swap3A_487, %swap3A_488] {strides = array<i32>} : memref<32x1024xf32, #tpu.memory_space<vmem>>, vector<1x16xf32>,
      %swap3A_490 = vector.shape_cast %swap3A_489 : vector<1x16xf32> to vector<16xf32>
      %swap3A_491 = vector.shape_cast %add3A_486 : vector<16xf32> to vector<1x16xf32>
      tpu.vector_store %arg13[%swap3A_487, %swap3A_488], %swap3A_491 {strides = array<i32>} : memref<32x1024xf32, #tpu.memory_space<vmem>>, vector<1x16xf32>,
      %get3A_492 = arith.index_cast %scan3A_56 : i32 to index
      %get3A_493 = arith.constant 288 : index
      %get3A_494 = tpu.vector_load %arg11[%get3A_492, %get3A_493] {strides = array<i32>} : memref<32x1024xf32, #tpu.memory_space<vmem>>, vector<1x16xf32>,
      %get3A_495 = vector.shape_cast %get3A_494 : vector<1x16xf32> to vector<16xf32>
      %get3A_496 = arith.index_cast %scan3A_56 : i32 to index
      %get3A_497 = arith.constant 288 : index
      %get3A_498 = tpu.vector_load %arg12[%get3A_496, %get3A_497] {strides = array<i32>} : memref<32x1024xf32, #tpu.memory_space<vmem>>, vector<1x16xf32>,
      %get3A_499 = vector.shape_cast %get3A_498 : vector<1x16xf32> to vector<16xf32>
      %get3A_500 = arith.index_cast %scan3A_56 : i32 to index
      %get3A_501 = arith.constant 288 : index
      %get3A_502 = tpu.vector_load %arg13[%get3A_500, %get3A_501] {strides = array<i32>} : memref<32x1024xf32, #tpu.memory_space<vmem>>, vector<1x16xf32>,
      %get3A_503 = vector.shape_cast %get3A_502 : vector<1x16xf32> to vector<16xf32>
      %add3A_504 = arith.addf %get3A_503, %get3A_495 : vector<16xf32>
      %sub3A_505 = arith.constant 1.000000e+00 : f32
      %sub3A_506 = vector.broadcast %sub3A_505 : f32 to vector<16xf32>
      %sub3A_507 = arith.subf %sub3A_506, %get3A_61 : vector<16xf32>
      %sub3A_508 = arith.subf %get3A_499, %get3A_495 : vector<16xf32>
      %mul3A_509 = arith.mulf %sub3A_507, %sub3A_508 : vector<16xf32>
      %add3A_510 = arith.addf %add3A_504, %mul3A_509 : vector<16xf32>
      %swap3A_511 = arith.index_cast %scan3A_56 : i32 to index
      %swap3A_512 = arith.constant 288 : index
      %swap3A_513 = tpu.vector_load %arg13[%swap3A_511, %swap3A_512] {strides = array<i32>} : memref<32x1024xf32, #tpu.memory_space<vmem>>, vector<1x16xf32>,
      %swap3A_514 = vector.shape_cast %swap3A_513 : vector<1x16xf32> to vector<16xf32>
      %swap3A_515 = vector.shape_cast %add3A_510 : vector<16xf32> to vector<1x16xf32>
      tpu.vector_store %arg13[%swap3A_511, %swap3A_512], %swap3A_515 {strides = array<i32>} : memref<32x1024xf32, #tpu.memory_space<vmem>>, vector<1x16xf32>,
      %get3A_516 = arith.index_cast %scan3A_56 : i32 to index
      %get3A_517 = arith.constant 304 : index
      %get3A_518 = tpu.vector_load %arg11[%get3A_516, %get3A_517] {strides = array<i32>} : memref<32x1024xf32, #tpu.memory_space<vmem>>, vector<1x16xf32>,
      %get3A_519 = vector.shape_cast %get3A_518 : vector<1x16xf32> to vector<16xf32>
      %get3A_520 = arith.index_cast %scan3A_56 : i32 to index
      %get3A_521 = arith.constant 304 : index
      %get3A_522 = tpu.vector_load %arg12[%get3A_520, %get3A_521] {strides = array<i32>} : memref<32x1024xf32, #tpu.memory_space<vmem>>, vector<1x16xf32>,
      %get3A_523 = vector.shape_cast %get3A_522 : vector<1x16xf32> to vector<16xf32>
      %get3A_524 = arith.index_cast %scan3A_56 : i32 to index
      %get3A_525 = arith.constant 304 : index
      %get3A_526 = tpu.vector_load %arg13[%get3A_524, %get3A_525] {strides = array<i32>} : memref<32x1024xf32, #tpu.memory_space<vmem>>, vector<1x16xf32>,
      %get3A_527 = vector.shape_cast %get3A_526 : vector<1x16xf32> to vector<16xf32>
      %add3A_528 = arith.addf %get3A_527, %get3A_519 : vector<16xf32>
      %sub3A_529 = arith.constant 1.000000e+00 : f32
      %sub3A_530 = vector.broadcast %sub3A_529 : f32 to vector<16xf32>
      %sub3A_531 = arith.subf %sub3A_530, %get3A_61 : vector<16xf32>
      %sub3A_532 = arith.subf %get3A_523, %get3A_519 : vector<16xf32>
      %mul3A_533 = arith.mulf %sub3A_531, %sub3A_532 : vector<16xf32>
      %add3A_534 = arith.addf %add3A_528, %mul3A_533 : vector<16xf32>
      %swap3A_535 = arith.index_cast %scan3A_56 : i32 to index
      %swap3A_536 = arith.constant 304 : index
      %swap3A_537 = tpu.vector_load %arg13[%swap3A_535, %swap3A_536] {strides = array<i32>} : memref<32x1024xf32, #tpu.memory_space<vmem>>, vector<1x16xf32>,
      %swap3A_538 = vector.shape_cast %swap3A_537 : vector<1x16xf32> to vector<16xf32>
      %swap3A_539 = vector.shape_cast %add3A_534 : vector<16xf32> to vector<1x16xf32>
      tpu.vector_store %arg13[%swap3A_535, %swap3A_536], %swap3A_539 {strides = array<i32>} : memref<32x1024xf32, #tpu.memory_space<vmem>>, vector<1x16xf32>,
      %get3A_540 = arith.index_cast %scan3A_56 : i32 to index
      %get3A_541 = arith.constant 320 : index
      %get3A_542 = tpu.vector_load %arg11[%get3A_540, %get3A_541] {strides = array<i32>} : memref<32x1024xf32, #tpu.memory_space<vmem>>, vector<1x16xf32>,
      %get3A_543 = vector.shape_cast %get3A_542 : vector<1x16xf32> to vector<16xf32>
      %get3A_544 = arith.index_cast %scan3A_56 : i32 to index
      %get3A_545 = arith.constant 320 : index
      %get3A_546 = tpu.vector_load %arg12[%get3A_544, %get3A_545] {strides = array<i32>} : memref<32x1024xf32, #tpu.memory_space<vmem>>, vector<1x16xf32>,
      %get3A_547 = vector.shape_cast %get3A_546 : vector<1x16xf32> to vector<16xf32>
      %get3A_548 = arith.index_cast %scan3A_56 : i32 to index
      %get3A_549 = arith.constant 320 : index
      %get3A_550 = tpu.vector_load %arg13[%get3A_548, %get3A_549] {strides = array<i32>} : memref<32x1024xf32, #tpu.memory_space<vmem>>, vector<1x16xf32>,
      %get3A_551 = vector.shape_cast %get3A_550 : vector<1x16xf32> to vector<16xf32>
      %add3A_552 = arith.addf %get3A_551, %get3A_543 : vector<16xf32>
      %sub3A_553 = arith.constant 1.000000e+00 : f32
      %sub3A_554 = vector.broadcast %sub3A_553 : f32 to vector<16xf32>
      %sub3A_555 = arith.subf %sub3A_554, %get3A_61 : vector<16xf32>
      %sub3A_556 = arith.subf %get3A_547, %get3A_543 : vector<16xf32>
      %mul3A_557 = arith.mulf %sub3A_555, %sub3A_556 : vector<16xf32>
      %add3A_558 = arith.addf %add3A_552, %mul3A_557 : vector<16xf32>
      %swap3A_559 = arith.index_cast %scan3A_56 : i32 to index
      %swap3A_560 = arith.constant 320 : index
      %swap3A_561 = tpu.vector_load %arg13[%swap3A_559, %swap3A_560] {strides = array<i32>} : memref<32x1024xf32, #tpu.memory_space<vmem>>, vector<1x16xf32>,
      %swap3A_562 = vector.shape_cast %swap3A_561 : vector<1x16xf32> to vector<16xf32>
      %swap3A_563 = vector.shape_cast %add3A_558 : vector<16xf32> to vector<1x16xf32>
      tpu.vector_store %arg13[%swap3A_559, %swap3A_560], %swap3A_563 {strides = array<i32>} : memref<32x1024xf32, #tpu.memory_space<vmem>>, vector<1x16xf32>,
      %get3A_564 = arith.index_cast %scan3A_56 : i32 to index
      %get3A_565 = arith.constant 336 : index
      %get3A_566 = tpu.vector_load %arg11[%get3A_564, %get3A_565] {strides = array<i32>} : memref<32x1024xf32, #tpu.memory_space<vmem>>, vector<1x16xf32>,
      %get3A_567 = vector.shape_cast %get3A_566 : vector<1x16xf32> to vector<16xf32>
      %get3A_568 = arith.index_cast %scan3A_56 : i32 to index
      %get3A_569 = arith.constant 336 : index
      %get3A_570 = tpu.vector_load %arg12[%get3A_568, %get3A_569] {strides = array<i32>} : memref<32x1024xf32, #tpu.memory_space<vmem>>, vector<1x16xf32>,
      %get3A_571 = vector.shape_cast %get3A_570 : vector<1x16xf32> to vector<16xf32>
      %get3A_572 = arith.index_cast %scan3A_56 : i32 to index
      %get3A_573 = arith.constant 336 : index
      %get3A_574 = tpu.vector_load %arg13[%get3A_572, %get3A_573] {strides = array<i32>} : memref<32x1024xf32, #tpu.memory_space<vmem>>, vector<1x16xf32>,
      %get3A_575 = vector.shape_cast %get3A_574 : vector<1x16xf32> to vector<16xf32>
      %add3A_576 = arith.addf %get3A_575, %get3A_567 : vector<16xf32>
      %sub3A_577 = arith.constant 1.000000e+00 : f32
      %sub3A_578 = vector.broadcast %sub3A_577 : f32 to vector<16xf32>
      %sub3A_579 = arith.subf %sub3A_578, %get3A_61 : vector<16xf32>
      %sub3A_580 = arith.subf %get3A_571, %get3A_567 : vector<16xf32>
      %mul3A_581 = arith.mulf %sub3A_579, %sub3A_580 : vector<16xf32>
      %add3A_582 = arith.addf %add3A_576, %mul3A_581 : vector<16xf32>
      %swap3A_583 = arith.index_cast %scan3A_56 : i32 to index
      %swap3A_584 = arith.constant 336 : index
      %swap3A_585 = tpu.vector_load %arg13[%swap3A_583, %swap3A_584] {strides = array<i32>} : memref<32x1024xf32, #tpu.memory_space<vmem>>, vector<1x16xf32>,
      %swap3A_586 = vector.shape_cast %swap3A_585 : vector<1x16xf32> to vector<16xf32>
      %swap3A_587 = vector.shape_cast %add3A_582 : vector<16xf32> to vector<1x16xf32>
      tpu.vector_store %arg13[%swap3A_583, %swap3A_584], %swap3A_587 {strides = array<i32>} : memref<32x1024xf32, #tpu.memory_space<vmem>>, vector<1x16xf32>,
      %get3A_588 = arith.index_cast %scan3A_56 : i32 to index
      %get3A_589 = arith.constant 352 : index
      %get3A_590 = tpu.vector_load %arg11[%get3A_588, %get3A_589] {strides = array<i32>} : memref<32x1024xf32, #tpu.memory_space<vmem>>, vector<1x16xf32>,
      %get3A_591 = vector.shape_cast %get3A_590 : vector<1x16xf32> to vector<16xf32>
      %get3A_592 = arith.index_cast %scan3A_56 : i32 to index
      %get3A_593 = arith.constant 352 : index
      %get3A_594 = tpu.vector_load %arg12[%get3A_592, %get3A_593] {strides = array<i32>} : memref<32x1024xf32, #tpu.memory_space<vmem>>, vector<1x16xf32>,
      %get3A_595 = vector.shape_cast %get3A_594 : vector<1x16xf32> to vector<16xf32>
      %get3A_596 = arith.index_cast %scan3A_56 : i32 to index
      %get3A_597 = arith.constant 352 : index
      %get3A_598 = tpu.vector_load %arg13[%get3A_596, %get3A_597] {strides = array<i32>} : memref<32x1024xf32, #tpu.memory_space<vmem>>, vector<1x16xf32>,
      %get3A_599 = vector.shape_cast %get3A_598 : vector<1x16xf32> to vector<16xf32>
      %add3A_600 = arith.addf %get3A_599, %get3A_591 : vector<16xf32>
      %sub3A_601 = arith.constant 1.000000e+00 : f32
      %sub3A_602 = vector.broadcast %sub3A_601 : f32 to vector<16xf32>
      %sub3A_603 = arith.subf %sub3A_602, %get3A_61 : vector<16xf32>
      %sub3A_604 = arith.subf %get3A_595, %get3A_591 : vector<16xf32>
      %mul3A_605 = arith.mulf %sub3A_603, %sub3A_604 : vector<16xf32>
      %add3A_606 = arith.addf %add3A_600, %mul3A_605 : vector<16xf32>
      %swap3A_607 = arith.index_cast %scan3A_56 : i32 to index
      %swap3A_608 = arith.constant 352 : index
      %swap3A_609 = tpu.vector_load %arg13[%swap3A_607, %swap3A_608] {strides = array<i32>} : memref<32x1024xf32, #tpu.memory_space<vmem>>, vector<1x16xf32>,
      %swap3A_610 = vector.shape_cast %swap3A_609 : vector<1x16xf32> to vector<16xf32>
      %swap3A_611 = vector.shape_cast %add3A_606 : vector<16xf32> to vector<1x16xf32>
      tpu.vector_store %arg13[%swap3A_607, %swap3A_608], %swap3A_611 {strides = array<i32>} : memref<32x1024xf32, #tpu.memory_space<vmem>>, vector<1x16xf32>,
      %get3A_612 = arith.index_cast %scan3A_56 : i32 to index
      %get3A_613 = arith.constant 368 : index
      %get3A_614 = tpu.vector_load %arg11[%get3A_612, %get3A_613] {strides = array<i32>} : memref<32x1024xf32, #tpu.memory_space<vmem>>, vector<1x16xf32>,
      %get3A_615 = vector.shape_cast %get3A_614 : vector<1x16xf32> to vector<16xf32>
      %get3A_616 = arith.index_cast %scan3A_56 : i32 to index
      %get3A_617 = arith.constant 368 : index
      %get3A_618 = tpu.vector_load %arg12[%get3A_616, %get3A_617] {strides = array<i32>} : memref<32x1024xf32, #tpu.memory_space<vmem>>, vector<1x16xf32>,
      %get3A_619 = vector.shape_cast %get3A_618 : vector<1x16xf32> to vector<16xf32>
      %get3A_620 = arith.index_cast %scan3A_56 : i32 to index
      %get3A_621 = arith.constant 368 : index
      %get3A_622 = tpu.vector_load %arg13[%get3A_620, %get3A_621] {strides = array<i32>} : memref<32x1024xf32, #tpu.memory_space<vmem>>, vector<1x16xf32>,
      %get3A_623 = vector.shape_cast %get3A_622 : vector<1x16xf32> to vector<16xf32>
      %add3A_624 = arith.addf %get3A_623, %get3A_615 : vector<16xf32>
      %sub3A_625 = arith.constant 1.000000e+00 : f32
      %sub3A_626 = vector.broadcast %sub3A_625 : f32 to vector<16xf32>
      %sub3A_627 = arith.subf %sub3A_626, %get3A_61 : vector<16xf32>
      %sub3A_628 = arith.subf %get3A_619, %get3A_615 : vector<16xf32>
      %mul3A_629 = arith.mulf %sub3A_627, %sub3A_628 : vector<16xf32>
      %add3A_630 = arith.addf %add3A_624, %mul3A_629 : vector<16xf32>
      %swap3A_631 = arith.index_cast %scan3A_56 : i32 to index
      %swap3A_632 = arith.constant 368 : index
      %swap3A_633 = tpu.vector_load %arg13[%swap3A_631, %swap3A_632] {strides = array<i32>} : memref<32x1024xf32, #tpu.memory_space<vmem>>, vector<1x16xf32>,
      %swap3A_634 = vector.shape_cast %swap3A_633 : vector<1x16xf32> to vector<16xf32>
      %swap3A_635 = vector.shape_cast %add3A_630 : vector<16xf32> to vector<1x16xf32>
      tpu.vector_store %arg13[%swap3A_631, %swap3A_632], %swap3A_635 {strides = array<i32>} : memref<32x1024xf32, #tpu.memory_space<vmem>>, vector<1x16xf32>,
      %get3A_636 = arith.index_cast %scan3A_56 : i32 to index
      %get3A_637 = arith.constant 384 : index
      %get3A_638 = tpu.vector_load %arg11[%get3A_636, %get3A_637] {strides = array<i32>} : memref<32x1024xf32, #tpu.memory_space<vmem>>, vector<1x16xf32>,
      %get3A_639 = vector.shape_cast %get3A_638 : vector<1x16xf32> to vector<16xf32>
      %get3A_640 = arith.index_cast %scan3A_56 : i32 to index
      %get3A_641 = arith.constant 384 : index
      %get3A_642 = tpu.vector_load %arg12[%get3A_640, %get3A_641] {strides = array<i32>} : memref<32x1024xf32, #tpu.memory_space<vmem>>, vector<1x16xf32>,
      %get3A_643 = vector.shape_cast %get3A_642 : vector<1x16xf32> to vector<16xf32>
      %get3A_644 = arith.index_cast %scan3A_56 : i32 to index
      %get3A_645 = arith.constant 384 : index
      %get3A_646 = tpu.vector_load %arg13[%get3A_644, %get3A_645] {strides = array<i32>} : memref<32x1024xf32, #tpu.memory_space<vmem>>, vector<1x16xf32>,
      %get3A_647 = vector.shape_cast %get3A_646 : vector<1x16xf32> to vector<16xf32>
      %add3A_648 = arith.addf %get3A_647, %get3A_639 : vector<16xf32>
      %sub3A_649 = arith.constant 1.000000e+00 : f32
      %sub3A_650 = vector.broadcast %sub3A_649 : f32 to vector<16xf32>
      %sub3A_651 = arith.subf %sub3A_650, %get3A_61 : vector<16xf32>
      %sub3A_652 = arith.subf %get3A_643, %get3A_639 : vector<16xf32>
      %mul3A_653 = arith.mulf %sub3A_651, %sub3A_652 : vector<16xf32>
      %add3A_654 = arith.addf %add3A_648, %mul3A_653 : vector<16xf32>
      %swap3A_655 = arith.index_cast %scan3A_56 : i32 to index
      %swap3A_656 = arith.constant 384 : index
      %swap3A_657 = tpu.vector_load %arg13[%swap3A_655, %swap3A_656] {strides = array<i32>} : memref<32x1024xf32, #tpu.memory_space<vmem>>, vector<1x16xf32>,
      %swap3A_658 = vector.shape_cast %swap3A_657 : vector<1x16xf32> to vector<16xf32>
      %swap3A_659 = vector.shape_cast %add3A_654 : vector<16xf32> to vector<1x16xf32>
      tpu.vector_store %arg13[%swap3A_655, %swap3A_656], %swap3A_659 {strides = array<i32>} : memref<32x1024xf32, #tpu.memory_space<vmem>>, vector<1x16xf32>,
      %get3A_660 = arith.index_cast %scan3A_56 : i32 to index
      %get3A_661 = arith.constant 400 : index
      %get3A_662 = tpu.vector_load %arg11[%get3A_660, %get3A_661] {strides = array<i32>} : memref<32x1024xf32, #tpu.memory_space<vmem>>, vector<1x16xf32>,
      %get3A_663 = vector.shape_cast %get3A_662 : vector<1x16xf32> to vector<16xf32>
      %get3A_664 = arith.index_cast %scan3A_56 : i32 to index
      %get3A_665 = arith.constant 400 : index
      %get3A_666 = tpu.vector_load %arg12[%get3A_664, %get3A_665] {strides = array<i32>} : memref<32x1024xf32, #tpu.memory_space<vmem>>, vector<1x16xf32>,
      %get3A_667 = vector.shape_cast %get3A_666 : vector<1x16xf32> to vector<16xf32>
      %get3A_668 = arith.index_cast %scan3A_56 : i32 to index
      %get3A_669 = arith.constant 400 : index
      %get3A_670 = tpu.vector_load %arg13[%get3A_668, %get3A_669] {strides = array<i32>} : memref<32x1024xf32, #tpu.memory_space<vmem>>, vector<1x16xf32>,
      %get3A_671 = vector.shape_cast %get3A_670 : vector<1x16xf32> to vector<16xf32>
      %add3A_672 = arith.addf %get3A_671, %get3A_663 : vector<16xf32>
      %sub3A_673 = arith.constant 1.000000e+00 : f32
      %sub3A_674 = vector.broadcast %sub3A_673 : f32 to vector<16xf32>
      %sub3A_675 = arith.subf %sub3A_674, %get3A_61 : vector<16xf32>
      %sub3A_676 = arith.subf %get3A_667, %get3A_663 : vector<16xf32>
      %mul3A_677 = arith.mulf %sub3A_675, %sub3A_676 : vector<16xf32>
      %add3A_678 = arith.addf %add3A_672, %mul3A_677 : vector<16xf32>
      %swap3A_679 = arith.index_cast %scan3A_56 : i32 to index
      %swap3A_680 = arith.constant 400 : index
      %swap3A_681 = tpu.vector_load %arg13[%swap3A_679, %swap3A_680] {strides = array<i32>} : memref<32x1024xf32, #tpu.memory_space<vmem>>, vector<1x16xf32>,
      %swap3A_682 = vector.shape_cast %swap3A_681 : vector<1x16xf32> to vector<16xf32>
      %swap3A_683 = vector.shape_cast %add3A_678 : vector<16xf32> to vector<1x16xf32>
      tpu.vector_store %arg13[%swap3A_679, %swap3A_680], %swap3A_683 {strides = array<i32>} : memref<32x1024xf32, #tpu.memory_space<vmem>>, vector<1x16xf32>,
      %get3A_684 = arith.index_cast %scan3A_56 : i32 to index
      %get3A_685 = arith.constant 416 : index
      %get3A_686 = tpu.vector_load %arg11[%get3A_684, %get3A_685] {strides = array<i32>} : memref<32x1024xf32, #tpu.memory_space<vmem>>, vector<1x16xf32>,
      %get3A_687 = vector.shape_cast %get3A_686 : vector<1x16xf32> to vector<16xf32>
      %get3A_688 = arith.index_cast %scan3A_56 : i32 to index
      %get3A_689 = arith.constant 416 : index
      %get3A_690 = tpu.vector_load %arg12[%get3A_688, %get3A_689] {strides = array<i32>} : memref<32x1024xf32, #tpu.memory_space<vmem>>, vector<1x16xf32>,
      %get3A_691 = vector.shape_cast %get3A_690 : vector<1x16xf32> to vector<16xf32>
      %get3A_692 = arith.index_cast %scan3A_56 : i32 to index
      %get3A_693 = arith.constant 416 : index
      %get3A_694 = tpu.vector_load %arg13[%get3A_692, %get3A_693] {strides = array<i32>} : memref<32x1024xf32, #tpu.memory_space<vmem>>, vector<1x16xf32>,
      %get3A_695 = vector.shape_cast %get3A_694 : vector<1x16xf32> to vector<16xf32>
      %add3A_696 = arith.addf %get3A_695, %get3A_687 : vector<16xf32>
      %sub3A_697 = arith.constant 1.000000e+00 : f32
      %sub3A_698 = vector.broadcast %sub3A_697 : f32 to vector<16xf32>
      %sub3A_699 = arith.subf %sub3A_698, %get3A_61 : vector<16xf32>
      %sub3A_700 = arith.subf %get3A_691, %get3A_687 : vector<16xf32>
      %mul3A_701 = arith.mulf %sub3A_699, %sub3A_700 : vector<16xf32>
      %add3A_702 = arith.addf %add3A_696, %mul3A_701 : vector<16xf32>
      %swap3A_703 = arith.index_cast %scan3A_56 : i32 to index
      %swap3A_704 = arith.constant 416 : index
      %swap3A_705 = tpu.vector_load %arg13[%swap3A_703, %swap3A_704] {strides = array<i32>} : memref<32x1024xf32, #tpu.memory_space<vmem>>, vector<1x16xf32>,
      %swap3A_706 = vector.shape_cast %swap3A_705 : vector<1x16xf32> to vector<16xf32>
      %swap3A_707 = vector.shape_cast %add3A_702 : vector<16xf32> to vector<1x16xf32>
      tpu.vector_store %arg13[%swap3A_703, %swap3A_704], %swap3A_707 {strides = array<i32>} : memref<32x1024xf32, #tpu.memory_space<vmem>>, vector<1x16xf32>,
      %get3A_708 = arith.index_cast %scan3A_56 : i32 to index
      %get3A_709 = arith.constant 432 : index
      %get3A_710 = tpu.vector_load %arg11[%get3A_708, %get3A_709] {strides = array<i32>} : memref<32x1024xf32, #tpu.memory_space<vmem>>, vector<1x16xf32>,
      %get3A_711 = vector.shape_cast %get3A_710 : vector<1x16xf32> to vector<16xf32>
      %get3A_712 = arith.index_cast %scan3A_56 : i32 to index
      %get3A_713 = arith.constant 432 : index
      %get3A_714 = tpu.vector_load %arg12[%get3A_712, %get3A_713] {strides = array<i32>} : memref<32x1024xf32, #tpu.memory_space<vmem>>, vector<1x16xf32>,
      %get3A_715 = vector.shape_cast %get3A_714 : vector<1x16xf32> to vector<16xf32>
      %get3A_716 = arith.index_cast %scan3A_56 : i32 to index
      %get3A_717 = arith.constant 432 : index
      %get3A_718 = tpu.vector_load %arg13[%get3A_716, %get3A_717] {strides = array<i32>} : memref<32x1024xf32, #tpu.memory_space<vmem>>, vector<1x16xf32>,
      %get3A_719 = vector.shape_cast %get3A_718 : vector<1x16xf32> to vector<16xf32>
      %add3A_720 = arith.addf %get3A_719, %get3A_711 : vector<16xf32>
      %sub3A_721 = arith.constant 1.000000e+00 : f32
      %sub3A_722 = vector.broadcast %sub3A_721 : f32 to vector<16xf32>
      %sub3A_723 = arith.subf %sub3A_722, %get3A_61 : vector<16xf32>
      %sub3A_724 = arith.subf %get3A_715, %get3A_711 : vector<16xf32>
      %mul3A_725 = arith.mulf %sub3A_723, %sub3A_724 : vector<16xf32>
      %add3A_726 = arith.addf %add3A_720, %mul3A_725 : vector<16xf32>
      %swap3A_727 = arith.index_cast %scan3A_56 : i32 to index
      %swap3A_728 = arith.constant 432 : index
      %swap3A_729 = tpu.vector_load %arg13[%swap3A_727, %swap3A_728] {strides = array<i32>} : memref<32x1024xf32, #tpu.memory_space<vmem>>, vector<1x16xf32>,
      %swap3A_730 = vector.shape_cast %swap3A_729 : vector<1x16xf32> to vector<16xf32>
      %swap3A_731 = vector.shape_cast %add3A_726 : vector<16xf32> to vector<1x16xf32>
      tpu.vector_store %arg13[%swap3A_727, %swap3A_728], %swap3A_731 {strides = array<i32>} : memref<32x1024xf32, #tpu.memory_space<vmem>>, vector<1x16xf32>,
      %get3A_732 = arith.index_cast %scan3A_56 : i32 to index
      %get3A_733 = arith.constant 448 : index
      %get3A_734 = tpu.vector_load %arg11[%get3A_732, %get3A_733] {strides = array<i32>} : memref<32x1024xf32, #tpu.memory_space<vmem>>, vector<1x16xf32>,
      %get3A_735 = vector.shape_cast %get3A_734 : vector<1x16xf32> to vector<16xf32>
      %get3A_736 = arith.index_cast %scan3A_56 : i32 to index
      %get3A_737 = arith.constant 448 : index
      %get3A_738 = tpu.vector_load %arg12[%get3A_736, %get3A_737] {strides = array<i32>} : memref<32x1024xf32, #tpu.memory_space<vmem>>, vector<1x16xf32>,
      %get3A_739 = vector.shape_cast %get3A_738 : vector<1x16xf32> to vector<16xf32>
      %get3A_740 = arith.index_cast %scan3A_56 : i32 to index
      %get3A_741 = arith.constant 448 : index
      %get3A_742 = tpu.vector_load %arg13[%get3A_740, %get3A_741] {strides = array<i32>} : memref<32x1024xf32, #tpu.memory_space<vmem>>, vector<1x16xf32>,
      %get3A_743 = vector.shape_cast %get3A_742 : vector<1x16xf32> to vector<16xf32>
      %add3A_744 = arith.addf %get3A_743, %get3A_735 : vector<16xf32>
      %sub3A_745 = arith.constant 1.000000e+00 : f32
      %sub3A_746 = vector.broadcast %sub3A_745 : f32 to vector<16xf32>
      %sub3A_747 = arith.subf %sub3A_746, %get3A_61 : vector<16xf32>
      %sub3A_748 = arith.subf %get3A_739, %get3A_735 : vector<16xf32>
      %mul3A_749 = arith.mulf %sub3A_747, %sub3A_748 : vector<16xf32>
      %add3A_750 = arith.addf %add3A_744, %mul3A_749 : vector<16xf32>
      %swap3A_751 = arith.index_cast %scan3A_56 : i32 to index
      %swap3A_752 = arith.constant 448 : index
      %swap3A_753 = tpu.vector_load %arg13[%swap3A_751, %swap3A_752] {strides = array<i32>} : memref<32x1024xf32, #tpu.memory_space<vmem>>, vector<1x16xf32>,
      %swap3A_754 = vector.shape_cast %swap3A_753 : vector<1x16xf32> to vector<16xf32>
      %swap3A_755 = vector.shape_cast %add3A_750 : vector<16xf32> to vector<1x16xf32>
      tpu.vector_store %arg13[%swap3A_751, %swap3A_752], %swap3A_755 {strides = array<i32>} : memref<32x1024xf32, #tpu.memory_space<vmem>>, vector<1x16xf32>,
      %get3A_756 = arith.index_cast %scan3A_56 : i32 to index
      %get3A_757 = arith.constant 464 : index
      %get3A_758 = tpu.vector_load %arg11[%get3A_756, %get3A_757] {strides = array<i32>} : memref<32x1024xf32, #tpu.memory_space<vmem>>, vector<1x16xf32>,
      %get3A_759 = vector.shape_cast %get3A_758 : vector<1x16xf32> to vector<16xf32>
      %get3A_760 = arith.index_cast %scan3A_56 : i32 to index
      %get3A_761 = arith.constant 464 : index
      %get3A_762 = tpu.vector_load %arg12[%get3A_760, %get3A_761] {strides = array<i32>} : memref<32x1024xf32, #tpu.memory_space<vmem>>, vector<1x16xf32>,
      %get3A_763 = vector.shape_cast %get3A_762 : vector<1x16xf32> to vector<16xf32>
      %get3A_764 = arith.index_cast %scan3A_56 : i32 to index
      %get3A_765 = arith.constant 464 : index
      %get3A_766 = tpu.vector_load %arg13[%get3A_764, %get3A_765] {strides = array<i32>} : memref<32x1024xf32, #tpu.memory_space<vmem>>, vector<1x16xf32>,
      %get3A_767 = vector.shape_cast %get3A_766 : vector<1x16xf32> to vector<16xf32>
      %add3A_768 = arith.addf %get3A_767, %get3A_759 : vector<16xf32>
      %sub3A_769 = arith.constant 1.000000e+00 : f32
      %sub3A_770 = vector.broadcast %sub3A_769 : f32 to vector<16xf32>
      %sub3A_771 = arith.subf %sub3A_770, %get3A_61 : vector<16xf32>
      %sub3A_772 = arith.subf %get3A_763, %get3A_759 : vector<16xf32>
      %mul3A_773 = arith.mulf %sub3A_771, %sub3A_772 : vector<16xf32>
      %add3A_774 = arith.addf %add3A_768, %mul3A_773 : vector<16xf32>
      %swap3A_775 = arith.index_cast %scan3A_56 : i32 to index
      %swap3A_776 = arith.constant 464 : index
      %swap3A_777 = tpu.vector_load %arg13[%swap3A_775, %swap3A_776] {strides = array<i32>} : memref<32x1024xf32, #tpu.memory_space<vmem>>, vector<1x16xf32>,
      %swap3A_778 = vector.shape_cast %swap3A_777 : vector<1x16xf32> to vector<16xf32>
      %swap3A_779 = vector.shape_cast %add3A_774 : vector<16xf32> to vector<1x16xf32>
      tpu.vector_store %arg13[%swap3A_775, %swap3A_776], %swap3A_779 {strides = array<i32>} : memref<32x1024xf32, #tpu.memory_space<vmem>>, vector<1x16xf32>,
      %get3A_780 = arith.index_cast %scan3A_56 : i32 to index
      %get3A_781 = arith.constant 480 : index
      %get3A_782 = tpu.vector_load %arg11[%get3A_780, %get3A_781] {strides = array<i32>} : memref<32x1024xf32, #tpu.memory_space<vmem>>, vector<1x16xf32>,
      %get3A_783 = vector.shape_cast %get3A_782 : vector<1x16xf32> to vector<16xf32>
      %get3A_784 = arith.index_cast %scan3A_56 : i32 to index
      %get3A_785 = arith.constant 480 : index
      %get3A_786 = tpu.vector_load %arg12[%get3A_784, %get3A_785] {strides = array<i32>} : memref<32x1024xf32, #tpu.memory_space<vmem>>, vector<1x16xf32>,
      %get3A_787 = vector.shape_cast %get3A_786 : vector<1x16xf32> to vector<16xf32>
      %get3A_788 = arith.index_cast %scan3A_56 : i32 to index
      %get3A_789 = arith.constant 480 : index
      %get3A_790 = tpu.vector_load %arg13[%get3A_788, %get3A_789] {strides = array<i32>} : memref<32x1024xf32, #tpu.memory_space<vmem>>, vector<1x16xf32>,
      %get3A_791 = vector.shape_cast %get3A_790 : vector<1x16xf32> to vector<16xf32>
      %add3A_792 = arith.addf %get3A_791, %get3A_783 : vector<16xf32>
      %sub3A_793 = arith.constant 1.000000e+00 : f32
      %sub3A_794 = vector.broadcast %sub3A_793 : f32 to vector<16xf32>
      %sub3A_795 = arith.subf %sub3A_794, %get3A_61 : vector<16xf32>
      %sub3A_796 = arith.subf %get3A_787, %get3A_783 : vector<16xf32>
      %mul3A_797 = arith.mulf %sub3A_795, %sub3A_796 : vector<16xf32>
      %add3A_798 = arith.addf %add3A_792, %mul3A_797 : vector<16xf32>
      %swap3A_799 = arith.index_cast %scan3A_56 : i32 to index
      %swap3A_800 = arith.constant 480 : index
      %swap3A_801 = tpu.vector_load %arg13[%swap3A_799, %swap3A_800] {strides = array<i32>} : memref<32x1024xf32, #tpu.memory_space<vmem>>, vector<1x16xf32>,
      %swap3A_802 = vector.shape_cast %swap3A_801 : vector<1x16xf32> to vector<16xf32>
      %swap3A_803 = vector.shape_cast %add3A_798 : vector<16xf32> to vector<1x16xf32>
      tpu.vector_store %arg13[%swap3A_799, %swap3A_800], %swap3A_803 {strides = array<i32>} : memref<32x1024xf32, #tpu.memory_space<vmem>>, vector<1x16xf32>,
      %get3A_804 = arith.index_cast %scan3A_56 : i32 to index
      %get3A_805 = arith.constant 496 : index
      %get3A_806 = tpu.vector_load %arg11[%get3A_804, %get3A_805] {strides = array<i32>} : memref<32x1024xf32, #tpu.memory_space<vmem>>, vector<1x16xf32>,
      %get3A_807 = vector.shape_cast %get3A_806 : vector<1x16xf32> to vector<16xf32>
      %get3A_808 = arith.index_cast %scan3A_56 : i32 to index
      %get3A_809 = arith.constant 496 : index
      %get3A_810 = tpu.vector_load %arg12[%get3A_808, %get3A_809] {strides = array<i32>} : memref<32x1024xf32, #tpu.memory_space<vmem>>, vector<1x16xf32>,
      %get3A_811 = vector.shape_cast %get3A_810 : vector<1x16xf32> to vector<16xf32>
      %get3A_812 = arith.index_cast %scan3A_56 : i32 to index
      %get3A_813 = arith.constant 496 : index
      %get3A_814 = tpu.vector_load %arg13[%get3A_812, %get3A_813] {strides = array<i32>} : memref<32x1024xf32, #tpu.memory_space<vmem>>, vector<1x16xf32>,
      %get3A_815 = vector.shape_cast %get3A_814 : vector<1x16xf32> to vector<16xf32>
      %add3A_816 = arith.addf %get3A_815, %get3A_807 : vector<16xf32>
      %sub3A_817 = arith.constant 1.000000e+00 : f32
      %sub3A_818 = vector.broadcast %sub3A_817 : f32 to vector<16xf32>
      %sub3A_819 = arith.subf %sub3A_818, %get3A_61 : vector<16xf32>
      %sub3A_820 = arith.subf %get3A_811, %get3A_807 : vector<16xf32>
      %mul3A_821 = arith.mulf %sub3A_819, %sub3A_820 : vector<16xf32>
      %add3A_822 = arith.addf %add3A_816, %mul3A_821 : vector<16xf32>
      %swap3A_823 = arith.index_cast %scan3A_56 : i32 to index
      %swap3A_824 = arith.constant 496 : index
      %swap3A_825 = tpu.vector_load %arg13[%swap3A_823, %swap3A_824] {strides = array<i32>} : memref<32x1024xf32, #tpu.memory_space<vmem>>, vector<1x16xf32>,
      %swap3A_826 = vector.shape_cast %swap3A_825 : vector<1x16xf32> to vector<16xf32>
      %swap3A_827 = vector.shape_cast %add3A_822 : vector<16xf32> to vector<1x16xf32>
      tpu.vector_store %arg13[%swap3A_823, %swap3A_824], %swap3A_827 {strides = array<i32>} : memref<32x1024xf32, #tpu.memory_space<vmem>>, vector<1x16xf32>,
      %get3A_828 = arith.index_cast %scan3A_56 : i32 to index
      %get3A_829 = arith.constant 512 : index
      %get3A_830 = tpu.vector_load %arg11[%get3A_828, %get3A_829] {strides = array<i32>} : memref<32x1024xf32, #tpu.memory_space<vmem>>, vector<1x16xf32>,
      %get3A_831 = vector.shape_cast %get3A_830 : vector<1x16xf32> to vector<16xf32>
      %get3A_832 = arith.index_cast %scan3A_56 : i32 to index
      %get3A_833 = arith.constant 512 : index
      %get3A_834 = tpu.vector_load %arg12[%get3A_832, %get3A_833] {strides = array<i32>} : memref<32x1024xf32, #tpu.memory_space<vmem>>, vector<1x16xf32>,
      %get3A_835 = vector.shape_cast %get3A_834 : vector<1x16xf32> to vector<16xf32>
      %get3A_836 = arith.index_cast %scan3A_56 : i32 to index
      %get3A_837 = arith.constant 512 : index
      %get3A_838 = tpu.vector_load %arg13[%get3A_836, %get3A_837] {strides = array<i32>} : memref<32x1024xf32, #tpu.memory_space<vmem>>, vector<1x16xf32>,
      %get3A_839 = vector.shape_cast %get3A_838 : vector<1x16xf32> to vector<16xf32>
      %add3A_840 = arith.addf %get3A_839, %get3A_831 : vector<16xf32>
      %sub3A_841 = arith.constant 1.000000e+00 : f32
      %sub3A_842 = vector.broadcast %sub3A_841 : f32 to vector<16xf32>
      %sub3A_843 = arith.subf %sub3A_842, %get3A_61 : vector<16xf32>
      %sub3A_844 = arith.subf %get3A_835, %get3A_831 : vector<16xf32>
      %mul3A_845 = arith.mulf %sub3A_843, %sub3A_844 : vector<16xf32>
      %add3A_846 = arith.addf %add3A_840, %mul3A_845 : vector<16xf32>
      %swap3A_847 = arith.index_cast %scan3A_56 : i32 to index
      %swap3A_848 = arith.constant 512 : index
      %swap3A_849 = tpu.vector_load %arg13[%swap3A_847, %swap3A_848] {strides = array<i32>} : memref<32x1024xf32, #tpu.memory_space<vmem>>, vector<1x16xf32>,
      %swap3A_850 = vector.shape_cast %swap3A_849 : vector<1x16xf32> to vector<16xf32>
      %swap3A_851 = vector.shape_cast %add3A_846 : vector<16xf32> to vector<1x16xf32>
      tpu.vector_store %arg13[%swap3A_847, %swap3A_848], %swap3A_851 {strides = array<i32>} : memref<32x1024xf32, #tpu.memory_space<vmem>>, vector<1x16xf32>,
      %get3A_852 = arith.index_cast %scan3A_56 : i32 to index
      %get3A_853 = arith.constant 528 : index
      %get3A_854 = tpu.vector_load %arg11[%get3A_852, %get3A_853] {strides = array<i32>} : memref<32x1024xf32, #tpu.memory_space<vmem>>, vector<1x16xf32>,
      %get3A_855 = vector.shape_cast %get3A_854 : vector<1x16xf32> to vector<16xf32>
      %get3A_856 = arith.index_cast %scan3A_56 : i32 to index
      %get3A_857 = arith.constant 528 : index
      %get3A_858 = tpu.vector_load %arg12[%get3A_856, %get3A_857] {strides = array<i32>} : memref<32x1024xf32, #tpu.memory_space<vmem>>, vector<1x16xf32>,
      %get3A_859 = vector.shape_cast %get3A_858 : vector<1x16xf32> to vector<16xf32>
      %get3A_860 = arith.index_cast %scan3A_56 : i32 to index
      %get3A_861 = arith.constant 528 : index
      %get3A_862 = tpu.vector_load %arg13[%get3A_860, %get3A_861] {strides = array<i32>} : memref<32x1024xf32, #tpu.memory_space<vmem>>, vector<1x16xf32>,
      %get3A_863 = vector.shape_cast %get3A_862 : vector<1x16xf32> to vector<16xf32>
      %add3A_864 = arith.addf %get3A_863, %get3A_855 : vector<16xf32>
      %sub3A_865 = arith.constant 1.000000e+00 : f32
      %sub3A_866 = vector.broadcast %sub3A_865 : f32 to vector<16xf32>
      %sub3A_867 = arith.subf %sub3A_866, %get3A_61 : vector<16xf32>
      %sub3A_868 = arith.subf %get3A_859, %get3A_855 : vector<16xf32>
      %mul3A_869 = arith.mulf %sub3A_867, %sub3A_868 : vector<16xf32>
      %add3A_870 = arith.addf %add3A_864, %mul3A_869 : vector<16xf32>
      %swap3A_871 = arith.index_cast %scan3A_56 : i32 to index
      %swap3A_872 = arith.constant 528 : index
      %swap3A_873 = tpu.vector_load %arg13[%swap3A_871, %swap3A_872] {strides = array<i32>} : memref<32x1024xf32, #tpu.memory_space<vmem>>, vector<1x16xf32>,
      %swap3A_874 = vector.shape_cast %swap3A_873 : vector<1x16xf32> to vector<16xf32>
      %swap3A_875 = vector.shape_cast %add3A_870 : vector<16xf32> to vector<1x16xf32>
      tpu.vector_store %arg13[%swap3A_871, %swap3A_872], %swap3A_875 {strides = array<i32>} : memref<32x1024xf32, #tpu.memory_space<vmem>>, vector<1x16xf32>,
      %get3A_876 = arith.index_cast %scan3A_56 : i32 to index
      %get3A_877 = arith.constant 544 : index
      %get3A_878 = tpu.vector_load %arg11[%get3A_876, %get3A_877] {strides = array<i32>} : memref<32x1024xf32, #tpu.memory_space<vmem>>, vector<1x16xf32>,
      %get3A_879 = vector.shape_cast %get3A_878 : vector<1x16xf32> to vector<16xf32>
      %get3A_880 = arith.index_cast %scan3A_56 : i32 to index
      %get3A_881 = arith.constant 544 : index
      %get3A_882 = tpu.vector_load %arg12[%get3A_880, %get3A_881] {strides = array<i32>} : memref<32x1024xf32, #tpu.memory_space<vmem>>, vector<1x16xf32>,
      %get3A_883 = vector.shape_cast %get3A_882 : vector<1x16xf32> to vector<16xf32>
      %get3A_884 = arith.index_cast %scan3A_56 : i32 to index
      %get3A_885 = arith.constant 544 : index
      %get3A_886 = tpu.vector_load %arg13[%get3A_884, %get3A_885] {strides = array<i32>} : memref<32x1024xf32, #tpu.memory_space<vmem>>, vector<1x16xf32>,
      %get3A_887 = vector.shape_cast %get3A_886 : vector<1x16xf32> to vector<16xf32>
      %add3A_888 = arith.addf %get3A_887, %get3A_879 : vector<16xf32>
      %sub3A_889 = arith.constant 1.000000e+00 : f32
      %sub3A_890 = vector.broadcast %sub3A_889 : f32 to vector<16xf32>
      %sub3A_891 = arith.subf %sub3A_890, %get3A_61 : vector<16xf32>
      %sub3A_892 = arith.subf %get3A_883, %get3A_879 : vector<16xf32>
      %mul3A_893 = arith.mulf %sub3A_891, %sub3A_892 : vector<16xf32>
      %add3A_894 = arith.addf %add3A_888, %mul3A_893 : vector<16xf32>
      %swap3A_895 = arith.index_cast %scan3A_56 : i32 to index
      %swap3A_896 = arith.constant 544 : index
      %swap3A_897 = tpu.vector_load %arg13[%swap3A_895, %swap3A_896] {strides = array<i32>} : memref<32x1024xf32, #tpu.memory_space<vmem>>, vector<1x16xf32>,
      %swap3A_898 = vector.shape_cast %swap3A_897 : vector<1x16xf32> to vector<16xf32>
      %swap3A_899 = vector.shape_cast %add3A_894 : vector<16xf32> to vector<1x16xf32>
      tpu.vector_store %arg13[%swap3A_895, %swap3A_896], %swap3A_899 {strides = array<i32>} : memref<32x1024xf32, #tpu.memory_space<vmem>>, vector<1x16xf32>,
      %get3A_900 = arith.index_cast %scan3A_56 : i32 to index
      %get3A_901 = arith.constant 560 : index
      %get3A_902 = tpu.vector_load %arg11[%get3A_900, %get3A_901] {strides = array<i32>} : memref<32x1024xf32, #tpu.memory_space<vmem>>, vector<1x16xf32>,
      %get3A_903 = vector.shape_cast %get3A_902 : vector<1x16xf32> to vector<16xf32>
      %get3A_904 = arith.index_cast %scan3A_56 : i32 to index
      %get3A_905 = arith.constant 560 : index
      %get3A_906 = tpu.vector_load %arg12[%get3A_904, %get3A_905] {strides = array<i32>} : memref<32x1024xf32, #tpu.memory_space<vmem>>, vector<1x16xf32>,
      %get3A_907 = vector.shape_cast %get3A_906 : vector<1x16xf32> to vector<16xf32>
      %get3A_908 = arith.index_cast %scan3A_56 : i32 to index
      %get3A_909 = arith.constant 560 : index
      %get3A_910 = tpu.vector_load %arg13[%get3A_908, %get3A_909] {strides = array<i32>} : memref<32x1024xf32, #tpu.memory_space<vmem>>, vector<1x16xf32>,
      %get3A_911 = vector.shape_cast %get3A_910 : vector<1x16xf32> to vector<16xf32>
      %add3A_912 = arith.addf %get3A_911, %get3A_903 : vector<16xf32>
      %sub3A_913 = arith.constant 1.000000e+00 : f32
      %sub3A_914 = vector.broadcast %sub3A_913 : f32 to vector<16xf32>
      %sub3A_915 = arith.subf %sub3A_914, %get3A_61 : vector<16xf32>
      %sub3A_916 = arith.subf %get3A_907, %get3A_903 : vector<16xf32>
      %mul3A_917 = arith.mulf %sub3A_915, %sub3A_916 : vector<16xf32>
      %add3A_918 = arith.addf %add3A_912, %mul3A_917 : vector<16xf32>
      %swap3A_919 = arith.index_cast %scan3A_56 : i32 to index
      %swap3A_920 = arith.constant 560 : index
      %swap3A_921 = tpu.vector_load %arg13[%swap3A_919, %swap3A_920] {strides = array<i32>} : memref<32x1024xf32, #tpu.memory_space<vmem>>, vector<1x16xf32>,
      %swap3A_922 = vector.shape_cast %swap3A_921 : vector<1x16xf32> to vector<16xf32>
      %swap3A_923 = vector.shape_cast %add3A_918 : vector<16xf32> to vector<1x16xf32>
      tpu.vector_store %arg13[%swap3A_919, %swap3A_920], %swap3A_923 {strides = array<i32>} : memref<32x1024xf32, #tpu.memory_space<vmem>>, vector<1x16xf32>,
      %get3A_924 = arith.index_cast %scan3A_56 : i32 to index
      %get3A_925 = arith.constant 576 : index
      %get3A_926 = tpu.vector_load %arg11[%get3A_924, %get3A_925] {strides = array<i32>} : memref<32x1024xf32, #tpu.memory_space<vmem>>, vector<1x16xf32>,
      %get3A_927 = vector.shape_cast %get3A_926 : vector<1x16xf32> to vector<16xf32>
      %get3A_928 = arith.index_cast %scan3A_56 : i32 to index
      %get3A_929 = arith.constant 576 : index
      %get3A_930 = tpu.vector_load %arg12[%get3A_928, %get3A_929] {strides = array<i32>} : memref<32x1024xf32, #tpu.memory_space<vmem>>, vector<1x16xf32>,
      %get3A_931 = vector.shape_cast %get3A_930 : vector<1x16xf32> to vector<16xf32>
      %get3A_932 = arith.index_cast %scan3A_56 : i32 to index
      %get3A_933 = arith.constant 576 : index
      %get3A_934 = tpu.vector_load %arg13[%get3A_932, %get3A_933] {strides = array<i32>} : memref<32x1024xf32, #tpu.memory_space<vmem>>, vector<1x16xf32>,
      %get3A_935 = vector.shape_cast %get3A_934 : vector<1x16xf32> to vector<16xf32>
      %add3A_936 = arith.addf %get3A_935, %get3A_927 : vector<16xf32>
      %sub3A_937 = arith.constant 1.000000e+00 : f32
      %sub3A_938 = vector.broadcast %sub3A_937 : f32 to vector<16xf32>
      %sub3A_939 = arith.subf %sub3A_938, %get3A_61 : vector<16xf32>
      %sub3A_940 = arith.subf %get3A_931, %get3A_927 : vector<16xf32>
      %mul3A_941 = arith.mulf %sub3A_939, %sub3A_940 : vector<16xf32>
      %add3A_942 = arith.addf %add3A_936, %mul3A_941 : vector<16xf32>
      %swap3A_943 = arith.index_cast %scan3A_56 : i32 to index
      %swap3A_944 = arith.constant 576 : index
      %swap3A_945 = tpu.vector_load %arg13[%swap3A_943, %swap3A_944] {strides = array<i32>} : memref<32x1024xf32, #tpu.memory_space<vmem>>, vector<1x16xf32>,
      %swap3A_946 = vector.shape_cast %swap3A_945 : vector<1x16xf32> to vector<16xf32>
      %swap3A_947 = vector.shape_cast %add3A_942 : vector<16xf32> to vector<1x16xf32>
      tpu.vector_store %arg13[%swap3A_943, %swap3A_944], %swap3A_947 {strides = array<i32>} : memref<32x1024xf32, #tpu.memory_space<vmem>>, vector<1x16xf32>,
      %get3A_948 = arith.index_cast %scan3A_56 : i32 to index
      %get3A_949 = arith.constant 592 : index
      %get3A_950 = tpu.vector_load %arg11[%get3A_948, %get3A_949] {strides = array<i32>} : memref<32x1024xf32, #tpu.memory_space<vmem>>, vector<1x16xf32>,
      %get3A_951 = vector.shape_cast %get3A_950 : vector<1x16xf32> to vector<16xf32>
      %get3A_952 = arith.index_cast %scan3A_56 : i32 to index
      %get3A_953 = arith.constant 592 : index
      %get3A_954 = tpu.vector_load %arg12[%get3A_952, %get3A_953] {strides = array<i32>} : memref<32x1024xf32, #tpu.memory_space<vmem>>, vector<1x16xf32>,
      %get3A_955 = vector.shape_cast %get3A_954 : vector<1x16xf32> to vector<16xf32>
      %get3A_956 = arith.index_cast %scan3A_56 : i32 to index
      %get3A_957 = arith.constant 592 : index
      %get3A_958 = tpu.vector_load %arg13[%get3A_956, %get3A_957] {strides = array<i32>} : memref<32x1024xf32, #tpu.memory_space<vmem>>, vector<1x16xf32>,
      %get3A_959 = vector.shape_cast %get3A_958 : vector<1x16xf32> to vector<16xf32>
      %add3A_960 = arith.addf %get3A_959, %get3A_951 : vector<16xf32>
      %sub3A_961 = arith.constant 1.000000e+00 : f32
      %sub3A_962 = vector.broadcast %sub3A_961 : f32 to vector<16xf32>
      %sub3A_963 = arith.subf %sub3A_962, %get3A_61 : vector<16xf32>
      %sub3A_964 = arith.subf %get3A_955, %get3A_951 : vector<16xf32>
      %mul3A_965 = arith.mulf %sub3A_963, %sub3A_964 : vector<16xf32>
      %add3A_966 = arith.addf %add3A_960, %mul3A_965 : vector<16xf32>
      %swap3A_967 = arith.index_cast %scan3A_56 : i32 to index
      %swap3A_968 = arith.constant 592 : index
      %swap3A_969 = tpu.vector_load %arg13[%swap3A_967, %swap3A_968] {strides = array<i32>} : memref<32x1024xf32, #tpu.memory_space<vmem>>, vector<1x16xf32>,
      %swap3A_970 = vector.shape_cast %swap3A_969 : vector<1x16xf32> to vector<16xf32>
      %swap3A_971 = vector.shape_cast %add3A_966 : vector<16xf32> to vector<1x16xf32>
      tpu.vector_store %arg13[%swap3A_967, %swap3A_968], %swap3A_971 {strides = array<i32>} : memref<32x1024xf32, #tpu.memory_space<vmem>>, vector<1x16xf32>,
      %get3A_972 = arith.index_cast %scan3A_56 : i32 to index
      %get3A_973 = arith.constant 608 : index
      %get3A_974 = tpu.vector_load %arg11[%get3A_972, %get3A_973] {strides = array<i32>} : memref<32x1024xf32, #tpu.memory_space<vmem>>, vector<1x16xf32>,
      %get3A_975 = vector.shape_cast %get3A_974 : vector<1x16xf32> to vector<16xf32>
      %get3A_976 = arith.index_cast %scan3A_56 : i32 to index
      %get3A_977 = arith.constant 608 : index
      %get3A_978 = tpu.vector_load %arg12[%get3A_976, %get3A_977] {strides = array<i32>} : memref<32x1024xf32, #tpu.memory_space<vmem>>, vector<1x16xf32>,
      %get3A_979 = vector.shape_cast %get3A_978 : vector<1x16xf32> to vector<16xf32>
      %get3A_980 = arith.index_cast %scan3A_56 : i32 to index
      %get3A_981 = arith.constant 608 : index
      %get3A_982 = tpu.vector_load %arg13[%get3A_980, %get3A_981] {strides = array<i32>} : memref<32x1024xf32, #tpu.memory_space<vmem>>, vector<1x16xf32>,
      %get3A_983 = vector.shape_cast %get3A_982 : vector<1x16xf32> to vector<16xf32>
      %add3A_984 = arith.addf %get3A_983, %get3A_975 : vector<16xf32>
      %sub3A_985 = arith.constant 1.000000e+00 : f32
      %sub3A_986 = vector.broadcast %sub3A_985 : f32 to vector<16xf32>
      %sub3A_987 = arith.subf %sub3A_986, %get3A_61 : vector<16xf32>
      %sub3A_988 = arith.subf %get3A_979, %get3A_975 : vector<16xf32>
      %mul3A_989 = arith.mulf %sub3A_987, %sub3A_988 : vector<16xf32>
      %add3A_990 = arith.addf %add3A_984, %mul3A_989 : vector<16xf32>
      %swap3A_991 = arith.index_cast %scan3A_56 : i32 to index
      %swap3A_992 = arith.constant 608 : index
      %swap3A_993 = tpu.vector_load %arg13[%swap3A_991, %swap3A_992] {strides = array<i32>} : memref<32x1024xf32, #tpu.memory_space<vmem>>, vector<1x16xf32>,
      %swap3A_994 = vector.shape_cast %swap3A_993 : vector<1x16xf32> to vector<16xf32>
      %swap3A_995 = vector.shape_cast %add3A_990 : vector<16xf32> to vector<1x16xf32>
      tpu.vector_store %arg13[%swap3A_991, %swap3A_992], %swap3A_995 {strides = array<i32>} : memref<32x1024xf32, #tpu.memory_space<vmem>>, vector<1x16xf32>,
      %get3A_996 = arith.index_cast %scan3A_56 : i32 to index
      %get3A_997 = arith.constant 624 : index
      %get3A_998 = tpu.vector_load %arg11[%get3A_996, %get3A_997] {strides = array<i32>} : memref<32x1024xf32, #tpu.memory_space<vmem>>, vector<1x16xf32>,
      %get3A_999 = vector.shape_cast %get3A_998 : vector<1x16xf32> to vector<16xf32>
      %get3A_1000 = arith.index_cast %scan3A_56 : i32 to index
      %get3A_1001 = arith.constant 624 : index
      %get3A_1002 = tpu.vector_load %arg12[%get3A_1000, %get3A_1001] {strides = array<i32>} : memref<32x1024xf32, #tpu.memory_space<vmem>>, vector<1x16xf32>,
      %get3A_1003 = vector.shape_cast %get3A_1002 : vector<1x16xf32> to vector<16xf32>
      %get3A_1004 = arith.index_cast %scan3A_56 : i32 to index
      %get3A_1005 = arith.constant 624 : index
      %get3A_1006 = tpu.vector_load %arg13[%get3A_1004, %get3A_1005] {strides = array<i32>} : memref<32x1024xf32, #tpu.memory_space<vmem>>, vector<1x16xf32>,
      %get3A_1007 = vector.shape_cast %get3A_1006 : vector<1x16xf32> to vector<16xf32>
      %add3A_1008 = arith.addf %get3A_1007, %get3A_999 : vector<16xf32>
      %sub3A_1009 = arith.constant 1.000000e+00 : f32
      %sub3A_1010 = vector.broadcast %sub3A_1009 : f32 to vector<16xf32>
      %sub3A_1011 = arith.subf %sub3A_1010, %get3A_61 : vector<16xf32>
      %sub3A_1012 = arith.subf %get3A_1003, %get3A_999 : vector<16xf32>
      %mul3A_1013 = arith.mulf %sub3A_1011, %sub3A_1012 : vector<16xf32>
      %add3A_1014 = arith.addf %add3A_1008, %mul3A_1013 : vector<16xf32>
      %swap3A_1015 = arith.index_cast %scan3A_56 : i32 to index
      %swap3A_1016 = arith.constant 624 : index
      %swap3A_1017 = tpu.vector_load %arg13[%swap3A_1015, %swap3A_1016] {strides = array<i32>} : memref<32x1024xf32, #tpu.memory_space<vmem>>, vector<1x16xf32>,
      %swap3A_1018 = vector.shape_cast %swap3A_1017 : vector<1x16xf32> to vector<16xf32>
      %swap3A_1019 = vector.shape_cast %add3A_1014 : vector<16xf32> to vector<1x16xf32>
      tpu.vector_store %arg13[%swap3A_1015, %swap3A_1016], %swap3A_1019 {strides = array<i32>} : memref<32x1024xf32, #tpu.memory_space<vmem>>, vector<1x16xf32>,
      %get3A_1020 = arith.index_cast %scan3A_56 : i32 to index
      %get3A_1021 = arith.constant 640 : index
      %get3A_1022 = tpu.vector_load %arg11[%get3A_1020, %get3A_1021] {strides = array<i32>} : memref<32x1024xf32, #tpu.memory_space<vmem>>, vector<1x16xf32>,
      %get3A_1023 = vector.shape_cast %get3A_1022 : vector<1x16xf32> to vector<16xf32>
      %get3A_1024 = arith.index_cast %scan3A_56 : i32 to index
      %get3A_1025 = arith.constant 640 : index
      %get3A_1026 = tpu.vector_load %arg12[%get3A_1024, %get3A_1025] {strides = array<i32>} : memref<32x1024xf32, #tpu.memory_space<vmem>>, vector<1x16xf32>,
      %get3A_1027 = vector.shape_cast %get3A_1026 : vector<1x16xf32> to vector<16xf32>
      %get3A_1028 = arith.index_cast %scan3A_56 : i32 to index
      %get3A_1029 = arith.constant 640 : index
      %get3A_1030 = tpu.vector_load %arg13[%get3A_1028, %get3A_1029] {strides = array<i32>} : memref<32x1024xf32, #tpu.memory_space<vmem>>, vector<1x16xf32>,
      %get3A_1031 = vector.shape_cast %get3A_1030 : vector<1x16xf32> to vector<16xf32>
      %add3A_1032 = arith.addf %get3A_1031, %get3A_1023 : vector<16xf32>
      %sub3A_1033 = arith.constant 1.000000e+00 : f32
      %sub3A_1034 = vector.broadcast %sub3A_1033 : f32 to vector<16xf32>
      %sub3A_1035 = arith.subf %sub3A_1034, %get3A_61 : vector<16xf32>
      %sub3A_1036 = arith.subf %get3A_1027, %get3A_1023 : vector<16xf32>
      %mul3A_1037 = arith.mulf %sub3A_1035, %sub3A_1036 : vector<16xf32>
      %add3A_1038 = arith.addf %add3A_1032, %mul3A_1037 : vector<16xf32>
      %swap3A_1039 = arith.index_cast %scan3A_56 : i32 to index
      %swap3A_1040 = arith.constant 640 : index
      %swap3A_1041 = tpu.vector_load %arg13[%swap3A_1039, %swap3A_1040] {strides = array<i32>} : memref<32x1024xf32, #tpu.memory_space<vmem>>, vector<1x16xf32>,
      %swap3A_1042 = vector.shape_cast %swap3A_1041 : vector<1x16xf32> to vector<16xf32>
      %swap3A_1043 = vector.shape_cast %add3A_1038 : vector<16xf32> to vector<1x16xf32>
      tpu.vector_store %arg13[%swap3A_1039, %swap3A_1040], %swap3A_1043 {strides = array<i32>} : memref<32x1024xf32, #tpu.memory_space<vmem>>, vector<1x16xf32>,
      %get3A_1044 = arith.index_cast %scan3A_56 : i32 to index
      %get3A_1045 = arith.constant 656 : index
      %get3A_1046 = tpu.vector_load %arg11[%get3A_1044, %get3A_1045] {strides = array<i32>} : memref<32x1024xf32, #tpu.memory_space<vmem>>, vector<1x16xf32>,
      %get3A_1047 = vector.shape_cast %get3A_1046 : vector<1x16xf32> to vector<16xf32>
      %get3A_1048 = arith.index_cast %scan3A_56 : i32 to index
      %get3A_1049 = arith.constant 656 : index
      %get3A_1050 = tpu.vector_load %arg12[%get3A_1048, %get3A_1049] {strides = array<i32>} : memref<32x1024xf32, #tpu.memory_space<vmem>>, vector<1x16xf32>,
      %get3A_1051 = vector.shape_cast %get3A_1050 : vector<1x16xf32> to vector<16xf32>
      %get3A_1052 = arith.index_cast %scan3A_56 : i32 to index
      %get3A_1053 = arith.constant 656 : index
      %get3A_1054 = tpu.vector_load %arg13[%get3A_1052, %get3A_1053] {strides = array<i32>} : memref<32x1024xf32, #tpu.memory_space<vmem>>, vector<1x16xf32>,
      %get3A_1055 = vector.shape_cast %get3A_1054 : vector<1x16xf32> to vector<16xf32>
      %add3A_1056 = arith.addf %get3A_1055, %get3A_1047 : vector<16xf32>
      %sub3A_1057 = arith.constant 1.000000e+00 : f32
      %sub3A_1058 = vector.broadcast %sub3A_1057 : f32 to vector<16xf32>
      %sub3A_1059 = arith.subf %sub3A_1058, %get3A_61 : vector<16xf32>
      %sub3A_1060 = arith.subf %get3A_1051, %get3A_1047 : vector<16xf32>
      %mul3A_1061 = arith.mulf %sub3A_1059, %sub3A_1060 : vector<16xf32>
      %add3A_1062 = arith.addf %add3A_1056, %mul3A_1061 : vector<16xf32>
      %swap3A_1063 = arith.index_cast %scan3A_56 : i32 to index
      %swap3A_1064 = arith.constant 656 : index
      %swap3A_1065 = tpu.vector_load %arg13[%swap3A_1063, %swap3A_1064] {strides = array<i32>} : memref<32x1024xf32, #tpu.memory_space<vmem>>, vector<1x16xf32>,
      %swap3A_1066 = vector.shape_cast %swap3A_1065 : vector<1x16xf32> to vector<16xf32>
      %swap3A_1067 = vector.shape_cast %add3A_1062 : vector<16xf32> to vector<1x16xf32>
      tpu.vector_store %arg13[%swap3A_1063, %swap3A_1064], %swap3A_1067 {strides = array<i32>} : memref<32x1024xf32, #tpu.memory_space<vmem>>, vector<1x16xf32>,
      %get3A_1068 = arith.index_cast %scan3A_56 : i32 to index
      %get3A_1069 = arith.constant 672 : index
      %get3A_1070 = tpu.vector_load %arg11[%get3A_1068, %get3A_1069] {strides = array<i32>} : memref<32x1024xf32, #tpu.memory_space<vmem>>, vector<1x16xf32>,
      %get3A_1071 = vector.shape_cast %get3A_1070 : vector<1x16xf32> to vector<16xf32>
      %get3A_1072 = arith.index_cast %scan3A_56 : i32 to index
      %get3A_1073 = arith.constant 672 : index
      %get3A_1074 = tpu.vector_load %arg12[%get3A_1072, %get3A_1073] {strides = array<i32>} : memref<32x1024xf32, #tpu.memory_space<vmem>>, vector<1x16xf32>,
      %get3A_1075 = vector.shape_cast %get3A_1074 : vector<1x16xf32> to vector<16xf32>
      %get3A_1076 = arith.index_cast %scan3A_56 : i32 to index
      %get3A_1077 = arith.constant 672 : index
      %get3A_1078 = tpu.vector_load %arg13[%get3A_1076, %get3A_1077] {strides = array<i32>} : memref<32x1024xf32, #tpu.memory_space<vmem>>, vector<1x16xf32>,
      %get3A_1079 = vector.shape_cast %get3A_1078 : vector<1x16xf32> to vector<16xf32>
      %add3A_1080 = arith.addf %get3A_1079, %get3A_1071 : vector<16xf32>
      %sub3A_1081 = arith.constant 1.000000e+00 : f32
      %sub3A_1082 = vector.broadcast %sub3A_1081 : f32 to vector<16xf32>
      %sub3A_1083 = arith.subf %sub3A_1082, %get3A_61 : vector<16xf32>
      %sub3A_1084 = arith.subf %get3A_1075, %get3A_1071 : vector<16xf32>
      %mul3A_1085 = arith.mulf %sub3A_1083, %sub3A_1084 : vector<16xf32>
      %add3A_1086 = arith.addf %add3A_1080, %mul3A_1085 : vector<16xf32>
      %swap3A_1087 = arith.index_cast %scan3A_56 : i32 to index
      %swap3A_1088 = arith.constant 672 : index
      %swap3A_1089 = tpu.vector_load %arg13[%swap3A_1087, %swap3A_1088] {strides = array<i32>} : memref<32x1024xf32, #tpu.memory_space<vmem>>, vector<1x16xf32>,
      %swap3A_1090 = vector.shape_cast %swap3A_1089 : vector<1x16xf32> to vector<16xf32>
      %swap3A_1091 = vector.shape_cast %add3A_1086 : vector<16xf32> to vector<1x16xf32>
      tpu.vector_store %arg13[%swap3A_1087, %swap3A_1088], %swap3A_1091 {strides = array<i32>} : memref<32x1024xf32, #tpu.memory_space<vmem>>, vector<1x16xf32>,
      %get3A_1092 = arith.index_cast %scan3A_56 : i32 to index
      %get3A_1093 = arith.constant 688 : index
      %get3A_1094 = tpu.vector_load %arg11[%get3A_1092, %get3A_1093] {strides = array<i32>} : memref<32x1024xf32, #tpu.memory_space<vmem>>, vector<1x16xf32>,
      %get3A_1095 = vector.shape_cast %get3A_1094 : vector<1x16xf32> to vector<16xf32>
      %get3A_1096 = arith.index_cast %scan3A_56 : i32 to index
      %get3A_1097 = arith.constant 688 : index
      %get3A_1098 = tpu.vector_load %arg12[%get3A_1096, %get3A_1097] {strides = array<i32>} : memref<32x1024xf32, #tpu.memory_space<vmem>>, vector<1x16xf32>,
      %get3A_1099 = vector.shape_cast %get3A_1098 : vector<1x16xf32> to vector<16xf32>
      %get3A_1100 = arith.index_cast %scan3A_56 : i32 to index
      %get3A_1101 = arith.constant 688 : index
      %get3A_1102 = tpu.vector_load %arg13[%get3A_1100, %get3A_1101] {strides = array<i32>} : memref<32x1024xf32, #tpu.memory_space<vmem>>, vector<1x16xf32>,
      %get3A_1103 = vector.shape_cast %get3A_1102 : vector<1x16xf32> to vector<16xf32>
      %add3A_1104 = arith.addf %get3A_1103, %get3A_1095 : vector<16xf32>
      %sub3A_1105 = arith.constant 1.000000e+00 : f32
      %sub3A_1106 = vector.broadcast %sub3A_1105 : f32 to vector<16xf32>
      %sub3A_1107 = arith.subf %sub3A_1106, %get3A_61 : vector<16xf32>
      %sub3A_1108 = arith.subf %get3A_1099, %get3A_1095 : vector<16xf32>
      %mul3A_1109 = arith.mulf %sub3A_1107, %sub3A_1108 : vector<16xf32>
      %add3A_1110 = arith.addf %add3A_1104, %mul3A_1109 : vector<16xf32>
      %swap3A_1111 = arith.index_cast %scan3A_56 : i32 to index
      %swap3A_1112 = arith.constant 688 : index
      %swap3A_1113 = tpu.vector_load %arg13[%swap3A_1111, %swap3A_1112] {strides = array<i32>} : memref<32x1024xf32, #tpu.memory_space<vmem>>, vector<1x16xf32>,
      %swap3A_1114 = vector.shape_cast %swap3A_1113 : vector<1x16xf32> to vector<16xf32>
      %swap3A_1115 = vector.shape_cast %add3A_1110 : vector<16xf32> to vector<1x16xf32>
      tpu.vector_store %arg13[%swap3A_1111, %swap3A_1112], %swap3A_1115 {strides = array<i32>} : memref<32x1024xf32, #tpu.memory_space<vmem>>, vector<1x16xf32>,
      %get3A_1116 = arith.index_cast %scan3A_56 : i32 to index
      %get3A_1117 = arith.constant 704 : index
      %get3A_1118 = tpu.vector_load %arg11[%get3A_1116, %get3A_1117] {strides = array<i32>} : memref<32x1024xf32, #tpu.memory_space<vmem>>, vector<1x16xf32>,
      %get3A_1119 = vector.shape_cast %get3A_1118 : vector<1x16xf32> to vector<16xf32>
      %get3A_1120 = arith.index_cast %scan3A_56 : i32 to index
      %get3A_1121 = arith.constant 704 : index
      %get3A_1122 = tpu.vector_load %arg12[%get3A_1120, %get3A_1121] {strides = array<i32>} : memref<32x1024xf32, #tpu.memory_space<vmem>>, vector<1x16xf32>,
      %get3A_1123 = vector.shape_cast %get3A_1122 : vector<1x16xf32> to vector<16xf32>
      %get3A_1124 = arith.index_cast %scan3A_56 : i32 to index
      %get3A_1125 = arith.constant 704 : index
      %get3A_1126 = tpu.vector_load %arg13[%get3A_1124, %get3A_1125] {strides = array<i32>} : memref<32x1024xf32, #tpu.memory_space<vmem>>, vector<1x16xf32>,
      %get3A_1127 = vector.shape_cast %get3A_1126 : vector<1x16xf32> to vector<16xf32>
      %add3A_1128 = arith.addf %get3A_1127, %get3A_1119 : vector<16xf32>
      %sub3A_1129 = arith.constant 1.000000e+00 : f32
      %sub3A_1130 = vector.broadcast %sub3A_1129 : f32 to vector<16xf32>
      %sub3A_1131 = arith.subf %sub3A_1130, %get3A_61 : vector<16xf32>
      %sub3A_1132 = arith.subf %get3A_1123, %get3A_1119 : vector<16xf32>
      %mul3A_1133 = arith.mulf %sub3A_1131, %sub3A_1132 : vector<16xf32>
      %add3A_1134 = arith.addf %add3A_1128, %mul3A_1133 : vector<16xf32>
      %swap3A_1135 = arith.index_cast %scan3A_56 : i32 to index
      %swap3A_1136 = arith.constant 704 : index
      %swap3A_1137 = tpu.vector_load %arg13[%swap3A_1135, %swap3A_1136] {strides = array<i32>} : memref<32x1024xf32, #tpu.memory_space<vmem>>, vector<1x16xf32>,
      %swap3A_1138 = vector.shape_cast %swap3A_1137 : vector<1x16xf32> to vector<16xf32>
      %swap3A_1139 = vector.shape_cast %add3A_1134 : vector<16xf32> to vector<1x16xf32>
      tpu.vector_store %arg13[%swap3A_1135, %swap3A_1136], %swap3A_1139 {strides = array<i32>} : memref<32x1024xf32, #tpu.memory_space<vmem>>, vector<1x16xf32>,
      %get3A_1140 = arith.index_cast %scan3A_56 : i32 to index
      %get3A_1141 = arith.constant 720 : index
      %get3A_1142 = tpu.vector_load %arg11[%get3A_1140, %get3A_1141] {strides = array<i32>} : memref<32x1024xf32, #tpu.memory_space<vmem>>, vector<1x16xf32>,
      %get3A_1143 = vector.shape_cast %get3A_1142 : vector<1x16xf32> to vector<16xf32>
      %get3A_1144 = arith.index_cast %scan3A_56 : i32 to index
      %get3A_1145 = arith.constant 720 : index
      %get3A_1146 = tpu.vector_load %arg12[%get3A_1144, %get3A_1145] {strides = array<i32>} : memref<32x1024xf32, #tpu.memory_space<vmem>>, vector<1x16xf32>,
      %get3A_1147 = vector.shape_cast %get3A_1146 : vector<1x16xf32> to vector<16xf32>
      %get3A_1148 = arith.index_cast %scan3A_56 : i32 to index
      %get3A_1149 = arith.constant 720 : index
      %get3A_1150 = tpu.vector_load %arg13[%get3A_1148, %get3A_1149] {strides = array<i32>} : memref<32x1024xf32, #tpu.memory_space<vmem>>, vector<1x16xf32>,
      %get3A_1151 = vector.shape_cast %get3A_1150 : vector<1x16xf32> to vector<16xf32>
      %add3A_1152 = arith.addf %get3A_1151, %get3A_1143 : vector<16xf32>
      %sub3A_1153 = arith.constant 1.000000e+00 : f32
      %sub3A_1154 = vector.broadcast %sub3A_1153 : f32 to vector<16xf32>
      %sub3A_1155 = arith.subf %sub3A_1154, %get3A_61 : vector<16xf32>
      %sub3A_1156 = arith.subf %get3A_1147, %get3A_1143 : vector<16xf32>
      %mul3A_1157 = arith.mulf %sub3A_1155, %sub3A_1156 : vector<16xf32>
      %add3A_1158 = arith.addf %add3A_1152, %mul3A_1157 : vector<16xf32>
      %swap3A_1159 = arith.index_cast %scan3A_56 : i32 to index
      %swap3A_1160 = arith.constant 720 : index
      %swap3A_1161 = tpu.vector_load %arg13[%swap3A_1159, %swap3A_1160] {strides = array<i32>} : memref<32x1024xf32, #tpu.memory_space<vmem>>, vector<1x16xf32>,
      %swap3A_1162 = vector.shape_cast %swap3A_1161 : vector<1x16xf32> to vector<16xf32>
      %swap3A_1163 = vector.shape_cast %add3A_1158 : vector<16xf32> to vector<1x16xf32>
      tpu.vector_store %arg13[%swap3A_1159, %swap3A_1160], %swap3A_1163 {strides = array<i32>} : memref<32x1024xf32, #tpu.memory_space<vmem>>, vector<1x16xf32>,
      %get3A_1164 = arith.index_cast %scan3A_56 : i32 to index
      %get3A_1165 = arith.constant 736 : index
      %get3A_1166 = tpu.vector_load %arg11[%get3A_1164, %get3A_1165] {strides = array<i32>} : memref<32x1024xf32, #tpu.memory_space<vmem>>, vector<1x16xf32>,
      %get3A_1167 = vector.shape_cast %get3A_1166 : vector<1x16xf32> to vector<16xf32>
      %get3A_1168 = arith.index_cast %scan3A_56 : i32 to index
      %get3A_1169 = arith.constant 736 : index
      %get3A_1170 = tpu.vector_load %arg12[%get3A_1168, %get3A_1169] {strides = array<i32>} : memref<32x1024xf32, #tpu.memory_space<vmem>>, vector<1x16xf32>,
      %get3A_1171 = vector.shape_cast %get3A_1170 : vector<1x16xf32> to vector<16xf32>
      %get3A_1172 = arith.index_cast %scan3A_56 : i32 to index
      %get3A_1173 = arith.constant 736 : index
      %get3A_1174 = tpu.vector_load %arg13[%get3A_1172, %get3A_1173] {strides = array<i32>} : memref<32x1024xf32, #tpu.memory_space<vmem>>, vector<1x16xf32>,
      %get3A_1175 = vector.shape_cast %get3A_1174 : vector<1x16xf32> to vector<16xf32>
      %add3A_1176 = arith.addf %get3A_1175, %get3A_1167 : vector<16xf32>
      %sub3A_1177 = arith.constant 1.000000e+00 : f32
      %sub3A_1178 = vector.broadcast %sub3A_1177 : f32 to vector<16xf32>
      %sub3A_1179 = arith.subf %sub3A_1178, %get3A_61 : vector<16xf32>
      %sub3A_1180 = arith.subf %get3A_1171, %get3A_1167 : vector<16xf32>
      %mul3A_1181 = arith.mulf %sub3A_1179, %sub3A_1180 : vector<16xf32>
      %add3A_1182 = arith.addf %add3A_1176, %mul3A_1181 : vector<16xf32>
      %swap3A_1183 = arith.index_cast %scan3A_56 : i32 to index
      %swap3A_1184 = arith.constant 736 : index
      %swap3A_1185 = tpu.vector_load %arg13[%swap3A_1183, %swap3A_1184] {strides = array<i32>} : memref<32x1024xf32, #tpu.memory_space<vmem>>, vector<1x16xf32>,
      %swap3A_1186 = vector.shape_cast %swap3A_1185 : vector<1x16xf32> to vector<16xf32>
      %swap3A_1187 = vector.shape_cast %add3A_1182 : vector<16xf32> to vector<1x16xf32>
      tpu.vector_store %arg13[%swap3A_1183, %swap3A_1184], %swap3A_1187 {strides = array<i32>} : memref<32x1024xf32, #tpu.memory_space<vmem>>, vector<1x16xf32>,
      %get3A_1188 = arith.index_cast %scan3A_56 : i32 to index
      %get3A_1189 = arith.constant 752 : index
      %get3A_1190 = tpu.vector_load %arg11[%get3A_1188, %get3A_1189] {strides = array<i32>} : memref<32x1024xf32, #tpu.memory_space<vmem>>, vector<1x16xf32>,
      %get3A_1191 = vector.shape_cast %get3A_1190 : vector<1x16xf32> to vector<16xf32>
      %get3A_1192 = arith.index_cast %scan3A_56 : i32 to index
      %get3A_1193 = arith.constant 752 : index
      %get3A_1194 = tpu.vector_load %arg12[%get3A_1192, %get3A_1193] {strides = array<i32>} : memref<32x1024xf32, #tpu.memory_space<vmem>>, vector<1x16xf32>,
      %get3A_1195 = vector.shape_cast %get3A_1194 : vector<1x16xf32> to vector<16xf32>
      %get3A_1196 = arith.index_cast %scan3A_56 : i32 to index
      %get3A_1197 = arith.constant 752 : index
      %get3A_1198 = tpu.vector_load %arg13[%get3A_1196, %get3A_1197] {strides = array<i32>} : memref<32x1024xf32, #tpu.memory_space<vmem>>, vector<1x16xf32>,
      %get3A_1199 = vector.shape_cast %get3A_1198 : vector<1x16xf32> to vector<16xf32>
      %add3A_1200 = arith.addf %get3A_1199, %get3A_1191 : vector<16xf32>
      %sub3A_1201 = arith.constant 1.000000e+00 : f32
      %sub3A_1202 = vector.broadcast %sub3A_1201 : f32 to vector<16xf32>
      %sub3A_1203 = arith.subf %sub3A_1202, %get3A_61 : vector<16xf32>
      %sub3A_1204 = arith.subf %get3A_1195, %get3A_1191 : vector<16xf32>
      %mul3A_1205 = arith.mulf %sub3A_1203, %sub3A_1204 : vector<16xf32>
      %add3A_1206 = arith.addf %add3A_1200, %mul3A_1205 : vector<16xf32>
      %swap3A_1207 = arith.index_cast %scan3A_56 : i32 to index
      %swap3A_1208 = arith.constant 752 : index
      %swap3A_1209 = tpu.vector_load %arg13[%swap3A_1207, %swap3A_1208] {strides = array<i32>} : memref<32x1024xf32, #tpu.memory_space<vmem>>, vector<1x16xf32>,
      %swap3A_1210 = vector.shape_cast %swap3A_1209 : vector<1x16xf32> to vector<16xf32>
      %swap3A_1211 = vector.shape_cast %add3A_1206 : vector<16xf32> to vector<1x16xf32>
      tpu.vector_store %arg13[%swap3A_1207, %swap3A_1208], %swap3A_1211 {strides = array<i32>} : memref<32x1024xf32, #tpu.memory_space<vmem>>, vector<1x16xf32>,
      %get3A_1212 = arith.index_cast %scan3A_56 : i32 to index
      %get3A_1213 = arith.constant 768 : index
      %get3A_1214 = tpu.vector_load %arg11[%get3A_1212, %get3A_1213] {strides = array<i32>} : memref<32x1024xf32, #tpu.memory_space<vmem>>, vector<1x16xf32>,
      %get3A_1215 = vector.shape_cast %get3A_1214 : vector<1x16xf32> to vector<16xf32>
      %get3A_1216 = arith.index_cast %scan3A_56 : i32 to index
      %get3A_1217 = arith.constant 768 : index
      %get3A_1218 = tpu.vector_load %arg12[%get3A_1216, %get3A_1217] {strides = array<i32>} : memref<32x1024xf32, #tpu.memory_space<vmem>>, vector<1x16xf32>,
      %get3A_1219 = vector.shape_cast %get3A_1218 : vector<1x16xf32> to vector<16xf32>
      %get3A_1220 = arith.index_cast %scan3A_56 : i32 to index
      %get3A_1221 = arith.constant 768 : index
      %get3A_1222 = tpu.vector_load %arg13[%get3A_1220, %get3A_1221] {strides = array<i32>} : memref<32x1024xf32, #tpu.memory_space<vmem>>, vector<1x16xf32>,
      %get3A_1223 = vector.shape_cast %get3A_1222 : vector<1x16xf32> to vector<16xf32>
      %add3A_1224 = arith.addf %get3A_1223, %get3A_1215 : vector<16xf32>
      %sub3A_1225 = arith.constant 1.000000e+00 : f32
      %sub3A_1226 = vector.broadcast %sub3A_1225 : f32 to vector<16xf32>
      %sub3A_1227 = arith.subf %sub3A_1226, %get3A_61 : vector<16xf32>
      %sub3A_1228 = arith.subf %get3A_1219, %get3A_1215 : vector<16xf32>
      %mul3A_1229 = arith.mulf %sub3A_1227, %sub3A_1228 : vector<16xf32>
      %add3A_1230 = arith.addf %add3A_1224, %mul3A_1229 : vector<16xf32>
      %swap3A_1231 = arith.index_cast %scan3A_56 : i32 to index
      %swap3A_1232 = arith.constant 768 : index
      %swap3A_1233 = tpu.vector_load %arg13[%swap3A_1231, %swap3A_1232] {strides = array<i32>} : memref<32x1024xf32, #tpu.memory_space<vmem>>, vector<1x16xf32>,
      %swap3A_1234 = vector.shape_cast %swap3A_1233 : vector<1x16xf32> to vector<16xf32>
      %swap3A_1235 = vector.shape_cast %add3A_1230 : vector<16xf32> to vector<1x16xf32>
      tpu.vector_store %arg13[%swap3A_1231, %swap3A_1232], %swap3A_1235 {strides = array<i32>} : memref<32x1024xf32, #tpu.memory_space<vmem>>, vector<1x16xf32>,
      %get3A_1236 = arith.index_cast %scan3A_56 : i32 to index
      %get3A_1237 = arith.constant 784 : index
      %get3A_1238 = tpu.vector_load %arg11[%get3A_1236, %get3A_1237] {strides = array<i32>} : memref<32x1024xf32, #tpu.memory_space<vmem>>, vector<1x16xf32>,
      %get3A_1239 = vector.shape_cast %get3A_1238 : vector<1x16xf32> to vector<16xf32>
      %get3A_1240 = arith.index_cast %scan3A_56 : i32 to index
      %get3A_1241 = arith.constant 784 : index
      %get3A_1242 = tpu.vector_load %arg12[%get3A_1240, %get3A_1241] {strides = array<i32>} : memref<32x1024xf32, #tpu.memory_space<vmem>>, vector<1x16xf32>,
      %get3A_1243 = vector.shape_cast %get3A_1242 : vector<1x16xf32> to vector<16xf32>
      %get3A_1244 = arith.index_cast %scan3A_56 : i32 to index
      %get3A_1245 = arith.constant 784 : index
      %get3A_1246 = tpu.vector_load %arg13[%get3A_1244, %get3A_1245] {strides = array<i32>} : memref<32x1024xf32, #tpu.memory_space<vmem>>, vector<1x16xf32>,
      %get3A_1247 = vector.shape_cast %get3A_1246 : vector<1x16xf32> to vector<16xf32>
      %add3A_1248 = arith.addf %get3A_1247, %get3A_1239 : vector<16xf32>
      %sub3A_1249 = arith.constant 1.000000e+00 : f32
      %sub3A_1250 = vector.broadcast %sub3A_1249 : f32 to vector<16xf32>
      %sub3A_1251 = arith.subf %sub3A_1250, %get3A_61 : vector<16xf32>
      %sub3A_1252 = arith.subf %get3A_1243, %get3A_1239 : vector<16xf32>
      %mul3A_1253 = arith.mulf %sub3A_1251, %sub3A_1252 : vector<16xf32>
      %add3A_1254 = arith.addf %add3A_1248, %mul3A_1253 : vector<16xf32>
      %swap3A_1255 = arith.index_cast %scan3A_56 : i32 to index
      %swap3A_1256 = arith.constant 784 : index
      %swap3A_1257 = tpu.vector_load %arg13[%swap3A_1255, %swap3A_1256] {strides = array<i32>} : memref<32x1024xf32, #tpu.memory_space<vmem>>, vector<1x16xf32>,
      %swap3A_1258 = vector.shape_cast %swap3A_1257 : vector<1x16xf32> to vector<16xf32>
      %swap3A_1259 = vector.shape_cast %add3A_1254 : vector<16xf32> to vector<1x16xf32>
      tpu.vector_store %arg13[%swap3A_1255, %swap3A_1256], %swap3A_1259 {strides = array<i32>} : memref<32x1024xf32, #tpu.memory_space<vmem>>, vector<1x16xf32>,
      %get3A_1260 = arith.index_cast %scan3A_56 : i32 to index
      %get3A_1261 = arith.constant 800 : index
      %get3A_1262 = tpu.vector_load %arg11[%get3A_1260, %get3A_1261] {strides = array<i32>} : memref<32x1024xf32, #tpu.memory_space<vmem>>, vector<1x16xf32>,
      %get3A_1263 = vector.shape_cast %get3A_1262 : vector<1x16xf32> to vector<16xf32>
      %get3A_1264 = arith.index_cast %scan3A_56 : i32 to index
      %get3A_1265 = arith.constant 800 : index
      %get3A_1266 = tpu.vector_load %arg12[%get3A_1264, %get3A_1265] {strides = array<i32>} : memref<32x1024xf32, #tpu.memory_space<vmem>>, vector<1x16xf32>,
      %get3A_1267 = vector.shape_cast %get3A_1266 : vector<1x16xf32> to vector<16xf32>
      %get3A_1268 = arith.index_cast %scan3A_56 : i32 to index
      %get3A_1269 = arith.constant 800 : index
      %get3A_1270 = tpu.vector_load %arg13[%get3A_1268, %get3A_1269] {strides = array<i32>} : memref<32x1024xf32, #tpu.memory_space<vmem>>, vector<1x16xf32>,
      %get3A_1271 = vector.shape_cast %get3A_1270 : vector<1x16xf32> to vector<16xf32>
      %add3A_1272 = arith.addf %get3A_1271, %get3A_1263 : vector<16xf32>
      %sub3A_1273 = arith.constant 1.000000e+00 : f32
      %sub3A_1274 = vector.broadcast %sub3A_1273 : f32 to vector<16xf32>
      %sub3A_1275 = arith.subf %sub3A_1274, %get3A_61 : vector<16xf32>
      %sub3A_1276 = arith.subf %get3A_1267, %get3A_1263 : vector<16xf32>
      %mul3A_1277 = arith.mulf %sub3A_1275, %sub3A_1276 : vector<16xf32>
      %add3A_1278 = arith.addf %add3A_1272, %mul3A_1277 : vector<16xf32>
      %swap3A_1279 = arith.index_cast %scan3A_56 : i32 to index
      %swap3A_1280 = arith.constant 800 : index
      %swap3A_1281 = tpu.vector_load %arg13[%swap3A_1279, %swap3A_1280] {strides = array<i32>} : memref<32x1024xf32, #tpu.memory_space<vmem>>, vector<1x16xf32>,
      %swap3A_1282 = vector.shape_cast %swap3A_1281 : vector<1x16xf32> to vector<16xf32>
      %swap3A_1283 = vector.shape_cast %add3A_1278 : vector<16xf32> to vector<1x16xf32>
      tpu.vector_store %arg13[%swap3A_1279, %swap3A_1280], %swap3A_1283 {strides = array<i32>} : memref<32x1024xf32, #tpu.memory_space<vmem>>, vector<1x16xf32>,
      %get3A_1284 = arith.index_cast %scan3A_56 : i32 to index
      %get3A_1285 = arith.constant 816 : index
      %get3A_1286 = tpu.vector_load %arg11[%get3A_1284, %get3A_1285] {strides = array<i32>} : memref<32x1024xf32, #tpu.memory_space<vmem>>, vector<1x16xf32>,
      %get3A_1287 = vector.shape_cast %get3A_1286 : vector<1x16xf32> to vector<16xf32>
      %get3A_1288 = arith.index_cast %scan3A_56 : i32 to index
      %get3A_1289 = arith.constant 816 : index
      %get3A_1290 = tpu.vector_load %arg12[%get3A_1288, %get3A_1289] {strides = array<i32>} : memref<32x1024xf32, #tpu.memory_space<vmem>>, vector<1x16xf32>,
      %get3A_1291 = vector.shape_cast %get3A_1290 : vector<1x16xf32> to vector<16xf32>
      %get3A_1292 = arith.index_cast %scan3A_56 : i32 to index
      %get3A_1293 = arith.constant 816 : index
      %get3A_1294 = tpu.vector_load %arg13[%get3A_1292, %get3A_1293] {strides = array<i32>} : memref<32x1024xf32, #tpu.memory_space<vmem>>, vector<1x16xf32>,
      %get3A_1295 = vector.shape_cast %get3A_1294 : vector<1x16xf32> to vector<16xf32>
      %add3A_1296 = arith.addf %get3A_1295, %get3A_1287 : vector<16xf32>
      %sub3A_1297 = arith.constant 1.000000e+00 : f32
      %sub3A_1298 = vector.broadcast %sub3A_1297 : f32 to vector<16xf32>
      %sub3A_1299 = arith.subf %sub3A_1298, %get3A_61 : vector<16xf32>
      %sub3A_1300 = arith.subf %get3A_1291, %get3A_1287 : vector<16xf32>
      %mul3A_1301 = arith.mulf %sub3A_1299, %sub3A_1300 : vector<16xf32>
      %add3A_1302 = arith.addf %add3A_1296, %mul3A_1301 : vector<16xf32>
      %swap3A_1303 = arith.index_cast %scan3A_56 : i32 to index
      %swap3A_1304 = arith.constant 816 : index
      %swap3A_1305 = tpu.vector_load %arg13[%swap3A_1303, %swap3A_1304] {strides = array<i32>} : memref<32x1024xf32, #tpu.memory_space<vmem>>, vector<1x16xf32>,
      %swap3A_1306 = vector.shape_cast %swap3A_1305 : vector<1x16xf32> to vector<16xf32>
      %swap3A_1307 = vector.shape_cast %add3A_1302 : vector<16xf32> to vector<1x16xf32>
      tpu.vector_store %arg13[%swap3A_1303, %swap3A_1304], %swap3A_1307 {strides = array<i32>} : memref<32x1024xf32, #tpu.memory_space<vmem>>, vector<1x16xf32>,
      %get3A_1308 = arith.index_cast %scan3A_56 : i32 to index
      %get3A_1309 = arith.constant 832 : index
      %get3A_1310 = tpu.vector_load %arg11[%get3A_1308, %get3A_1309] {strides = array<i32>} : memref<32x1024xf32, #tpu.memory_space<vmem>>, vector<1x16xf32>,
      %get3A_1311 = vector.shape_cast %get3A_1310 : vector<1x16xf32> to vector<16xf32>
      %get3A_1312 = arith.index_cast %scan3A_56 : i32 to index
      %get3A_1313 = arith.constant 832 : index
      %get3A_1314 = tpu.vector_load %arg12[%get3A_1312, %get3A_1313] {strides = array<i32>} : memref<32x1024xf32, #tpu.memory_space<vmem>>, vector<1x16xf32>,
      %get3A_1315 = vector.shape_cast %get3A_1314 : vector<1x16xf32> to vector<16xf32>
      %get3A_1316 = arith.index_cast %scan3A_56 : i32 to index
      %get3A_1317 = arith.constant 832 : index
      %get3A_1318 = tpu.vector_load %arg13[%get3A_1316, %get3A_1317] {strides = array<i32>} : memref<32x1024xf32, #tpu.memory_space<vmem>>, vector<1x16xf32>,
      %get3A_1319 = vector.shape_cast %get3A_1318 : vector<1x16xf32> to vector<16xf32>
      %add3A_1320 = arith.addf %get3A_1319, %get3A_1311 : vector<16xf32>
      %sub3A_1321 = arith.constant 1.000000e+00 : f32
      %sub3A_1322 = vector.broadcast %sub3A_1321 : f32 to vector<16xf32>
      %sub3A_1323 = arith.subf %sub3A_1322, %get3A_61 : vector<16xf32>
      %sub3A_1324 = arith.subf %get3A_1315, %get3A_1311 : vector<16xf32>
      %mul3A_1325 = arith.mulf %sub3A_1323, %sub3A_1324 : vector<16xf32>
      %add3A_1326 = arith.addf %add3A_1320, %mul3A_1325 : vector<16xf32>
      %swap3A_1327 = arith.index_cast %scan3A_56 : i32 to index
      %swap3A_1328 = arith.constant 832 : index
      %swap3A_1329 = tpu.vector_load %arg13[%swap3A_1327, %swap3A_1328] {strides = array<i32>} : memref<32x1024xf32, #tpu.memory_space<vmem>>, vector<1x16xf32>,
      %swap3A_1330 = vector.shape_cast %swap3A_1329 : vector<1x16xf32> to vector<16xf32>
      %swap3A_1331 = vector.shape_cast %add3A_1326 : vector<16xf32> to vector<1x16xf32>
      tpu.vector_store %arg13[%swap3A_1327, %swap3A_1328], %swap3A_1331 {strides = array<i32>} : memref<32x1024xf32, #tpu.memory_space<vmem>>, vector<1x16xf32>,
      %get3A_1332 = arith.index_cast %scan3A_56 : i32 to index
      %get3A_1333 = arith.constant 848 : index
      %get3A_1334 = tpu.vector_load %arg11[%get3A_1332, %get3A_1333] {strides = array<i32>} : memref<32x1024xf32, #tpu.memory_space<vmem>>, vector<1x16xf32>,
      %get3A_1335 = vector.shape_cast %get3A_1334 : vector<1x16xf32> to vector<16xf32>
      %get3A_1336 = arith.index_cast %scan3A_56 : i32 to index
      %get3A_1337 = arith.constant 848 : index
      %get3A_1338 = tpu.vector_load %arg12[%get3A_1336, %get3A_1337] {strides = array<i32>} : memref<32x1024xf32, #tpu.memory_space<vmem>>, vector<1x16xf32>,
      %get3A_1339 = vector.shape_cast %get3A_1338 : vector<1x16xf32> to vector<16xf32>
      %get3A_1340 = arith.index_cast %scan3A_56 : i32 to index
      %get3A_1341 = arith.constant 848 : index
      %get3A_1342 = tpu.vector_load %arg13[%get3A_1340, %get3A_1341] {strides = array<i32>} : memref<32x1024xf32, #tpu.memory_space<vmem>>, vector<1x16xf32>,
      %get3A_1343 = vector.shape_cast %get3A_1342 : vector<1x16xf32> to vector<16xf32>
      %add3A_1344 = arith.addf %get3A_1343, %get3A_1335 : vector<16xf32>
      %sub3A_1345 = arith.constant 1.000000e+00 : f32
      %sub3A_1346 = vector.broadcast %sub3A_1345 : f32 to vector<16xf32>
      %sub3A_1347 = arith.subf %sub3A_1346, %get3A_61 : vector<16xf32>
      %sub3A_1348 = arith.subf %get3A_1339, %get3A_1335 : vector<16xf32>
      %mul3A_1349 = arith.mulf %sub3A_1347, %sub3A_1348 : vector<16xf32>
      %add3A_1350 = arith.addf %add3A_1344, %mul3A_1349 : vector<16xf32>
      %swap3A_1351 = arith.index_cast %scan3A_56 : i32 to index
      %swap3A_1352 = arith.constant 848 : index
      %swap3A_1353 = tpu.vector_load %arg13[%swap3A_1351, %swap3A_1352] {strides = array<i32>} : memref<32x1024xf32, #tpu.memory_space<vmem>>, vector<1x16xf32>,
      %swap3A_1354 = vector.shape_cast %swap3A_1353 : vector<1x16xf32> to vector<16xf32>
      %swap3A_1355 = vector.shape_cast %add3A_1350 : vector<16xf32> to vector<1x16xf32>
      tpu.vector_store %arg13[%swap3A_1351, %swap3A_1352], %swap3A_1355 {strides = array<i32>} : memref<32x1024xf32, #tpu.memory_space<vmem>>, vector<1x16xf32>,
      %get3A_1356 = arith.index_cast %scan3A_56 : i32 to index
      %get3A_1357 = arith.constant 864 : index
      %get3A_1358 = tpu.vector_load %arg11[%get3A_1356, %get3A_1357] {strides = array<i32>} : memref<32x1024xf32, #tpu.memory_space<vmem>>, vector<1x16xf32>,
      %get3A_1359 = vector.shape_cast %get3A_1358 : vector<1x16xf32> to vector<16xf32>
      %get3A_1360 = arith.index_cast %scan3A_56 : i32 to index
      %get3A_1361 = arith.constant 864 : index
      %get3A_1362 = tpu.vector_load %arg12[%get3A_1360, %get3A_1361] {strides = array<i32>} : memref<32x1024xf32, #tpu.memory_space<vmem>>, vector<1x16xf32>,
      %get3A_1363 = vector.shape_cast %get3A_1362 : vector<1x16xf32> to vector<16xf32>
      %get3A_1364 = arith.index_cast %scan3A_56 : i32 to index
      %get3A_1365 = arith.constant 864 : index
      %get3A_1366 = tpu.vector_load %arg13[%get3A_1364, %get3A_1365] {strides = array<i32>} : memref<32x1024xf32, #tpu.memory_space<vmem>>, vector<1x16xf32>,
      %get3A_1367 = vector.shape_cast %get3A_1366 : vector<1x16xf32> to vector<16xf32>
      %add3A_1368 = arith.addf %get3A_1367, %get3A_1359 : vector<16xf32>
      %sub3A_1369 = arith.constant 1.000000e+00 : f32
      %sub3A_1370 = vector.broadcast %sub3A_1369 : f32 to vector<16xf32>
      %sub3A_1371 = arith.subf %sub3A_1370, %get3A_61 : vector<16xf32>
      %sub3A_1372 = arith.subf %get3A_1363, %get3A_1359 : vector<16xf32>
      %mul3A_1373 = arith.mulf %sub3A_1371, %sub3A_1372 : vector<16xf32>
      %add3A_1374 = arith.addf %add3A_1368, %mul3A_1373 : vector<16xf32>
      %swap3A_1375 = arith.index_cast %scan3A_56 : i32 to index
      %swap3A_1376 = arith.constant 864 : index
      %swap3A_1377 = tpu.vector_load %arg13[%swap3A_1375, %swap3A_1376] {strides = array<i32>} : memref<32x1024xf32, #tpu.memory_space<vmem>>, vector<1x16xf32>,
      %swap3A_1378 = vector.shape_cast %swap3A_1377 : vector<1x16xf32> to vector<16xf32>
      %swap3A_1379 = vector.shape_cast %add3A_1374 : vector<16xf32> to vector<1x16xf32>
      tpu.vector_store %arg13[%swap3A_1375, %swap3A_1376], %swap3A_1379 {strides = array<i32>} : memref<32x1024xf32, #tpu.memory_space<vmem>>, vector<1x16xf32>,
      %get3A_1380 = arith.index_cast %scan3A_56 : i32 to index
      %get3A_1381 = arith.constant 880 : index
      %get3A_1382 = tpu.vector_load %arg11[%get3A_1380, %get3A_1381] {strides = array<i32>} : memref<32x1024xf32, #tpu.memory_space<vmem>>, vector<1x16xf32>,
      %get3A_1383 = vector.shape_cast %get3A_1382 : vector<1x16xf32> to vector<16xf32>
      %get3A_1384 = arith.index_cast %scan3A_56 : i32 to index
      %get3A_1385 = arith.constant 880 : index
      %get3A_1386 = tpu.vector_load %arg12[%get3A_1384, %get3A_1385] {strides = array<i32>} : memref<32x1024xf32, #tpu.memory_space<vmem>>, vector<1x16xf32>,
      %get3A_1387 = vector.shape_cast %get3A_1386 : vector<1x16xf32> to vector<16xf32>
      %get3A_1388 = arith.index_cast %scan3A_56 : i32 to index
      %get3A_1389 = arith.constant 880 : index
      %get3A_1390 = tpu.vector_load %arg13[%get3A_1388, %get3A_1389] {strides = array<i32>} : memref<32x1024xf32, #tpu.memory_space<vmem>>, vector<1x16xf32>,
      %get3A_1391 = vector.shape_cast %get3A_1390 : vector<1x16xf32> to vector<16xf32>
      %add3A_1392 = arith.addf %get3A_1391, %get3A_1383 : vector<16xf32>
      %sub3A_1393 = arith.constant 1.000000e+00 : f32
      %sub3A_1394 = vector.broadcast %sub3A_1393 : f32 to vector<16xf32>
      %sub3A_1395 = arith.subf %sub3A_1394, %get3A_61 : vector<16xf32>
      %sub3A_1396 = arith.subf %get3A_1387, %get3A_1383 : vector<16xf32>
      %mul3A_1397 = arith.mulf %sub3A_1395, %sub3A_1396 : vector<16xf32>
      %add3A_1398 = arith.addf %add3A_1392, %mul3A_1397 : vector<16xf32>
      %swap3A_1399 = arith.index_cast %scan3A_56 : i32 to index
      %swap3A_1400 = arith.constant 880 : index
      %swap3A_1401 = tpu.vector_load %arg13[%swap3A_1399, %swap3A_1400] {strides = array<i32>} : memref<32x1024xf32, #tpu.memory_space<vmem>>, vector<1x16xf32>,
      %swap3A_1402 = vector.shape_cast %swap3A_1401 : vector<1x16xf32> to vector<16xf32>
      %swap3A_1403 = vector.shape_cast %add3A_1398 : vector<16xf32> to vector<1x16xf32>
      tpu.vector_store %arg13[%swap3A_1399, %swap3A_1400], %swap3A_1403 {strides = array<i32>} : memref<32x1024xf32, #tpu.memory_space<vmem>>, vector<1x16xf32>,
      %get3A_1404 = arith.index_cast %scan3A_56 : i32 to index
      %get3A_1405 = arith.constant 896 : index
      %get3A_1406 = tpu.vector_load %arg11[%get3A_1404, %get3A_1405] {strides = array<i32>} : memref<32x1024xf32, #tpu.memory_space<vmem>>, vector<1x16xf32>,
      %get3A_1407 = vector.shape_cast %get3A_1406 : vector<1x16xf32> to vector<16xf32>
      %get3A_1408 = arith.index_cast %scan3A_56 : i32 to index
      %get3A_1409 = arith.constant 896 : index
      %get3A_1410 = tpu.vector_load %arg12[%get3A_1408, %get3A_1409] {strides = array<i32>} : memref<32x1024xf32, #tpu.memory_space<vmem>>, vector<1x16xf32>,
      %get3A_1411 = vector.shape_cast %get3A_1410 : vector<1x16xf32> to vector<16xf32>
      %get3A_1412 = arith.index_cast %scan3A_56 : i32 to index
      %get3A_1413 = arith.constant 896 : index
      %get3A_1414 = tpu.vector_load %arg13[%get3A_1412, %get3A_1413] {strides = array<i32>} : memref<32x1024xf32, #tpu.memory_space<vmem>>, vector<1x16xf32>,
      %get3A_1415 = vector.shape_cast %get3A_1414 : vector<1x16xf32> to vector<16xf32>
      %add3A_1416 = arith.addf %get3A_1415, %get3A_1407 : vector<16xf32>
      %sub3A_1417 = arith.constant 1.000000e+00 : f32
      %sub3A_1418 = vector.broadcast %sub3A_1417 : f32 to vector<16xf32>
      %sub3A_1419 = arith.subf %sub3A_1418, %get3A_61 : vector<16xf32>
      %sub3A_1420 = arith.subf %get3A_1411, %get3A_1407 : vector<16xf32>
      %mul3A_1421 = arith.mulf %sub3A_1419, %sub3A_1420 : vector<16xf32>
      %add3A_1422 = arith.addf %add3A_1416, %mul3A_1421 : vector<16xf32>
      %swap3A_1423 = arith.index_cast %scan3A_56 : i32 to index
      %swap3A_1424 = arith.constant 896 : index
      %swap3A_1425 = tpu.vector_load %arg13[%swap3A_1423, %swap3A_1424] {strides = array<i32>} : memref<32x1024xf32, #tpu.memory_space<vmem>>, vector<1x16xf32>,
      %swap3A_1426 = vector.shape_cast %swap3A_1425 : vector<1x16xf32> to vector<16xf32>
      %swap3A_1427 = vector.shape_cast %add3A_1422 : vector<16xf32> to vector<1x16xf32>
      tpu.vector_store %arg13[%swap3A_1423, %swap3A_1424], %swap3A_1427 {strides = array<i32>} : memref<32x1024xf32, #tpu.memory_space<vmem>>, vector<1x16xf32>,
      %get3A_1428 = arith.index_cast %scan3A_56 : i32 to index
      %get3A_1429 = arith.constant 912 : index
      %get3A_1430 = tpu.vector_load %arg11[%get3A_1428, %get3A_1429] {strides = array<i32>} : memref<32x1024xf32, #tpu.memory_space<vmem>>, vector<1x16xf32>,
      %get3A_1431 = vector.shape_cast %get3A_1430 : vector<1x16xf32> to vector<16xf32>
      %get3A_1432 = arith.index_cast %scan3A_56 : i32 to index
      %get3A_1433 = arith.constant 912 : index
      %get3A_1434 = tpu.vector_load %arg12[%get3A_1432, %get3A_1433] {strides = array<i32>} : memref<32x1024xf32, #tpu.memory_space<vmem>>, vector<1x16xf32>,
      %get3A_1435 = vector.shape_cast %get3A_1434 : vector<1x16xf32> to vector<16xf32>
      %get3A_1436 = arith.index_cast %scan3A_56 : i32 to index
      %get3A_1437 = arith.constant 912 : index
      %get3A_1438 = tpu.vector_load %arg13[%get3A_1436, %get3A_1437] {strides = array<i32>} : memref<32x1024xf32, #tpu.memory_space<vmem>>, vector<1x16xf32>,
      %get3A_1439 = vector.shape_cast %get3A_1438 : vector<1x16xf32> to vector<16xf32>
      %add3A_1440 = arith.addf %get3A_1439, %get3A_1431 : vector<16xf32>
      %sub3A_1441 = arith.constant 1.000000e+00 : f32
      %sub3A_1442 = vector.broadcast %sub3A_1441 : f32 to vector<16xf32>
      %sub3A_1443 = arith.subf %sub3A_1442, %get3A_61 : vector<16xf32>
      %sub3A_1444 = arith.subf %get3A_1435, %get3A_1431 : vector<16xf32>
      %mul3A_1445 = arith.mulf %sub3A_1443, %sub3A_1444 : vector<16xf32>
      %add3A_1446 = arith.addf %add3A_1440, %mul3A_1445 : vector<16xf32>
      %swap3A_1447 = arith.index_cast %scan3A_56 : i32 to index
      %swap3A_1448 = arith.constant 912 : index
      %swap3A_1449 = tpu.vector_load %arg13[%swap3A_1447, %swap3A_1448] {strides = array<i32>} : memref<32x1024xf32, #tpu.memory_space<vmem>>, vector<1x16xf32>,
      %swap3A_1450 = vector.shape_cast %swap3A_1449 : vector<1x16xf32> to vector<16xf32>
      %swap3A_1451 = vector.shape_cast %add3A_1446 : vector<16xf32> to vector<1x16xf32>
      tpu.vector_store %arg13[%swap3A_1447, %swap3A_1448], %swap3A_1451 {strides = array<i32>} : memref<32x1024xf32, #tpu.memory_space<vmem>>, vector<1x16xf32>,
      %get3A_1452 = arith.index_cast %scan3A_56 : i32 to index
      %get3A_1453 = arith.constant 928 : index
      %get3A_1454 = tpu.vector_load %arg11[%get3A_1452, %get3A_1453] {strides = array<i32>} : memref<32x1024xf32, #tpu.memory_space<vmem>>, vector<1x16xf32>,
      %get3A_1455 = vector.shape_cast %get3A_1454 : vector<1x16xf32> to vector<16xf32>
      %get3A_1456 = arith.index_cast %scan3A_56 : i32 to index
      %get3A_1457 = arith.constant 928 : index
      %get3A_1458 = tpu.vector_load %arg12[%get3A_1456, %get3A_1457] {strides = array<i32>} : memref<32x1024xf32, #tpu.memory_space<vmem>>, vector<1x16xf32>,
      %get3A_1459 = vector.shape_cast %get3A_1458 : vector<1x16xf32> to vector<16xf32>
      %get3A_1460 = arith.index_cast %scan3A_56 : i32 to index
      %get3A_1461 = arith.constant 928 : index
      %get3A_1462 = tpu.vector_load %arg13[%get3A_1460, %get3A_1461] {strides = array<i32>} : memref<32x1024xf32, #tpu.memory_space<vmem>>, vector<1x16xf32>,
      %get3A_1463 = vector.shape_cast %get3A_1462 : vector<1x16xf32> to vector<16xf32>
      %add3A_1464 = arith.addf %get3A_1463, %get3A_1455 : vector<16xf32>
      %sub3A_1465 = arith.constant 1.000000e+00 : f32
      %sub3A_1466 = vector.broadcast %sub3A_1465 : f32 to vector<16xf32>
      %sub3A_1467 = arith.subf %sub3A_1466, %get3A_61 : vector<16xf32>
      %sub3A_1468 = arith.subf %get3A_1459, %get3A_1455 : vector<16xf32>
      %mul3A_1469 = arith.mulf %sub3A_1467, %sub3A_1468 : vector<16xf32>
      %add3A_1470 = arith.addf %add3A_1464, %mul3A_1469 : vector<16xf32>
      %swap3A_1471 = arith.index_cast %scan3A_56 : i32 to index
      %swap3A_1472 = arith.constant 928 : index
      %swap3A_1473 = tpu.vector_load %arg13[%swap3A_1471, %swap3A_1472] {strides = array<i32>} : memref<32x1024xf32, #tpu.memory_space<vmem>>, vector<1x16xf32>,
      %swap3A_1474 = vector.shape_cast %swap3A_1473 : vector<1x16xf32> to vector<16xf32>
      %swap3A_1475 = vector.shape_cast %add3A_1470 : vector<16xf32> to vector<1x16xf32>
      tpu.vector_store %arg13[%swap3A_1471, %swap3A_1472], %swap3A_1475 {strides = array<i32>} : memref<32x1024xf32, #tpu.memory_space<vmem>>, vector<1x16xf32>,
      %get3A_1476 = arith.index_cast %scan3A_56 : i32 to index
      %get3A_1477 = arith.constant 944 : index
      %get3A_1478 = tpu.vector_load %arg11[%get3A_1476, %get3A_1477] {strides = array<i32>} : memref<32x1024xf32, #tpu.memory_space<vmem>>, vector<1x16xf32>,
      %get3A_1479 = vector.shape_cast %get3A_1478 : vector<1x16xf32> to vector<16xf32>
      %get3A_1480 = arith.index_cast %scan3A_56 : i32 to index
      %get3A_1481 = arith.constant 944 : index
      %get3A_1482 = tpu.vector_load %arg12[%get3A_1480, %get3A_1481] {strides = array<i32>} : memref<32x1024xf32, #tpu.memory_space<vmem>>, vector<1x16xf32>,
      %get3A_1483 = vector.shape_cast %get3A_1482 : vector<1x16xf32> to vector<16xf32>
      %get3A_1484 = arith.index_cast %scan3A_56 : i32 to index
      %get3A_1485 = arith.constant 944 : index
      %get3A_1486 = tpu.vector_load %arg13[%get3A_1484, %get3A_1485] {strides = array<i32>} : memref<32x1024xf32, #tpu.memory_space<vmem>>, vector<1x16xf32>,
      %get3A_1487 = vector.shape_cast %get3A_1486 : vector<1x16xf32> to vector<16xf32>
      %add3A_1488 = arith.addf %get3A_1487, %get3A_1479 : vector<16xf32>
      %sub3A_1489 = arith.constant 1.000000e+00 : f32
      %sub3A_1490 = vector.broadcast %sub3A_1489 : f32 to vector<16xf32>
      %sub3A_1491 = arith.subf %sub3A_1490, %get3A_61 : vector<16xf32>
      %sub3A_1492 = arith.subf %get3A_1483, %get3A_1479 : vector<16xf32>
      %mul3A_1493 = arith.mulf %sub3A_1491, %sub3A_1492 : vector<16xf32>
      %add3A_1494 = arith.addf %add3A_1488, %mul3A_1493 : vector<16xf32>
      %swap3A_1495 = arith.index_cast %scan3A_56 : i32 to index
      %swap3A_1496 = arith.constant 944 : index
      %swap3A_1497 = tpu.vector_load %arg13[%swap3A_1495, %swap3A_1496] {strides = array<i32>} : memref<32x1024xf32, #tpu.memory_space<vmem>>, vector<1x16xf32>,
      %swap3A_1498 = vector.shape_cast %swap3A_1497 : vector<1x16xf32> to vector<16xf32>
      %swap3A_1499 = vector.shape_cast %add3A_1494 : vector<16xf32> to vector<1x16xf32>
      tpu.vector_store %arg13[%swap3A_1495, %swap3A_1496], %swap3A_1499 {strides = array<i32>} : memref<32x1024xf32, #tpu.memory_space<vmem>>, vector<1x16xf32>,
      %get3A_1500 = arith.index_cast %scan3A_56 : i32 to index
      %get3A_1501 = arith.constant 960 : index
      %get3A_1502 = tpu.vector_load %arg11[%get3A_1500, %get3A_1501] {strides = array<i32>} : memref<32x1024xf32, #tpu.memory_space<vmem>>, vector<1x16xf32>,
      %get3A_1503 = vector.shape_cast %get3A_1502 : vector<1x16xf32> to vector<16xf32>
      %get3A_1504 = arith.index_cast %scan3A_56 : i32 to index
      %get3A_1505 = arith.constant 960 : index
      %get3A_1506 = tpu.vector_load %arg12[%get3A_1504, %get3A_1505] {strides = array<i32>} : memref<32x1024xf32, #tpu.memory_space<vmem>>, vector<1x16xf32>,
      %get3A_1507 = vector.shape_cast %get3A_1506 : vector<1x16xf32> to vector<16xf32>
      %get3A_1508 = arith.index_cast %scan3A_56 : i32 to index
      %get3A_1509 = arith.constant 960 : index
      %get3A_1510 = tpu.vector_load %arg13[%get3A_1508, %get3A_1509] {strides = array<i32>} : memref<32x1024xf32, #tpu.memory_space<vmem>>, vector<1x16xf32>,
      %get3A_1511 = vector.shape_cast %get3A_1510 : vector<1x16xf32> to vector<16xf32>
      %add3A_1512 = arith.addf %get3A_1511, %get3A_1503 : vector<16xf32>
      %sub3A_1513 = arith.constant 1.000000e+00 : f32
      %sub3A_1514 = vector.broadcast %sub3A_1513 : f32 to vector<16xf32>
      %sub3A_1515 = arith.subf %sub3A_1514, %get3A_61 : vector<16xf32>
      %sub3A_1516 = arith.subf %get3A_1507, %get3A_1503 : vector<16xf32>
      %mul3A_1517 = arith.mulf %sub3A_1515, %sub3A_1516 : vector<16xf32>
      %add3A_1518 = arith.addf %add3A_1512, %mul3A_1517 : vector<16xf32>
      %swap3A_1519 = arith.index_cast %scan3A_56 : i32 to index
      %swap3A_1520 = arith.constant 960 : index
      %swap3A_1521 = tpu.vector_load %arg13[%swap3A_1519, %swap3A_1520] {strides = array<i32>} : memref<32x1024xf32, #tpu.memory_space<vmem>>, vector<1x16xf32>,
      %swap3A_1522 = vector.shape_cast %swap3A_1521 : vector<1x16xf32> to vector<16xf32>
      %swap3A_1523 = vector.shape_cast %add3A_1518 : vector<16xf32> to vector<1x16xf32>
      tpu.vector_store %arg13[%swap3A_1519, %swap3A_1520], %swap3A_1523 {strides = array<i32>} : memref<32x1024xf32, #tpu.memory_space<vmem>>, vector<1x16xf32>,
      %get3A_1524 = arith.index_cast %scan3A_56 : i32 to index
      %get3A_1525 = arith.constant 976 : index
      %get3A_1526 = tpu.vector_load %arg11[%get3A_1524, %get3A_1525] {strides = array<i32>} : memref<32x1024xf32, #tpu.memory_space<vmem>>, vector<1x16xf32>,
      %get3A_1527 = vector.shape_cast %get3A_1526 : vector<1x16xf32> to vector<16xf32>
      %get3A_1528 = arith.index_cast %scan3A_56 : i32 to index
      %get3A_1529 = arith.constant 976 : index
      %get3A_1530 = tpu.vector_load %arg12[%get3A_1528, %get3A_1529] {strides = array<i32>} : memref<32x1024xf32, #tpu.memory_space<vmem>>, vector<1x16xf32>,
      %get3A_1531 = vector.shape_cast %get3A_1530 : vector<1x16xf32> to vector<16xf32>
      %get3A_1532 = arith.index_cast %scan3A_56 : i32 to index
      %get3A_1533 = arith.constant 976 : index
      %get3A_1534 = tpu.vector_load %arg13[%get3A_1532, %get3A_1533] {strides = array<i32>} : memref<32x1024xf32, #tpu.memory_space<vmem>>, vector<1x16xf32>,
      %get3A_1535 = vector.shape_cast %get3A_1534 : vector<1x16xf32> to vector<16xf32>
      %add3A_1536 = arith.addf %get3A_1535, %get3A_1527 : vector<16xf32>
      %sub3A_1537 = arith.constant 1.000000e+00 : f32
      %sub3A_1538 = vector.broadcast %sub3A_1537 : f32 to vector<16xf32>
      %sub3A_1539 = arith.subf %sub3A_1538, %get3A_61 : vector<16xf32>
      %sub3A_1540 = arith.subf %get3A_1531, %get3A_1527 : vector<16xf32>
      %mul3A_1541 = arith.mulf %sub3A_1539, %sub3A_1540 : vector<16xf32>
      %add3A_1542 = arith.addf %add3A_1536, %mul3A_1541 : vector<16xf32>
      %swap3A_1543 = arith.index_cast %scan3A_56 : i32 to index
      %swap3A_1544 = arith.constant 976 : index
      %swap3A_1545 = tpu.vector_load %arg13[%swap3A_1543, %swap3A_1544] {strides = array<i32>} : memref<32x1024xf32, #tpu.memory_space<vmem>>, vector<1x16xf32>,
      %swap3A_1546 = vector.shape_cast %swap3A_1545 : vector<1x16xf32> to vector<16xf32>
      %swap3A_1547 = vector.shape_cast %add3A_1542 : vector<16xf32> to vector<1x16xf32>
      tpu.vector_store %arg13[%swap3A_1543, %swap3A_1544], %swap3A_1547 {strides = array<i32>} : memref<32x1024xf32, #tpu.memory_space<vmem>>, vector<1x16xf32>,
      %get3A_1548 = arith.index_cast %scan3A_56 : i32 to index
      %get3A_1549 = arith.constant 992 : index
      %get3A_1550 = tpu.vector_load %arg11[%get3A_1548, %get3A_1549] {strides = array<i32>} : memref<32x1024xf32, #tpu.memory_space<vmem>>, vector<1x16xf32>,
      %get3A_1551 = vector.shape_cast %get3A_1550 : vector<1x16xf32> to vector<16xf32>
      %get3A_1552 = arith.index_cast %scan3A_56 : i32 to index
      %get3A_1553 = arith.constant 992 : index
      %get3A_1554 = tpu.vector_load %arg12[%get3A_1552, %get3A_1553] {strides = array<i32>} : memref<32x1024xf32, #tpu.memory_space<vmem>>, vector<1x16xf32>,
      %get3A_1555 = vector.shape_cast %get3A_1554 : vector<1x16xf32> to vector<16xf32>
      %get3A_1556 = arith.index_cast %scan3A_56 : i32 to index
      %get3A_1557 = arith.constant 992 : index
      %get3A_1558 = tpu.vector_load %arg13[%get3A_1556, %get3A_1557] {strides = array<i32>} : memref<32x1024xf32, #tpu.memory_space<vmem>>, vector<1x16xf32>,
      %get3A_1559 = vector.shape_cast %get3A_1558 : vector<1x16xf32> to vector<16xf32>
      %add3A_1560 = arith.addf %get3A_1559, %get3A_1551 : vector<16xf32>
      %sub3A_1561 = arith.constant 1.000000e+00 : f32
      %sub3A_1562 = vector.broadcast %sub3A_1561 : f32 to vector<16xf32>
      %sub3A_1563 = arith.subf %sub3A_1562, %get3A_61 : vector<16xf32>
      %sub3A_1564 = arith.subf %get3A_1555, %get3A_1551 : vector<16xf32>
      %mul3A_1565 = arith.mulf %sub3A_1563, %sub3A_1564 : vector<16xf32>
      %add3A_1566 = arith.addf %add3A_1560, %mul3A_1565 : vector<16xf32>
      %swap3A_1567 = arith.index_cast %scan3A_56 : i32 to index
      %swap3A_1568 = arith.constant 992 : index
      %swap3A_1569 = tpu.vector_load %arg13[%swap3A_1567, %swap3A_1568] {strides = array<i32>} : memref<32x1024xf32, #tpu.memory_space<vmem>>, vector<1x16xf32>,
      %swap3A_1570 = vector.shape_cast %swap3A_1569 : vector<1x16xf32> to vector<16xf32>
      %swap3A_1571 = vector.shape_cast %add3A_1566 : vector<16xf32> to vector<1x16xf32>
      tpu.vector_store %arg13[%swap3A_1567, %swap3A_1568], %swap3A_1571 {strides = array<i32>} : memref<32x1024xf32, #tpu.memory_space<vmem>>, vector<1x16xf32>,
      %get3A_1572 = arith.index_cast %scan3A_56 : i32 to index
      %get3A_1573 = arith.constant 1008 : index
      %get3A_1574 = tpu.vector_load %arg11[%get3A_1572, %get3A_1573] {strides = array<i32>} : memref<32x1024xf32, #tpu.memory_space<vmem>>, vector<1x16xf32>,
      %get3A_1575 = vector.shape_cast %get3A_1574 : vector<1x16xf32> to vector<16xf32>
      %get3A_1576 = arith.index_cast %scan3A_56 : i32 to index
      %get3A_1577 = arith.constant 1008 : index
      %get3A_1578 = tpu.vector_load %arg12[%get3A_1576, %get3A_1577] {strides = array<i32>} : memref<32x1024xf32, #tpu.memory_space<vmem>>, vector<1x16xf32>,
      %get3A_1579 = vector.shape_cast %get3A_1578 : vector<1x16xf32> to vector<16xf32>
      %get3A_1580 = arith.index_cast %scan3A_56 : i32 to index
      %get3A_1581 = arith.constant 1008 : index
      %get3A_1582 = tpu.vector_load %arg13[%get3A_1580, %get3A_1581] {strides = array<i32>} : memref<32x1024xf32, #tpu.memory_space<vmem>>, vector<1x16xf32>,
      %get3A_1583 = vector.shape_cast %get3A_1582 : vector<1x16xf32> to vector<16xf32>
      %add3A_1584 = arith.addf %get3A_1583, %get3A_1575 : vector<16xf32>
      %sub3A_1585 = arith.constant 1.000000e+00 : f32
      %sub3A_1586 = vector.broadcast %sub3A_1585 : f32 to vector<16xf32>
      %sub3A_1587 = arith.subf %sub3A_1586, %get3A_61 : vector<16xf32>
      %sub3A_1588 = arith.subf %get3A_1579, %get3A_1575 : vector<16xf32>
      %mul3A_1589 = arith.mulf %sub3A_1587, %sub3A_1588 : vector<16xf32>
      %add3A_1590 = arith.addf %add3A_1584, %mul3A_1589 : vector<16xf32>
      %swap3A_1591 = arith.index_cast %scan3A_56 : i32 to index
      %swap3A_1592 = arith.constant 1008 : index
      %swap3A_1593 = tpu.vector_load %arg13[%swap3A_1591, %swap3A_1592] {strides = array<i32>} : memref<32x1024xf32, #tpu.memory_space<vmem>>, vector<1x16xf32>,
      %swap3A_1594 = vector.shape_cast %swap3A_1593 : vector<1x16xf32> to vector<16xf32>
      %swap3A_1595 = vector.shape_cast %add3A_1590 : vector<16xf32> to vector<1x16xf32>
      tpu.vector_store %arg13[%swap3A_1591, %swap3A_1592], %swap3A_1595 {strides = array<i32>} : memref<32x1024xf32, #tpu.memory_space<vmem>>, vector<1x16xf32>,
    }
    %scan3A_27 = arith.constant 32 : i32
    "tpu.region"() ({
      %run_scoped3A = tpu.sem_alloc : memref<!tpu.dma_semaphore, #tpu.memory_space<semaphore_mem>>
      %dma_start3A_56 = arith.constant 0 : i32
      %dma_start3A_57 = tpu.memref_slice %arg7[%add3A_4, %dma_start3A_56] : memref<2048x1024xf32, #tpu.memory_space<hbm>> -> memref<32x1024xf32, #tpu.memory_space<hbm>>
      %dma_start3A_58 = arith.constant 0 : i32
      %dma_start3A_59 = tpu.memref_slice %arg7[%add3A_4, %dma_start3A_58] : memref<2048x1024xf32, #tpu.memory_space<hbm>> -> memref<32x1024xf32, #tpu.memory_space<hbm>>
      tpu.enqueue_dma source(%arg13 : memref<32x1024xf32, #tpu.memory_space<vmem>>) target(%dma_start3A_59 : memref<32x1024xf32, #tpu.memory_space<hbm>>) target_semaphore(%run_scoped3A : memref<!tpu.dma_semaphore, #tpu.memory_space<semaphore_mem>>)
      %dma_wait3A_60 = arith.constant 0 : i32
      %dma_wait3A_61 = tpu.memref_slice %arg7[%add3A_4, %dma_wait3A_60] : memref<2048x1024xf32, #tpu.memory_space<hbm>> -> memref<32x1024xf32, #tpu.memory_space<hbm>>
      %dma_wait3A_62 = arith.constant 0 : i32
      %dma_wait3A_63 = tpu.memref_slice %arg7[%add3A_4, %dma_wait3A_62] : memref<2048x1024xf32, #tpu.memory_space<hbm>> -> memref<32x1024xf32, #tpu.memory_space<hbm>>
      tpu.wait_dma2 semaphore(%run_scoped3A : memref<!tpu.dma_semaphore, #tpu.memory_space<semaphore_mem>>) src(%arg13 : memref<32x1024xf32, #tpu.memory_space<vmem>>) dst(%dma_wait3A_63 : memref<32x1024xf32, #tpu.memory_space<hbm>>)
      tpu.yield
    }) : () -> ()
    %add3A_28 = arith.constant 32 : i32
    %add3A_29 = arith.addi %mul3A_2, %add3A_28 : i32
    %dma_start3A_30 = arith.constant 32 : i32
    %dma_start3A_31 = tpu.memref_slice %arg8[%dma_start3A_30] : memref<64xi32, #tpu.memory_space<vmem>> -> memref<32xi32, #tpu.memory_space<vmem>>
    %dma_start3A_32 = arith.constant 0 : i32
    %dma_start3A_33 = arith.constant 0 : i32
    %dma_start3A_34 = tpu.memref_slice %arg2[%dma_start3A_32, %dma_start3A_33] : memref<8192x1024xf32, #tpu.memory_space<hbm>> -> memref<8192x1024xf32, #tpu.memory_space<hbm>>
    tpu.enqueue_indirect_dma source(%dma_start3A_34 : memref<8192x1024xf32, #tpu.memory_space<hbm>>) target(%arg11 : memref<32x1024xf32, #tpu.memory_space<vmem>>) offsets(%dma_start3A_31 : memref<32xi32, #tpu.memory_space<vmem>>) semaphore(%arg14 : memref<!tpu.dma_semaphore, #tpu.memory_space<semaphore_mem>>)
    %dma_start3A_35 = arith.constant 32 : i32
    %dma_start3A_36 = tpu.memref_slice %arg9[%dma_start3A_35] : memref<64xi32, #tpu.memory_space<vmem>> -> memref<32xi32, #tpu.memory_space<vmem>>
    %dma_start3A_37 = arith.constant 0 : i32
    %dma_start3A_38 = arith.constant 0 : i32
    %dma_start3A_39 = tpu.memref_slice %arg2[%dma_start3A_37, %dma_start3A_38] : memref<8192x1024xf32, #tpu.memory_space<hbm>> -> memref<8192x1024xf32, #tpu.memory_space<hbm>>
    tpu.enqueue_indirect_dma source(%dma_start3A_39 : memref<8192x1024xf32, #tpu.memory_space<hbm>>) target(%arg12 : memref<32x1024xf32, #tpu.memory_space<vmem>>) offsets(%dma_start3A_36 : memref<32xi32, #tpu.memory_space<vmem>>) semaphore(%arg15 : memref<!tpu.dma_semaphore, #tpu.memory_space<semaphore_mem>>)
    "tpu.region"() ({
      %run_scoped3A = tpu.sem_alloc : memref<!tpu.dma_semaphore, #tpu.memory_space<semaphore_mem>>
      %dma_start3A_56 = arith.constant 0 : i32
      %dma_start3A_57 = tpu.memref_slice %arg3[%add3A_29, %dma_start3A_56] : memref<2048x1024xf32, #tpu.memory_space<hbm>> -> memref<32x1024xf32, #tpu.memory_space<hbm>>
      %dma_start3A_58 = arith.constant 0 : i32
      %dma_start3A_59 = tpu.memref_slice %arg3[%add3A_29, %dma_start3A_58] : memref<2048x1024xf32, #tpu.memory_space<hbm>> -> memref<32x1024xf32, #tpu.memory_space<hbm>>
      tpu.enqueue_dma source(%dma_start3A_59 : memref<32x1024xf32, #tpu.memory_space<hbm>>) target(%arg13 : memref<32x1024xf32, #tpu.memory_space<vmem>>) target_semaphore(%run_scoped3A : memref<!tpu.dma_semaphore, #tpu.memory_space<semaphore_mem>>)
      %dma_wait3A_60 = arith.constant 0 : i32
      %dma_wait3A_61 = tpu.memref_slice %arg3[%add3A_29, %dma_wait3A_60] : memref<2048x1024xf32, #tpu.memory_space<hbm>> -> memref<32x1024xf32, #tpu.memory_space<hbm>>
      %dma_wait3A_62 = arith.constant 0 : i32
      %dma_wait3A_63 = tpu.memref_slice %arg3[%add3A_29, %dma_wait3A_62] : memref<2048x1024xf32, #tpu.memory_space<hbm>> -> memref<32x1024xf32, #tpu.memory_space<hbm>>
      tpu.wait_dma2 semaphore(%run_scoped3A : memref<!tpu.dma_semaphore, #tpu.memory_space<semaphore_mem>>) src(%dma_wait3A_63 : memref<32x1024xf32, #tpu.memory_space<hbm>>) dst(%arg13 : memref<32x1024xf32, #tpu.memory_space<vmem>>)
      tpu.yield
    }) : () -> ()
    %dma_wait3A_40 = arith.constant 32 : i32
    %dma_wait3A_41 = tpu.memref_slice %arg8[%dma_wait3A_40] : memref<64xi32, #tpu.memory_space<vmem>> -> memref<32xi32, #tpu.memory_space<vmem>>
    %dma_wait3A_42 = arith.constant 0 : i32
    %dma_wait3A_43 = arith.constant 0 : i32
    %dma_wait3A_44 = tpu.memref_slice %arg2[%dma_wait3A_42, %dma_wait3A_43] : memref<8192x1024xf32, #tpu.memory_space<hbm>> -> memref<8192x1024xf32, #tpu.memory_space<hbm>>
    tpu.wait_indirect_dma semaphore(%arg14 : memref<!tpu.dma_semaphore, #tpu.memory_space<semaphore_mem>>) src(%dma_wait3A_44 : memref<8192x1024xf32, #tpu.memory_space<hbm>>) dst(%arg11 : memref<32x1024xf32, #tpu.memory_space<vmem>>)
    %dma_wait3A_45 = arith.constant 32 : i32
    %dma_wait3A_46 = tpu.memref_slice %arg9[%dma_wait3A_45] : memref<64xi32, #tpu.memory_space<vmem>> -> memref<32xi32, #tpu.memory_space<vmem>>
    %dma_wait3A_47 = arith.constant 0 : i32
    %dma_wait3A_48 = arith.constant 0 : i32
    %dma_wait3A_49 = tpu.memref_slice %arg2[%dma_wait3A_47, %dma_wait3A_48] : memref<8192x1024xf32, #tpu.memory_space<hbm>> -> memref<8192x1024xf32, #tpu.memory_space<hbm>>
    tpu.wait_indirect_dma semaphore(%arg15 : memref<!tpu.dma_semaphore, #tpu.memory_space<semaphore_mem>>) src(%dma_wait3A_49 : memref<8192x1024xf32, #tpu.memory_space<hbm>>) dst(%arg12 : memref<32x1024xf32, #tpu.memory_space<vmem>>)
    %scan3A_50 = arith.constant 0 : i32
    %scan3A_51 = arith.constant 0 : i32
    %scan3A_52 = arith.constant 32 : i32
    %scan3A_53 = arith.addi %scan3A_51, %scan3A_52 : i32
    %scan3A_54 = arith.constant 1 : i32
    scf.for %scan3A_56 = %scan3A_51 to %scan3A_53 step %scan3A_54  : i32 {
      %add3A_57 = arith.constant 32 : i32
      %add3A_58 = arith.addi %add3A_57, %scan3A_56 : i32
      %get3A = arith.index_cast %add3A_58 : i32 to index
      %get3A_59 = arith.constant 0 : index
      %get3A_60 = tpu.vector_load %arg10[%get3A, %get3A_59] {strides = array<i32>} : memref<64x16xf32, #tpu.memory_space<vmem>>, vector<1x16xf32>,
      %get3A_61 = vector.shape_cast %get3A_60 : vector<1x16xf32> to vector<16xf32>
      %get3A_62 = arith.index_cast %scan3A_56 : i32 to index
      %get3A_63 = arith.constant 0 : index
      %get3A_64 = tpu.vector_load %arg11[%get3A_62, %get3A_63] {strides = array<i32>} : memref<32x1024xf32, #tpu.memory_space<vmem>>, vector<1x16xf32>,
      %get3A_65 = vector.shape_cast %get3A_64 : vector<1x16xf32> to vector<16xf32>
      %get3A_66 = arith.index_cast %scan3A_56 : i32 to index
      %get3A_67 = arith.constant 0 : index
      %get3A_68 = tpu.vector_load %arg12[%get3A_66, %get3A_67] {strides = array<i32>} : memref<32x1024xf32, #tpu.memory_space<vmem>>, vector<1x16xf32>,
      %get3A_69 = vector.shape_cast %get3A_68 : vector<1x16xf32> to vector<16xf32>
      %get3A_70 = arith.index_cast %scan3A_56 : i32 to index
      %get3A_71 = arith.constant 0 : index
      %get3A_72 = tpu.vector_load %arg13[%get3A_70, %get3A_71] {strides = array<i32>} : memref<32x1024xf32, #tpu.memory_space<vmem>>, vector<1x16xf32>,
      %get3A_73 = vector.shape_cast %get3A_72 : vector<1x16xf32> to vector<16xf32>
      %add3A_74 = arith.addf %get3A_73, %get3A_65 : vector<16xf32>
      %sub3A = arith.constant 1.000000e+00 : f32
      %sub3A_75 = vector.broadcast %sub3A : f32 to vector<16xf32>
      %sub3A_76 = arith.subf %sub3A_75, %get3A_61 : vector<16xf32>
      %sub3A_77 = arith.subf %get3A_69, %get3A_65 : vector<16xf32>
      %mul3A_78 = arith.mulf %sub3A_76, %sub3A_77 : vector<16xf32>
      %add3A_79 = arith.addf %add3A_74, %mul3A_78 : vector<16xf32>
      %swap3A = arith.index_cast %scan3A_56 : i32 to index
      %swap3A_80 = arith.constant 0 : index
      %swap3A_81 = tpu.vector_load %arg13[%swap3A, %swap3A_80] {strides = array<i32>} : memref<32x1024xf32, #tpu.memory_space<vmem>>, vector<1x16xf32>,
      %swap3A_82 = vector.shape_cast %swap3A_81 : vector<1x16xf32> to vector<16xf32>
      %swap3A_83 = vector.shape_cast %add3A_79 : vector<16xf32> to vector<1x16xf32>
      tpu.vector_store %arg13[%swap3A, %swap3A_80], %swap3A_83 {strides = array<i32>} : memref<32x1024xf32, #tpu.memory_space<vmem>>, vector<1x16xf32>,
      %get3A_84 = arith.index_cast %scan3A_56 : i32 to index
      %get3A_85 = arith.constant 16 : index
      %get3A_86 = tpu.vector_load %arg11[%get3A_84, %get3A_85] {strides = array<i32>} : memref<32x1024xf32, #tpu.memory_space<vmem>>, vector<1x16xf32>,
      %get3A_87 = vector.shape_cast %get3A_86 : vector<1x16xf32> to vector<16xf32>
      %get3A_88 = arith.index_cast %scan3A_56 : i32 to index
      %get3A_89 = arith.constant 16 : index
      %get3A_90 = tpu.vector_load %arg12[%get3A_88, %get3A_89] {strides = array<i32>} : memref<32x1024xf32, #tpu.memory_space<vmem>>, vector<1x16xf32>,
      %get3A_91 = vector.shape_cast %get3A_90 : vector<1x16xf32> to vector<16xf32>
      %get3A_92 = arith.index_cast %scan3A_56 : i32 to index
      %get3A_93 = arith.constant 16 : index
      %get3A_94 = tpu.vector_load %arg13[%get3A_92, %get3A_93] {strides = array<i32>} : memref<32x1024xf32, #tpu.memory_space<vmem>>, vector<1x16xf32>,
      %get3A_95 = vector.shape_cast %get3A_94 : vector<1x16xf32> to vector<16xf32>
      %add3A_96 = arith.addf %get3A_95, %get3A_87 : vector<16xf32>
      %sub3A_97 = arith.constant 1.000000e+00 : f32
      %sub3A_98 = vector.broadcast %sub3A_97 : f32 to vector<16xf32>
      %sub3A_99 = arith.subf %sub3A_98, %get3A_61 : vector<16xf32>
      %sub3A_100 = arith.subf %get3A_91, %get3A_87 : vector<16xf32>
      %mul3A_101 = arith.mulf %sub3A_99, %sub3A_100 : vector<16xf32>
      %add3A_102 = arith.addf %add3A_96, %mul3A_101 : vector<16xf32>
      %swap3A_103 = arith.index_cast %scan3A_56 : i32 to index
      %swap3A_104 = arith.constant 16 : index
      %swap3A_105 = tpu.vector_load %arg13[%swap3A_103, %swap3A_104] {strides = array<i32>} : memref<32x1024xf32, #tpu.memory_space<vmem>>, vector<1x16xf32>,
      %swap3A_106 = vector.shape_cast %swap3A_105 : vector<1x16xf32> to vector<16xf32>
      %swap3A_107 = vector.shape_cast %add3A_102 : vector<16xf32> to vector<1x16xf32>
      tpu.vector_store %arg13[%swap3A_103, %swap3A_104], %swap3A_107 {strides = array<i32>} : memref<32x1024xf32, #tpu.memory_space<vmem>>, vector<1x16xf32>,
      %get3A_108 = arith.index_cast %scan3A_56 : i32 to index
      %get3A_109 = arith.constant 32 : index
      %get3A_110 = tpu.vector_load %arg11[%get3A_108, %get3A_109] {strides = array<i32>} : memref<32x1024xf32, #tpu.memory_space<vmem>>, vector<1x16xf32>,
      %get3A_111 = vector.shape_cast %get3A_110 : vector<1x16xf32> to vector<16xf32>
      %get3A_112 = arith.index_cast %scan3A_56 : i32 to index
      %get3A_113 = arith.constant 32 : index
      %get3A_114 = tpu.vector_load %arg12[%get3A_112, %get3A_113] {strides = array<i32>} : memref<32x1024xf32, #tpu.memory_space<vmem>>, vector<1x16xf32>,
      %get3A_115 = vector.shape_cast %get3A_114 : vector<1x16xf32> to vector<16xf32>
      %get3A_116 = arith.index_cast %scan3A_56 : i32 to index
      %get3A_117 = arith.constant 32 : index
      %get3A_118 = tpu.vector_load %arg13[%get3A_116, %get3A_117] {strides = array<i32>} : memref<32x1024xf32, #tpu.memory_space<vmem>>, vector<1x16xf32>,
      %get3A_119 = vector.shape_cast %get3A_118 : vector<1x16xf32> to vector<16xf32>
      %add3A_120 = arith.addf %get3A_119, %get3A_111 : vector<16xf32>
      %sub3A_121 = arith.constant 1.000000e+00 : f32
      %sub3A_122 = vector.broadcast %sub3A_121 : f32 to vector<16xf32>
      %sub3A_123 = arith.subf %sub3A_122, %get3A_61 : vector<16xf32>
      %sub3A_124 = arith.subf %get3A_115, %get3A_111 : vector<16xf32>
      %mul3A_125 = arith.mulf %sub3A_123, %sub3A_124 : vector<16xf32>
      %add3A_126 = arith.addf %add3A_120, %mul3A_125 : vector<16xf32>
      %swap3A_127 = arith.index_cast %scan3A_56 : i32 to index
      %swap3A_128 = arith.constant 32 : index
      %swap3A_129 = tpu.vector_load %arg13[%swap3A_127, %swap3A_128] {strides = array<i32>} : memref<32x1024xf32, #tpu.memory_space<vmem>>, vector<1x16xf32>,
      %swap3A_130 = vector.shape_cast %swap3A_129 : vector<1x16xf32> to vector<16xf32>
      %swap3A_131 = vector.shape_cast %add3A_126 : vector<16xf32> to vector<1x16xf32>
      tpu.vector_store %arg13[%swap3A_127, %swap3A_128], %swap3A_131 {strides = array<i32>} : memref<32x1024xf32, #tpu.memory_space<vmem>>, vector<1x16xf32>,
      %get3A_132 = arith.index_cast %scan3A_56 : i32 to index
      %get3A_133 = arith.constant 48 : index
      %get3A_134 = tpu.vector_load %arg11[%get3A_132, %get3A_133] {strides = array<i32>} : memref<32x1024xf32, #tpu.memory_space<vmem>>, vector<1x16xf32>,
      %get3A_135 = vector.shape_cast %get3A_134 : vector<1x16xf32> to vector<16xf32>
      %get3A_136 = arith.index_cast %scan3A_56 : i32 to index
      %get3A_137 = arith.constant 48 : index
      %get3A_138 = tpu.vector_load %arg12[%get3A_136, %get3A_137] {strides = array<i32>} : memref<32x1024xf32, #tpu.memory_space<vmem>>, vector<1x16xf32>,
      %get3A_139 = vector.shape_cast %get3A_138 : vector<1x16xf32> to vector<16xf32>
      %get3A_140 = arith.index_cast %scan3A_56 : i32 to index
      %get3A_141 = arith.constant 48 : index
      %get3A_142 = tpu.vector_load %arg13[%get3A_140, %get3A_141] {strides = array<i32>} : memref<32x1024xf32, #tpu.memory_space<vmem>>, vector<1x16xf32>,
      %get3A_143 = vector.shape_cast %get3A_142 : vector<1x16xf32> to vector<16xf32>
      %add3A_144 = arith.addf %get3A_143, %get3A_135 : vector<16xf32>
      %sub3A_145 = arith.constant 1.000000e+00 : f32
      %sub3A_146 = vector.broadcast %sub3A_145 : f32 to vector<16xf32>
      %sub3A_147 = arith.subf %sub3A_146, %get3A_61 : vector<16xf32>
      %sub3A_148 = arith.subf %get3A_139, %get3A_135 : vector<16xf32>
      %mul3A_149 = arith.mulf %sub3A_147, %sub3A_148 : vector<16xf32>
      %add3A_150 = arith.addf %add3A_144, %mul3A_149 : vector<16xf32>
      %swap3A_151 = arith.index_cast %scan3A_56 : i32 to index
      %swap3A_152 = arith.constant 48 : index
      %swap3A_153 = tpu.vector_load %arg13[%swap3A_151, %swap3A_152] {strides = array<i32>} : memref<32x1024xf32, #tpu.memory_space<vmem>>, vector<1x16xf32>,
      %swap3A_154 = vector.shape_cast %swap3A_153 : vector<1x16xf32> to vector<16xf32>
      %swap3A_155 = vector.shape_cast %add3A_150 : vector<16xf32> to vector<1x16xf32>
      tpu.vector_store %arg13[%swap3A_151, %swap3A_152], %swap3A_155 {strides = array<i32>} : memref<32x1024xf32, #tpu.memory_space<vmem>>, vector<1x16xf32>,
      %get3A_156 = arith.index_cast %scan3A_56 : i32 to index
      %get3A_157 = arith.constant 64 : index
      %get3A_158 = tpu.vector_load %arg11[%get3A_156, %get3A_157] {strides = array<i32>} : memref<32x1024xf32, #tpu.memory_space<vmem>>, vector<1x16xf32>,
      %get3A_159 = vector.shape_cast %get3A_158 : vector<1x16xf32> to vector<16xf32>
      %get3A_160 = arith.index_cast %scan3A_56 : i32 to index
      %get3A_161 = arith.constant 64 : index
      %get3A_162 = tpu.vector_load %arg12[%get3A_160, %get3A_161] {strides = array<i32>} : memref<32x1024xf32, #tpu.memory_space<vmem>>, vector<1x16xf32>,
      %get3A_163 = vector.shape_cast %get3A_162 : vector<1x16xf32> to vector<16xf32>
      %get3A_164 = arith.index_cast %scan3A_56 : i32 to index
      %get3A_165 = arith.constant 64 : index
      %get3A_166 = tpu.vector_load %arg13[%get3A_164, %get3A_165] {strides = array<i32>} : memref<32x1024xf32, #tpu.memory_space<vmem>>, vector<1x16xf32>,
      %get3A_167 = vector.shape_cast %get3A_166 : vector<1x16xf32> to vector<16xf32>
      %add3A_168 = arith.addf %get3A_167, %get3A_159 : vector<16xf32>
      %sub3A_169 = arith.constant 1.000000e+00 : f32
      %sub3A_170 = vector.broadcast %sub3A_169 : f32 to vector<16xf32>
      %sub3A_171 = arith.subf %sub3A_170, %get3A_61 : vector<16xf32>
      %sub3A_172 = arith.subf %get3A_163, %get3A_159 : vector<16xf32>
      %mul3A_173 = arith.mulf %sub3A_171, %sub3A_172 : vector<16xf32>
      %add3A_174 = arith.addf %add3A_168, %mul3A_173 : vector<16xf32>
      %swap3A_175 = arith.index_cast %scan3A_56 : i32 to index
      %swap3A_176 = arith.constant 64 : index
      %swap3A_177 = tpu.vector_load %arg13[%swap3A_175, %swap3A_176] {strides = array<i32>} : memref<32x1024xf32, #tpu.memory_space<vmem>>, vector<1x16xf32>,
      %swap3A_178 = vector.shape_cast %swap3A_177 : vector<1x16xf32> to vector<16xf32>
      %swap3A_179 = vector.shape_cast %add3A_174 : vector<16xf32> to vector<1x16xf32>
      tpu.vector_store %arg13[%swap3A_175, %swap3A_176], %swap3A_179 {strides = array<i32>} : memref<32x1024xf32, #tpu.memory_space<vmem>>, vector<1x16xf32>,
      %get3A_180 = arith.index_cast %scan3A_56 : i32 to index
      %get3A_181 = arith.constant 80 : index
      %get3A_182 = tpu.vector_load %arg11[%get3A_180, %get3A_181] {strides = array<i32>} : memref<32x1024xf32, #tpu.memory_space<vmem>>, vector<1x16xf32>,
      %get3A_183 = vector.shape_cast %get3A_182 : vector<1x16xf32> to vector<16xf32>
      %get3A_184 = arith.index_cast %scan3A_56 : i32 to index
      %get3A_185 = arith.constant 80 : index
      %get3A_186 = tpu.vector_load %arg12[%get3A_184, %get3A_185] {strides = array<i32>} : memref<32x1024xf32, #tpu.memory_space<vmem>>, vector<1x16xf32>,
      %get3A_187 = vector.shape_cast %get3A_186 : vector<1x16xf32> to vector<16xf32>
      %get3A_188 = arith.index_cast %scan3A_56 : i32 to index
      %get3A_189 = arith.constant 80 : index
      %get3A_190 = tpu.vector_load %arg13[%get3A_188, %get3A_189] {strides = array<i32>} : memref<32x1024xf32, #tpu.memory_space<vmem>>, vector<1x16xf32>,
      %get3A_191 = vector.shape_cast %get3A_190 : vector<1x16xf32> to vector<16xf32>
      %add3A_192 = arith.addf %get3A_191, %get3A_183 : vector<16xf32>
      %sub3A_193 = arith.constant 1.000000e+00 : f32
      %sub3A_194 = vector.broadcast %sub3A_193 : f32 to vector<16xf32>
      %sub3A_195 = arith.subf %sub3A_194, %get3A_61 : vector<16xf32>
      %sub3A_196 = arith.subf %get3A_187, %get3A_183 : vector<16xf32>
      %mul3A_197 = arith.mulf %sub3A_195, %sub3A_196 : vector<16xf32>
      %add3A_198 = arith.addf %add3A_192, %mul3A_197 : vector<16xf32>
      %swap3A_199 = arith.index_cast %scan3A_56 : i32 to index
      %swap3A_200 = arith.constant 80 : index
      %swap3A_201 = tpu.vector_load %arg13[%swap3A_199, %swap3A_200] {strides = array<i32>} : memref<32x1024xf32, #tpu.memory_space<vmem>>, vector<1x16xf32>,
      %swap3A_202 = vector.shape_cast %swap3A_201 : vector<1x16xf32> to vector<16xf32>
      %swap3A_203 = vector.shape_cast %add3A_198 : vector<16xf32> to vector<1x16xf32>
      tpu.vector_store %arg13[%swap3A_199, %swap3A_200], %swap3A_203 {strides = array<i32>} : memref<32x1024xf32, #tpu.memory_space<vmem>>, vector<1x16xf32>,
      %get3A_204 = arith.index_cast %scan3A_56 : i32 to index
      %get3A_205 = arith.constant 96 : index
      %get3A_206 = tpu.vector_load %arg11[%get3A_204, %get3A_205] {strides = array<i32>} : memref<32x1024xf32, #tpu.memory_space<vmem>>, vector<1x16xf32>,
      %get3A_207 = vector.shape_cast %get3A_206 : vector<1x16xf32> to vector<16xf32>
      %get3A_208 = arith.index_cast %scan3A_56 : i32 to index
      %get3A_209 = arith.constant 96 : index
      %get3A_210 = tpu.vector_load %arg12[%get3A_208, %get3A_209] {strides = array<i32>} : memref<32x1024xf32, #tpu.memory_space<vmem>>, vector<1x16xf32>,
      %get3A_211 = vector.shape_cast %get3A_210 : vector<1x16xf32> to vector<16xf32>
      %get3A_212 = arith.index_cast %scan3A_56 : i32 to index
      %get3A_213 = arith.constant 96 : index
      %get3A_214 = tpu.vector_load %arg13[%get3A_212, %get3A_213] {strides = array<i32>} : memref<32x1024xf32, #tpu.memory_space<vmem>>, vector<1x16xf32>,
      %get3A_215 = vector.shape_cast %get3A_214 : vector<1x16xf32> to vector<16xf32>
      %add3A_216 = arith.addf %get3A_215, %get3A_207 : vector<16xf32>
      %sub3A_217 = arith.constant 1.000000e+00 : f32
      %sub3A_218 = vector.broadcast %sub3A_217 : f32 to vector<16xf32>
      %sub3A_219 = arith.subf %sub3A_218, %get3A_61 : vector<16xf32>
      %sub3A_220 = arith.subf %get3A_211, %get3A_207 : vector<16xf32>
      %mul3A_221 = arith.mulf %sub3A_219, %sub3A_220 : vector<16xf32>
      %add3A_222 = arith.addf %add3A_216, %mul3A_221 : vector<16xf32>
      %swap3A_223 = arith.index_cast %scan3A_56 : i32 to index
      %swap3A_224 = arith.constant 96 : index
      %swap3A_225 = tpu.vector_load %arg13[%swap3A_223, %swap3A_224] {strides = array<i32>} : memref<32x1024xf32, #tpu.memory_space<vmem>>, vector<1x16xf32>,
      %swap3A_226 = vector.shape_cast %swap3A_225 : vector<1x16xf32> to vector<16xf32>
      %swap3A_227 = vector.shape_cast %add3A_222 : vector<16xf32> to vector<1x16xf32>
      tpu.vector_store %arg13[%swap3A_223, %swap3A_224], %swap3A_227 {strides = array<i32>} : memref<32x1024xf32, #tpu.memory_space<vmem>>, vector<1x16xf32>,
      %get3A_228 = arith.index_cast %scan3A_56 : i32 to index
      %get3A_229 = arith.constant 112 : index
      %get3A_230 = tpu.vector_load %arg11[%get3A_228, %get3A_229] {strides = array<i32>} : memref<32x1024xf32, #tpu.memory_space<vmem>>, vector<1x16xf32>,
      %get3A_231 = vector.shape_cast %get3A_230 : vector<1x16xf32> to vector<16xf32>
      %get3A_232 = arith.index_cast %scan3A_56 : i32 to index
      %get3A_233 = arith.constant 112 : index
      %get3A_234 = tpu.vector_load %arg12[%get3A_232, %get3A_233] {strides = array<i32>} : memref<32x1024xf32, #tpu.memory_space<vmem>>, vector<1x16xf32>,
      %get3A_235 = vector.shape_cast %get3A_234 : vector<1x16xf32> to vector<16xf32>
      %get3A_236 = arith.index_cast %scan3A_56 : i32 to index
      %get3A_237 = arith.constant 112 : index
      %get3A_238 = tpu.vector_load %arg13[%get3A_236, %get3A_237] {strides = array<i32>} : memref<32x1024xf32, #tpu.memory_space<vmem>>, vector<1x16xf32>,
      %get3A_239 = vector.shape_cast %get3A_238 : vector<1x16xf32> to vector<16xf32>
      %add3A_240 = arith.addf %get3A_239, %get3A_231 : vector<16xf32>
      %sub3A_241 = arith.constant 1.000000e+00 : f32
      %sub3A_242 = vector.broadcast %sub3A_241 : f32 to vector<16xf32>
      %sub3A_243 = arith.subf %sub3A_242, %get3A_61 : vector<16xf32>
      %sub3A_244 = arith.subf %get3A_235, %get3A_231 : vector<16xf32>
      %mul3A_245 = arith.mulf %sub3A_243, %sub3A_244 : vector<16xf32>
      %add3A_246 = arith.addf %add3A_240, %mul3A_245 : vector<16xf32>
      %swap3A_247 = arith.index_cast %scan3A_56 : i32 to index
      %swap3A_248 = arith.constant 112 : index
      %swap3A_249 = tpu.vector_load %arg13[%swap3A_247, %swap3A_248] {strides = array<i32>} : memref<32x1024xf32, #tpu.memory_space<vmem>>, vector<1x16xf32>,
      %swap3A_250 = vector.shape_cast %swap3A_249 : vector<1x16xf32> to vector<16xf32>
      %swap3A_251 = vector.shape_cast %add3A_246 : vector<16xf32> to vector<1x16xf32>
      tpu.vector_store %arg13[%swap3A_247, %swap3A_248], %swap3A_251 {strides = array<i32>} : memref<32x1024xf32, #tpu.memory_space<vmem>>, vector<1x16xf32>,
      %get3A_252 = arith.index_cast %scan3A_56 : i32 to index
      %get3A_253 = arith.constant 128 : index
      %get3A_254 = tpu.vector_load %arg11[%get3A_252, %get3A_253] {strides = array<i32>} : memref<32x1024xf32, #tpu.memory_space<vmem>>, vector<1x16xf32>,
      %get3A_255 = vector.shape_cast %get3A_254 : vector<1x16xf32> to vector<16xf32>
      %get3A_256 = arith.index_cast %scan3A_56 : i32 to index
      %get3A_257 = arith.constant 128 : index
      %get3A_258 = tpu.vector_load %arg12[%get3A_256, %get3A_257] {strides = array<i32>} : memref<32x1024xf32, #tpu.memory_space<vmem>>, vector<1x16xf32>,
      %get3A_259 = vector.shape_cast %get3A_258 : vector<1x16xf32> to vector<16xf32>
      %get3A_260 = arith.index_cast %scan3A_56 : i32 to index
      %get3A_261 = arith.constant 128 : index
      %get3A_262 = tpu.vector_load %arg13[%get3A_260, %get3A_261] {strides = array<i32>} : memref<32x1024xf32, #tpu.memory_space<vmem>>, vector<1x16xf32>,
      %get3A_263 = vector.shape_cast %get3A_262 : vector<1x16xf32> to vector<16xf32>
      %add3A_264 = arith.addf %get3A_263, %get3A_255 : vector<16xf32>
      %sub3A_265 = arith.constant 1.000000e+00 : f32
      %sub3A_266 = vector.broadcast %sub3A_265 : f32 to vector<16xf32>
      %sub3A_267 = arith.subf %sub3A_266, %get3A_61 : vector<16xf32>
      %sub3A_268 = arith.subf %get3A_259, %get3A_255 : vector<16xf32>
      %mul3A_269 = arith.mulf %sub3A_267, %sub3A_268 : vector<16xf32>
      %add3A_270 = arith.addf %add3A_264, %mul3A_269 : vector<16xf32>
      %swap3A_271 = arith.index_cast %scan3A_56 : i32 to index
      %swap3A_272 = arith.constant 128 : index
      %swap3A_273 = tpu.vector_load %arg13[%swap3A_271, %swap3A_272] {strides = array<i32>} : memref<32x1024xf32, #tpu.memory_space<vmem>>, vector<1x16xf32>,
      %swap3A_274 = vector.shape_cast %swap3A_273 : vector<1x16xf32> to vector<16xf32>
      %swap3A_275 = vector.shape_cast %add3A_270 : vector<16xf32> to vector<1x16xf32>
      tpu.vector_store %arg13[%swap3A_271, %swap3A_272], %swap3A_275 {strides = array<i32>} : memref<32x1024xf32, #tpu.memory_space<vmem>>, vector<1x16xf32>,
      %get3A_276 = arith.index_cast %scan3A_56 : i32 to index
      %get3A_277 = arith.constant 144 : index
      %get3A_278 = tpu.vector_load %arg11[%get3A_276, %get3A_277] {strides = array<i32>} : memref<32x1024xf32, #tpu.memory_space<vmem>>, vector<1x16xf32>,
      %get3A_279 = vector.shape_cast %get3A_278 : vector<1x16xf32> to vector<16xf32>
      %get3A_280 = arith.index_cast %scan3A_56 : i32 to index
      %get3A_281 = arith.constant 144 : index
      %get3A_282 = tpu.vector_load %arg12[%get3A_280, %get3A_281] {strides = array<i32>} : memref<32x1024xf32, #tpu.memory_space<vmem>>, vector<1x16xf32>,
      %get3A_283 = vector.shape_cast %get3A_282 : vector<1x16xf32> to vector<16xf32>
      %get3A_284 = arith.index_cast %scan3A_56 : i32 to index
      %get3A_285 = arith.constant 144 : index
      %get3A_286 = tpu.vector_load %arg13[%get3A_284, %get3A_285] {strides = array<i32>} : memref<32x1024xf32, #tpu.memory_space<vmem>>, vector<1x16xf32>,
      %get3A_287 = vector.shape_cast %get3A_286 : vector<1x16xf32> to vector<16xf32>
      %add3A_288 = arith.addf %get3A_287, %get3A_279 : vector<16xf32>
      %sub3A_289 = arith.constant 1.000000e+00 : f32
      %sub3A_290 = vector.broadcast %sub3A_289 : f32 to vector<16xf32>
      %sub3A_291 = arith.subf %sub3A_290, %get3A_61 : vector<16xf32>
      %sub3A_292 = arith.subf %get3A_283, %get3A_279 : vector<16xf32>
      %mul3A_293 = arith.mulf %sub3A_291, %sub3A_292 : vector<16xf32>
      %add3A_294 = arith.addf %add3A_288, %mul3A_293 : vector<16xf32>
      %swap3A_295 = arith.index_cast %scan3A_56 : i32 to index
      %swap3A_296 = arith.constant 144 : index
      %swap3A_297 = tpu.vector_load %arg13[%swap3A_295, %swap3A_296] {strides = array<i32>} : memref<32x1024xf32, #tpu.memory_space<vmem>>, vector<1x16xf32>,
      %swap3A_298 = vector.shape_cast %swap3A_297 : vector<1x16xf32> to vector<16xf32>
      %swap3A_299 = vector.shape_cast %add3A_294 : vector<16xf32> to vector<1x16xf32>
      tpu.vector_store %arg13[%swap3A_295, %swap3A_296], %swap3A_299 {strides = array<i32>} : memref<32x1024xf32, #tpu.memory_space<vmem>>, vector<1x16xf32>,
      %get3A_300 = arith.index_cast %scan3A_56 : i32 to index
      %get3A_301 = arith.constant 160 : index
      %get3A_302 = tpu.vector_load %arg11[%get3A_300, %get3A_301] {strides = array<i32>} : memref<32x1024xf32, #tpu.memory_space<vmem>>, vector<1x16xf32>,
      %get3A_303 = vector.shape_cast %get3A_302 : vector<1x16xf32> to vector<16xf32>
      %get3A_304 = arith.index_cast %scan3A_56 : i32 to index
      %get3A_305 = arith.constant 160 : index
      %get3A_306 = tpu.vector_load %arg12[%get3A_304, %get3A_305] {strides = array<i32>} : memref<32x1024xf32, #tpu.memory_space<vmem>>, vector<1x16xf32>,
      %get3A_307 = vector.shape_cast %get3A_306 : vector<1x16xf32> to vector<16xf32>
      %get3A_308 = arith.index_cast %scan3A_56 : i32 to index
      %get3A_309 = arith.constant 160 : index
      %get3A_310 = tpu.vector_load %arg13[%get3A_308, %get3A_309] {strides = array<i32>} : memref<32x1024xf32, #tpu.memory_space<vmem>>, vector<1x16xf32>,
      %get3A_311 = vector.shape_cast %get3A_310 : vector<1x16xf32> to vector<16xf32>
      %add3A_312 = arith.addf %get3A_311, %get3A_303 : vector<16xf32>
      %sub3A_313 = arith.constant 1.000000e+00 : f32
      %sub3A_314 = vector.broadcast %sub3A_313 : f32 to vector<16xf32>
      %sub3A_315 = arith.subf %sub3A_314, %get3A_61 : vector<16xf32>
      %sub3A_316 = arith.subf %get3A_307, %get3A_303 : vector<16xf32>
      %mul3A_317 = arith.mulf %sub3A_315, %sub3A_316 : vector<16xf32>
      %add3A_318 = arith.addf %add3A_312, %mul3A_317 : vector<16xf32>
      %swap3A_319 = arith.index_cast %scan3A_56 : i32 to index
      %swap3A_320 = arith.constant 160 : index
      %swap3A_321 = tpu.vector_load %arg13[%swap3A_319, %swap3A_320] {strides = array<i32>} : memref<32x1024xf32, #tpu.memory_space<vmem>>, vector<1x16xf32>,
      %swap3A_322 = vector.shape_cast %swap3A_321 : vector<1x16xf32> to vector<16xf32>
      %swap3A_323 = vector.shape_cast %add3A_318 : vector<16xf32> to vector<1x16xf32>
      tpu.vector_store %arg13[%swap3A_319, %swap3A_320], %swap3A_323 {strides = array<i32>} : memref<32x1024xf32, #tpu.memory_space<vmem>>, vector<1x16xf32>,
      %get3A_324 = arith.index_cast %scan3A_56 : i32 to index
      %get3A_325 = arith.constant 176 : index
      %get3A_326 = tpu.vector_load %arg11[%get3A_324, %get3A_325] {strides = array<i32>} : memref<32x1024xf32, #tpu.memory_space<vmem>>, vector<1x16xf32>,
      %get3A_327 = vector.shape_cast %get3A_326 : vector<1x16xf32> to vector<16xf32>
      %get3A_328 = arith.index_cast %scan3A_56 : i32 to index
      %get3A_329 = arith.constant 176 : index
      %get3A_330 = tpu.vector_load %arg12[%get3A_328, %get3A_329] {strides = array<i32>} : memref<32x1024xf32, #tpu.memory_space<vmem>>, vector<1x16xf32>,
      %get3A_331 = vector.shape_cast %get3A_330 : vector<1x16xf32> to vector<16xf32>
      %get3A_332 = arith.index_cast %scan3A_56 : i32 to index
      %get3A_333 = arith.constant 176 : index
      %get3A_334 = tpu.vector_load %arg13[%get3A_332, %get3A_333] {strides = array<i32>} : memref<32x1024xf32, #tpu.memory_space<vmem>>, vector<1x16xf32>,
      %get3A_335 = vector.shape_cast %get3A_334 : vector<1x16xf32> to vector<16xf32>
      %add3A_336 = arith.addf %get3A_335, %get3A_327 : vector<16xf32>
      %sub3A_337 = arith.constant 1.000000e+00 : f32
      %sub3A_338 = vector.broadcast %sub3A_337 : f32 to vector<16xf32>
      %sub3A_339 = arith.subf %sub3A_338, %get3A_61 : vector<16xf32>
      %sub3A_340 = arith.subf %get3A_331, %get3A_327 : vector<16xf32>
      %mul3A_341 = arith.mulf %sub3A_339, %sub3A_340 : vector<16xf32>
      %add3A_342 = arith.addf %add3A_336, %mul3A_341 : vector<16xf32>
      %swap3A_343 = arith.index_cast %scan3A_56 : i32 to index
      %swap3A_344 = arith.constant 176 : index
      %swap3A_345 = tpu.vector_load %arg13[%swap3A_343, %swap3A_344] {strides = array<i32>} : memref<32x1024xf32, #tpu.memory_space<vmem>>, vector<1x16xf32>,
      %swap3A_346 = vector.shape_cast %swap3A_345 : vector<1x16xf32> to vector<16xf32>
      %swap3A_347 = vector.shape_cast %add3A_342 : vector<16xf32> to vector<1x16xf32>
      tpu.vector_store %arg13[%swap3A_343, %swap3A_344], %swap3A_347 {strides = array<i32>} : memref<32x1024xf32, #tpu.memory_space<vmem>>, vector<1x16xf32>,
      %get3A_348 = arith.index_cast %scan3A_56 : i32 to index
      %get3A_349 = arith.constant 192 : index
      %get3A_350 = tpu.vector_load %arg11[%get3A_348, %get3A_349] {strides = array<i32>} : memref<32x1024xf32, #tpu.memory_space<vmem>>, vector<1x16xf32>,
      %get3A_351 = vector.shape_cast %get3A_350 : vector<1x16xf32> to vector<16xf32>
      %get3A_352 = arith.index_cast %scan3A_56 : i32 to index
      %get3A_353 = arith.constant 192 : index
      %get3A_354 = tpu.vector_load %arg12[%get3A_352, %get3A_353] {strides = array<i32>} : memref<32x1024xf32, #tpu.memory_space<vmem>>, vector<1x16xf32>,
      %get3A_355 = vector.shape_cast %get3A_354 : vector<1x16xf32> to vector<16xf32>
      %get3A_356 = arith.index_cast %scan3A_56 : i32 to index
      %get3A_357 = arith.constant 192 : index
      %get3A_358 = tpu.vector_load %arg13[%get3A_356, %get3A_357] {strides = array<i32>} : memref<32x1024xf32, #tpu.memory_space<vmem>>, vector<1x16xf32>,
      %get3A_359 = vector.shape_cast %get3A_358 : vector<1x16xf32> to vector<16xf32>
      %add3A_360 = arith.addf %get3A_359, %get3A_351 : vector<16xf32>
      %sub3A_361 = arith.constant 1.000000e+00 : f32
      %sub3A_362 = vector.broadcast %sub3A_361 : f32 to vector<16xf32>
      %sub3A_363 = arith.subf %sub3A_362, %get3A_61 : vector<16xf32>
      %sub3A_364 = arith.subf %get3A_355, %get3A_351 : vector<16xf32>
      %mul3A_365 = arith.mulf %sub3A_363, %sub3A_364 : vector<16xf32>
      %add3A_366 = arith.addf %add3A_360, %mul3A_365 : vector<16xf32>
      %swap3A_367 = arith.index_cast %scan3A_56 : i32 to index
      %swap3A_368 = arith.constant 192 : index
      %swap3A_369 = tpu.vector_load %arg13[%swap3A_367, %swap3A_368] {strides = array<i32>} : memref<32x1024xf32, #tpu.memory_space<vmem>>, vector<1x16xf32>,
      %swap3A_370 = vector.shape_cast %swap3A_369 : vector<1x16xf32> to vector<16xf32>
      %swap3A_371 = vector.shape_cast %add3A_366 : vector<16xf32> to vector<1x16xf32>
      tpu.vector_store %arg13[%swap3A_367, %swap3A_368], %swap3A_371 {strides = array<i32>} : memref<32x1024xf32, #tpu.memory_space<vmem>>, vector<1x16xf32>,
      %get3A_372 = arith.index_cast %scan3A_56 : i32 to index
      %get3A_373 = arith.constant 208 : index
      %get3A_374 = tpu.vector_load %arg11[%get3A_372, %get3A_373] {strides = array<i32>} : memref<32x1024xf32, #tpu.memory_space<vmem>>, vector<1x16xf32>,
      %get3A_375 = vector.shape_cast %get3A_374 : vector<1x16xf32> to vector<16xf32>
      %get3A_376 = arith.index_cast %scan3A_56 : i32 to index
      %get3A_377 = arith.constant 208 : index
      %get3A_378 = tpu.vector_load %arg12[%get3A_376, %get3A_377] {strides = array<i32>} : memref<32x1024xf32, #tpu.memory_space<vmem>>, vector<1x16xf32>,
      %get3A_379 = vector.shape_cast %get3A_378 : vector<1x16xf32> to vector<16xf32>
      %get3A_380 = arith.index_cast %scan3A_56 : i32 to index
      %get3A_381 = arith.constant 208 : index
      %get3A_382 = tpu.vector_load %arg13[%get3A_380, %get3A_381] {strides = array<i32>} : memref<32x1024xf32, #tpu.memory_space<vmem>>, vector<1x16xf32>,
      %get3A_383 = vector.shape_cast %get3A_382 : vector<1x16xf32> to vector<16xf32>
      %add3A_384 = arith.addf %get3A_383, %get3A_375 : vector<16xf32>
      %sub3A_385 = arith.constant 1.000000e+00 : f32
      %sub3A_386 = vector.broadcast %sub3A_385 : f32 to vector<16xf32>
      %sub3A_387 = arith.subf %sub3A_386, %get3A_61 : vector<16xf32>
      %sub3A_388 = arith.subf %get3A_379, %get3A_375 : vector<16xf32>
      %mul3A_389 = arith.mulf %sub3A_387, %sub3A_388 : vector<16xf32>
      %add3A_390 = arith.addf %add3A_384, %mul3A_389 : vector<16xf32>
      %swap3A_391 = arith.index_cast %scan3A_56 : i32 to index
      %swap3A_392 = arith.constant 208 : index
      %swap3A_393 = tpu.vector_load %arg13[%swap3A_391, %swap3A_392] {strides = array<i32>} : memref<32x1024xf32, #tpu.memory_space<vmem>>, vector<1x16xf32>,
      %swap3A_394 = vector.shape_cast %swap3A_393 : vector<1x16xf32> to vector<16xf32>
      %swap3A_395 = vector.shape_cast %add3A_390 : vector<16xf32> to vector<1x16xf32>
      tpu.vector_store %arg13[%swap3A_391, %swap3A_392], %swap3A_395 {strides = array<i32>} : memref<32x1024xf32, #tpu.memory_space<vmem>>, vector<1x16xf32>,
      %get3A_396 = arith.index_cast %scan3A_56 : i32 to index
      %get3A_397 = arith.constant 224 : index
      %get3A_398 = tpu.vector_load %arg11[%get3A_396, %get3A_397] {strides = array<i32>} : memref<32x1024xf32, #tpu.memory_space<vmem>>, vector<1x16xf32>,
      %get3A_399 = vector.shape_cast %get3A_398 : vector<1x16xf32> to vector<16xf32>
      %get3A_400 = arith.index_cast %scan3A_56 : i32 to index
      %get3A_401 = arith.constant 224 : index
      %get3A_402 = tpu.vector_load %arg12[%get3A_400, %get3A_401] {strides = array<i32>} : memref<32x1024xf32, #tpu.memory_space<vmem>>, vector<1x16xf32>,
      %get3A_403 = vector.shape_cast %get3A_402 : vector<1x16xf32> to vector<16xf32>
      %get3A_404 = arith.index_cast %scan3A_56 : i32 to index
      %get3A_405 = arith.constant 224 : index
      %get3A_406 = tpu.vector_load %arg13[%get3A_404, %get3A_405] {strides = array<i32>} : memref<32x1024xf32, #tpu.memory_space<vmem>>, vector<1x16xf32>,
      %get3A_407 = vector.shape_cast %get3A_406 : vector<1x16xf32> to vector<16xf32>
      %add3A_408 = arith.addf %get3A_407, %get3A_399 : vector<16xf32>
      %sub3A_409 = arith.constant 1.000000e+00 : f32
      %sub3A_410 = vector.broadcast %sub3A_409 : f32 to vector<16xf32>
      %sub3A_411 = arith.subf %sub3A_410, %get3A_61 : vector<16xf32>
      %sub3A_412 = arith.subf %get3A_403, %get3A_399 : vector<16xf32>
      %mul3A_413 = arith.mulf %sub3A_411, %sub3A_412 : vector<16xf32>
      %add3A_414 = arith.addf %add3A_408, %mul3A_413 : vector<16xf32>
      %swap3A_415 = arith.index_cast %scan3A_56 : i32 to index
      %swap3A_416 = arith.constant 224 : index
      %swap3A_417 = tpu.vector_load %arg13[%swap3A_415, %swap3A_416] {strides = array<i32>} : memref<32x1024xf32, #tpu.memory_space<vmem>>, vector<1x16xf32>,
      %swap3A_418 = vector.shape_cast %swap3A_417 : vector<1x16xf32> to vector<16xf32>
      %swap3A_419 = vector.shape_cast %add3A_414 : vector<16xf32> to vector<1x16xf32>
      tpu.vector_store %arg13[%swap3A_415, %swap3A_416], %swap3A_419 {strides = array<i32>} : memref<32x1024xf32, #tpu.memory_space<vmem>>, vector<1x16xf32>,
      %get3A_420 = arith.index_cast %scan3A_56 : i32 to index
      %get3A_421 = arith.constant 240 : index
      %get3A_422 = tpu.vector_load %arg11[%get3A_420, %get3A_421] {strides = array<i32>} : memref<32x1024xf32, #tpu.memory_space<vmem>>, vector<1x16xf32>,
      %get3A_423 = vector.shape_cast %get3A_422 : vector<1x16xf32> to vector<16xf32>
      %get3A_424 = arith.index_cast %scan3A_56 : i32 to index
      %get3A_425 = arith.constant 240 : index
      %get3A_426 = tpu.vector_load %arg12[%get3A_424, %get3A_425] {strides = array<i32>} : memref<32x1024xf32, #tpu.memory_space<vmem>>, vector<1x16xf32>,
      %get3A_427 = vector.shape_cast %get3A_426 : vector<1x16xf32> to vector<16xf32>
      %get3A_428 = arith.index_cast %scan3A_56 : i32 to index
      %get3A_429 = arith.constant 240 : index
      %get3A_430 = tpu.vector_load %arg13[%get3A_428, %get3A_429] {strides = array<i32>} : memref<32x1024xf32, #tpu.memory_space<vmem>>, vector<1x16xf32>,
      %get3A_431 = vector.shape_cast %get3A_430 : vector<1x16xf32> to vector<16xf32>
      %add3A_432 = arith.addf %get3A_431, %get3A_423 : vector<16xf32>
      %sub3A_433 = arith.constant 1.000000e+00 : f32
      %sub3A_434 = vector.broadcast %sub3A_433 : f32 to vector<16xf32>
      %sub3A_435 = arith.subf %sub3A_434, %get3A_61 : vector<16xf32>
      %sub3A_436 = arith.subf %get3A_427, %get3A_423 : vector<16xf32>
      %mul3A_437 = arith.mulf %sub3A_435, %sub3A_436 : vector<16xf32>
      %add3A_438 = arith.addf %add3A_432, %mul3A_437 : vector<16xf32>
      %swap3A_439 = arith.index_cast %scan3A_56 : i32 to index
      %swap3A_440 = arith.constant 240 : index
      %swap3A_441 = tpu.vector_load %arg13[%swap3A_439, %swap3A_440] {strides = array<i32>} : memref<32x1024xf32, #tpu.memory_space<vmem>>, vector<1x16xf32>,
      %swap3A_442 = vector.shape_cast %swap3A_441 : vector<1x16xf32> to vector<16xf32>
      %swap3A_443 = vector.shape_cast %add3A_438 : vector<16xf32> to vector<1x16xf32>
      tpu.vector_store %arg13[%swap3A_439, %swap3A_440], %swap3A_443 {strides = array<i32>} : memref<32x1024xf32, #tpu.memory_space<vmem>>, vector<1x16xf32>,
      %get3A_444 = arith.index_cast %scan3A_56 : i32 to index
      %get3A_445 = arith.constant 256 : index
      %get3A_446 = tpu.vector_load %arg11[%get3A_444, %get3A_445] {strides = array<i32>} : memref<32x1024xf32, #tpu.memory_space<vmem>>, vector<1x16xf32>,
      %get3A_447 = vector.shape_cast %get3A_446 : vector<1x16xf32> to vector<16xf32>
      %get3A_448 = arith.index_cast %scan3A_56 : i32 to index
      %get3A_449 = arith.constant 256 : index
      %get3A_450 = tpu.vector_load %arg12[%get3A_448, %get3A_449] {strides = array<i32>} : memref<32x1024xf32, #tpu.memory_space<vmem>>, vector<1x16xf32>,
      %get3A_451 = vector.shape_cast %get3A_450 : vector<1x16xf32> to vector<16xf32>
      %get3A_452 = arith.index_cast %scan3A_56 : i32 to index
      %get3A_453 = arith.constant 256 : index
      %get3A_454 = tpu.vector_load %arg13[%get3A_452, %get3A_453] {strides = array<i32>} : memref<32x1024xf32, #tpu.memory_space<vmem>>, vector<1x16xf32>,
      %get3A_455 = vector.shape_cast %get3A_454 : vector<1x16xf32> to vector<16xf32>
      %add3A_456 = arith.addf %get3A_455, %get3A_447 : vector<16xf32>
      %sub3A_457 = arith.constant 1.000000e+00 : f32
      %sub3A_458 = vector.broadcast %sub3A_457 : f32 to vector<16xf32>
      %sub3A_459 = arith.subf %sub3A_458, %get3A_61 : vector<16xf32>
      %sub3A_460 = arith.subf %get3A_451, %get3A_447 : vector<16xf32>
      %mul3A_461 = arith.mulf %sub3A_459, %sub3A_460 : vector<16xf32>
      %add3A_462 = arith.addf %add3A_456, %mul3A_461 : vector<16xf32>
      %swap3A_463 = arith.index_cast %scan3A_56 : i32 to index
      %swap3A_464 = arith.constant 256 : index
      %swap3A_465 = tpu.vector_load %arg13[%swap3A_463, %swap3A_464] {strides = array<i32>} : memref<32x1024xf32, #tpu.memory_space<vmem>>, vector<1x16xf32>,
      %swap3A_466 = vector.shape_cast %swap3A_465 : vector<1x16xf32> to vector<16xf32>
      %swap3A_467 = vector.shape_cast %add3A_462 : vector<16xf32> to vector<1x16xf32>
      tpu.vector_store %arg13[%swap3A_463, %swap3A_464], %swap3A_467 {strides = array<i32>} : memref<32x1024xf32, #tpu.memory_space<vmem>>, vector<1x16xf32>,
      %get3A_468 = arith.index_cast %scan3A_56 : i32 to index
      %get3A_469 = arith.constant 272 : index
      %get3A_470 = tpu.vector_load %arg11[%get3A_468, %get3A_469] {strides = array<i32>} : memref<32x1024xf32, #tpu.memory_space<vmem>>, vector<1x16xf32>,
      %get3A_471 = vector.shape_cast %get3A_470 : vector<1x16xf32> to vector<16xf32>
      %get3A_472 = arith.index_cast %scan3A_56 : i32 to index
      %get3A_473 = arith.constant 272 : index
      %get3A_474 = tpu.vector_load %arg12[%get3A_472, %get3A_473] {strides = array<i32>} : memref<32x1024xf32, #tpu.memory_space<vmem>>, vector<1x16xf32>,
      %get3A_475 = vector.shape_cast %get3A_474 : vector<1x16xf32> to vector<16xf32>
      %get3A_476 = arith.index_cast %scan3A_56 : i32 to index
      %get3A_477 = arith.constant 272 : index
      %get3A_478 = tpu.vector_load %arg13[%get3A_476, %get3A_477] {strides = array<i32>} : memref<32x1024xf32, #tpu.memory_space<vmem>>, vector<1x16xf32>,
      %get3A_479 = vector.shape_cast %get3A_478 : vector<1x16xf32> to vector<16xf32>
      %add3A_480 = arith.addf %get3A_479, %get3A_471 : vector<16xf32>
      %sub3A_481 = arith.constant 1.000000e+00 : f32
      %sub3A_482 = vector.broadcast %sub3A_481 : f32 to vector<16xf32>
      %sub3A_483 = arith.subf %sub3A_482, %get3A_61 : vector<16xf32>
      %sub3A_484 = arith.subf %get3A_475, %get3A_471 : vector<16xf32>
      %mul3A_485 = arith.mulf %sub3A_483, %sub3A_484 : vector<16xf32>
      %add3A_486 = arith.addf %add3A_480, %mul3A_485 : vector<16xf32>
      %swap3A_487 = arith.index_cast %scan3A_56 : i32 to index
      %swap3A_488 = arith.constant 272 : index
      %swap3A_489 = tpu.vector_load %arg13[%swap3A_487, %swap3A_488] {strides = array<i32>} : memref<32x1024xf32, #tpu.memory_space<vmem>>, vector<1x16xf32>,
      %swap3A_490 = vector.shape_cast %swap3A_489 : vector<1x16xf32> to vector<16xf32>
      %swap3A_491 = vector.shape_cast %add3A_486 : vector<16xf32> to vector<1x16xf32>
      tpu.vector_store %arg13[%swap3A_487, %swap3A_488], %swap3A_491 {strides = array<i32>} : memref<32x1024xf32, #tpu.memory_space<vmem>>, vector<1x16xf32>,
      %get3A_492 = arith.index_cast %scan3A_56 : i32 to index
      %get3A_493 = arith.constant 288 : index
      %get3A_494 = tpu.vector_load %arg11[%get3A_492, %get3A_493] {strides = array<i32>} : memref<32x1024xf32, #tpu.memory_space<vmem>>, vector<1x16xf32>,
      %get3A_495 = vector.shape_cast %get3A_494 : vector<1x16xf32> to vector<16xf32>
      %get3A_496 = arith.index_cast %scan3A_56 : i32 to index
      %get3A_497 = arith.constant 288 : index
      %get3A_498 = tpu.vector_load %arg12[%get3A_496, %get3A_497] {strides = array<i32>} : memref<32x1024xf32, #tpu.memory_space<vmem>>, vector<1x16xf32>,
      %get3A_499 = vector.shape_cast %get3A_498 : vector<1x16xf32> to vector<16xf32>
      %get3A_500 = arith.index_cast %scan3A_56 : i32 to index
      %get3A_501 = arith.constant 288 : index
      %get3A_502 = tpu.vector_load %arg13[%get3A_500, %get3A_501] {strides = array<i32>} : memref<32x1024xf32, #tpu.memory_space<vmem>>, vector<1x16xf32>,
      %get3A_503 = vector.shape_cast %get3A_502 : vector<1x16xf32> to vector<16xf32>
      %add3A_504 = arith.addf %get3A_503, %get3A_495 : vector<16xf32>
      %sub3A_505 = arith.constant 1.000000e+00 : f32
      %sub3A_506 = vector.broadcast %sub3A_505 : f32 to vector<16xf32>
      %sub3A_507 = arith.subf %sub3A_506, %get3A_61 : vector<16xf32>
      %sub3A_508 = arith.subf %get3A_499, %get3A_495 : vector<16xf32>
      %mul3A_509 = arith.mulf %sub3A_507, %sub3A_508 : vector<16xf32>
      %add3A_510 = arith.addf %add3A_504, %mul3A_509 : vector<16xf32>
      %swap3A_511 = arith.index_cast %scan3A_56 : i32 to index
      %swap3A_512 = arith.constant 288 : index
      %swap3A_513 = tpu.vector_load %arg13[%swap3A_511, %swap3A_512] {strides = array<i32>} : memref<32x1024xf32, #tpu.memory_space<vmem>>, vector<1x16xf32>,
      %swap3A_514 = vector.shape_cast %swap3A_513 : vector<1x16xf32> to vector<16xf32>
      %swap3A_515 = vector.shape_cast %add3A_510 : vector<16xf32> to vector<1x16xf32>
      tpu.vector_store %arg13[%swap3A_511, %swap3A_512], %swap3A_515 {strides = array<i32>} : memref<32x1024xf32, #tpu.memory_space<vmem>>, vector<1x16xf32>,
      %get3A_516 = arith.index_cast %scan3A_56 : i32 to index
      %get3A_517 = arith.constant 304 : index
      %get3A_518 = tpu.vector_load %arg11[%get3A_516, %get3A_517] {strides = array<i32>} : memref<32x1024xf32, #tpu.memory_space<vmem>>, vector<1x16xf32>,
      %get3A_519 = vector.shape_cast %get3A_518 : vector<1x16xf32> to vector<16xf32>
      %get3A_520 = arith.index_cast %scan3A_56 : i32 to index
      %get3A_521 = arith.constant 304 : index
      %get3A_522 = tpu.vector_load %arg12[%get3A_520, %get3A_521] {strides = array<i32>} : memref<32x1024xf32, #tpu.memory_space<vmem>>, vector<1x16xf32>,
      %get3A_523 = vector.shape_cast %get3A_522 : vector<1x16xf32> to vector<16xf32>
      %get3A_524 = arith.index_cast %scan3A_56 : i32 to index
      %get3A_525 = arith.constant 304 : index
      %get3A_526 = tpu.vector_load %arg13[%get3A_524, %get3A_525] {strides = array<i32>} : memref<32x1024xf32, #tpu.memory_space<vmem>>, vector<1x16xf32>,
      %get3A_527 = vector.shape_cast %get3A_526 : vector<1x16xf32> to vector<16xf32>
      %add3A_528 = arith.addf %get3A_527, %get3A_519 : vector<16xf32>
      %sub3A_529 = arith.constant 1.000000e+00 : f32
      %sub3A_530 = vector.broadcast %sub3A_529 : f32 to vector<16xf32>
      %sub3A_531 = arith.subf %sub3A_530, %get3A_61 : vector<16xf32>
      %sub3A_532 = arith.subf %get3A_523, %get3A_519 : vector<16xf32>
      %mul3A_533 = arith.mulf %sub3A_531, %sub3A_532 : vector<16xf32>
      %add3A_534 = arith.addf %add3A_528, %mul3A_533 : vector<16xf32>
      %swap3A_535 = arith.index_cast %scan3A_56 : i32 to index
      %swap3A_536 = arith.constant 304 : index
      %swap3A_537 = tpu.vector_load %arg13[%swap3A_535, %swap3A_536] {strides = array<i32>} : memref<32x1024xf32, #tpu.memory_space<vmem>>, vector<1x16xf32>,
      %swap3A_538 = vector.shape_cast %swap3A_537 : vector<1x16xf32> to vector<16xf32>
      %swap3A_539 = vector.shape_cast %add3A_534 : vector<16xf32> to vector<1x16xf32>
      tpu.vector_store %arg13[%swap3A_535, %swap3A_536], %swap3A_539 {strides = array<i32>} : memref<32x1024xf32, #tpu.memory_space<vmem>>, vector<1x16xf32>,
      %get3A_540 = arith.index_cast %scan3A_56 : i32 to index
      %get3A_541 = arith.constant 320 : index
      %get3A_542 = tpu.vector_load %arg11[%get3A_540, %get3A_541] {strides = array<i32>} : memref<32x1024xf32, #tpu.memory_space<vmem>>, vector<1x16xf32>,
      %get3A_543 = vector.shape_cast %get3A_542 : vector<1x16xf32> to vector<16xf32>
      %get3A_544 = arith.index_cast %scan3A_56 : i32 to index
      %get3A_545 = arith.constant 320 : index
      %get3A_546 = tpu.vector_load %arg12[%get3A_544, %get3A_545] {strides = array<i32>} : memref<32x1024xf32, #tpu.memory_space<vmem>>, vector<1x16xf32>,
      %get3A_547 = vector.shape_cast %get3A_546 : vector<1x16xf32> to vector<16xf32>
      %get3A_548 = arith.index_cast %scan3A_56 : i32 to index
      %get3A_549 = arith.constant 320 : index
      %get3A_550 = tpu.vector_load %arg13[%get3A_548, %get3A_549] {strides = array<i32>} : memref<32x1024xf32, #tpu.memory_space<vmem>>, vector<1x16xf32>,
      %get3A_551 = vector.shape_cast %get3A_550 : vector<1x16xf32> to vector<16xf32>
      %add3A_552 = arith.addf %get3A_551, %get3A_543 : vector<16xf32>
      %sub3A_553 = arith.constant 1.000000e+00 : f32
      %sub3A_554 = vector.broadcast %sub3A_553 : f32 to vector<16xf32>
      %sub3A_555 = arith.subf %sub3A_554, %get3A_61 : vector<16xf32>
      %sub3A_556 = arith.subf %get3A_547, %get3A_543 : vector<16xf32>
      %mul3A_557 = arith.mulf %sub3A_555, %sub3A_556 : vector<16xf32>
      %add3A_558 = arith.addf %add3A_552, %mul3A_557 : vector<16xf32>
      %swap3A_559 = arith.index_cast %scan3A_56 : i32 to index
      %swap3A_560 = arith.constant 320 : index
      %swap3A_561 = tpu.vector_load %arg13[%swap3A_559, %swap3A_560] {strides = array<i32>} : memref<32x1024xf32, #tpu.memory_space<vmem>>, vector<1x16xf32>,
      %swap3A_562 = vector.shape_cast %swap3A_561 : vector<1x16xf32> to vector<16xf32>
      %swap3A_563 = vector.shape_cast %add3A_558 : vector<16xf32> to vector<1x16xf32>
      tpu.vector_store %arg13[%swap3A_559, %swap3A_560], %swap3A_563 {strides = array<i32>} : memref<32x1024xf32, #tpu.memory_space<vmem>>, vector<1x16xf32>,
      %get3A_564 = arith.index_cast %scan3A_56 : i32 to index
      %get3A_565 = arith.constant 336 : index
      %get3A_566 = tpu.vector_load %arg11[%get3A_564, %get3A_565] {strides = array<i32>} : memref<32x1024xf32, #tpu.memory_space<vmem>>, vector<1x16xf32>,
      %get3A_567 = vector.shape_cast %get3A_566 : vector<1x16xf32> to vector<16xf32>
      %get3A_568 = arith.index_cast %scan3A_56 : i32 to index
      %get3A_569 = arith.constant 336 : index
      %get3A_570 = tpu.vector_load %arg12[%get3A_568, %get3A_569] {strides = array<i32>} : memref<32x1024xf32, #tpu.memory_space<vmem>>, vector<1x16xf32>,
      %get3A_571 = vector.shape_cast %get3A_570 : vector<1x16xf32> to vector<16xf32>
      %get3A_572 = arith.index_cast %scan3A_56 : i32 to index
      %get3A_573 = arith.constant 336 : index
      %get3A_574 = tpu.vector_load %arg13[%get3A_572, %get3A_573] {strides = array<i32>} : memref<32x1024xf32, #tpu.memory_space<vmem>>, vector<1x16xf32>,
      %get3A_575 = vector.shape_cast %get3A_574 : vector<1x16xf32> to vector<16xf32>
      %add3A_576 = arith.addf %get3A_575, %get3A_567 : vector<16xf32>
      %sub3A_577 = arith.constant 1.000000e+00 : f32
      %sub3A_578 = vector.broadcast %sub3A_577 : f32 to vector<16xf32>
      %sub3A_579 = arith.subf %sub3A_578, %get3A_61 : vector<16xf32>
      %sub3A_580 = arith.subf %get3A_571, %get3A_567 : vector<16xf32>
      %mul3A_581 = arith.mulf %sub3A_579, %sub3A_580 : vector<16xf32>
      %add3A_582 = arith.addf %add3A_576, %mul3A_581 : vector<16xf32>
      %swap3A_583 = arith.index_cast %scan3A_56 : i32 to index
      %swap3A_584 = arith.constant 336 : index
      %swap3A_585 = tpu.vector_load %arg13[%swap3A_583, %swap3A_584] {strides = array<i32>} : memref<32x1024xf32, #tpu.memory_space<vmem>>, vector<1x16xf32>,
      %swap3A_586 = vector.shape_cast %swap3A_585 : vector<1x16xf32> to vector<16xf32>
      %swap3A_587 = vector.shape_cast %add3A_582 : vector<16xf32> to vector<1x16xf32>
      tpu.vector_store %arg13[%swap3A_583, %swap3A_584], %swap3A_587 {strides = array<i32>} : memref<32x1024xf32, #tpu.memory_space<vmem>>, vector<1x16xf32>,
      %get3A_588 = arith.index_cast %scan3A_56 : i32 to index
      %get3A_589 = arith.constant 352 : index
      %get3A_590 = tpu.vector_load %arg11[%get3A_588, %get3A_589] {strides = array<i32>} : memref<32x1024xf32, #tpu.memory_space<vmem>>, vector<1x16xf32>,
      %get3A_591 = vector.shape_cast %get3A_590 : vector<1x16xf32> to vector<16xf32>
      %get3A_592 = arith.index_cast %scan3A_56 : i32 to index
      %get3A_593 = arith.constant 352 : index
      %get3A_594 = tpu.vector_load %arg12[%get3A_592, %get3A_593] {strides = array<i32>} : memref<32x1024xf32, #tpu.memory_space<vmem>>, vector<1x16xf32>,
      %get3A_595 = vector.shape_cast %get3A_594 : vector<1x16xf32> to vector<16xf32>
      %get3A_596 = arith.index_cast %scan3A_56 : i32 to index
      %get3A_597 = arith.constant 352 : index
      %get3A_598 = tpu.vector_load %arg13[%get3A_596, %get3A_597] {strides = array<i32>} : memref<32x1024xf32, #tpu.memory_space<vmem>>, vector<1x16xf32>,
      %get3A_599 = vector.shape_cast %get3A_598 : vector<1x16xf32> to vector<16xf32>
      %add3A_600 = arith.addf %get3A_599, %get3A_591 : vector<16xf32>
      %sub3A_601 = arith.constant 1.000000e+00 : f32
      %sub3A_602 = vector.broadcast %sub3A_601 : f32 to vector<16xf32>
      %sub3A_603 = arith.subf %sub3A_602, %get3A_61 : vector<16xf32>
      %sub3A_604 = arith.subf %get3A_595, %get3A_591 : vector<16xf32>
      %mul3A_605 = arith.mulf %sub3A_603, %sub3A_604 : vector<16xf32>
      %add3A_606 = arith.addf %add3A_600, %mul3A_605 : vector<16xf32>
      %swap3A_607 = arith.index_cast %scan3A_56 : i32 to index
      %swap3A_608 = arith.constant 352 : index
      %swap3A_609 = tpu.vector_load %arg13[%swap3A_607, %swap3A_608] {strides = array<i32>} : memref<32x1024xf32, #tpu.memory_space<vmem>>, vector<1x16xf32>,
      %swap3A_610 = vector.shape_cast %swap3A_609 : vector<1x16xf32> to vector<16xf32>
      %swap3A_611 = vector.shape_cast %add3A_606 : vector<16xf32> to vector<1x16xf32>
      tpu.vector_store %arg13[%swap3A_607, %swap3A_608], %swap3A_611 {strides = array<i32>} : memref<32x1024xf32, #tpu.memory_space<vmem>>, vector<1x16xf32>,
      %get3A_612 = arith.index_cast %scan3A_56 : i32 to index
      %get3A_613 = arith.constant 368 : index
      %get3A_614 = tpu.vector_load %arg11[%get3A_612, %get3A_613] {strides = array<i32>} : memref<32x1024xf32, #tpu.memory_space<vmem>>, vector<1x16xf32>,
      %get3A_615 = vector.shape_cast %get3A_614 : vector<1x16xf32> to vector<16xf32>
      %get3A_616 = arith.index_cast %scan3A_56 : i32 to index
      %get3A_617 = arith.constant 368 : index
      %get3A_618 = tpu.vector_load %arg12[%get3A_616, %get3A_617] {strides = array<i32>} : memref<32x1024xf32, #tpu.memory_space<vmem>>, vector<1x16xf32>,
      %get3A_619 = vector.shape_cast %get3A_618 : vector<1x16xf32> to vector<16xf32>
      %get3A_620 = arith.index_cast %scan3A_56 : i32 to index
      %get3A_621 = arith.constant 368 : index
      %get3A_622 = tpu.vector_load %arg13[%get3A_620, %get3A_621] {strides = array<i32>} : memref<32x1024xf32, #tpu.memory_space<vmem>>, vector<1x16xf32>,
      %get3A_623 = vector.shape_cast %get3A_622 : vector<1x16xf32> to vector<16xf32>
      %add3A_624 = arith.addf %get3A_623, %get3A_615 : vector<16xf32>
      %sub3A_625 = arith.constant 1.000000e+00 : f32
      %sub3A_626 = vector.broadcast %sub3A_625 : f32 to vector<16xf32>
      %sub3A_627 = arith.subf %sub3A_626, %get3A_61 : vector<16xf32>
      %sub3A_628 = arith.subf %get3A_619, %get3A_615 : vector<16xf32>
      %mul3A_629 = arith.mulf %sub3A_627, %sub3A_628 : vector<16xf32>
      %add3A_630 = arith.addf %add3A_624, %mul3A_629 : vector<16xf32>
      %swap3A_631 = arith.index_cast %scan3A_56 : i32 to index
      %swap3A_632 = arith.constant 368 : index
      %swap3A_633 = tpu.vector_load %arg13[%swap3A_631, %swap3A_632] {strides = array<i32>} : memref<32x1024xf32, #tpu.memory_space<vmem>>, vector<1x16xf32>,
      %swap3A_634 = vector.shape_cast %swap3A_633 : vector<1x16xf32> to vector<16xf32>
      %swap3A_635 = vector.shape_cast %add3A_630 : vector<16xf32> to vector<1x16xf32>
      tpu.vector_store %arg13[%swap3A_631, %swap3A_632], %swap3A_635 {strides = array<i32>} : memref<32x1024xf32, #tpu.memory_space<vmem>>, vector<1x16xf32>,
      %get3A_636 = arith.index_cast %scan3A_56 : i32 to index
      %get3A_637 = arith.constant 384 : index
      %get3A_638 = tpu.vector_load %arg11[%get3A_636, %get3A_637] {strides = array<i32>} : memref<32x1024xf32, #tpu.memory_space<vmem>>, vector<1x16xf32>,
      %get3A_639 = vector.shape_cast %get3A_638 : vector<1x16xf32> to vector<16xf32>
      %get3A_640 = arith.index_cast %scan3A_56 : i32 to index
      %get3A_641 = arith.constant 384 : index
      %get3A_642 = tpu.vector_load %arg12[%get3A_640, %get3A_641] {strides = array<i32>} : memref<32x1024xf32, #tpu.memory_space<vmem>>, vector<1x16xf32>,
      %get3A_643 = vector.shape_cast %get3A_642 : vector<1x16xf32> to vector<16xf32>
      %get3A_644 = arith.index_cast %scan3A_56 : i32 to index
      %get3A_645 = arith.constant 384 : index
      %get3A_646 = tpu.vector_load %arg13[%get3A_644, %get3A_645] {strides = array<i32>} : memref<32x1024xf32, #tpu.memory_space<vmem>>, vector<1x16xf32>,
      %get3A_647 = vector.shape_cast %get3A_646 : vector<1x16xf32> to vector<16xf32>
      %add3A_648 = arith.addf %get3A_647, %get3A_639 : vector<16xf32>
      %sub3A_649 = arith.constant 1.000000e+00 : f32
      %sub3A_650 = vector.broadcast %sub3A_649 : f32 to vector<16xf32>
      %sub3A_651 = arith.subf %sub3A_650, %get3A_61 : vector<16xf32>
      %sub3A_652 = arith.subf %get3A_643, %get3A_639 : vector<16xf32>
      %mul3A_653 = arith.mulf %sub3A_651, %sub3A_652 : vector<16xf32>
      %add3A_654 = arith.addf %add3A_648, %mul3A_653 : vector<16xf32>
      %swap3A_655 = arith.index_cast %scan3A_56 : i32 to index
      %swap3A_656 = arith.constant 384 : index
      %swap3A_657 = tpu.vector_load %arg13[%swap3A_655, %swap3A_656] {strides = array<i32>} : memref<32x1024xf32, #tpu.memory_space<vmem>>, vector<1x16xf32>,
      %swap3A_658 = vector.shape_cast %swap3A_657 : vector<1x16xf32> to vector<16xf32>
      %swap3A_659 = vector.shape_cast %add3A_654 : vector<16xf32> to vector<1x16xf32>
      tpu.vector_store %arg13[%swap3A_655, %swap3A_656], %swap3A_659 {strides = array<i32>} : memref<32x1024xf32, #tpu.memory_space<vmem>>, vector<1x16xf32>,
      %get3A_660 = arith.index_cast %scan3A_56 : i32 to index
      %get3A_661 = arith.constant 400 : index
      %get3A_662 = tpu.vector_load %arg11[%get3A_660, %get3A_661] {strides = array<i32>} : memref<32x1024xf32, #tpu.memory_space<vmem>>, vector<1x16xf32>,
      %get3A_663 = vector.shape_cast %get3A_662 : vector<1x16xf32> to vector<16xf32>
      %get3A_664 = arith.index_cast %scan3A_56 : i32 to index
      %get3A_665 = arith.constant 400 : index
      %get3A_666 = tpu.vector_load %arg12[%get3A_664, %get3A_665] {strides = array<i32>} : memref<32x1024xf32, #tpu.memory_space<vmem>>, vector<1x16xf32>,
      %get3A_667 = vector.shape_cast %get3A_666 : vector<1x16xf32> to vector<16xf32>
      %get3A_668 = arith.index_cast %scan3A_56 : i32 to index
      %get3A_669 = arith.constant 400 : index
      %get3A_670 = tpu.vector_load %arg13[%get3A_668, %get3A_669] {strides = array<i32>} : memref<32x1024xf32, #tpu.memory_space<vmem>>, vector<1x16xf32>,
      %get3A_671 = vector.shape_cast %get3A_670 : vector<1x16xf32> to vector<16xf32>
      %add3A_672 = arith.addf %get3A_671, %get3A_663 : vector<16xf32>
      %sub3A_673 = arith.constant 1.000000e+00 : f32
      %sub3A_674 = vector.broadcast %sub3A_673 : f32 to vector<16xf32>
      %sub3A_675 = arith.subf %sub3A_674, %get3A_61 : vector<16xf32>
      %sub3A_676 = arith.subf %get3A_667, %get3A_663 : vector<16xf32>
      %mul3A_677 = arith.mulf %sub3A_675, %sub3A_676 : vector<16xf32>
      %add3A_678 = arith.addf %add3A_672, %mul3A_677 : vector<16xf32>
      %swap3A_679 = arith.index_cast %scan3A_56 : i32 to index
      %swap3A_680 = arith.constant 400 : index
      %swap3A_681 = tpu.vector_load %arg13[%swap3A_679, %swap3A_680] {strides = array<i32>} : memref<32x1024xf32, #tpu.memory_space<vmem>>, vector<1x16xf32>,
      %swap3A_682 = vector.shape_cast %swap3A_681 : vector<1x16xf32> to vector<16xf32>
      %swap3A_683 = vector.shape_cast %add3A_678 : vector<16xf32> to vector<1x16xf32>
      tpu.vector_store %arg13[%swap3A_679, %swap3A_680], %swap3A_683 {strides = array<i32>} : memref<32x1024xf32, #tpu.memory_space<vmem>>, vector<1x16xf32>,
      %get3A_684 = arith.index_cast %scan3A_56 : i32 to index
      %get3A_685 = arith.constant 416 : index
      %get3A_686 = tpu.vector_load %arg11[%get3A_684, %get3A_685] {strides = array<i32>} : memref<32x1024xf32, #tpu.memory_space<vmem>>, vector<1x16xf32>,
      %get3A_687 = vector.shape_cast %get3A_686 : vector<1x16xf32> to vector<16xf32>
      %get3A_688 = arith.index_cast %scan3A_56 : i32 to index
      %get3A_689 = arith.constant 416 : index
      %get3A_690 = tpu.vector_load %arg12[%get3A_688, %get3A_689] {strides = array<i32>} : memref<32x1024xf32, #tpu.memory_space<vmem>>, vector<1x16xf32>,
      %get3A_691 = vector.shape_cast %get3A_690 : vector<1x16xf32> to vector<16xf32>
      %get3A_692 = arith.index_cast %scan3A_56 : i32 to index
      %get3A_693 = arith.constant 416 : index
      %get3A_694 = tpu.vector_load %arg13[%get3A_692, %get3A_693] {strides = array<i32>} : memref<32x1024xf32, #tpu.memory_space<vmem>>, vector<1x16xf32>,
      %get3A_695 = vector.shape_cast %get3A_694 : vector<1x16xf32> to vector<16xf32>
      %add3A_696 = arith.addf %get3A_695, %get3A_687 : vector<16xf32>
      %sub3A_697 = arith.constant 1.000000e+00 : f32
      %sub3A_698 = vector.broadcast %sub3A_697 : f32 to vector<16xf32>
      %sub3A_699 = arith.subf %sub3A_698, %get3A_61 : vector<16xf32>
      %sub3A_700 = arith.subf %get3A_691, %get3A_687 : vector<16xf32>
      %mul3A_701 = arith.mulf %sub3A_699, %sub3A_700 : vector<16xf32>
      %add3A_702 = arith.addf %add3A_696, %mul3A_701 : vector<16xf32>
      %swap3A_703 = arith.index_cast %scan3A_56 : i32 to index
      %swap3A_704 = arith.constant 416 : index
      %swap3A_705 = tpu.vector_load %arg13[%swap3A_703, %swap3A_704] {strides = array<i32>} : memref<32x1024xf32, #tpu.memory_space<vmem>>, vector<1x16xf32>,
      %swap3A_706 = vector.shape_cast %swap3A_705 : vector<1x16xf32> to vector<16xf32>
      %swap3A_707 = vector.shape_cast %add3A_702 : vector<16xf32> to vector<1x16xf32>
      tpu.vector_store %arg13[%swap3A_703, %swap3A_704], %swap3A_707 {strides = array<i32>} : memref<32x1024xf32, #tpu.memory_space<vmem>>, vector<1x16xf32>,
      %get3A_708 = arith.index_cast %scan3A_56 : i32 to index
      %get3A_709 = arith.constant 432 : index
      %get3A_710 = tpu.vector_load %arg11[%get3A_708, %get3A_709] {strides = array<i32>} : memref<32x1024xf32, #tpu.memory_space<vmem>>, vector<1x16xf32>,
      %get3A_711 = vector.shape_cast %get3A_710 : vector<1x16xf32> to vector<16xf32>
      %get3A_712 = arith.index_cast %scan3A_56 : i32 to index
      %get3A_713 = arith.constant 432 : index
      %get3A_714 = tpu.vector_load %arg12[%get3A_712, %get3A_713] {strides = array<i32>} : memref<32x1024xf32, #tpu.memory_space<vmem>>, vector<1x16xf32>,
      %get3A_715 = vector.shape_cast %get3A_714 : vector<1x16xf32> to vector<16xf32>
      %get3A_716 = arith.index_cast %scan3A_56 : i32 to index
      %get3A_717 = arith.constant 432 : index
      %get3A_718 = tpu.vector_load %arg13[%get3A_716, %get3A_717] {strides = array<i32>} : memref<32x1024xf32, #tpu.memory_space<vmem>>, vector<1x16xf32>,
      %get3A_719 = vector.shape_cast %get3A_718 : vector<1x16xf32> to vector<16xf32>
      %add3A_720 = arith.addf %get3A_719, %get3A_711 : vector<16xf32>
      %sub3A_721 = arith.constant 1.000000e+00 : f32
      %sub3A_722 = vector.broadcast %sub3A_721 : f32 to vector<16xf32>
      %sub3A_723 = arith.subf %sub3A_722, %get3A_61 : vector<16xf32>
      %sub3A_724 = arith.subf %get3A_715, %get3A_711 : vector<16xf32>
      %mul3A_725 = arith.mulf %sub3A_723, %sub3A_724 : vector<16xf32>
      %add3A_726 = arith.addf %add3A_720, %mul3A_725 : vector<16xf32>
      %swap3A_727 = arith.index_cast %scan3A_56 : i32 to index
      %swap3A_728 = arith.constant 432 : index
      %swap3A_729 = tpu.vector_load %arg13[%swap3A_727, %swap3A_728] {strides = array<i32>} : memref<32x1024xf32, #tpu.memory_space<vmem>>, vector<1x16xf32>,
      %swap3A_730 = vector.shape_cast %swap3A_729 : vector<1x16xf32> to vector<16xf32>
      %swap3A_731 = vector.shape_cast %add3A_726 : vector<16xf32> to vector<1x16xf32>
      tpu.vector_store %arg13[%swap3A_727, %swap3A_728], %swap3A_731 {strides = array<i32>} : memref<32x1024xf32, #tpu.memory_space<vmem>>, vector<1x16xf32>,
      %get3A_732 = arith.index_cast %scan3A_56 : i32 to index
      %get3A_733 = arith.constant 448 : index
      %get3A_734 = tpu.vector_load %arg11[%get3A_732, %get3A_733] {strides = array<i32>} : memref<32x1024xf32, #tpu.memory_space<vmem>>, vector<1x16xf32>,
      %get3A_735 = vector.shape_cast %get3A_734 : vector<1x16xf32> to vector<16xf32>
      %get3A_736 = arith.index_cast %scan3A_56 : i32 to index
      %get3A_737 = arith.constant 448 : index
      %get3A_738 = tpu.vector_load %arg12[%get3A_736, %get3A_737] {strides = array<i32>} : memref<32x1024xf32, #tpu.memory_space<vmem>>, vector<1x16xf32>,
      %get3A_739 = vector.shape_cast %get3A_738 : vector<1x16xf32> to vector<16xf32>
      %get3A_740 = arith.index_cast %scan3A_56 : i32 to index
      %get3A_741 = arith.constant 448 : index
      %get3A_742 = tpu.vector_load %arg13[%get3A_740, %get3A_741] {strides = array<i32>} : memref<32x1024xf32, #tpu.memory_space<vmem>>, vector<1x16xf32>,
      %get3A_743 = vector.shape_cast %get3A_742 : vector<1x16xf32> to vector<16xf32>
      %add3A_744 = arith.addf %get3A_743, %get3A_735 : vector<16xf32>
      %sub3A_745 = arith.constant 1.000000e+00 : f32
      %sub3A_746 = vector.broadcast %sub3A_745 : f32 to vector<16xf32>
      %sub3A_747 = arith.subf %sub3A_746, %get3A_61 : vector<16xf32>
      %sub3A_748 = arith.subf %get3A_739, %get3A_735 : vector<16xf32>
      %mul3A_749 = arith.mulf %sub3A_747, %sub3A_748 : vector<16xf32>
      %add3A_750 = arith.addf %add3A_744, %mul3A_749 : vector<16xf32>
      %swap3A_751 = arith.index_cast %scan3A_56 : i32 to index
      %swap3A_752 = arith.constant 448 : index
      %swap3A_753 = tpu.vector_load %arg13[%swap3A_751, %swap3A_752] {strides = array<i32>} : memref<32x1024xf32, #tpu.memory_space<vmem>>, vector<1x16xf32>,
      %swap3A_754 = vector.shape_cast %swap3A_753 : vector<1x16xf32> to vector<16xf32>
      %swap3A_755 = vector.shape_cast %add3A_750 : vector<16xf32> to vector<1x16xf32>
      tpu.vector_store %arg13[%swap3A_751, %swap3A_752], %swap3A_755 {strides = array<i32>} : memref<32x1024xf32, #tpu.memory_space<vmem>>, vector<1x16xf32>,
      %get3A_756 = arith.index_cast %scan3A_56 : i32 to index
      %get3A_757 = arith.constant 464 : index
      %get3A_758 = tpu.vector_load %arg11[%get3A_756, %get3A_757] {strides = array<i32>} : memref<32x1024xf32, #tpu.memory_space<vmem>>, vector<1x16xf32>,
      %get3A_759 = vector.shape_cast %get3A_758 : vector<1x16xf32> to vector<16xf32>
      %get3A_760 = arith.index_cast %scan3A_56 : i32 to index
      %get3A_761 = arith.constant 464 : index
      %get3A_762 = tpu.vector_load %arg12[%get3A_760, %get3A_761] {strides = array<i32>} : memref<32x1024xf32, #tpu.memory_space<vmem>>, vector<1x16xf32>,
      %get3A_763 = vector.shape_cast %get3A_762 : vector<1x16xf32> to vector<16xf32>
      %get3A_764 = arith.index_cast %scan3A_56 : i32 to index
      %get3A_765 = arith.constant 464 : index
      %get3A_766 = tpu.vector_load %arg13[%get3A_764, %get3A_765] {strides = array<i32>} : memref<32x1024xf32, #tpu.memory_space<vmem>>, vector<1x16xf32>,
      %get3A_767 = vector.shape_cast %get3A_766 : vector<1x16xf32> to vector<16xf32>
      %add3A_768 = arith.addf %get3A_767, %get3A_759 : vector<16xf32>
      %sub3A_769 = arith.constant 1.000000e+00 : f32
      %sub3A_770 = vector.broadcast %sub3A_769 : f32 to vector<16xf32>
      %sub3A_771 = arith.subf %sub3A_770, %get3A_61 : vector<16xf32>
      %sub3A_772 = arith.subf %get3A_763, %get3A_759 : vector<16xf32>
      %mul3A_773 = arith.mulf %sub3A_771, %sub3A_772 : vector<16xf32>
      %add3A_774 = arith.addf %add3A_768, %mul3A_773 : vector<16xf32>
      %swap3A_775 = arith.index_cast %scan3A_56 : i32 to index
      %swap3A_776 = arith.constant 464 : index
      %swap3A_777 = tpu.vector_load %arg13[%swap3A_775, %swap3A_776] {strides = array<i32>} : memref<32x1024xf32, #tpu.memory_space<vmem>>, vector<1x16xf32>,
      %swap3A_778 = vector.shape_cast %swap3A_777 : vector<1x16xf32> to vector<16xf32>
      %swap3A_779 = vector.shape_cast %add3A_774 : vector<16xf32> to vector<1x16xf32>
      tpu.vector_store %arg13[%swap3A_775, %swap3A_776], %swap3A_779 {strides = array<i32>} : memref<32x1024xf32, #tpu.memory_space<vmem>>, vector<1x16xf32>,
      %get3A_780 = arith.index_cast %scan3A_56 : i32 to index
      %get3A_781 = arith.constant 480 : index
      %get3A_782 = tpu.vector_load %arg11[%get3A_780, %get3A_781] {strides = array<i32>} : memref<32x1024xf32, #tpu.memory_space<vmem>>, vector<1x16xf32>,
      %get3A_783 = vector.shape_cast %get3A_782 : vector<1x16xf32> to vector<16xf32>
      %get3A_784 = arith.index_cast %scan3A_56 : i32 to index
      %get3A_785 = arith.constant 480 : index
      %get3A_786 = tpu.vector_load %arg12[%get3A_784, %get3A_785] {strides = array<i32>} : memref<32x1024xf32, #tpu.memory_space<vmem>>, vector<1x16xf32>,
      %get3A_787 = vector.shape_cast %get3A_786 : vector<1x16xf32> to vector<16xf32>
      %get3A_788 = arith.index_cast %scan3A_56 : i32 to index
      %get3A_789 = arith.constant 480 : index
      %get3A_790 = tpu.vector_load %arg13[%get3A_788, %get3A_789] {strides = array<i32>} : memref<32x1024xf32, #tpu.memory_space<vmem>>, vector<1x16xf32>,
      %get3A_791 = vector.shape_cast %get3A_790 : vector<1x16xf32> to vector<16xf32>
      %add3A_792 = arith.addf %get3A_791, %get3A_783 : vector<16xf32>
      %sub3A_793 = arith.constant 1.000000e+00 : f32
      %sub3A_794 = vector.broadcast %sub3A_793 : f32 to vector<16xf32>
      %sub3A_795 = arith.subf %sub3A_794, %get3A_61 : vector<16xf32>
      %sub3A_796 = arith.subf %get3A_787, %get3A_783 : vector<16xf32>
      %mul3A_797 = arith.mulf %sub3A_795, %sub3A_796 : vector<16xf32>
      %add3A_798 = arith.addf %add3A_792, %mul3A_797 : vector<16xf32>
      %swap3A_799 = arith.index_cast %scan3A_56 : i32 to index
      %swap3A_800 = arith.constant 480 : index
      %swap3A_801 = tpu.vector_load %arg13[%swap3A_799, %swap3A_800] {strides = array<i32>} : memref<32x1024xf32, #tpu.memory_space<vmem>>, vector<1x16xf32>,
      %swap3A_802 = vector.shape_cast %swap3A_801 : vector<1x16xf32> to vector<16xf32>
      %swap3A_803 = vector.shape_cast %add3A_798 : vector<16xf32> to vector<1x16xf32>
      tpu.vector_store %arg13[%swap3A_799, %swap3A_800], %swap3A_803 {strides = array<i32>} : memref<32x1024xf32, #tpu.memory_space<vmem>>, vector<1x16xf32>,
      %get3A_804 = arith.index_cast %scan3A_56 : i32 to index
      %get3A_805 = arith.constant 496 : index
      %get3A_806 = tpu.vector_load %arg11[%get3A_804, %get3A_805] {strides = array<i32>} : memref<32x1024xf32, #tpu.memory_space<vmem>>, vector<1x16xf32>,
      %get3A_807 = vector.shape_cast %get3A_806 : vector<1x16xf32> to vector<16xf32>
      %get3A_808 = arith.index_cast %scan3A_56 : i32 to index
      %get3A_809 = arith.constant 496 : index
      %get3A_810 = tpu.vector_load %arg12[%get3A_808, %get3A_809] {strides = array<i32>} : memref<32x1024xf32, #tpu.memory_space<vmem>>, vector<1x16xf32>,
      %get3A_811 = vector.shape_cast %get3A_810 : vector<1x16xf32> to vector<16xf32>
      %get3A_812 = arith.index_cast %scan3A_56 : i32 to index
      %get3A_813 = arith.constant 496 : index
      %get3A_814 = tpu.vector_load %arg13[%get3A_812, %get3A_813] {strides = array<i32>} : memref<32x1024xf32, #tpu.memory_space<vmem>>, vector<1x16xf32>,
      %get3A_815 = vector.shape_cast %get3A_814 : vector<1x16xf32> to vector<16xf32>
      %add3A_816 = arith.addf %get3A_815, %get3A_807 : vector<16xf32>
      %sub3A_817 = arith.constant 1.000000e+00 : f32
      %sub3A_818 = vector.broadcast %sub3A_817 : f32 to vector<16xf32>
      %sub3A_819 = arith.subf %sub3A_818, %get3A_61 : vector<16xf32>
      %sub3A_820 = arith.subf %get3A_811, %get3A_807 : vector<16xf32>
      %mul3A_821 = arith.mulf %sub3A_819, %sub3A_820 : vector<16xf32>
      %add3A_822 = arith.addf %add3A_816, %mul3A_821 : vector<16xf32>
      %swap3A_823 = arith.index_cast %scan3A_56 : i32 to index
      %swap3A_824 = arith.constant 496 : index
      %swap3A_825 = tpu.vector_load %arg13[%swap3A_823, %swap3A_824] {strides = array<i32>} : memref<32x1024xf32, #tpu.memory_space<vmem>>, vector<1x16xf32>,
      %swap3A_826 = vector.shape_cast %swap3A_825 : vector<1x16xf32> to vector<16xf32>
      %swap3A_827 = vector.shape_cast %add3A_822 : vector<16xf32> to vector<1x16xf32>
      tpu.vector_store %arg13[%swap3A_823, %swap3A_824], %swap3A_827 {strides = array<i32>} : memref<32x1024xf32, #tpu.memory_space<vmem>>, vector<1x16xf32>,
      %get3A_828 = arith.index_cast %scan3A_56 : i32 to index
      %get3A_829 = arith.constant 512 : index
      %get3A_830 = tpu.vector_load %arg11[%get3A_828, %get3A_829] {strides = array<i32>} : memref<32x1024xf32, #tpu.memory_space<vmem>>, vector<1x16xf32>,
      %get3A_831 = vector.shape_cast %get3A_830 : vector<1x16xf32> to vector<16xf32>
      %get3A_832 = arith.index_cast %scan3A_56 : i32 to index
      %get3A_833 = arith.constant 512 : index
      %get3A_834 = tpu.vector_load %arg12[%get3A_832, %get3A_833] {strides = array<i32>} : memref<32x1024xf32, #tpu.memory_space<vmem>>, vector<1x16xf32>,
      %get3A_835 = vector.shape_cast %get3A_834 : vector<1x16xf32> to vector<16xf32>
      %get3A_836 = arith.index_cast %scan3A_56 : i32 to index
      %get3A_837 = arith.constant 512 : index
      %get3A_838 = tpu.vector_load %arg13[%get3A_836, %get3A_837] {strides = array<i32>} : memref<32x1024xf32, #tpu.memory_space<vmem>>, vector<1x16xf32>,
      %get3A_839 = vector.shape_cast %get3A_838 : vector<1x16xf32> to vector<16xf32>
      %add3A_840 = arith.addf %get3A_839, %get3A_831 : vector<16xf32>
      %sub3A_841 = arith.constant 1.000000e+00 : f32
      %sub3A_842 = vector.broadcast %sub3A_841 : f32 to vector<16xf32>
      %sub3A_843 = arith.subf %sub3A_842, %get3A_61 : vector<16xf32>
      %sub3A_844 = arith.subf %get3A_835, %get3A_831 : vector<16xf32>
      %mul3A_845 = arith.mulf %sub3A_843, %sub3A_844 : vector<16xf32>
      %add3A_846 = arith.addf %add3A_840, %mul3A_845 : vector<16xf32>
      %swap3A_847 = arith.index_cast %scan3A_56 : i32 to index
      %swap3A_848 = arith.constant 512 : index
      %swap3A_849 = tpu.vector_load %arg13[%swap3A_847, %swap3A_848] {strides = array<i32>} : memref<32x1024xf32, #tpu.memory_space<vmem>>, vector<1x16xf32>,
      %swap3A_850 = vector.shape_cast %swap3A_849 : vector<1x16xf32> to vector<16xf32>
      %swap3A_851 = vector.shape_cast %add3A_846 : vector<16xf32> to vector<1x16xf32>
      tpu.vector_store %arg13[%swap3A_847, %swap3A_848], %swap3A_851 {strides = array<i32>} : memref<32x1024xf32, #tpu.memory_space<vmem>>, vector<1x16xf32>,
      %get3A_852 = arith.index_cast %scan3A_56 : i32 to index
      %get3A_853 = arith.constant 528 : index
      %get3A_854 = tpu.vector_load %arg11[%get3A_852, %get3A_853] {strides = array<i32>} : memref<32x1024xf32, #tpu.memory_space<vmem>>, vector<1x16xf32>,
      %get3A_855 = vector.shape_cast %get3A_854 : vector<1x16xf32> to vector<16xf32>
      %get3A_856 = arith.index_cast %scan3A_56 : i32 to index
      %get3A_857 = arith.constant 528 : index
      %get3A_858 = tpu.vector_load %arg12[%get3A_856, %get3A_857] {strides = array<i32>} : memref<32x1024xf32, #tpu.memory_space<vmem>>, vector<1x16xf32>,
      %get3A_859 = vector.shape_cast %get3A_858 : vector<1x16xf32> to vector<16xf32>
      %get3A_860 = arith.index_cast %scan3A_56 : i32 to index
      %get3A_861 = arith.constant 528 : index
      %get3A_862 = tpu.vector_load %arg13[%get3A_860, %get3A_861] {strides = array<i32>} : memref<32x1024xf32, #tpu.memory_space<vmem>>, vector<1x16xf32>,
      %get3A_863 = vector.shape_cast %get3A_862 : vector<1x16xf32> to vector<16xf32>
      %add3A_864 = arith.addf %get3A_863, %get3A_855 : vector<16xf32>
      %sub3A_865 = arith.constant 1.000000e+00 : f32
      %sub3A_866 = vector.broadcast %sub3A_865 : f32 to vector<16xf32>
      %sub3A_867 = arith.subf %sub3A_866, %get3A_61 : vector<16xf32>
      %sub3A_868 = arith.subf %get3A_859, %get3A_855 : vector<16xf32>
      %mul3A_869 = arith.mulf %sub3A_867, %sub3A_868 : vector<16xf32>
      %add3A_870 = arith.addf %add3A_864, %mul3A_869 : vector<16xf32>
      %swap3A_871 = arith.index_cast %scan3A_56 : i32 to index
      %swap3A_872 = arith.constant 528 : index
      %swap3A_873 = tpu.vector_load %arg13[%swap3A_871, %swap3A_872] {strides = array<i32>} : memref<32x1024xf32, #tpu.memory_space<vmem>>, vector<1x16xf32>,
      %swap3A_874 = vector.shape_cast %swap3A_873 : vector<1x16xf32> to vector<16xf32>
      %swap3A_875 = vector.shape_cast %add3A_870 : vector<16xf32> to vector<1x16xf32>
      tpu.vector_store %arg13[%swap3A_871, %swap3A_872], %swap3A_875 {strides = array<i32>} : memref<32x1024xf32, #tpu.memory_space<vmem>>, vector<1x16xf32>,
      %get3A_876 = arith.index_cast %scan3A_56 : i32 to index
      %get3A_877 = arith.constant 544 : index
      %get3A_878 = tpu.vector_load %arg11[%get3A_876, %get3A_877] {strides = array<i32>} : memref<32x1024xf32, #tpu.memory_space<vmem>>, vector<1x16xf32>,
      %get3A_879 = vector.shape_cast %get3A_878 : vector<1x16xf32> to vector<16xf32>
      %get3A_880 = arith.index_cast %scan3A_56 : i32 to index
      %get3A_881 = arith.constant 544 : index
      %get3A_882 = tpu.vector_load %arg12[%get3A_880, %get3A_881] {strides = array<i32>} : memref<32x1024xf32, #tpu.memory_space<vmem>>, vector<1x16xf32>,
      %get3A_883 = vector.shape_cast %get3A_882 : vector<1x16xf32> to vector<16xf32>
      %get3A_884 = arith.index_cast %scan3A_56 : i32 to index
      %get3A_885 = arith.constant 544 : index
      %get3A_886 = tpu.vector_load %arg13[%get3A_884, %get3A_885] {strides = array<i32>} : memref<32x1024xf32, #tpu.memory_space<vmem>>, vector<1x16xf32>,
      %get3A_887 = vector.shape_cast %get3A_886 : vector<1x16xf32> to vector<16xf32>
      %add3A_888 = arith.addf %get3A_887, %get3A_879 : vector<16xf32>
      %sub3A_889 = arith.constant 1.000000e+00 : f32
      %sub3A_890 = vector.broadcast %sub3A_889 : f32 to vector<16xf32>
      %sub3A_891 = arith.subf %sub3A_890, %get3A_61 : vector<16xf32>
      %sub3A_892 = arith.subf %get3A_883, %get3A_879 : vector<16xf32>
      %mul3A_893 = arith.mulf %sub3A_891, %sub3A_892 : vector<16xf32>
      %add3A_894 = arith.addf %add3A_888, %mul3A_893 : vector<16xf32>
      %swap3A_895 = arith.index_cast %scan3A_56 : i32 to index
      %swap3A_896 = arith.constant 544 : index
      %swap3A_897 = tpu.vector_load %arg13[%swap3A_895, %swap3A_896] {strides = array<i32>} : memref<32x1024xf32, #tpu.memory_space<vmem>>, vector<1x16xf32>,
      %swap3A_898 = vector.shape_cast %swap3A_897 : vector<1x16xf32> to vector<16xf32>
      %swap3A_899 = vector.shape_cast %add3A_894 : vector<16xf32> to vector<1x16xf32>
      tpu.vector_store %arg13[%swap3A_895, %swap3A_896], %swap3A_899 {strides = array<i32>} : memref<32x1024xf32, #tpu.memory_space<vmem>>, vector<1x16xf32>,
      %get3A_900 = arith.index_cast %scan3A_56 : i32 to index
      %get3A_901 = arith.constant 560 : index
      %get3A_902 = tpu.vector_load %arg11[%get3A_900, %get3A_901] {strides = array<i32>} : memref<32x1024xf32, #tpu.memory_space<vmem>>, vector<1x16xf32>,
      %get3A_903 = vector.shape_cast %get3A_902 : vector<1x16xf32> to vector<16xf32>
      %get3A_904 = arith.index_cast %scan3A_56 : i32 to index
      %get3A_905 = arith.constant 560 : index
      %get3A_906 = tpu.vector_load %arg12[%get3A_904, %get3A_905] {strides = array<i32>} : memref<32x1024xf32, #tpu.memory_space<vmem>>, vector<1x16xf32>,
      %get3A_907 = vector.shape_cast %get3A_906 : vector<1x16xf32> to vector<16xf32>
      %get3A_908 = arith.index_cast %scan3A_56 : i32 to index
      %get3A_909 = arith.constant 560 : index
      %get3A_910 = tpu.vector_load %arg13[%get3A_908, %get3A_909] {strides = array<i32>} : memref<32x1024xf32, #tpu.memory_space<vmem>>, vector<1x16xf32>,
      %get3A_911 = vector.shape_cast %get3A_910 : vector<1x16xf32> to vector<16xf32>
      %add3A_912 = arith.addf %get3A_911, %get3A_903 : vector<16xf32>
      %sub3A_913 = arith.constant 1.000000e+00 : f32
      %sub3A_914 = vector.broadcast %sub3A_913 : f32 to vector<16xf32>
      %sub3A_915 = arith.subf %sub3A_914, %get3A_61 : vector<16xf32>
      %sub3A_916 = arith.subf %get3A_907, %get3A_903 : vector<16xf32>
      %mul3A_917 = arith.mulf %sub3A_915, %sub3A_916 : vector<16xf32>
      %add3A_918 = arith.addf %add3A_912, %mul3A_917 : vector<16xf32>
      %swap3A_919 = arith.index_cast %scan3A_56 : i32 to index
      %swap3A_920 = arith.constant 560 : index
      %swap3A_921 = tpu.vector_load %arg13[%swap3A_919, %swap3A_920] {strides = array<i32>} : memref<32x1024xf32, #tpu.memory_space<vmem>>, vector<1x16xf32>,
      %swap3A_922 = vector.shape_cast %swap3A_921 : vector<1x16xf32> to vector<16xf32>
      %swap3A_923 = vector.shape_cast %add3A_918 : vector<16xf32> to vector<1x16xf32>
      tpu.vector_store %arg13[%swap3A_919, %swap3A_920], %swap3A_923 {strides = array<i32>} : memref<32x1024xf32, #tpu.memory_space<vmem>>, vector<1x16xf32>,
      %get3A_924 = arith.index_cast %scan3A_56 : i32 to index
      %get3A_925 = arith.constant 576 : index
      %get3A_926 = tpu.vector_load %arg11[%get3A_924, %get3A_925] {strides = array<i32>} : memref<32x1024xf32, #tpu.memory_space<vmem>>, vector<1x16xf32>,
      %get3A_927 = vector.shape_cast %get3A_926 : vector<1x16xf32> to vector<16xf32>
      %get3A_928 = arith.index_cast %scan3A_56 : i32 to index
      %get3A_929 = arith.constant 576 : index
      %get3A_930 = tpu.vector_load %arg12[%get3A_928, %get3A_929] {strides = array<i32>} : memref<32x1024xf32, #tpu.memory_space<vmem>>, vector<1x16xf32>,
      %get3A_931 = vector.shape_cast %get3A_930 : vector<1x16xf32> to vector<16xf32>
      %get3A_932 = arith.index_cast %scan3A_56 : i32 to index
      %get3A_933 = arith.constant 576 : index
      %get3A_934 = tpu.vector_load %arg13[%get3A_932, %get3A_933] {strides = array<i32>} : memref<32x1024xf32, #tpu.memory_space<vmem>>, vector<1x16xf32>,
      %get3A_935 = vector.shape_cast %get3A_934 : vector<1x16xf32> to vector<16xf32>
      %add3A_936 = arith.addf %get3A_935, %get3A_927 : vector<16xf32>
      %sub3A_937 = arith.constant 1.000000e+00 : f32
      %sub3A_938 = vector.broadcast %sub3A_937 : f32 to vector<16xf32>
      %sub3A_939 = arith.subf %sub3A_938, %get3A_61 : vector<16xf32>
      %sub3A_940 = arith.subf %get3A_931, %get3A_927 : vector<16xf32>
      %mul3A_941 = arith.mulf %sub3A_939, %sub3A_940 : vector<16xf32>
      %add3A_942 = arith.addf %add3A_936, %mul3A_941 : vector<16xf32>
      %swap3A_943 = arith.index_cast %scan3A_56 : i32 to index
      %swap3A_944 = arith.constant 576 : index
      %swap3A_945 = tpu.vector_load %arg13[%swap3A_943, %swap3A_944] {strides = array<i32>} : memref<32x1024xf32, #tpu.memory_space<vmem>>, vector<1x16xf32>,
      %swap3A_946 = vector.shape_cast %swap3A_945 : vector<1x16xf32> to vector<16xf32>
      %swap3A_947 = vector.shape_cast %add3A_942 : vector<16xf32> to vector<1x16xf32>
      tpu.vector_store %arg13[%swap3A_943, %swap3A_944], %swap3A_947 {strides = array<i32>} : memref<32x1024xf32, #tpu.memory_space<vmem>>, vector<1x16xf32>,
      %get3A_948 = arith.index_cast %scan3A_56 : i32 to index
      %get3A_949 = arith.constant 592 : index
      %get3A_950 = tpu.vector_load %arg11[%get3A_948, %get3A_949] {strides = array<i32>} : memref<32x1024xf32, #tpu.memory_space<vmem>>, vector<1x16xf32>,
      %get3A_951 = vector.shape_cast %get3A_950 : vector<1x16xf32> to vector<16xf32>
      %get3A_952 = arith.index_cast %scan3A_56 : i32 to index
      %get3A_953 = arith.constant 592 : index
      %get3A_954 = tpu.vector_load %arg12[%get3A_952, %get3A_953] {strides = array<i32>} : memref<32x1024xf32, #tpu.memory_space<vmem>>, vector<1x16xf32>,
      %get3A_955 = vector.shape_cast %get3A_954 : vector<1x16xf32> to vector<16xf32>
      %get3A_956 = arith.index_cast %scan3A_56 : i32 to index
      %get3A_957 = arith.constant 592 : index
      %get3A_958 = tpu.vector_load %arg13[%get3A_956, %get3A_957] {strides = array<i32>} : memref<32x1024xf32, #tpu.memory_space<vmem>>, vector<1x16xf32>,
      %get3A_959 = vector.shape_cast %get3A_958 : vector<1x16xf32> to vector<16xf32>
      %add3A_960 = arith.addf %get3A_959, %get3A_951 : vector<16xf32>
      %sub3A_961 = arith.constant 1.000000e+00 : f32
      %sub3A_962 = vector.broadcast %sub3A_961 : f32 to vector<16xf32>
      %sub3A_963 = arith.subf %sub3A_962, %get3A_61 : vector<16xf32>
      %sub3A_964 = arith.subf %get3A_955, %get3A_951 : vector<16xf32>
      %mul3A_965 = arith.mulf %sub3A_963, %sub3A_964 : vector<16xf32>
      %add3A_966 = arith.addf %add3A_960, %mul3A_965 : vector<16xf32>
      %swap3A_967 = arith.index_cast %scan3A_56 : i32 to index
      %swap3A_968 = arith.constant 592 : index
      %swap3A_969 = tpu.vector_load %arg13[%swap3A_967, %swap3A_968] {strides = array<i32>} : memref<32x1024xf32, #tpu.memory_space<vmem>>, vector<1x16xf32>,
      %swap3A_970 = vector.shape_cast %swap3A_969 : vector<1x16xf32> to vector<16xf32>
      %swap3A_971 = vector.shape_cast %add3A_966 : vector<16xf32> to vector<1x16xf32>
      tpu.vector_store %arg13[%swap3A_967, %swap3A_968], %swap3A_971 {strides = array<i32>} : memref<32x1024xf32, #tpu.memory_space<vmem>>, vector<1x16xf32>,
      %get3A_972 = arith.index_cast %scan3A_56 : i32 to index
      %get3A_973 = arith.constant 608 : index
      %get3A_974 = tpu.vector_load %arg11[%get3A_972, %get3A_973] {strides = array<i32>} : memref<32x1024xf32, #tpu.memory_space<vmem>>, vector<1x16xf32>,
      %get3A_975 = vector.shape_cast %get3A_974 : vector<1x16xf32> to vector<16xf32>
      %get3A_976 = arith.index_cast %scan3A_56 : i32 to index
      %get3A_977 = arith.constant 608 : index
      %get3A_978 = tpu.vector_load %arg12[%get3A_976, %get3A_977] {strides = array<i32>} : memref<32x1024xf32, #tpu.memory_space<vmem>>, vector<1x16xf32>,
      %get3A_979 = vector.shape_cast %get3A_978 : vector<1x16xf32> to vector<16xf32>
      %get3A_980 = arith.index_cast %scan3A_56 : i32 to index
      %get3A_981 = arith.constant 608 : index
      %get3A_982 = tpu.vector_load %arg13[%get3A_980, %get3A_981] {strides = array<i32>} : memref<32x1024xf32, #tpu.memory_space<vmem>>, vector<1x16xf32>,
      %get3A_983 = vector.shape_cast %get3A_982 : vector<1x16xf32> to vector<16xf32>
      %add3A_984 = arith.addf %get3A_983, %get3A_975 : vector<16xf32>
      %sub3A_985 = arith.constant 1.000000e+00 : f32
      %sub3A_986 = vector.broadcast %sub3A_985 : f32 to vector<16xf32>
      %sub3A_987 = arith.subf %sub3A_986, %get3A_61 : vector<16xf32>
      %sub3A_988 = arith.subf %get3A_979, %get3A_975 : vector<16xf32>
      %mul3A_989 = arith.mulf %sub3A_987, %sub3A_988 : vector<16xf32>
      %add3A_990 = arith.addf %add3A_984, %mul3A_989 : vector<16xf32>
      %swap3A_991 = arith.index_cast %scan3A_56 : i32 to index
      %swap3A_992 = arith.constant 608 : index
      %swap3A_993 = tpu.vector_load %arg13[%swap3A_991, %swap3A_992] {strides = array<i32>} : memref<32x1024xf32, #tpu.memory_space<vmem>>, vector<1x16xf32>,
      %swap3A_994 = vector.shape_cast %swap3A_993 : vector<1x16xf32> to vector<16xf32>
      %swap3A_995 = vector.shape_cast %add3A_990 : vector<16xf32> to vector<1x16xf32>
      tpu.vector_store %arg13[%swap3A_991, %swap3A_992], %swap3A_995 {strides = array<i32>} : memref<32x1024xf32, #tpu.memory_space<vmem>>, vector<1x16xf32>,
      %get3A_996 = arith.index_cast %scan3A_56 : i32 to index
      %get3A_997 = arith.constant 624 : index
      %get3A_998 = tpu.vector_load %arg11[%get3A_996, %get3A_997] {strides = array<i32>} : memref<32x1024xf32, #tpu.memory_space<vmem>>, vector<1x16xf32>,
      %get3A_999 = vector.shape_cast %get3A_998 : vector<1x16xf32> to vector<16xf32>
      %get3A_1000 = arith.index_cast %scan3A_56 : i32 to index
      %get3A_1001 = arith.constant 624 : index
      %get3A_1002 = tpu.vector_load %arg12[%get3A_1000, %get3A_1001] {strides = array<i32>} : memref<32x1024xf32, #tpu.memory_space<vmem>>, vector<1x16xf32>,
      %get3A_1003 = vector.shape_cast %get3A_1002 : vector<1x16xf32> to vector<16xf32>
      %get3A_1004 = arith.index_cast %scan3A_56 : i32 to index
      %get3A_1005 = arith.constant 624 : index
      %get3A_1006 = tpu.vector_load %arg13[%get3A_1004, %get3A_1005] {strides = array<i32>} : memref<32x1024xf32, #tpu.memory_space<vmem>>, vector<1x16xf32>,
      %get3A_1007 = vector.shape_cast %get3A_1006 : vector<1x16xf32> to vector<16xf32>
      %add3A_1008 = arith.addf %get3A_1007, %get3A_999 : vector<16xf32>
      %sub3A_1009 = arith.constant 1.000000e+00 : f32
      %sub3A_1010 = vector.broadcast %sub3A_1009 : f32 to vector<16xf32>
      %sub3A_1011 = arith.subf %sub3A_1010, %get3A_61 : vector<16xf32>
      %sub3A_1012 = arith.subf %get3A_1003, %get3A_999 : vector<16xf32>
      %mul3A_1013 = arith.mulf %sub3A_1011, %sub3A_1012 : vector<16xf32>
      %add3A_1014 = arith.addf %add3A_1008, %mul3A_1013 : vector<16xf32>
      %swap3A_1015 = arith.index_cast %scan3A_56 : i32 to index
      %swap3A_1016 = arith.constant 624 : index
      %swap3A_1017 = tpu.vector_load %arg13[%swap3A_1015, %swap3A_1016] {strides = array<i32>} : memref<32x1024xf32, #tpu.memory_space<vmem>>, vector<1x16xf32>,
      %swap3A_1018 = vector.shape_cast %swap3A_1017 : vector<1x16xf32> to vector<16xf32>
      %swap3A_1019 = vector.shape_cast %add3A_1014 : vector<16xf32> to vector<1x16xf32>
      tpu.vector_store %arg13[%swap3A_1015, %swap3A_1016], %swap3A_1019 {strides = array<i32>} : memref<32x1024xf32, #tpu.memory_space<vmem>>, vector<1x16xf32>,
      %get3A_1020 = arith.index_cast %scan3A_56 : i32 to index
      %get3A_1021 = arith.constant 640 : index
      %get3A_1022 = tpu.vector_load %arg11[%get3A_1020, %get3A_1021] {strides = array<i32>} : memref<32x1024xf32, #tpu.memory_space<vmem>>, vector<1x16xf32>,
      %get3A_1023 = vector.shape_cast %get3A_1022 : vector<1x16xf32> to vector<16xf32>
      %get3A_1024 = arith.index_cast %scan3A_56 : i32 to index
      %get3A_1025 = arith.constant 640 : index
      %get3A_1026 = tpu.vector_load %arg12[%get3A_1024, %get3A_1025] {strides = array<i32>} : memref<32x1024xf32, #tpu.memory_space<vmem>>, vector<1x16xf32>,
      %get3A_1027 = vector.shape_cast %get3A_1026 : vector<1x16xf32> to vector<16xf32>
      %get3A_1028 = arith.index_cast %scan3A_56 : i32 to index
      %get3A_1029 = arith.constant 640 : index
      %get3A_1030 = tpu.vector_load %arg13[%get3A_1028, %get3A_1029] {strides = array<i32>} : memref<32x1024xf32, #tpu.memory_space<vmem>>, vector<1x16xf32>,
      %get3A_1031 = vector.shape_cast %get3A_1030 : vector<1x16xf32> to vector<16xf32>
      %add3A_1032 = arith.addf %get3A_1031, %get3A_1023 : vector<16xf32>
      %sub3A_1033 = arith.constant 1.000000e+00 : f32
      %sub3A_1034 = vector.broadcast %sub3A_1033 : f32 to vector<16xf32>
      %sub3A_1035 = arith.subf %sub3A_1034, %get3A_61 : vector<16xf32>
      %sub3A_1036 = arith.subf %get3A_1027, %get3A_1023 : vector<16xf32>
      %mul3A_1037 = arith.mulf %sub3A_1035, %sub3A_1036 : vector<16xf32>
      %add3A_1038 = arith.addf %add3A_1032, %mul3A_1037 : vector<16xf32>
      %swap3A_1039 = arith.index_cast %scan3A_56 : i32 to index
      %swap3A_1040 = arith.constant 640 : index
      %swap3A_1041 = tpu.vector_load %arg13[%swap3A_1039, %swap3A_1040] {strides = array<i32>} : memref<32x1024xf32, #tpu.memory_space<vmem>>, vector<1x16xf32>,
      %swap3A_1042 = vector.shape_cast %swap3A_1041 : vector<1x16xf32> to vector<16xf32>
      %swap3A_1043 = vector.shape_cast %add3A_1038 : vector<16xf32> to vector<1x16xf32>
      tpu.vector_store %arg13[%swap3A_1039, %swap3A_1040], %swap3A_1043 {strides = array<i32>} : memref<32x1024xf32, #tpu.memory_space<vmem>>, vector<1x16xf32>,
      %get3A_1044 = arith.index_cast %scan3A_56 : i32 to index
      %get3A_1045 = arith.constant 656 : index
      %get3A_1046 = tpu.vector_load %arg11[%get3A_1044, %get3A_1045] {strides = array<i32>} : memref<32x1024xf32, #tpu.memory_space<vmem>>, vector<1x16xf32>,
      %get3A_1047 = vector.shape_cast %get3A_1046 : vector<1x16xf32> to vector<16xf32>
      %get3A_1048 = arith.index_cast %scan3A_56 : i32 to index
      %get3A_1049 = arith.constant 656 : index
      %get3A_1050 = tpu.vector_load %arg12[%get3A_1048, %get3A_1049] {strides = array<i32>} : memref<32x1024xf32, #tpu.memory_space<vmem>>, vector<1x16xf32>,
      %get3A_1051 = vector.shape_cast %get3A_1050 : vector<1x16xf32> to vector<16xf32>
      %get3A_1052 = arith.index_cast %scan3A_56 : i32 to index
      %get3A_1053 = arith.constant 656 : index
      %get3A_1054 = tpu.vector_load %arg13[%get3A_1052, %get3A_1053] {strides = array<i32>} : memref<32x1024xf32, #tpu.memory_space<vmem>>, vector<1x16xf32>,
      %get3A_1055 = vector.shape_cast %get3A_1054 : vector<1x16xf32> to vector<16xf32>
      %add3A_1056 = arith.addf %get3A_1055, %get3A_1047 : vector<16xf32>
      %sub3A_1057 = arith.constant 1.000000e+00 : f32
      %sub3A_1058 = vector.broadcast %sub3A_1057 : f32 to vector<16xf32>
      %sub3A_1059 = arith.subf %sub3A_1058, %get3A_61 : vector<16xf32>
      %sub3A_1060 = arith.subf %get3A_1051, %get3A_1047 : vector<16xf32>
      %mul3A_1061 = arith.mulf %sub3A_1059, %sub3A_1060 : vector<16xf32>
      %add3A_1062 = arith.addf %add3A_1056, %mul3A_1061 : vector<16xf32>
      %swap3A_1063 = arith.index_cast %scan3A_56 : i32 to index
      %swap3A_1064 = arith.constant 656 : index
      %swap3A_1065 = tpu.vector_load %arg13[%swap3A_1063, %swap3A_1064] {strides = array<i32>} : memref<32x1024xf32, #tpu.memory_space<vmem>>, vector<1x16xf32>,
      %swap3A_1066 = vector.shape_cast %swap3A_1065 : vector<1x16xf32> to vector<16xf32>
      %swap3A_1067 = vector.shape_cast %add3A_1062 : vector<16xf32> to vector<1x16xf32>
      tpu.vector_store %arg13[%swap3A_1063, %swap3A_1064], %swap3A_1067 {strides = array<i32>} : memref<32x1024xf32, #tpu.memory_space<vmem>>, vector<1x16xf32>,
      %get3A_1068 = arith.index_cast %scan3A_56 : i32 to index
      %get3A_1069 = arith.constant 672 : index
      %get3A_1070 = tpu.vector_load %arg11[%get3A_1068, %get3A_1069] {strides = array<i32>} : memref<32x1024xf32, #tpu.memory_space<vmem>>, vector<1x16xf32>,
      %get3A_1071 = vector.shape_cast %get3A_1070 : vector<1x16xf32> to vector<16xf32>
      %get3A_1072 = arith.index_cast %scan3A_56 : i32 to index
      %get3A_1073 = arith.constant 672 : index
      %get3A_1074 = tpu.vector_load %arg12[%get3A_1072, %get3A_1073] {strides = array<i32>} : memref<32x1024xf32, #tpu.memory_space<vmem>>, vector<1x16xf32>,
      %get3A_1075 = vector.shape_cast %get3A_1074 : vector<1x16xf32> to vector<16xf32>
      %get3A_1076 = arith.index_cast %scan3A_56 : i32 to index
      %get3A_1077 = arith.constant 672 : index
      %get3A_1078 = tpu.vector_load %arg13[%get3A_1076, %get3A_1077] {strides = array<i32>} : memref<32x1024xf32, #tpu.memory_space<vmem>>, vector<1x16xf32>,
      %get3A_1079 = vector.shape_cast %get3A_1078 : vector<1x16xf32> to vector<16xf32>
      %add3A_1080 = arith.addf %get3A_1079, %get3A_1071 : vector<16xf32>
      %sub3A_1081 = arith.constant 1.000000e+00 : f32
      %sub3A_1082 = vector.broadcast %sub3A_1081 : f32 to vector<16xf32>
      %sub3A_1083 = arith.subf %sub3A_1082, %get3A_61 : vector<16xf32>
      %sub3A_1084 = arith.subf %get3A_1075, %get3A_1071 : vector<16xf32>
      %mul3A_1085 = arith.mulf %sub3A_1083, %sub3A_1084 : vector<16xf32>
      %add3A_1086 = arith.addf %add3A_1080, %mul3A_1085 : vector<16xf32>
      %swap3A_1087 = arith.index_cast %scan3A_56 : i32 to index
      %swap3A_1088 = arith.constant 672 : index
      %swap3A_1089 = tpu.vector_load %arg13[%swap3A_1087, %swap3A_1088] {strides = array<i32>} : memref<32x1024xf32, #tpu.memory_space<vmem>>, vector<1x16xf32>,
      %swap3A_1090 = vector.shape_cast %swap3A_1089 : vector<1x16xf32> to vector<16xf32>
      %swap3A_1091 = vector.shape_cast %add3A_1086 : vector<16xf32> to vector<1x16xf32>
      tpu.vector_store %arg13[%swap3A_1087, %swap3A_1088], %swap3A_1091 {strides = array<i32>} : memref<32x1024xf32, #tpu.memory_space<vmem>>, vector<1x16xf32>,
      %get3A_1092 = arith.index_cast %scan3A_56 : i32 to index
      %get3A_1093 = arith.constant 688 : index
      %get3A_1094 = tpu.vector_load %arg11[%get3A_1092, %get3A_1093] {strides = array<i32>} : memref<32x1024xf32, #tpu.memory_space<vmem>>, vector<1x16xf32>,
      %get3A_1095 = vector.shape_cast %get3A_1094 : vector<1x16xf32> to vector<16xf32>
      %get3A_1096 = arith.index_cast %scan3A_56 : i32 to index
      %get3A_1097 = arith.constant 688 : index
      %get3A_1098 = tpu.vector_load %arg12[%get3A_1096, %get3A_1097] {strides = array<i32>} : memref<32x1024xf32, #tpu.memory_space<vmem>>, vector<1x16xf32>,
      %get3A_1099 = vector.shape_cast %get3A_1098 : vector<1x16xf32> to vector<16xf32>
      %get3A_1100 = arith.index_cast %scan3A_56 : i32 to index
      %get3A_1101 = arith.constant 688 : index
      %get3A_1102 = tpu.vector_load %arg13[%get3A_1100, %get3A_1101] {strides = array<i32>} : memref<32x1024xf32, #tpu.memory_space<vmem>>, vector<1x16xf32>,
      %get3A_1103 = vector.shape_cast %get3A_1102 : vector<1x16xf32> to vector<16xf32>
      %add3A_1104 = arith.addf %get3A_1103, %get3A_1095 : vector<16xf32>
      %sub3A_1105 = arith.constant 1.000000e+00 : f32
      %sub3A_1106 = vector.broadcast %sub3A_1105 : f32 to vector<16xf32>
      %sub3A_1107 = arith.subf %sub3A_1106, %get3A_61 : vector<16xf32>
      %sub3A_1108 = arith.subf %get3A_1099, %get3A_1095 : vector<16xf32>
      %mul3A_1109 = arith.mulf %sub3A_1107, %sub3A_1108 : vector<16xf32>
      %add3A_1110 = arith.addf %add3A_1104, %mul3A_1109 : vector<16xf32>
      %swap3A_1111 = arith.index_cast %scan3A_56 : i32 to index
      %swap3A_1112 = arith.constant 688 : index
      %swap3A_1113 = tpu.vector_load %arg13[%swap3A_1111, %swap3A_1112] {strides = array<i32>} : memref<32x1024xf32, #tpu.memory_space<vmem>>, vector<1x16xf32>,
      %swap3A_1114 = vector.shape_cast %swap3A_1113 : vector<1x16xf32> to vector<16xf32>
      %swap3A_1115 = vector.shape_cast %add3A_1110 : vector<16xf32> to vector<1x16xf32>
      tpu.vector_store %arg13[%swap3A_1111, %swap3A_1112], %swap3A_1115 {strides = array<i32>} : memref<32x1024xf32, #tpu.memory_space<vmem>>, vector<1x16xf32>,
      %get3A_1116 = arith.index_cast %scan3A_56 : i32 to index
      %get3A_1117 = arith.constant 704 : index
      %get3A_1118 = tpu.vector_load %arg11[%get3A_1116, %get3A_1117] {strides = array<i32>} : memref<32x1024xf32, #tpu.memory_space<vmem>>, vector<1x16xf32>,
      %get3A_1119 = vector.shape_cast %get3A_1118 : vector<1x16xf32> to vector<16xf32>
      %get3A_1120 = arith.index_cast %scan3A_56 : i32 to index
      %get3A_1121 = arith.constant 704 : index
      %get3A_1122 = tpu.vector_load %arg12[%get3A_1120, %get3A_1121] {strides = array<i32>} : memref<32x1024xf32, #tpu.memory_space<vmem>>, vector<1x16xf32>,
      %get3A_1123 = vector.shape_cast %get3A_1122 : vector<1x16xf32> to vector<16xf32>
      %get3A_1124 = arith.index_cast %scan3A_56 : i32 to index
      %get3A_1125 = arith.constant 704 : index
      %get3A_1126 = tpu.vector_load %arg13[%get3A_1124, %get3A_1125] {strides = array<i32>} : memref<32x1024xf32, #tpu.memory_space<vmem>>, vector<1x16xf32>,
      %get3A_1127 = vector.shape_cast %get3A_1126 : vector<1x16xf32> to vector<16xf32>
      %add3A_1128 = arith.addf %get3A_1127, %get3A_1119 : vector<16xf32>
      %sub3A_1129 = arith.constant 1.000000e+00 : f32
      %sub3A_1130 = vector.broadcast %sub3A_1129 : f32 to vector<16xf32>
      %sub3A_1131 = arith.subf %sub3A_1130, %get3A_61 : vector<16xf32>
      %sub3A_1132 = arith.subf %get3A_1123, %get3A_1119 : vector<16xf32>
      %mul3A_1133 = arith.mulf %sub3A_1131, %sub3A_1132 : vector<16xf32>
      %add3A_1134 = arith.addf %add3A_1128, %mul3A_1133 : vector<16xf32>
      %swap3A_1135 = arith.index_cast %scan3A_56 : i32 to index
      %swap3A_1136 = arith.constant 704 : index
      %swap3A_1137 = tpu.vector_load %arg13[%swap3A_1135, %swap3A_1136] {strides = array<i32>} : memref<32x1024xf32, #tpu.memory_space<vmem>>, vector<1x16xf32>,
      %swap3A_1138 = vector.shape_cast %swap3A_1137 : vector<1x16xf32> to vector<16xf32>
      %swap3A_1139 = vector.shape_cast %add3A_1134 : vector<16xf32> to vector<1x16xf32>
      tpu.vector_store %arg13[%swap3A_1135, %swap3A_1136], %swap3A_1139 {strides = array<i32>} : memref<32x1024xf32, #tpu.memory_space<vmem>>, vector<1x16xf32>,
      %get3A_1140 = arith.index_cast %scan3A_56 : i32 to index
      %get3A_1141 = arith.constant 720 : index
      %get3A_1142 = tpu.vector_load %arg11[%get3A_1140, %get3A_1141] {strides = array<i32>} : memref<32x1024xf32, #tpu.memory_space<vmem>>, vector<1x16xf32>,
      %get3A_1143 = vector.shape_cast %get3A_1142 : vector<1x16xf32> to vector<16xf32>
      %get3A_1144 = arith.index_cast %scan3A_56 : i32 to index
      %get3A_1145 = arith.constant 720 : index
      %get3A_1146 = tpu.vector_load %arg12[%get3A_1144, %get3A_1145] {strides = array<i32>} : memref<32x1024xf32, #tpu.memory_space<vmem>>, vector<1x16xf32>,
      %get3A_1147 = vector.shape_cast %get3A_1146 : vector<1x16xf32> to vector<16xf32>
      %get3A_1148 = arith.index_cast %scan3A_56 : i32 to index
      %get3A_1149 = arith.constant 720 : index
      %get3A_1150 = tpu.vector_load %arg13[%get3A_1148, %get3A_1149] {strides = array<i32>} : memref<32x1024xf32, #tpu.memory_space<vmem>>, vector<1x16xf32>,
      %get3A_1151 = vector.shape_cast %get3A_1150 : vector<1x16xf32> to vector<16xf32>
      %add3A_1152 = arith.addf %get3A_1151, %get3A_1143 : vector<16xf32>
      %sub3A_1153 = arith.constant 1.000000e+00 : f32
      %sub3A_1154 = vector.broadcast %sub3A_1153 : f32 to vector<16xf32>
      %sub3A_1155 = arith.subf %sub3A_1154, %get3A_61 : vector<16xf32>
      %sub3A_1156 = arith.subf %get3A_1147, %get3A_1143 : vector<16xf32>
      %mul3A_1157 = arith.mulf %sub3A_1155, %sub3A_1156 : vector<16xf32>
      %add3A_1158 = arith.addf %add3A_1152, %mul3A_1157 : vector<16xf32>
      %swap3A_1159 = arith.index_cast %scan3A_56 : i32 to index
      %swap3A_1160 = arith.constant 720 : index
      %swap3A_1161 = tpu.vector_load %arg13[%swap3A_1159, %swap3A_1160] {strides = array<i32>} : memref<32x1024xf32, #tpu.memory_space<vmem>>, vector<1x16xf32>,
      %swap3A_1162 = vector.shape_cast %swap3A_1161 : vector<1x16xf32> to vector<16xf32>
      %swap3A_1163 = vector.shape_cast %add3A_1158 : vector<16xf32> to vector<1x16xf32>
      tpu.vector_store %arg13[%swap3A_1159, %swap3A_1160], %swap3A_1163 {strides = array<i32>} : memref<32x1024xf32, #tpu.memory_space<vmem>>, vector<1x16xf32>,
      %get3A_1164 = arith.index_cast %scan3A_56 : i32 to index
      %get3A_1165 = arith.constant 736 : index
      %get3A_1166 = tpu.vector_load %arg11[%get3A_1164, %get3A_1165] {strides = array<i32>} : memref<32x1024xf32, #tpu.memory_space<vmem>>, vector<1x16xf32>,
      %get3A_1167 = vector.shape_cast %get3A_1166 : vector<1x16xf32> to vector<16xf32>
      %get3A_1168 = arith.index_cast %scan3A_56 : i32 to index
      %get3A_1169 = arith.constant 736 : index
      %get3A_1170 = tpu.vector_load %arg12[%get3A_1168, %get3A_1169] {strides = array<i32>} : memref<32x1024xf32, #tpu.memory_space<vmem>>, vector<1x16xf32>,
      %get3A_1171 = vector.shape_cast %get3A_1170 : vector<1x16xf32> to vector<16xf32>
      %get3A_1172 = arith.index_cast %scan3A_56 : i32 to index
      %get3A_1173 = arith.constant 736 : index
      %get3A_1174 = tpu.vector_load %arg13[%get3A_1172, %get3A_1173] {strides = array<i32>} : memref<32x1024xf32, #tpu.memory_space<vmem>>, vector<1x16xf32>,
      %get3A_1175 = vector.shape_cast %get3A_1174 : vector<1x16xf32> to vector<16xf32>
      %add3A_1176 = arith.addf %get3A_1175, %get3A_1167 : vector<16xf32>
      %sub3A_1177 = arith.constant 1.000000e+00 : f32
      %sub3A_1178 = vector.broadcast %sub3A_1177 : f32 to vector<16xf32>
      %sub3A_1179 = arith.subf %sub3A_1178, %get3A_61 : vector<16xf32>
      %sub3A_1180 = arith.subf %get3A_1171, %get3A_1167 : vector<16xf32>
      %mul3A_1181 = arith.mulf %sub3A_1179, %sub3A_1180 : vector<16xf32>
      %add3A_1182 = arith.addf %add3A_1176, %mul3A_1181 : vector<16xf32>
      %swap3A_1183 = arith.index_cast %scan3A_56 : i32 to index
      %swap3A_1184 = arith.constant 736 : index
      %swap3A_1185 = tpu.vector_load %arg13[%swap3A_1183, %swap3A_1184] {strides = array<i32>} : memref<32x1024xf32, #tpu.memory_space<vmem>>, vector<1x16xf32>,
      %swap3A_1186 = vector.shape_cast %swap3A_1185 : vector<1x16xf32> to vector<16xf32>
      %swap3A_1187 = vector.shape_cast %add3A_1182 : vector<16xf32> to vector<1x16xf32>
      tpu.vector_store %arg13[%swap3A_1183, %swap3A_1184], %swap3A_1187 {strides = array<i32>} : memref<32x1024xf32, #tpu.memory_space<vmem>>, vector<1x16xf32>,
      %get3A_1188 = arith.index_cast %scan3A_56 : i32 to index
      %get3A_1189 = arith.constant 752 : index
      %get3A_1190 = tpu.vector_load %arg11[%get3A_1188, %get3A_1189] {strides = array<i32>} : memref<32x1024xf32, #tpu.memory_space<vmem>>, vector<1x16xf32>,
      %get3A_1191 = vector.shape_cast %get3A_1190 : vector<1x16xf32> to vector<16xf32>
      %get3A_1192 = arith.index_cast %scan3A_56 : i32 to index
      %get3A_1193 = arith.constant 752 : index
      %get3A_1194 = tpu.vector_load %arg12[%get3A_1192, %get3A_1193] {strides = array<i32>} : memref<32x1024xf32, #tpu.memory_space<vmem>>, vector<1x16xf32>,
      %get3A_1195 = vector.shape_cast %get3A_1194 : vector<1x16xf32> to vector<16xf32>
      %get3A_1196 = arith.index_cast %scan3A_56 : i32 to index
      %get3A_1197 = arith.constant 752 : index
      %get3A_1198 = tpu.vector_load %arg13[%get3A_1196, %get3A_1197] {strides = array<i32>} : memref<32x1024xf32, #tpu.memory_space<vmem>>, vector<1x16xf32>,
      %get3A_1199 = vector.shape_cast %get3A_1198 : vector<1x16xf32> to vector<16xf32>
      %add3A_1200 = arith.addf %get3A_1199, %get3A_1191 : vector<16xf32>
      %sub3A_1201 = arith.constant 1.000000e+00 : f32
      %sub3A_1202 = vector.broadcast %sub3A_1201 : f32 to vector<16xf32>
      %sub3A_1203 = arith.subf %sub3A_1202, %get3A_61 : vector<16xf32>
      %sub3A_1204 = arith.subf %get3A_1195, %get3A_1191 : vector<16xf32>
      %mul3A_1205 = arith.mulf %sub3A_1203, %sub3A_1204 : vector<16xf32>
      %add3A_1206 = arith.addf %add3A_1200, %mul3A_1205 : vector<16xf32>
      %swap3A_1207 = arith.index_cast %scan3A_56 : i32 to index
      %swap3A_1208 = arith.constant 752 : index
      %swap3A_1209 = tpu.vector_load %arg13[%swap3A_1207, %swap3A_1208] {strides = array<i32>} : memref<32x1024xf32, #tpu.memory_space<vmem>>, vector<1x16xf32>,
      %swap3A_1210 = vector.shape_cast %swap3A_1209 : vector<1x16xf32> to vector<16xf32>
      %swap3A_1211 = vector.shape_cast %add3A_1206 : vector<16xf32> to vector<1x16xf32>
      tpu.vector_store %arg13[%swap3A_1207, %swap3A_1208], %swap3A_1211 {strides = array<i32>} : memref<32x1024xf32, #tpu.memory_space<vmem>>, vector<1x16xf32>,
      %get3A_1212 = arith.index_cast %scan3A_56 : i32 to index
      %get3A_1213 = arith.constant 768 : index
      %get3A_1214 = tpu.vector_load %arg11[%get3A_1212, %get3A_1213] {strides = array<i32>} : memref<32x1024xf32, #tpu.memory_space<vmem>>, vector<1x16xf32>,
      %get3A_1215 = vector.shape_cast %get3A_1214 : vector<1x16xf32> to vector<16xf32>
      %get3A_1216 = arith.index_cast %scan3A_56 : i32 to index
      %get3A_1217 = arith.constant 768 : index
      %get3A_1218 = tpu.vector_load %arg12[%get3A_1216, %get3A_1217] {strides = array<i32>} : memref<32x1024xf32, #tpu.memory_space<vmem>>, vector<1x16xf32>,
      %get3A_1219 = vector.shape_cast %get3A_1218 : vector<1x16xf32> to vector<16xf32>
      %get3A_1220 = arith.index_cast %scan3A_56 : i32 to index
      %get3A_1221 = arith.constant 768 : index
      %get3A_1222 = tpu.vector_load %arg13[%get3A_1220, %get3A_1221] {strides = array<i32>} : memref<32x1024xf32, #tpu.memory_space<vmem>>, vector<1x16xf32>,
      %get3A_1223 = vector.shape_cast %get3A_1222 : vector<1x16xf32> to vector<16xf32>
      %add3A_1224 = arith.addf %get3A_1223, %get3A_1215 : vector<16xf32>
      %sub3A_1225 = arith.constant 1.000000e+00 : f32
      %sub3A_1226 = vector.broadcast %sub3A_1225 : f32 to vector<16xf32>
      %sub3A_1227 = arith.subf %sub3A_1226, %get3A_61 : vector<16xf32>
      %sub3A_1228 = arith.subf %get3A_1219, %get3A_1215 : vector<16xf32>
      %mul3A_1229 = arith.mulf %sub3A_1227, %sub3A_1228 : vector<16xf32>
      %add3A_1230 = arith.addf %add3A_1224, %mul3A_1229 : vector<16xf32>
      %swap3A_1231 = arith.index_cast %scan3A_56 : i32 to index
      %swap3A_1232 = arith.constant 768 : index
      %swap3A_1233 = tpu.vector_load %arg13[%swap3A_1231, %swap3A_1232] {strides = array<i32>} : memref<32x1024xf32, #tpu.memory_space<vmem>>, vector<1x16xf32>,
      %swap3A_1234 = vector.shape_cast %swap3A_1233 : vector<1x16xf32> to vector<16xf32>
      %swap3A_1235 = vector.shape_cast %add3A_1230 : vector<16xf32> to vector<1x16xf32>
      tpu.vector_store %arg13[%swap3A_1231, %swap3A_1232], %swap3A_1235 {strides = array<i32>} : memref<32x1024xf32, #tpu.memory_space<vmem>>, vector<1x16xf32>,
      %get3A_1236 = arith.index_cast %scan3A_56 : i32 to index
      %get3A_1237 = arith.constant 784 : index
      %get3A_1238 = tpu.vector_load %arg11[%get3A_1236, %get3A_1237] {strides = array<i32>} : memref<32x1024xf32, #tpu.memory_space<vmem>>, vector<1x16xf32>,
      %get3A_1239 = vector.shape_cast %get3A_1238 : vector<1x16xf32> to vector<16xf32>
      %get3A_1240 = arith.index_cast %scan3A_56 : i32 to index
      %get3A_1241 = arith.constant 784 : index
      %get3A_1242 = tpu.vector_load %arg12[%get3A_1240, %get3A_1241] {strides = array<i32>} : memref<32x1024xf32, #tpu.memory_space<vmem>>, vector<1x16xf32>,
      %get3A_1243 = vector.shape_cast %get3A_1242 : vector<1x16xf32> to vector<16xf32>
      %get3A_1244 = arith.index_cast %scan3A_56 : i32 to index
      %get3A_1245 = arith.constant 784 : index
      %get3A_1246 = tpu.vector_load %arg13[%get3A_1244, %get3A_1245] {strides = array<i32>} : memref<32x1024xf32, #tpu.memory_space<vmem>>, vector<1x16xf32>,
      %get3A_1247 = vector.shape_cast %get3A_1246 : vector<1x16xf32> to vector<16xf32>
      %add3A_1248 = arith.addf %get3A_1247, %get3A_1239 : vector<16xf32>
      %sub3A_1249 = arith.constant 1.000000e+00 : f32
      %sub3A_1250 = vector.broadcast %sub3A_1249 : f32 to vector<16xf32>
      %sub3A_1251 = arith.subf %sub3A_1250, %get3A_61 : vector<16xf32>
      %sub3A_1252 = arith.subf %get3A_1243, %get3A_1239 : vector<16xf32>
      %mul3A_1253 = arith.mulf %sub3A_1251, %sub3A_1252 : vector<16xf32>
      %add3A_1254 = arith.addf %add3A_1248, %mul3A_1253 : vector<16xf32>
      %swap3A_1255 = arith.index_cast %scan3A_56 : i32 to index
      %swap3A_1256 = arith.constant 784 : index
      %swap3A_1257 = tpu.vector_load %arg13[%swap3A_1255, %swap3A_1256] {strides = array<i32>} : memref<32x1024xf32, #tpu.memory_space<vmem>>, vector<1x16xf32>,
      %swap3A_1258 = vector.shape_cast %swap3A_1257 : vector<1x16xf32> to vector<16xf32>
      %swap3A_1259 = vector.shape_cast %add3A_1254 : vector<16xf32> to vector<1x16xf32>
      tpu.vector_store %arg13[%swap3A_1255, %swap3A_1256], %swap3A_1259 {strides = array<i32>} : memref<32x1024xf32, #tpu.memory_space<vmem>>, vector<1x16xf32>,
      %get3A_1260 = arith.index_cast %scan3A_56 : i32 to index
      %get3A_1261 = arith.constant 800 : index
      %get3A_1262 = tpu.vector_load %arg11[%get3A_1260, %get3A_1261] {strides = array<i32>} : memref<32x1024xf32, #tpu.memory_space<vmem>>, vector<1x16xf32>,
      %get3A_1263 = vector.shape_cast %get3A_1262 : vector<1x16xf32> to vector<16xf32>
      %get3A_1264 = arith.index_cast %scan3A_56 : i32 to index
      %get3A_1265 = arith.constant 800 : index
      %get3A_1266 = tpu.vector_load %arg12[%get3A_1264, %get3A_1265] {strides = array<i32>} : memref<32x1024xf32, #tpu.memory_space<vmem>>, vector<1x16xf32>,
      %get3A_1267 = vector.shape_cast %get3A_1266 : vector<1x16xf32> to vector<16xf32>
      %get3A_1268 = arith.index_cast %scan3A_56 : i32 to index
      %get3A_1269 = arith.constant 800 : index
      %get3A_1270 = tpu.vector_load %arg13[%get3A_1268, %get3A_1269] {strides = array<i32>} : memref<32x1024xf32, #tpu.memory_space<vmem>>, vector<1x16xf32>,
      %get3A_1271 = vector.shape_cast %get3A_1270 : vector<1x16xf32> to vector<16xf32>
      %add3A_1272 = arith.addf %get3A_1271, %get3A_1263 : vector<16xf32>
      %sub3A_1273 = arith.constant 1.000000e+00 : f32
      %sub3A_1274 = vector.broadcast %sub3A_1273 : f32 to vector<16xf32>
      %sub3A_1275 = arith.subf %sub3A_1274, %get3A_61 : vector<16xf32>
      %sub3A_1276 = arith.subf %get3A_1267, %get3A_1263 : vector<16xf32>
      %mul3A_1277 = arith.mulf %sub3A_1275, %sub3A_1276 : vector<16xf32>
      %add3A_1278 = arith.addf %add3A_1272, %mul3A_1277 : vector<16xf32>
      %swap3A_1279 = arith.index_cast %scan3A_56 : i32 to index
      %swap3A_1280 = arith.constant 800 : index
      %swap3A_1281 = tpu.vector_load %arg13[%swap3A_1279, %swap3A_1280] {strides = array<i32>} : memref<32x1024xf32, #tpu.memory_space<vmem>>, vector<1x16xf32>,
      %swap3A_1282 = vector.shape_cast %swap3A_1281 : vector<1x16xf32> to vector<16xf32>
      %swap3A_1283 = vector.shape_cast %add3A_1278 : vector<16xf32> to vector<1x16xf32>
      tpu.vector_store %arg13[%swap3A_1279, %swap3A_1280], %swap3A_1283 {strides = array<i32>} : memref<32x1024xf32, #tpu.memory_space<vmem>>, vector<1x16xf32>,
      %get3A_1284 = arith.index_cast %scan3A_56 : i32 to index
      %get3A_1285 = arith.constant 816 : index
      %get3A_1286 = tpu.vector_load %arg11[%get3A_1284, %get3A_1285] {strides = array<i32>} : memref<32x1024xf32, #tpu.memory_space<vmem>>, vector<1x16xf32>,
      %get3A_1287 = vector.shape_cast %get3A_1286 : vector<1x16xf32> to vector<16xf32>
      %get3A_1288 = arith.index_cast %scan3A_56 : i32 to index
      %get3A_1289 = arith.constant 816 : index
      %get3A_1290 = tpu.vector_load %arg12[%get3A_1288, %get3A_1289] {strides = array<i32>} : memref<32x1024xf32, #tpu.memory_space<vmem>>, vector<1x16xf32>,
      %get3A_1291 = vector.shape_cast %get3A_1290 : vector<1x16xf32> to vector<16xf32>
      %get3A_1292 = arith.index_cast %scan3A_56 : i32 to index
      %get3A_1293 = arith.constant 816 : index
      %get3A_1294 = tpu.vector_load %arg13[%get3A_1292, %get3A_1293] {strides = array<i32>} : memref<32x1024xf32, #tpu.memory_space<vmem>>, vector<1x16xf32>,
      %get3A_1295 = vector.shape_cast %get3A_1294 : vector<1x16xf32> to vector<16xf32>
      %add3A_1296 = arith.addf %get3A_1295, %get3A_1287 : vector<16xf32>
      %sub3A_1297 = arith.constant 1.000000e+00 : f32
      %sub3A_1298 = vector.broadcast %sub3A_1297 : f32 to vector<16xf32>
      %sub3A_1299 = arith.subf %sub3A_1298, %get3A_61 : vector<16xf32>
      %sub3A_1300 = arith.subf %get3A_1291, %get3A_1287 : vector<16xf32>
      %mul3A_1301 = arith.mulf %sub3A_1299, %sub3A_1300 : vector<16xf32>
      %add3A_1302 = arith.addf %add3A_1296, %mul3A_1301 : vector<16xf32>
      %swap3A_1303 = arith.index_cast %scan3A_56 : i32 to index
      %swap3A_1304 = arith.constant 816 : index
      %swap3A_1305 = tpu.vector_load %arg13[%swap3A_1303, %swap3A_1304] {strides = array<i32>} : memref<32x1024xf32, #tpu.memory_space<vmem>>, vector<1x16xf32>,
      %swap3A_1306 = vector.shape_cast %swap3A_1305 : vector<1x16xf32> to vector<16xf32>
      %swap3A_1307 = vector.shape_cast %add3A_1302 : vector<16xf32> to vector<1x16xf32>
      tpu.vector_store %arg13[%swap3A_1303, %swap3A_1304], %swap3A_1307 {strides = array<i32>} : memref<32x1024xf32, #tpu.memory_space<vmem>>, vector<1x16xf32>,
      %get3A_1308 = arith.index_cast %scan3A_56 : i32 to index
      %get3A_1309 = arith.constant 832 : index
      %get3A_1310 = tpu.vector_load %arg11[%get3A_1308, %get3A_1309] {strides = array<i32>} : memref<32x1024xf32, #tpu.memory_space<vmem>>, vector<1x16xf32>,
      %get3A_1311 = vector.shape_cast %get3A_1310 : vector<1x16xf32> to vector<16xf32>
      %get3A_1312 = arith.index_cast %scan3A_56 : i32 to index
      %get3A_1313 = arith.constant 832 : index
      %get3A_1314 = tpu.vector_load %arg12[%get3A_1312, %get3A_1313] {strides = array<i32>} : memref<32x1024xf32, #tpu.memory_space<vmem>>, vector<1x16xf32>,
      %get3A_1315 = vector.shape_cast %get3A_1314 : vector<1x16xf32> to vector<16xf32>
      %get3A_1316 = arith.index_cast %scan3A_56 : i32 to index
      %get3A_1317 = arith.constant 832 : index
      %get3A_1318 = tpu.vector_load %arg13[%get3A_1316, %get3A_1317] {strides = array<i32>} : memref<32x1024xf32, #tpu.memory_space<vmem>>, vector<1x16xf32>,
      %get3A_1319 = vector.shape_cast %get3A_1318 : vector<1x16xf32> to vector<16xf32>
      %add3A_1320 = arith.addf %get3A_1319, %get3A_1311 : vector<16xf32>
      %sub3A_1321 = arith.constant 1.000000e+00 : f32
      %sub3A_1322 = vector.broadcast %sub3A_1321 : f32 to vector<16xf32>
      %sub3A_1323 = arith.subf %sub3A_1322, %get3A_61 : vector<16xf32>
      %sub3A_1324 = arith.subf %get3A_1315, %get3A_1311 : vector<16xf32>
      %mul3A_1325 = arith.mulf %sub3A_1323, %sub3A_1324 : vector<16xf32>
      %add3A_1326 = arith.addf %add3A_1320, %mul3A_1325 : vector<16xf32>
      %swap3A_1327 = arith.index_cast %scan3A_56 : i32 to index
      %swap3A_1328 = arith.constant 832 : index
      %swap3A_1329 = tpu.vector_load %arg13[%swap3A_1327, %swap3A_1328] {strides = array<i32>} : memref<32x1024xf32, #tpu.memory_space<vmem>>, vector<1x16xf32>,
      %swap3A_1330 = vector.shape_cast %swap3A_1329 : vector<1x16xf32> to vector<16xf32>
      %swap3A_1331 = vector.shape_cast %add3A_1326 : vector<16xf32> to vector<1x16xf32>
      tpu.vector_store %arg13[%swap3A_1327, %swap3A_1328], %swap3A_1331 {strides = array<i32>} : memref<32x1024xf32, #tpu.memory_space<vmem>>, vector<1x16xf32>,
      %get3A_1332 = arith.index_cast %scan3A_56 : i32 to index
      %get3A_1333 = arith.constant 848 : index
      %get3A_1334 = tpu.vector_load %arg11[%get3A_1332, %get3A_1333] {strides = array<i32>} : memref<32x1024xf32, #tpu.memory_space<vmem>>, vector<1x16xf32>,
      %get3A_1335 = vector.shape_cast %get3A_1334 : vector<1x16xf32> to vector<16xf32>
      %get3A_1336 = arith.index_cast %scan3A_56 : i32 to index
      %get3A_1337 = arith.constant 848 : index
      %get3A_1338 = tpu.vector_load %arg12[%get3A_1336, %get3A_1337] {strides = array<i32>} : memref<32x1024xf32, #tpu.memory_space<vmem>>, vector<1x16xf32>,
      %get3A_1339 = vector.shape_cast %get3A_1338 : vector<1x16xf32> to vector<16xf32>
      %get3A_1340 = arith.index_cast %scan3A_56 : i32 to index
      %get3A_1341 = arith.constant 848 : index
      %get3A_1342 = tpu.vector_load %arg13[%get3A_1340, %get3A_1341] {strides = array<i32>} : memref<32x1024xf32, #tpu.memory_space<vmem>>, vector<1x16xf32>,
      %get3A_1343 = vector.shape_cast %get3A_1342 : vector<1x16xf32> to vector<16xf32>
      %add3A_1344 = arith.addf %get3A_1343, %get3A_1335 : vector<16xf32>
      %sub3A_1345 = arith.constant 1.000000e+00 : f32
      %sub3A_1346 = vector.broadcast %sub3A_1345 : f32 to vector<16xf32>
      %sub3A_1347 = arith.subf %sub3A_1346, %get3A_61 : vector<16xf32>
      %sub3A_1348 = arith.subf %get3A_1339, %get3A_1335 : vector<16xf32>
      %mul3A_1349 = arith.mulf %sub3A_1347, %sub3A_1348 : vector<16xf32>
      %add3A_1350 = arith.addf %add3A_1344, %mul3A_1349 : vector<16xf32>
      %swap3A_1351 = arith.index_cast %scan3A_56 : i32 to index
      %swap3A_1352 = arith.constant 848 : index
      %swap3A_1353 = tpu.vector_load %arg13[%swap3A_1351, %swap3A_1352] {strides = array<i32>} : memref<32x1024xf32, #tpu.memory_space<vmem>>, vector<1x16xf32>,
      %swap3A_1354 = vector.shape_cast %swap3A_1353 : vector<1x16xf32> to vector<16xf32>
      %swap3A_1355 = vector.shape_cast %add3A_1350 : vector<16xf32> to vector<1x16xf32>
      tpu.vector_store %arg13[%swap3A_1351, %swap3A_1352], %swap3A_1355 {strides = array<i32>} : memref<32x1024xf32, #tpu.memory_space<vmem>>, vector<1x16xf32>,
      %get3A_1356 = arith.index_cast %scan3A_56 : i32 to index
      %get3A_1357 = arith.constant 864 : index
      %get3A_1358 = tpu.vector_load %arg11[%get3A_1356, %get3A_1357] {strides = array<i32>} : memref<32x1024xf32, #tpu.memory_space<vmem>>, vector<1x16xf32>,
      %get3A_1359 = vector.shape_cast %get3A_1358 : vector<1x16xf32> to vector<16xf32>
      %get3A_1360 = arith.index_cast %scan3A_56 : i32 to index
      %get3A_1361 = arith.constant 864 : index
      %get3A_1362 = tpu.vector_load %arg12[%get3A_1360, %get3A_1361] {strides = array<i32>} : memref<32x1024xf32, #tpu.memory_space<vmem>>, vector<1x16xf32>,
      %get3A_1363 = vector.shape_cast %get3A_1362 : vector<1x16xf32> to vector<16xf32>
      %get3A_1364 = arith.index_cast %scan3A_56 : i32 to index
      %get3A_1365 = arith.constant 864 : index
      %get3A_1366 = tpu.vector_load %arg13[%get3A_1364, %get3A_1365] {strides = array<i32>} : memref<32x1024xf32, #tpu.memory_space<vmem>>, vector<1x16xf32>,
      %get3A_1367 = vector.shape_cast %get3A_1366 : vector<1x16xf32> to vector<16xf32>
      %add3A_1368 = arith.addf %get3A_1367, %get3A_1359 : vector<16xf32>
      %sub3A_1369 = arith.constant 1.000000e+00 : f32
      %sub3A_1370 = vector.broadcast %sub3A_1369 : f32 to vector<16xf32>
      %sub3A_1371 = arith.subf %sub3A_1370, %get3A_61 : vector<16xf32>
      %sub3A_1372 = arith.subf %get3A_1363, %get3A_1359 : vector<16xf32>
      %mul3A_1373 = arith.mulf %sub3A_1371, %sub3A_1372 : vector<16xf32>
      %add3A_1374 = arith.addf %add3A_1368, %mul3A_1373 : vector<16xf32>
      %swap3A_1375 = arith.index_cast %scan3A_56 : i32 to index
      %swap3A_1376 = arith.constant 864 : index
      %swap3A_1377 = tpu.vector_load %arg13[%swap3A_1375, %swap3A_1376] {strides = array<i32>} : memref<32x1024xf32, #tpu.memory_space<vmem>>, vector<1x16xf32>,
      %swap3A_1378 = vector.shape_cast %swap3A_1377 : vector<1x16xf32> to vector<16xf32>
      %swap3A_1379 = vector.shape_cast %add3A_1374 : vector<16xf32> to vector<1x16xf32>
      tpu.vector_store %arg13[%swap3A_1375, %swap3A_1376], %swap3A_1379 {strides = array<i32>} : memref<32x1024xf32, #tpu.memory_space<vmem>>, vector<1x16xf32>,
      %get3A_1380 = arith.index_cast %scan3A_56 : i32 to index
      %get3A_1381 = arith.constant 880 : index
      %get3A_1382 = tpu.vector_load %arg11[%get3A_1380, %get3A_1381] {strides = array<i32>} : memref<32x1024xf32, #tpu.memory_space<vmem>>, vector<1x16xf32>,
      %get3A_1383 = vector.shape_cast %get3A_1382 : vector<1x16xf32> to vector<16xf32>
      %get3A_1384 = arith.index_cast %scan3A_56 : i32 to index
      %get3A_1385 = arith.constant 880 : index
      %get3A_1386 = tpu.vector_load %arg12[%get3A_1384, %get3A_1385] {strides = array<i32>} : memref<32x1024xf32, #tpu.memory_space<vmem>>, vector<1x16xf32>,
      %get3A_1387 = vector.shape_cast %get3A_1386 : vector<1x16xf32> to vector<16xf32>
      %get3A_1388 = arith.index_cast %scan3A_56 : i32 to index
      %get3A_1389 = arith.constant 880 : index
      %get3A_1390 = tpu.vector_load %arg13[%get3A_1388, %get3A_1389] {strides = array<i32>} : memref<32x1024xf32, #tpu.memory_space<vmem>>, vector<1x16xf32>,
      %get3A_1391 = vector.shape_cast %get3A_1390 : vector<1x16xf32> to vector<16xf32>
      %add3A_1392 = arith.addf %get3A_1391, %get3A_1383 : vector<16xf32>
      %sub3A_1393 = arith.constant 1.000000e+00 : f32
      %sub3A_1394 = vector.broadcast %sub3A_1393 : f32 to vector<16xf32>
      %sub3A_1395 = arith.subf %sub3A_1394, %get3A_61 : vector<16xf32>
      %sub3A_1396 = arith.subf %get3A_1387, %get3A_1383 : vector<16xf32>
      %mul3A_1397 = arith.mulf %sub3A_1395, %sub3A_1396 : vector<16xf32>
      %add3A_1398 = arith.addf %add3A_1392, %mul3A_1397 : vector<16xf32>
      %swap3A_1399 = arith.index_cast %scan3A_56 : i32 to index
      %swap3A_1400 = arith.constant 880 : index
      %swap3A_1401 = tpu.vector_load %arg13[%swap3A_1399, %swap3A_1400] {strides = array<i32>} : memref<32x1024xf32, #tpu.memory_space<vmem>>, vector<1x16xf32>,
      %swap3A_1402 = vector.shape_cast %swap3A_1401 : vector<1x16xf32> to vector<16xf32>
      %swap3A_1403 = vector.shape_cast %add3A_1398 : vector<16xf32> to vector<1x16xf32>
      tpu.vector_store %arg13[%swap3A_1399, %swap3A_1400], %swap3A_1403 {strides = array<i32>} : memref<32x1024xf32, #tpu.memory_space<vmem>>, vector<1x16xf32>,
      %get3A_1404 = arith.index_cast %scan3A_56 : i32 to index
      %get3A_1405 = arith.constant 896 : index
      %get3A_1406 = tpu.vector_load %arg11[%get3A_1404, %get3A_1405] {strides = array<i32>} : memref<32x1024xf32, #tpu.memory_space<vmem>>, vector<1x16xf32>,
      %get3A_1407 = vector.shape_cast %get3A_1406 : vector<1x16xf32> to vector<16xf32>
      %get3A_1408 = arith.index_cast %scan3A_56 : i32 to index
      %get3A_1409 = arith.constant 896 : index
      %get3A_1410 = tpu.vector_load %arg12[%get3A_1408, %get3A_1409] {strides = array<i32>} : memref<32x1024xf32, #tpu.memory_space<vmem>>, vector<1x16xf32>,
      %get3A_1411 = vector.shape_cast %get3A_1410 : vector<1x16xf32> to vector<16xf32>
      %get3A_1412 = arith.index_cast %scan3A_56 : i32 to index
      %get3A_1413 = arith.constant 896 : index
      %get3A_1414 = tpu.vector_load %arg13[%get3A_1412, %get3A_1413] {strides = array<i32>} : memref<32x1024xf32, #tpu.memory_space<vmem>>, vector<1x16xf32>,
      %get3A_1415 = vector.shape_cast %get3A_1414 : vector<1x16xf32> to vector<16xf32>
      %add3A_1416 = arith.addf %get3A_1415, %get3A_1407 : vector<16xf32>
      %sub3A_1417 = arith.constant 1.000000e+00 : f32
      %sub3A_1418 = vector.broadcast %sub3A_1417 : f32 to vector<16xf32>
      %sub3A_1419 = arith.subf %sub3A_1418, %get3A_61 : vector<16xf32>
      %sub3A_1420 = arith.subf %get3A_1411, %get3A_1407 : vector<16xf32>
      %mul3A_1421 = arith.mulf %sub3A_1419, %sub3A_1420 : vector<16xf32>
      %add3A_1422 = arith.addf %add3A_1416, %mul3A_1421 : vector<16xf32>
      %swap3A_1423 = arith.index_cast %scan3A_56 : i32 to index
      %swap3A_1424 = arith.constant 896 : index
      %swap3A_1425 = tpu.vector_load %arg13[%swap3A_1423, %swap3A_1424] {strides = array<i32>} : memref<32x1024xf32, #tpu.memory_space<vmem>>, vector<1x16xf32>,
      %swap3A_1426 = vector.shape_cast %swap3A_1425 : vector<1x16xf32> to vector<16xf32>
      %swap3A_1427 = vector.shape_cast %add3A_1422 : vector<16xf32> to vector<1x16xf32>
      tpu.vector_store %arg13[%swap3A_1423, %swap3A_1424], %swap3A_1427 {strides = array<i32>} : memref<32x1024xf32, #tpu.memory_space<vmem>>, vector<1x16xf32>,
      %get3A_1428 = arith.index_cast %scan3A_56 : i32 to index
      %get3A_1429 = arith.constant 912 : index
      %get3A_1430 = tpu.vector_load %arg11[%get3A_1428, %get3A_1429] {strides = array<i32>} : memref<32x1024xf32, #tpu.memory_space<vmem>>, vector<1x16xf32>,
      %get3A_1431 = vector.shape_cast %get3A_1430 : vector<1x16xf32> to vector<16xf32>
      %get3A_1432 = arith.index_cast %scan3A_56 : i32 to index
      %get3A_1433 = arith.constant 912 : index
      %get3A_1434 = tpu.vector_load %arg12[%get3A_1432, %get3A_1433] {strides = array<i32>} : memref<32x1024xf32, #tpu.memory_space<vmem>>, vector<1x16xf32>,
      %get3A_1435 = vector.shape_cast %get3A_1434 : vector<1x16xf32> to vector<16xf32>
      %get3A_1436 = arith.index_cast %scan3A_56 : i32 to index
      %get3A_1437 = arith.constant 912 : index
      %get3A_1438 = tpu.vector_load %arg13[%get3A_1436, %get3A_1437] {strides = array<i32>} : memref<32x1024xf32, #tpu.memory_space<vmem>>, vector<1x16xf32>,
      %get3A_1439 = vector.shape_cast %get3A_1438 : vector<1x16xf32> to vector<16xf32>
      %add3A_1440 = arith.addf %get3A_1439, %get3A_1431 : vector<16xf32>
      %sub3A_1441 = arith.constant 1.000000e+00 : f32
      %sub3A_1442 = vector.broadcast %sub3A_1441 : f32 to vector<16xf32>
      %sub3A_1443 = arith.subf %sub3A_1442, %get3A_61 : vector<16xf32>
      %sub3A_1444 = arith.subf %get3A_1435, %get3A_1431 : vector<16xf32>
      %mul3A_1445 = arith.mulf %sub3A_1443, %sub3A_1444 : vector<16xf32>
      %add3A_1446 = arith.addf %add3A_1440, %mul3A_1445 : vector<16xf32>
      %swap3A_1447 = arith.index_cast %scan3A_56 : i32 to index
      %swap3A_1448 = arith.constant 912 : index
      %swap3A_1449 = tpu.vector_load %arg13[%swap3A_1447, %swap3A_1448] {strides = array<i32>} : memref<32x1024xf32, #tpu.memory_space<vmem>>, vector<1x16xf32>,
      %swap3A_1450 = vector.shape_cast %swap3A_1449 : vector<1x16xf32> to vector<16xf32>
      %swap3A_1451 = vector.shape_cast %add3A_1446 : vector<16xf32> to vector<1x16xf32>
      tpu.vector_store %arg13[%swap3A_1447, %swap3A_1448], %swap3A_1451 {strides = array<i32>} : memref<32x1024xf32, #tpu.memory_space<vmem>>, vector<1x16xf32>,
      %get3A_1452 = arith.index_cast %scan3A_56 : i32 to index
      %get3A_1453 = arith.constant 928 : index
      %get3A_1454 = tpu.vector_load %arg11[%get3A_1452, %get3A_1453] {strides = array<i32>} : memref<32x1024xf32, #tpu.memory_space<vmem>>, vector<1x16xf32>,
      %get3A_1455 = vector.shape_cast %get3A_1454 : vector<1x16xf32> to vector<16xf32>
      %get3A_1456 = arith.index_cast %scan3A_56 : i32 to index
      %get3A_1457 = arith.constant 928 : index
      %get3A_1458 = tpu.vector_load %arg12[%get3A_1456, %get3A_1457] {strides = array<i32>} : memref<32x1024xf32, #tpu.memory_space<vmem>>, vector<1x16xf32>,
      %get3A_1459 = vector.shape_cast %get3A_1458 : vector<1x16xf32> to vector<16xf32>
      %get3A_1460 = arith.index_cast %scan3A_56 : i32 to index
      %get3A_1461 = arith.constant 928 : index
      %get3A_1462 = tpu.vector_load %arg13[%get3A_1460, %get3A_1461] {strides = array<i32>} : memref<32x1024xf32, #tpu.memory_space<vmem>>, vector<1x16xf32>,
      %get3A_1463 = vector.shape_cast %get3A_1462 : vector<1x16xf32> to vector<16xf32>
      %add3A_1464 = arith.addf %get3A_1463, %get3A_1455 : vector<16xf32>
      %sub3A_1465 = arith.constant 1.000000e+00 : f32
      %sub3A_1466 = vector.broadcast %sub3A_1465 : f32 to vector<16xf32>
      %sub3A_1467 = arith.subf %sub3A_1466, %get3A_61 : vector<16xf32>
      %sub3A_1468 = arith.subf %get3A_1459, %get3A_1455 : vector<16xf32>
      %mul3A_1469 = arith.mulf %sub3A_1467, %sub3A_1468 : vector<16xf32>
      %add3A_1470 = arith.addf %add3A_1464, %mul3A_1469 : vector<16xf32>
      %swap3A_1471 = arith.index_cast %scan3A_56 : i32 to index
      %swap3A_1472 = arith.constant 928 : index
      %swap3A_1473 = tpu.vector_load %arg13[%swap3A_1471, %swap3A_1472] {strides = array<i32>} : memref<32x1024xf32, #tpu.memory_space<vmem>>, vector<1x16xf32>,
      %swap3A_1474 = vector.shape_cast %swap3A_1473 : vector<1x16xf32> to vector<16xf32>
      %swap3A_1475 = vector.shape_cast %add3A_1470 : vector<16xf32> to vector<1x16xf32>
      tpu.vector_store %arg13[%swap3A_1471, %swap3A_1472], %swap3A_1475 {strides = array<i32>} : memref<32x1024xf32, #tpu.memory_space<vmem>>, vector<1x16xf32>,
      %get3A_1476 = arith.index_cast %scan3A_56 : i32 to index
      %get3A_1477 = arith.constant 944 : index
      %get3A_1478 = tpu.vector_load %arg11[%get3A_1476, %get3A_1477] {strides = array<i32>} : memref<32x1024xf32, #tpu.memory_space<vmem>>, vector<1x16xf32>,
      %get3A_1479 = vector.shape_cast %get3A_1478 : vector<1x16xf32> to vector<16xf32>
      %get3A_1480 = arith.index_cast %scan3A_56 : i32 to index
      %get3A_1481 = arith.constant 944 : index
      %get3A_1482 = tpu.vector_load %arg12[%get3A_1480, %get3A_1481] {strides = array<i32>} : memref<32x1024xf32, #tpu.memory_space<vmem>>, vector<1x16xf32>,
      %get3A_1483 = vector.shape_cast %get3A_1482 : vector<1x16xf32> to vector<16xf32>
      %get3A_1484 = arith.index_cast %scan3A_56 : i32 to index
      %get3A_1485 = arith.constant 944 : index
      %get3A_1486 = tpu.vector_load %arg13[%get3A_1484, %get3A_1485] {strides = array<i32>} : memref<32x1024xf32, #tpu.memory_space<vmem>>, vector<1x16xf32>,
      %get3A_1487 = vector.shape_cast %get3A_1486 : vector<1x16xf32> to vector<16xf32>
      %add3A_1488 = arith.addf %get3A_1487, %get3A_1479 : vector<16xf32>
      %sub3A_1489 = arith.constant 1.000000e+00 : f32
      %sub3A_1490 = vector.broadcast %sub3A_1489 : f32 to vector<16xf32>
      %sub3A_1491 = arith.subf %sub3A_1490, %get3A_61 : vector<16xf32>
      %sub3A_1492 = arith.subf %get3A_1483, %get3A_1479 : vector<16xf32>
      %mul3A_1493 = arith.mulf %sub3A_1491, %sub3A_1492 : vector<16xf32>
      %add3A_1494 = arith.addf %add3A_1488, %mul3A_1493 : vector<16xf32>
      %swap3A_1495 = arith.index_cast %scan3A_56 : i32 to index
      %swap3A_1496 = arith.constant 944 : index
      %swap3A_1497 = tpu.vector_load %arg13[%swap3A_1495, %swap3A_1496] {strides = array<i32>} : memref<32x1024xf32, #tpu.memory_space<vmem>>, vector<1x16xf32>,
      %swap3A_1498 = vector.shape_cast %swap3A_1497 : vector<1x16xf32> to vector<16xf32>
      %swap3A_1499 = vector.shape_cast %add3A_1494 : vector<16xf32> to vector<1x16xf32>
      tpu.vector_store %arg13[%swap3A_1495, %swap3A_1496], %swap3A_1499 {strides = array<i32>} : memref<32x1024xf32, #tpu.memory_space<vmem>>, vector<1x16xf32>,
      %get3A_1500 = arith.index_cast %scan3A_56 : i32 to index
      %get3A_1501 = arith.constant 960 : index
      %get3A_1502 = tpu.vector_load %arg11[%get3A_1500, %get3A_1501] {strides = array<i32>} : memref<32x1024xf32, #tpu.memory_space<vmem>>, vector<1x16xf32>,
      %get3A_1503 = vector.shape_cast %get3A_1502 : vector<1x16xf32> to vector<16xf32>
      %get3A_1504 = arith.index_cast %scan3A_56 : i32 to index
      %get3A_1505 = arith.constant 960 : index
      %get3A_1506 = tpu.vector_load %arg12[%get3A_1504, %get3A_1505] {strides = array<i32>} : memref<32x1024xf32, #tpu.memory_space<vmem>>, vector<1x16xf32>,
      %get3A_1507 = vector.shape_cast %get3A_1506 : vector<1x16xf32> to vector<16xf32>
      %get3A_1508 = arith.index_cast %scan3A_56 : i32 to index
      %get3A_1509 = arith.constant 960 : index
      %get3A_1510 = tpu.vector_load %arg13[%get3A_1508, %get3A_1509] {strides = array<i32>} : memref<32x1024xf32, #tpu.memory_space<vmem>>, vector<1x16xf32>,
      %get3A_1511 = vector.shape_cast %get3A_1510 : vector<1x16xf32> to vector<16xf32>
      %add3A_1512 = arith.addf %get3A_1511, %get3A_1503 : vector<16xf32>
      %sub3A_1513 = arith.constant 1.000000e+00 : f32
      %sub3A_1514 = vector.broadcast %sub3A_1513 : f32 to vector<16xf32>
      %sub3A_1515 = arith.subf %sub3A_1514, %get3A_61 : vector<16xf32>
      %sub3A_1516 = arith.subf %get3A_1507, %get3A_1503 : vector<16xf32>
      %mul3A_1517 = arith.mulf %sub3A_1515, %sub3A_1516 : vector<16xf32>
      %add3A_1518 = arith.addf %add3A_1512, %mul3A_1517 : vector<16xf32>
      %swap3A_1519 = arith.index_cast %scan3A_56 : i32 to index
      %swap3A_1520 = arith.constant 960 : index
      %swap3A_1521 = tpu.vector_load %arg13[%swap3A_1519, %swap3A_1520] {strides = array<i32>} : memref<32x1024xf32, #tpu.memory_space<vmem>>, vector<1x16xf32>,
      %swap3A_1522 = vector.shape_cast %swap3A_1521 : vector<1x16xf32> to vector<16xf32>
      %swap3A_1523 = vector.shape_cast %add3A_1518 : vector<16xf32> to vector<1x16xf32>
      tpu.vector_store %arg13[%swap3A_1519, %swap3A_1520], %swap3A_1523 {strides = array<i32>} : memref<32x1024xf32, #tpu.memory_space<vmem>>, vector<1x16xf32>,
      %get3A_1524 = arith.index_cast %scan3A_56 : i32 to index
      %get3A_1525 = arith.constant 976 : index
      %get3A_1526 = tpu.vector_load %arg11[%get3A_1524, %get3A_1525] {strides = array<i32>} : memref<32x1024xf32, #tpu.memory_space<vmem>>, vector<1x16xf32>,
      %get3A_1527 = vector.shape_cast %get3A_1526 : vector<1x16xf32> to vector<16xf32>
      %get3A_1528 = arith.index_cast %scan3A_56 : i32 to index
      %get3A_1529 = arith.constant 976 : index
      %get3A_1530 = tpu.vector_load %arg12[%get3A_1528, %get3A_1529] {strides = array<i32>} : memref<32x1024xf32, #tpu.memory_space<vmem>>, vector<1x16xf32>,
      %get3A_1531 = vector.shape_cast %get3A_1530 : vector<1x16xf32> to vector<16xf32>
      %get3A_1532 = arith.index_cast %scan3A_56 : i32 to index
      %get3A_1533 = arith.constant 976 : index
      %get3A_1534 = tpu.vector_load %arg13[%get3A_1532, %get3A_1533] {strides = array<i32>} : memref<32x1024xf32, #tpu.memory_space<vmem>>, vector<1x16xf32>,
      %get3A_1535 = vector.shape_cast %get3A_1534 : vector<1x16xf32> to vector<16xf32>
      %add3A_1536 = arith.addf %get3A_1535, %get3A_1527 : vector<16xf32>
      %sub3A_1537 = arith.constant 1.000000e+00 : f32
      %sub3A_1538 = vector.broadcast %sub3A_1537 : f32 to vector<16xf32>
      %sub3A_1539 = arith.subf %sub3A_1538, %get3A_61 : vector<16xf32>
      %sub3A_1540 = arith.subf %get3A_1531, %get3A_1527 : vector<16xf32>
      %mul3A_1541 = arith.mulf %sub3A_1539, %sub3A_1540 : vector<16xf32>
      %add3A_1542 = arith.addf %add3A_1536, %mul3A_1541 : vector<16xf32>
      %swap3A_1543 = arith.index_cast %scan3A_56 : i32 to index
      %swap3A_1544 = arith.constant 976 : index
      %swap3A_1545 = tpu.vector_load %arg13[%swap3A_1543, %swap3A_1544] {strides = array<i32>} : memref<32x1024xf32, #tpu.memory_space<vmem>>, vector<1x16xf32>,
      %swap3A_1546 = vector.shape_cast %swap3A_1545 : vector<1x16xf32> to vector<16xf32>
      %swap3A_1547 = vector.shape_cast %add3A_1542 : vector<16xf32> to vector<1x16xf32>
      tpu.vector_store %arg13[%swap3A_1543, %swap3A_1544], %swap3A_1547 {strides = array<i32>} : memref<32x1024xf32, #tpu.memory_space<vmem>>, vector<1x16xf32>,
      %get3A_1548 = arith.index_cast %scan3A_56 : i32 to index
      %get3A_1549 = arith.constant 992 : index
      %get3A_1550 = tpu.vector_load %arg11[%get3A_1548, %get3A_1549] {strides = array<i32>} : memref<32x1024xf32, #tpu.memory_space<vmem>>, vector<1x16xf32>,
      %get3A_1551 = vector.shape_cast %get3A_1550 : vector<1x16xf32> to vector<16xf32>
      %get3A_1552 = arith.index_cast %scan3A_56 : i32 to index
      %get3A_1553 = arith.constant 992 : index
      %get3A_1554 = tpu.vector_load %arg12[%get3A_1552, %get3A_1553] {strides = array<i32>} : memref<32x1024xf32, #tpu.memory_space<vmem>>, vector<1x16xf32>,
      %get3A_1555 = vector.shape_cast %get3A_1554 : vector<1x16xf32> to vector<16xf32>
      %get3A_1556 = arith.index_cast %scan3A_56 : i32 to index
      %get3A_1557 = arith.constant 992 : index
      %get3A_1558 = tpu.vector_load %arg13[%get3A_1556, %get3A_1557] {strides = array<i32>} : memref<32x1024xf32, #tpu.memory_space<vmem>>, vector<1x16xf32>,
      %get3A_1559 = vector.shape_cast %get3A_1558 : vector<1x16xf32> to vector<16xf32>
      %add3A_1560 = arith.addf %get3A_1559, %get3A_1551 : vector<16xf32>
      %sub3A_1561 = arith.constant 1.000000e+00 : f32
      %sub3A_1562 = vector.broadcast %sub3A_1561 : f32 to vector<16xf32>
      %sub3A_1563 = arith.subf %sub3A_1562, %get3A_61 : vector<16xf32>
      %sub3A_1564 = arith.subf %get3A_1555, %get3A_1551 : vector<16xf32>
      %mul3A_1565 = arith.mulf %sub3A_1563, %sub3A_1564 : vector<16xf32>
      %add3A_1566 = arith.addf %add3A_1560, %mul3A_1565 : vector<16xf32>
      %swap3A_1567 = arith.index_cast %scan3A_56 : i32 to index
      %swap3A_1568 = arith.constant 992 : index
      %swap3A_1569 = tpu.vector_load %arg13[%swap3A_1567, %swap3A_1568] {strides = array<i32>} : memref<32x1024xf32, #tpu.memory_space<vmem>>, vector<1x16xf32>,
      %swap3A_1570 = vector.shape_cast %swap3A_1569 : vector<1x16xf32> to vector<16xf32>
      %swap3A_1571 = vector.shape_cast %add3A_1566 : vector<16xf32> to vector<1x16xf32>
      tpu.vector_store %arg13[%swap3A_1567, %swap3A_1568], %swap3A_1571 {strides = array<i32>} : memref<32x1024xf32, #tpu.memory_space<vmem>>, vector<1x16xf32>,
      %get3A_1572 = arith.index_cast %scan3A_56 : i32 to index
      %get3A_1573 = arith.constant 1008 : index
      %get3A_1574 = tpu.vector_load %arg11[%get3A_1572, %get3A_1573] {strides = array<i32>} : memref<32x1024xf32, #tpu.memory_space<vmem>>, vector<1x16xf32>,
      %get3A_1575 = vector.shape_cast %get3A_1574 : vector<1x16xf32> to vector<16xf32>
      %get3A_1576 = arith.index_cast %scan3A_56 : i32 to index
      %get3A_1577 = arith.constant 1008 : index
      %get3A_1578 = tpu.vector_load %arg12[%get3A_1576, %get3A_1577] {strides = array<i32>} : memref<32x1024xf32, #tpu.memory_space<vmem>>, vector<1x16xf32>,
      %get3A_1579 = vector.shape_cast %get3A_1578 : vector<1x16xf32> to vector<16xf32>
      %get3A_1580 = arith.index_cast %scan3A_56 : i32 to index
      %get3A_1581 = arith.constant 1008 : index
      %get3A_1582 = tpu.vector_load %arg13[%get3A_1580, %get3A_1581] {strides = array<i32>} : memref<32x1024xf32, #tpu.memory_space<vmem>>, vector<1x16xf32>,
      %get3A_1583 = vector.shape_cast %get3A_1582 : vector<1x16xf32> to vector<16xf32>
      %add3A_1584 = arith.addf %get3A_1583, %get3A_1575 : vector<16xf32>
      %sub3A_1585 = arith.constant 1.000000e+00 : f32
      %sub3A_1586 = vector.broadcast %sub3A_1585 : f32 to vector<16xf32>
      %sub3A_1587 = arith.subf %sub3A_1586, %get3A_61 : vector<16xf32>
      %sub3A_1588 = arith.subf %get3A_1579, %get3A_1575 : vector<16xf32>
      %mul3A_1589 = arith.mulf %sub3A_1587, %sub3A_1588 : vector<16xf32>
      %add3A_1590 = arith.addf %add3A_1584, %mul3A_1589 : vector<16xf32>
      %swap3A_1591 = arith.index_cast %scan3A_56 : i32 to index
      %swap3A_1592 = arith.constant 1008 : index
      %swap3A_1593 = tpu.vector_load %arg13[%swap3A_1591, %swap3A_1592] {strides = array<i32>} : memref<32x1024xf32, #tpu.memory_space<vmem>>, vector<1x16xf32>,
      %swap3A_1594 = vector.shape_cast %swap3A_1593 : vector<1x16xf32> to vector<16xf32>
      %swap3A_1595 = vector.shape_cast %add3A_1590 : vector<16xf32> to vector<1x16xf32>
      tpu.vector_store %arg13[%swap3A_1591, %swap3A_1592], %swap3A_1595 {strides = array<i32>} : memref<32x1024xf32, #tpu.memory_space<vmem>>, vector<1x16xf32>,
    }
    %scan3A_55 = arith.constant 32 : i32
    "tpu.region"() ({
      %run_scoped3A = tpu.sem_alloc : memref<!tpu.dma_semaphore, #tpu.memory_space<semaphore_mem>>
      %dma_start3A_56 = arith.constant 0 : i32
      %dma_start3A_57 = tpu.memref_slice %arg7[%add3A_29, %dma_start3A_56] : memref<2048x1024xf32, #tpu.memory_space<hbm>> -> memref<32x1024xf32, #tpu.memory_space<hbm>>
      %dma_start3A_58 = arith.constant 0 : i32
      %dma_start3A_59 = tpu.memref_slice %arg7[%add3A_29, %dma_start3A_58] : memref<2048x1024xf32, #tpu.memory_space<hbm>> -> memref<32x1024xf32, #tpu.memory_space<hbm>>
      tpu.enqueue_dma source(%arg13 : memref<32x1024xf32, #tpu.memory_space<vmem>>) target(%dma_start3A_59 : memref<32x1024xf32, #tpu.memory_space<hbm>>) target_semaphore(%run_scoped3A : memref<!tpu.dma_semaphore, #tpu.memory_space<semaphore_mem>>)
      %dma_wait3A_60 = arith.constant 0 : i32
      %dma_wait3A_61 = tpu.memref_slice %arg7[%add3A_29, %dma_wait3A_60] : memref<2048x1024xf32, #tpu.memory_space<hbm>> -> memref<32x1024xf32, #tpu.memory_space<hbm>>
      %dma_wait3A_62 = arith.constant 0 : i32
      %dma_wait3A_63 = tpu.memref_slice %arg7[%add3A_29, %dma_wait3A_62] : memref<2048x1024xf32, #tpu.memory_space<hbm>> -> memref<32x1024xf32, #tpu.memory_space<hbm>>
      tpu.wait_dma2 semaphore(%run_scoped3A : memref<!tpu.dma_semaphore, #tpu.memory_space<semaphore_mem>>) src(%arg13 : memref<32x1024xf32, #tpu.memory_space<vmem>>) dst(%dma_wait3A_63 : memref<32x1024xf32, #tpu.memory_space<hbm>>)
      tpu.yield
    }) : () -> ()
    return
  }
}

#map = affine_map<(d0, d1) -> (0, 0)>
#map1 = affine_map<(d0, d1) -> (0)>
module attributes {stable_mosaic.version = 14 : i64} {
  func.func @_dispatch(%arg0: i32, %arg1: i32, %arg2: memref<2048x1024xf32, #tpu.memory_space<hbm>>, %arg3: memref<2048xi32, #tpu.memory_space<hbm>>, %arg4: memref<2048xi32, #tpu.memory_space<hbm>>, %arg5: memref<8192x1024xf32, #tpu.memory_space<hbm>>, %arg6: memref<64xi32, #tpu.memory_space<vmem>>, %arg7: memref<64xi32, #tpu.memory_space<vmem>>, %arg8: memref<64x1024xf32, #tpu.memory_space<vmem>>, %arg9: memref<!tpu.dma_semaphore, #tpu.memory_space<semaphore_mem>>, %arg10: memref<!tpu.dma_semaphore, #tpu.memory_space<semaphore_mem>>) attributes {dimension_semantics = [#tpu.dimension_semantics<core_parallel>, #tpu.dimension_semantics<subcore_parallel>], iteration_bounds = array<i64: 2, 16>, scalar_prefetch = 0 : i64, scratch_operands = 5 : i64, tpu.core_type = #tpu.core_type<sc_vector_subcore>, window_params = [{transform_indices = #map}, {transform_indices = #map1}, {transform_indices = #map1}, {transform_indices = #map}]} {
    %mul3A = arith.constant 2 : i32
    %mul3A_0 = arith.muli %arg1, %mul3A : i32
    %add3A = arith.addi %mul3A_0, %arg0 : i32
    %mul3A_1 = arith.constant 64 : i32
    %mul3A_2 = arith.muli %add3A, %mul3A_1 : i32
    "tpu.region"() ({
      %run_scoped3A = tpu.sem_alloc : memref<!tpu.dma_semaphore, #tpu.memory_space<semaphore_mem>>
      %dma_start3A_13 = tpu.memref_slice %arg3[%mul3A_2] : memref<2048xi32, #tpu.memory_space<hbm>> -> memref<64xi32, #tpu.memory_space<hbm>>
      %dma_start3A_14 = tpu.memref_slice %arg3[%mul3A_2] : memref<2048xi32, #tpu.memory_space<hbm>> -> memref<64xi32, #tpu.memory_space<hbm>>
      tpu.enqueue_dma source(%dma_start3A_14 : memref<64xi32, #tpu.memory_space<hbm>>) target(%arg6 : memref<64xi32, #tpu.memory_space<vmem>>) target_semaphore(%run_scoped3A : memref<!tpu.dma_semaphore, #tpu.memory_space<semaphore_mem>>)
      %dma_wait3A_15 = tpu.memref_slice %arg3[%mul3A_2] : memref<2048xi32, #tpu.memory_space<hbm>> -> memref<64xi32, #tpu.memory_space<hbm>>
      %dma_wait3A_16 = tpu.memref_slice %arg3[%mul3A_2] : memref<2048xi32, #tpu.memory_space<hbm>> -> memref<64xi32, #tpu.memory_space<hbm>>
      tpu.wait_dma2 semaphore(%run_scoped3A : memref<!tpu.dma_semaphore, #tpu.memory_space<semaphore_mem>>) src(%dma_wait3A_16 : memref<64xi32, #tpu.memory_space<hbm>>) dst(%arg6 : memref<64xi32, #tpu.memory_space<vmem>>)
      tpu.yield
    }) : () -> ()
    "tpu.region"() ({
      %run_scoped3A = tpu.sem_alloc : memref<!tpu.dma_semaphore, #tpu.memory_space<semaphore_mem>>
      %dma_start3A_13 = tpu.memref_slice %arg4[%mul3A_2] : memref<2048xi32, #tpu.memory_space<hbm>> -> memref<64xi32, #tpu.memory_space<hbm>>
      %dma_start3A_14 = tpu.memref_slice %arg4[%mul3A_2] : memref<2048xi32, #tpu.memory_space<hbm>> -> memref<64xi32, #tpu.memory_space<hbm>>
      tpu.enqueue_dma source(%dma_start3A_14 : memref<64xi32, #tpu.memory_space<hbm>>) target(%arg7 : memref<64xi32, #tpu.memory_space<vmem>>) target_semaphore(%run_scoped3A : memref<!tpu.dma_semaphore, #tpu.memory_space<semaphore_mem>>)
      %dma_wait3A_15 = tpu.memref_slice %arg4[%mul3A_2] : memref<2048xi32, #tpu.memory_space<hbm>> -> memref<64xi32, #tpu.memory_space<hbm>>
      %dma_wait3A_16 = tpu.memref_slice %arg4[%mul3A_2] : memref<2048xi32, #tpu.memory_space<hbm>> -> memref<64xi32, #tpu.memory_space<hbm>>
      tpu.wait_dma2 semaphore(%run_scoped3A : memref<!tpu.dma_semaphore, #tpu.memory_space<semaphore_mem>>) src(%dma_wait3A_16 : memref<64xi32, #tpu.memory_space<hbm>>) dst(%arg7 : memref<64xi32, #tpu.memory_space<vmem>>)
      tpu.yield
    }) : () -> ()
    "tpu.region"() ({
      %run_scoped3A = tpu.sem_alloc : memref<!tpu.dma_semaphore, #tpu.memory_space<semaphore_mem>>
      %dma_start3A_13 = arith.constant 0 : i32
      %dma_start3A_14 = tpu.memref_slice %arg2[%mul3A_2, %dma_start3A_13] : memref<2048x1024xf32, #tpu.memory_space<hbm>> -> memref<64x1024xf32, #tpu.memory_space<hbm>>
      %dma_start3A_15 = arith.constant 0 : i32
      %dma_start3A_16 = tpu.memref_slice %arg2[%mul3A_2, %dma_start3A_15] : memref<2048x1024xf32, #tpu.memory_space<hbm>> -> memref<64x1024xf32, #tpu.memory_space<hbm>>
      tpu.enqueue_dma source(%dma_start3A_16 : memref<64x1024xf32, #tpu.memory_space<hbm>>) target(%arg8 : memref<64x1024xf32, #tpu.memory_space<vmem>>) target_semaphore(%run_scoped3A : memref<!tpu.dma_semaphore, #tpu.memory_space<semaphore_mem>>)
      %dma_wait3A_17 = arith.constant 0 : i32
      %dma_wait3A_18 = tpu.memref_slice %arg2[%mul3A_2, %dma_wait3A_17] : memref<2048x1024xf32, #tpu.memory_space<hbm>> -> memref<64x1024xf32, #tpu.memory_space<hbm>>
      %dma_wait3A_19 = arith.constant 0 : i32
      %dma_wait3A_20 = tpu.memref_slice %arg2[%mul3A_2, %dma_wait3A_19] : memref<2048x1024xf32, #tpu.memory_space<hbm>> -> memref<64x1024xf32, #tpu.memory_space<hbm>>
      tpu.wait_dma2 semaphore(%run_scoped3A : memref<!tpu.dma_semaphore, #tpu.memory_space<semaphore_mem>>) src(%dma_wait3A_20 : memref<64x1024xf32, #tpu.memory_space<hbm>>) dst(%arg8 : memref<64x1024xf32, #tpu.memory_space<vmem>>)
      tpu.yield
    }) : () -> ()
    %dma_start3A = arith.constant 0 : i32
    %dma_start3A_3 = arith.constant 0 : i32
    %dma_start3A_4 = tpu.memref_slice %arg5[%dma_start3A, %dma_start3A_3] : memref<8192x1024xf32, #tpu.memory_space<hbm>> -> memref<8192x1024xf32, #tpu.memory_space<hbm>>
    tpu.enqueue_indirect_dma source(%arg8 : memref<64x1024xf32, #tpu.memory_space<vmem>>) target(%dma_start3A_4 : memref<8192x1024xf32, #tpu.memory_space<hbm>>) offsets(%arg6 : memref<64xi32, #tpu.memory_space<vmem>>) semaphore(%arg9 : memref<!tpu.dma_semaphore, #tpu.memory_space<semaphore_mem>>)
    %dma_start3A_5 = arith.constant 0 : i32
    %dma_start3A_6 = arith.constant 0 : i32
    %dma_start3A_7 = tpu.memref_slice %arg5[%dma_start3A_5, %dma_start3A_6] : memref<8192x1024xf32, #tpu.memory_space<hbm>> -> memref<8192x1024xf32, #tpu.memory_space<hbm>>
    tpu.enqueue_indirect_dma source(%arg8 : memref<64x1024xf32, #tpu.memory_space<vmem>>) target(%dma_start3A_7 : memref<8192x1024xf32, #tpu.memory_space<hbm>>) offsets(%arg7 : memref<64xi32, #tpu.memory_space<vmem>>) semaphore(%arg10 : memref<!tpu.dma_semaphore, #tpu.memory_space<semaphore_mem>>)
    %dma_wait3A = arith.constant 0 : i32
    %dma_wait3A_8 = arith.constant 0 : i32
    %dma_wait3A_9 = tpu.memref_slice %arg5[%dma_wait3A, %dma_wait3A_8] : memref<8192x1024xf32, #tpu.memory_space<hbm>> -> memref<8192x1024xf32, #tpu.memory_space<hbm>>
    tpu.wait_indirect_dma semaphore(%arg9 : memref<!tpu.dma_semaphore, #tpu.memory_space<semaphore_mem>>) src(%arg8 : memref<64x1024xf32, #tpu.memory_space<vmem>>) dst(%dma_wait3A_9 : memref<8192x1024xf32, #tpu.memory_space<hbm>>)
    %dma_wait3A_10 = arith.constant 0 : i32
    %dma_wait3A_11 = arith.constant 0 : i32
    %dma_wait3A_12 = tpu.memref_slice %arg5[%dma_wait3A_10, %dma_wait3A_11] : memref<8192x1024xf32, #tpu.memory_space<hbm>> -> memref<8192x1024xf32, #tpu.memory_space<hbm>>
    tpu.wait_indirect_dma semaphore(%arg10 : memref<!tpu.dma_semaphore, #tpu.memory_space<semaphore_mem>>) src(%arg8 : memref<64x1024xf32, #tpu.memory_space<vmem>>) dst(%dma_wait3A_12 : memref<8192x1024xf32, #tpu.memory_space<hbm>>)
    return
  }
}

module attributes {stable_mosaic.version = 14 : i64} {
  func.func @_shared_kernel(%arg0: memref<2048x1024xf32, #tpu.memory_space<vmem>>, %arg1: memref<1024x1024xf32, #tpu.memory_space<vmem>>, %arg2: memref<512x1024xf32, #tpu.memory_space<vmem>>, %arg3: memref<2048x1024xf32, #tpu.memory_space<vmem>>) attributes {dimension_semantics = [], scalar_prefetch = 0 : i64, scratch_operands = 0 : i64, tpu.core_type = #tpu.core_type<tc>} {
    %get3A = arith.constant 0 : index
    %get3A_0 = arith.constant 0 : index
    %get3A_1 = vector.load %arg0[%get3A, %get3A_0] : memref<2048x1024xf32, #tpu.memory_space<vmem>>, vector<2048x1024xf32>
    %get3A_2 = arith.constant 0 : index
    %get3A_3 = arith.constant 0 : index
    %get3A_4 = vector.load %arg1[%get3A_2, %get3A_3] : memref<1024x1024xf32, #tpu.memory_space<vmem>>, vector<1024x1024xf32>
    %dot_general3A = arith.constant dense<0.000000e+00> : vector<2048x1024xf32>
    %dot_general3A_5 = tpu.matmul %get3A_1, %get3A_4, %dot_general3A {dimension_numbers = #tpu.dot_dimension_numbers<[1], [0], [0], [1], [0, 0, 1, 1], [], []>, transpose_lhs_hint = false} : vector<2048x1024xf32>, vector<1024x1024xf32>, vector<2048x1024xf32> -> vector<2048x1024xf32>
    %slice3A = vector.extract_strided_slice %dot_general3A_5 {offsets = [0, 0], sizes = [2048, 512], strides = [1, 1]} : vector<2048x1024xf32> to vector<2048x512xf32>
    %slice3A_6 = vector.extract_strided_slice %dot_general3A_5 {offsets = [0, 512], sizes = [2048, 512], strides = [1, 1]} : vector<2048x1024xf32> to vector<2048x512xf32>
    %logistic3A = arith.negf %slice3A : vector<2048x512xf32>
    %logistic3A_7 = math.exp %logistic3A : vector<2048x512xf32>
    %logistic3A_8 = arith.constant 1.000000e+00 : f32
    %logistic3A_9 = vector.broadcast %logistic3A_8 : f32 to vector<2048x512xf32>
    %logistic3A_10 = arith.addf %logistic3A_9, %logistic3A_7 : vector<2048x512xf32>
    %logistic3A_11 = arith.divf %logistic3A_9, %logistic3A_10 : vector<2048x512xf32>
    %mul3A = arith.mulf %slice3A, %logistic3A_11 : vector<2048x512xf32>
    %mul3A_12 = arith.mulf %mul3A, %slice3A_6 : vector<2048x512xf32>
    %get3A_13 = arith.constant 0 : index
    %get3A_14 = arith.constant 0 : index
    %get3A_15 = vector.load %arg2[%get3A_13, %get3A_14] : memref<512x1024xf32, #tpu.memory_space<vmem>>, vector<512x1024xf32>
    %dot_general3A_16 = arith.constant dense<0.000000e+00> : vector<2048x1024xf32>
    %dot_general3A_17 = tpu.matmul %mul3A_12, %get3A_15, %dot_general3A_16 {dimension_numbers = #tpu.dot_dimension_numbers<[1], [0], [0], [1], [0, 0, 1, 1], [], []>, transpose_lhs_hint = false} : vector<2048x512xf32>, vector<512x1024xf32>, vector<2048x1024xf32> -> vector<2048x1024xf32>
    %swap3A = arith.constant 0 : index
    %swap3A_18 = arith.constant 0 : index
    %swap3A_19 = vector.load %arg3[%swap3A, %swap3A_18] : memref<2048x1024xf32, #tpu.memory_space<vmem>>, vector<2048x1024xf32>
    tpu.vector_store %arg3[%swap3A, %swap3A_18], %dot_general3A_17 {strides = array<i32>} : memref<2048x1024xf32, #tpu.memory_space<vmem>>, vector<2048x1024xf32>,
    return
  }
}

module attributes {stable_mosaic.version = 14 : i64} {
  func.func @_route_kernel(%arg0: memref<2048x1024xf32, #tpu.memory_space<vmem>>, %arg1: memref<8x1024xf32, #tpu.memory_space<vmem>>, %arg2: memref<1x2048xi32, #tpu.memory_space<vmem>>, %arg3: memref<1x2048xi32, #tpu.memory_space<vmem>>, %arg4: memref<2048x16xf32, #tpu.memory_space<vmem>>, %arg5: memref<1x64xi32, #tpu.memory_space<vmem>>) attributes {dimension_semantics = [], scalar_prefetch = 0 : i64, scratch_operands = 0 : i64, tpu.core_type = #tpu.core_type<tc>} {
    %get3A = arith.constant 0 : index
    %get3A_0 = arith.constant 0 : index
    %get3A_1 = vector.load %arg0[%get3A, %get3A_0] : memref<2048x1024xf32, #tpu.memory_space<vmem>>, vector<2048x1024xf32>
    %get3A_2 = arith.constant 0 : index
    %get3A_3 = arith.constant 0 : index
    %get3A_4 = vector.load %arg1[%get3A_2, %get3A_3] : memref<8x1024xf32, #tpu.memory_space<vmem>>, vector<8x1024xf32>
    %transpose3A = tpu.transpose %get3A_4, [1, 0] : vector<8x1024xf32> -> vector<1024x8xf32>
    %dot_general3A = arith.constant dense<0.000000e+00> : vector<2048x8xf32>
    %dot_general3A_5 = tpu.matmul %get3A_1, %transpose3A, %dot_general3A {dimension_numbers = #tpu.dot_dimension_numbers<[1], [0], [0], [1], [0, 0, 1, 1], [], []>, transpose_lhs_hint = false} : vector<2048x1024xf32>, vector<1024x8xf32>, vector<2048x8xf32> -> vector<2048x8xf32>
    %reduce_max3A = arith.constant dense<0xFF800000> : vector<2048xf32>
    %reduce_max3A_6 = vector.multi_reduction <maximumf>, %dot_general3A_5, %reduce_max3A [1] : vector<2048x8xf32> to vector<2048xf32>
    %broadcast_in_dim3A = vector.shape_cast %reduce_max3A_6 : vector<2048xf32> to vector<2048x1xf32>
    %sub3A = vector.broadcast %broadcast_in_dim3A : vector<2048x1xf32> to vector<2048x8xf32>
    %sub3A_7 = arith.subf %dot_general3A_5, %sub3A : vector<2048x8xf32>
    %exp3A = math.exp %sub3A_7 : vector<2048x8xf32>
    %reduce_sum3A = arith.constant dense<0.000000e+00> : vector<2048xf32>
    %reduce_sum3A_8 = vector.multi_reduction <add>, %exp3A, %reduce_sum3A [1] : vector<2048x8xf32> to vector<2048xf32>
    %broadcast_in_dim3A_9 = vector.shape_cast %reduce_sum3A_8 : vector<2048xf32> to vector<2048x1xf32>
    %div3A = vector.broadcast %broadcast_in_dim3A_9 : vector<2048x1xf32> to vector<2048x8xf32>
    %div3A_10 = arith.divf %exp3A, %div3A : vector<2048x8xf32>
    %iota3A = tpu.iota {dimensions = array<i32: 1>} : vector<2048x8xi32>
    %argmax3A = tpu.reduce_index %div3A_10 {axis = 1 : i32, kind = #tpu.reduction_kind<arg_max>} : vector<2048x8xf32> -> vector<2048xi32>
    %reduce_max3A_11 = arith.constant dense<0xFF800000> : vector<2048xf32>
    %reduce_max3A_12 = vector.multi_reduction <maximumf>, %div3A_10, %reduce_max3A_11 [1] : vector<2048x8xf32> to vector<2048xf32>
    %broadcast_in_dim3A_13 = vector.shape_cast %argmax3A : vector<2048xi32> to vector<2048x1xi32>
    %eq3A = vector.broadcast %broadcast_in_dim3A_13 : vector<2048x1xi32> to vector<2048x8xi32>
    %eq3A_14 = arith.cmpi eq, %iota3A, %eq3A : vector<2048x8xi32>
    %convert_element_type3A = arith.extui %eq3A_14 : vector<2048x8xi1> to vector<2048x8xi32>
    %convert_element_type3A_15 = arith.sitofp %convert_element_type3A : vector<2048x8xi32> to vector<2048x8xf32>
    %gt3A = arith.constant 0.000000e+00 : f32
    %gt3A_16 = vector.broadcast %gt3A : f32 to vector<2048x8xf32>
    %gt3A_17 = arith.cmpf ogt, %convert_element_type3A_15, %gt3A_16 : vector<2048x8xf32>
    %jit3A = arith.constant 0xFF800000 : f32
    %broadcast_in_dim3A_18 = vector.broadcast %jit3A : f32 to vector<2048x8xf32>
    %select_n3A = arith.select %gt3A_17, %broadcast_in_dim3A_18, %div3A_10 : vector<2048x8xi1>, vector<2048x8xf32>
    %argmax3A_19 = tpu.reduce_index %select_n3A {axis = 1 : i32, kind = #tpu.reduction_kind<arg_max>} : vector<2048x8xf32> -> vector<2048xi32>
    %reduce_max3A_20 = arith.constant dense<0xFF800000> : vector<2048xf32>
    %reduce_max3A_21 = vector.multi_reduction <maximumf>, %select_n3A, %reduce_max3A_20 [1] : vector<2048x8xf32> to vector<2048xf32>
    %broadcast_in_dim3A_22 = vector.shape_cast %argmax3A_19 : vector<2048xi32> to vector<2048x1xi32>
    %eq3A_23 = vector.broadcast %broadcast_in_dim3A_22 : vector<2048x1xi32> to vector<2048x8xi32>
    %eq3A_24 = arith.cmpi eq, %iota3A, %eq3A_23 : vector<2048x8xi32>
    %convert_element_type3A_25 = arith.extui %eq3A_24 : vector<2048x8xi1> to vector<2048x8xi32>
    %convert_element_type3A_26 = arith.sitofp %convert_element_type3A_25 : vector<2048x8xi32> to vector<2048x8xf32>
    %add3A = arith.addf %reduce_max3A_12, %reduce_max3A_21 : vector<2048xf32>
    %add3A_27 = arith.addf %convert_element_type3A_15, %convert_element_type3A_26 : vector<2048x8xf32>
    %iota3A_28 = tpu.iota {dimensions = array<i32: 0>} : vector<256x256xi32>
    %iota3A_29 = tpu.iota {dimensions = array<i32: 1>} : vector<256x256xi32>
    %lt3A = arith.cmpi slt, %iota3A_29, %iota3A_28 : vector<256x256xi32>
    %convert_element_type3A_30 = arith.extui %lt3A : vector<256x256xi1> to vector<256x256xi32>
    %convert_element_type3A_31 = arith.sitofp %convert_element_type3A_30 : vector<256x256xi32> to vector<256x256xf32>
    %broadcast_in_dim3A_32 = arith.constant 0.000000e+00 : f32
    %broadcast_in_dim3A_33 = vector.broadcast %broadcast_in_dim3A_32 : f32 to vector<1x8xf32>
    %slice3A = vector.extract_strided_slice %add3A_27 {offsets = [0, 0], sizes = [256, 8], strides = [1, 1]} : vector<2048x8xf32> to vector<256x8xf32>
    %dot_general3A_34 = arith.constant dense<0.000000e+00> : vector<256x8xf32>
    %dot_general3A_35 = tpu.matmul %convert_element_type3A_31, %slice3A, %dot_general3A_34 {dimension_numbers = #tpu.dot_dimension_numbers<[1], [0], [0], [1], [0, 0, 1, 1], [], []>, transpose_lhs_hint = false} : vector<256x256xf32>, vector<256x8xf32>, vector<256x8xf32> -> vector<256x8xf32>
    %add3A_36 = vector.broadcast %broadcast_in_dim3A_33 : vector<1x8xf32> to vector<256x8xf32>
    %add3A_37 = arith.addf %dot_general3A_35, %add3A_36 : vector<256x8xf32>
    %reduce_sum3A_38 = arith.constant dense<0.000000e+00> : vector<8xf32>
    %reduce_sum3A_39 = vector.multi_reduction <add>, %slice3A, %reduce_sum3A_38 [0] : vector<256x8xf32> to vector<8xf32>
    %broadcast_in_dim3A_40 = vector.shape_cast %reduce_sum3A_39 : vector<8xf32> to vector<1x8xf32>
    %add3A_41 = arith.addf %broadcast_in_dim3A_33, %broadcast_in_dim3A_40 : vector<1x8xf32>
    %slice3A_42 = vector.extract_strided_slice %add3A_27 {offsets = [256, 0], sizes = [256, 8], strides = [1, 1]} : vector<2048x8xf32> to vector<256x8xf32>
    %dot_general3A_43 = arith.constant dense<0.000000e+00> : vector<256x8xf32>
    %dot_general3A_44 = tpu.matmul %convert_element_type3A_31, %slice3A_42, %dot_general3A_43 {dimension_numbers = #tpu.dot_dimension_numbers<[1], [0], [0], [1], [0, 0, 1, 1], [], []>, transpose_lhs_hint = false} : vector<256x256xf32>, vector<256x8xf32>, vector<256x8xf32> -> vector<256x8xf32>
    %add3A_45 = vector.broadcast %add3A_41 : vector<1x8xf32> to vector<256x8xf32>
    %add3A_46 = arith.addf %dot_general3A_44, %add3A_45 : vector<256x8xf32>
    %reduce_sum3A_47 = arith.constant dense<0.000000e+00> : vector<8xf32>
    %reduce_sum3A_48 = vector.multi_reduction <add>, %slice3A_42, %reduce_sum3A_47 [0] : vector<256x8xf32> to vector<8xf32>
    %broadcast_in_dim3A_49 = vector.shape_cast %reduce_sum3A_48 : vector<8xf32> to vector<1x8xf32>
    %add3A_50 = arith.addf %add3A_41, %broadcast_in_dim3A_49 : vector<1x8xf32>
    %slice3A_51 = vector.extract_strided_slice %add3A_27 {offsets = [512, 0], sizes = [256, 8], strides = [1, 1]} : vector<2048x8xf32> to vector<256x8xf32>
    %dot_general3A_52 = arith.constant dense<0.000000e+00> : vector<256x8xf32>
    %dot_general3A_53 = tpu.matmul %convert_element_type3A_31, %slice3A_51, %dot_general3A_52 {dimension_numbers = #tpu.dot_dimension_numbers<[1], [0], [0], [1], [0, 0, 1, 1], [], []>, transpose_lhs_hint = false} : vector<256x256xf32>, vector<256x8xf32>, vector<256x8xf32> -> vector<256x8xf32>
    %add3A_54 = vector.broadcast %add3A_50 : vector<1x8xf32> to vector<256x8xf32>
    %add3A_55 = arith.addf %dot_general3A_53, %add3A_54 : vector<256x8xf32>
    %reduce_sum3A_56 = arith.constant dense<0.000000e+00> : vector<8xf32>
    %reduce_sum3A_57 = vector.multi_reduction <add>, %slice3A_51, %reduce_sum3A_56 [0] : vector<256x8xf32> to vector<8xf32>
    %broadcast_in_dim3A_58 = vector.shape_cast %reduce_sum3A_57 : vector<8xf32> to vector<1x8xf32>
    %add3A_59 = arith.addf %add3A_50, %broadcast_in_dim3A_58 : vector<1x8xf32>
    %slice3A_60 = vector.extract_strided_slice %add3A_27 {offsets = [768, 0], sizes = [256, 8], strides = [1, 1]} : vector<2048x8xf32> to vector<256x8xf32>
    %dot_general3A_61 = arith.constant dense<0.000000e+00> : vector<256x8xf32>
    %dot_general3A_62 = tpu.matmul %convert_element_type3A_31, %slice3A_60, %dot_general3A_61 {dimension_numbers = #tpu.dot_dimension_numbers<[1], [0], [0], [1], [0, 0, 1, 1], [], []>, transpose_lhs_hint = false} : vector<256x256xf32>, vector<256x8xf32>, vector<256x8xf32> -> vector<256x8xf32>
    %add3A_63 = vector.broadcast %add3A_59 : vector<1x8xf32> to vector<256x8xf32>
    %add3A_64 = arith.addf %dot_general3A_62, %add3A_63 : vector<256x8xf32>
    %reduce_sum3A_65 = arith.constant dense<0.000000e+00> : vector<8xf32>
    %reduce_sum3A_66 = vector.multi_reduction <add>, %slice3A_60, %reduce_sum3A_65 [0] : vector<256x8xf32> to vector<8xf32>
    %broadcast_in_dim3A_67 = vector.shape_cast %reduce_sum3A_66 : vector<8xf32> to vector<1x8xf32>
    %add3A_68 = arith.addf %add3A_59, %broadcast_in_dim3A_67 : vector<1x8xf32>
    %slice3A_69 = vector.extract_strided_slice %add3A_27 {offsets = [1024, 0], sizes = [256, 8], strides = [1, 1]} : vector<2048x8xf32> to vector<256x8xf32>
    %dot_general3A_70 = arith.constant dense<0.000000e+00> : vector<256x8xf32>
    %dot_general3A_71 = tpu.matmul %convert_element_type3A_31, %slice3A_69, %dot_general3A_70 {dimension_numbers = #tpu.dot_dimension_numbers<[1], [0], [0], [1], [0, 0, 1, 1], [], []>, transpose_lhs_hint = false} : vector<256x256xf32>, vector<256x8xf32>, vector<256x8xf32> -> vector<256x8xf32>
    %add3A_72 = vector.broadcast %add3A_68 : vector<1x8xf32> to vector<256x8xf32>
    %add3A_73 = arith.addf %dot_general3A_71, %add3A_72 : vector<256x8xf32>
    %reduce_sum3A_74 = arith.constant dense<0.000000e+00> : vector<8xf32>
    %reduce_sum3A_75 = vector.multi_reduction <add>, %slice3A_69, %reduce_sum3A_74 [0] : vector<256x8xf32> to vector<8xf32>
    %broadcast_in_dim3A_76 = vector.shape_cast %reduce_sum3A_75 : vector<8xf32> to vector<1x8xf32>
    %add3A_77 = arith.addf %add3A_68, %broadcast_in_dim3A_76 : vector<1x8xf32>
    %slice3A_78 = vector.extract_strided_slice %add3A_27 {offsets = [1280, 0], sizes = [256, 8], strides = [1, 1]} : vector<2048x8xf32> to vector<256x8xf32>
    %dot_general3A_79 = arith.constant dense<0.000000e+00> : vector<256x8xf32>
    %dot_general3A_80 = tpu.matmul %convert_element_type3A_31, %slice3A_78, %dot_general3A_79 {dimension_numbers = #tpu.dot_dimension_numbers<[1], [0], [0], [1], [0, 0, 1, 1], [], []>, transpose_lhs_hint = false} : vector<256x256xf32>, vector<256x8xf32>, vector<256x8xf32> -> vector<256x8xf32>
    %add3A_81 = vector.broadcast %add3A_77 : vector<1x8xf32> to vector<256x8xf32>
    %add3A_82 = arith.addf %dot_general3A_80, %add3A_81 : vector<256x8xf32>
    %reduce_sum3A_83 = arith.constant dense<0.000000e+00> : vector<8xf32>
    %reduce_sum3A_84 = vector.multi_reduction <add>, %slice3A_78, %reduce_sum3A_83 [0] : vector<256x8xf32> to vector<8xf32>
    %broadcast_in_dim3A_85 = vector.shape_cast %reduce_sum3A_84 : vector<8xf32> to vector<1x8xf32>
    %add3A_86 = arith.addf %add3A_77, %broadcast_in_dim3A_85 : vector<1x8xf32>
    %slice3A_87 = vector.extract_strided_slice %add3A_27 {offsets = [1536, 0], sizes = [256, 8], strides = [1, 1]} : vector<2048x8xf32> to vector<256x8xf32>
    %dot_general3A_88 = arith.constant dense<0.000000e+00> : vector<256x8xf32>
    %dot_general3A_89 = tpu.matmul %convert_element_type3A_31, %slice3A_87, %dot_general3A_88 {dimension_numbers = #tpu.dot_dimension_numbers<[1], [0], [0], [1], [0, 0, 1, 1], [], []>, transpose_lhs_hint = false} : vector<256x256xf32>, vector<256x8xf32>, vector<256x8xf32> -> vector<256x8xf32>
    %add3A_90 = vector.broadcast %add3A_86 : vector<1x8xf32> to vector<256x8xf32>
    %add3A_91 = arith.addf %dot_general3A_89, %add3A_90 : vector<256x8xf32>
    %reduce_sum3A_92 = arith.constant dense<0.000000e+00> : vector<8xf32>
    %reduce_sum3A_93 = vector.multi_reduction <add>, %slice3A_87, %reduce_sum3A_92 [0] : vector<256x8xf32> to vector<8xf32>
    %broadcast_in_dim3A_94 = vector.shape_cast %reduce_sum3A_93 : vector<8xf32> to vector<1x8xf32>
    %add3A_95 = arith.addf %add3A_86, %broadcast_in_dim3A_94 : vector<1x8xf32>
    %slice3A_96 = vector.extract_strided_slice %add3A_27 {offsets = [1792, 0], sizes = [256, 8], strides = [1, 1]} : vector<2048x8xf32> to vector<256x8xf32>
    %dot_general3A_97 = arith.constant dense<0.000000e+00> : vector<256x8xf32>
    %dot_general3A_98 = tpu.matmul %convert_element_type3A_31, %slice3A_96, %dot_general3A_97 {dimension_numbers = #tpu.dot_dimension_numbers<[1], [0], [0], [1], [0, 0, 1, 1], [], []>, transpose_lhs_hint = false} : vector<256x256xf32>, vector<256x8xf32>, vector<256x8xf32> -> vector<256x8xf32>
    %add3A_99 = vector.broadcast %add3A_95 : vector<1x8xf32> to vector<256x8xf32>
    %add3A_100 = arith.addf %dot_general3A_98, %add3A_99 : vector<256x8xf32>
    %reduce_sum3A_101 = arith.constant dense<0.000000e+00> : vector<8xf32>
    %reduce_sum3A_102 = vector.multi_reduction <add>, %slice3A_96, %reduce_sum3A_101 [0] : vector<256x8xf32> to vector<8xf32>
    %broadcast_in_dim3A_103 = vector.shape_cast %reduce_sum3A_102 : vector<8xf32> to vector<1x8xf32>
    %add3A_104 = arith.addf %add3A_95, %broadcast_in_dim3A_103 : vector<1x8xf32>
    %concatenate3A = tpu.concatenate %add3A_37, %add3A_46, %add3A_55, %add3A_64, %add3A_73, %add3A_82, %add3A_91, %add3A_100 in 0 : vector<256x8xf32>, vector<256x8xf32>, vector<256x8xf32>, vector<256x8xf32>, vector<256x8xf32>, vector<256x8xf32>, vector<256x8xf32>, vector<256x8xf32> -> vector<2048x8xf32>
    %mul3A = arith.constant 0.001953125 : f32
    %mul3A_105 = vector.broadcast %mul3A : f32 to vector<1x8xf32>
    %mul3A_106 = arith.mulf %add3A_104, %mul3A_105 : vector<1x8xf32>
    %ceil3A = math.ceil %mul3A_106 : vector<1x8xf32>
    %mul3A_107 = arith.constant 5.120000e+02 : f32
    %mul3A_108 = vector.broadcast %mul3A_107 : f32 to vector<1x8xf32>
    %mul3A_109 = arith.mulf %ceil3A, %mul3A_108 : vector<1x8xf32>
    %iota3A_110 = tpu.iota {dimensions = array<i32: 0>} : vector<8x8xi32>
    %iota3A_111 = tpu.iota {dimensions = array<i32: 1>} : vector<8x8xi32>
    %lt3A_112 = arith.cmpi slt, %iota3A_110, %iota3A_111 : vector<8x8xi32>
    %convert_element_type3A_113 = arith.extui %lt3A_112 : vector<8x8xi1> to vector<8x8xi32>
    %convert_element_type3A_114 = arith.sitofp %convert_element_type3A_113 : vector<8x8xi32> to vector<8x8xf32>
    %dot_general3A_115 = arith.constant dense<0.000000e+00> : vector<1x8xf32>
    %dot_general3A_116 = tpu.matmul %mul3A_109, %convert_element_type3A_114, %dot_general3A_115 {dimension_numbers = #tpu.dot_dimension_numbers<[1], [0], [0], [1], [0, 0, 1, 1], [], []>, transpose_lhs_hint = false} : vector<1x8xf32>, vector<8x8xf32>, vector<1x8xf32> -> vector<1x8xf32>
    %mul3A_117 = arith.mulf %concatenate3A, %convert_element_type3A_15 : vector<2048x8xf32>
    %reduce_sum3A_118 = arith.constant dense<0.000000e+00> : vector<2048xf32>
    %reduce_sum3A_119 = vector.multi_reduction <add>, %mul3A_117, %reduce_sum3A_118 [1] : vector<2048x8xf32> to vector<2048xf32>
    %mul3A_120 = arith.mulf %concatenate3A, %convert_element_type3A_26 : vector<2048x8xf32>
    %reduce_sum3A_121 = arith.constant dense<0.000000e+00> : vector<2048xf32>
    %reduce_sum3A_122 = vector.multi_reduction <add>, %mul3A_120, %reduce_sum3A_121 [1] : vector<2048x8xf32> to vector<2048xf32>
    %mul3A_123 = vector.broadcast %dot_general3A_116 : vector<1x8xf32> to vector<2048x8xf32>
    %mul3A_124 = arith.mulf %mul3A_123, %convert_element_type3A_15 : vector<2048x8xf32>
    %reduce_sum3A_125 = arith.constant dense<0.000000e+00> : vector<2048xf32>
    %reduce_sum3A_126 = vector.multi_reduction <add>, %mul3A_124, %reduce_sum3A_125 [1] : vector<2048x8xf32> to vector<2048xf32>
    %mul3A_127 = vector.broadcast %dot_general3A_116 : vector<1x8xf32> to vector<2048x8xf32>
    %mul3A_128 = arith.mulf %mul3A_127, %convert_element_type3A_26 : vector<2048x8xf32>
    %reduce_sum3A_129 = arith.constant dense<0.000000e+00> : vector<2048xf32>
    %reduce_sum3A_130 = vector.multi_reduction <add>, %mul3A_128, %reduce_sum3A_129 [1] : vector<2048x8xf32> to vector<2048xf32>
    %add3A_131 = arith.addf %reduce_sum3A_126, %reduce_sum3A_119 : vector<2048xf32>
    %convert_element_type3A_132 = arith.fptosi %add3A_131 : vector<2048xf32> to vector<2048xi32>
    %reshape3A = vector.shape_cast %convert_element_type3A_132 : vector<2048xi32> to vector<1x2048xi32>
    %swap3A = arith.constant 0 : index
    %swap3A_133 = arith.constant 0 : index
    %swap3A_134 = vector.load %arg2[%swap3A, %swap3A_133] : memref<1x2048xi32, #tpu.memory_space<vmem>>, vector<1x2048xi32>
    tpu.vector_store %arg2[%swap3A, %swap3A_133], %reshape3A {strides = array<i32>} : memref<1x2048xi32, #tpu.memory_space<vmem>>, vector<1x2048xi32>,
    %add3A_135 = arith.addf %reduce_sum3A_130, %reduce_sum3A_122 : vector<2048xf32>
    %convert_element_type3A_136 = arith.fptosi %add3A_135 : vector<2048xf32> to vector<2048xi32>
    %reshape3A_137 = vector.shape_cast %convert_element_type3A_136 : vector<2048xi32> to vector<1x2048xi32>
    %swap3A_138 = arith.constant 0 : index
    %swap3A_139 = arith.constant 0 : index
    %swap3A_140 = vector.load %arg3[%swap3A_138, %swap3A_139] : memref<1x2048xi32, #tpu.memory_space<vmem>>, vector<1x2048xi32>
    tpu.vector_store %arg3[%swap3A_138, %swap3A_139], %reshape3A_137 {strides = array<i32>} : memref<1x2048xi32, #tpu.memory_space<vmem>>, vector<1x2048xi32>,
    %div3A_141 = arith.divf %reduce_max3A_12, %add3A : vector<2048xf32>
    %broadcast_in_dim3A_142 = vector.shape_cast %div3A_141 : vector<2048xf32> to vector<2048x1xf32>
    %broadcast_in_dim3A_143 = vector.shape_cast %broadcast_in_dim3A_142 : vector<2048x1xf32> to vector<2048x1xf32>
    %broadcast_in_dim3A_144 = vector.broadcast %broadcast_in_dim3A_143 : vector<2048x1xf32> to vector<2048x16xf32>
    %swap3A_145 = arith.constant 0 : index
    %swap3A_146 = arith.constant 0 : index
    %swap3A_147 = vector.load %arg4[%swap3A_145, %swap3A_146] : memref<2048x16xf32, #tpu.memory_space<vmem>>, vector<2048x16xf32>
    tpu.vector_store %arg4[%swap3A_145, %swap3A_146], %broadcast_in_dim3A_144 {strides = array<i32>} : memref<2048x16xf32, #tpu.memory_space<vmem>>, vector<2048x16xf32>,
    %add3A_148 = arith.addf %dot_general3A_116, %mul3A_109 : vector<1x8xf32>
    %broadcast_in_dim3A_149 = vector.shape_cast %add3A_148 : vector<1x8xf32> to vector<1x8xf32>
    %broadcast_in_dim3A_150 = vector.broadcast %broadcast_in_dim3A_149 : vector<1x8xf32> to vector<64x8xf32>
    %iota3A_151 = tpu.iota {dimensions = array<i32: 0>} : vector<64x8xi32>
    %convert_element_type3A_152 = arith.sitofp %iota3A_151 : vector<64x8xi32> to vector<64x8xf32>
    %mul3A_153 = arith.constant 1.280000e+02 : f32
    %mul3A_154 = vector.broadcast %mul3A_153 : f32 to vector<64x8xf32>
    %mul3A_155 = arith.mulf %convert_element_type3A_152, %mul3A_154 : vector<64x8xf32>
    %le3A = arith.cmpf ole, %broadcast_in_dim3A_150, %mul3A_155 : vector<64x8xf32>
    %convert_element_type3A_156 = arith.extui %le3A : vector<64x8xi1> to vector<64x8xi32>
    %reduce_sum3A_157 = arith.constant dense<0> : vector<64xi32>
    %reduce_sum3A_158 = vector.multi_reduction <add>, %convert_element_type3A_156, %reduce_sum3A_157 [1] : vector<64x8xi32> to vector<64xi32>
    %min3A = arith.constant 7 : i32
    %min3A_159 = vector.broadcast %min3A : i32 to vector<64xi32>
    %min3A_160 = arith.minsi %reduce_sum3A_158, %min3A_159 : vector<64xi32>
    %reshape3A_161 = vector.shape_cast %min3A_160 : vector<64xi32> to vector<1x64xi32>
    %swap3A_162 = arith.constant 0 : index
    %swap3A_163 = arith.constant 0 : index
    %swap3A_164 = vector.load %arg5[%swap3A_162, %swap3A_163] : memref<1x64xi32, #tpu.memory_space<vmem>>, vector<1x64xi32>
    tpu.vector_store %arg5[%swap3A_162, %swap3A_163], %reshape3A_161 {strides = array<i32>} : memref<1x64xi32, #tpu.memory_space<vmem>>, vector<1x64xi32>,
    return
  }
}

module attributes {stable_mosaic.version = 14 : i64} {
  func.func @_gmm_kernel(%arg0: i32, %arg1: memref<64xi32, #tpu.memory_space<smem>>, %arg2: memref<512x1024xf32, #tpu.memory_space<vmem>>, %arg3: memref<1x1024x1024xf32, #tpu.memory_space<vmem>>, %arg4: memref<1x512x1024xf32, #tpu.memory_space<vmem>>, %arg5: memref<512x1024xf32, #tpu.memory_space<vmem>>) attributes {dimension_semantics = [#tpu.dimension_semantics<arbitrary>], iteration_bounds = array<i64: 16>, scalar_prefetch = 1 : i64, scratch_operands = 0 : i64, tpu.core_type = #tpu.core_type<tc>, window_params = [{transform_indices = @transform_0, window_bounds = array<i64: 512, 1024>}, {transform_indices = @transform_1, window_bounds = array<i64: 1, 1024, 1024>}, {transform_indices = @transform_2, window_bounds = array<i64: 1, 512, 1024>}, {transform_indices = @transform_3, window_bounds = array<i64: 512, 1024>}]} {
    %get3A = arith.constant 0 : index
    %get3A_0 = arith.constant 0 : index
    %get3A_1 = vector.load %arg2[%get3A, %get3A_0] : memref<512x1024xf32, #tpu.memory_space<vmem>>, vector<256x1024xf32>
    %get3A_2 = arith.constant 256 : index
    %get3A_3 = arith.constant 0 : index
    %get3A_4 = vector.load %arg2[%get3A_2, %get3A_3] : memref<512x1024xf32, #tpu.memory_space<vmem>>, vector<256x1024xf32>
    %get3A_5 = arith.constant 0 : index
    %get3A_6 = arith.constant 0 : index
    %get3A_7 = arith.constant 0 : index
    %get3A_8 = vector.load %arg3[%get3A_5, %get3A_6, %get3A_7] : memref<1x1024x1024xf32, #tpu.memory_space<vmem>>, vector<1x1024x1024xf32>
    %get3A_9 = vector.shape_cast %get3A_8 : vector<1x1024x1024xf32> to vector<1024x1024xf32>
    %dot_general3A = arith.constant dense<0.000000e+00> : vector<256x1024xf32>
    %dot_general3A_10 = tpu.matmul %get3A_1, %get3A_9, %dot_general3A {dimension_numbers = #tpu.dot_dimension_numbers<[1], [0], [0], [1], [0, 0, 1, 1], [], []>, transpose_lhs_hint = false} : vector<256x1024xf32>, vector<1024x1024xf32>, vector<256x1024xf32> -> vector<256x1024xf32>
    %get3A_11 = arith.constant 0 : index
    %get3A_12 = arith.constant 0 : index
    %get3A_13 = arith.constant 0 : index
    %get3A_14 = vector.load %arg3[%get3A_11, %get3A_12, %get3A_13] : memref<1x1024x1024xf32, #tpu.memory_space<vmem>>, vector<1x1024x1024xf32>
    %get3A_15 = vector.shape_cast %get3A_14 : vector<1x1024x1024xf32> to vector<1024x1024xf32>
    %dot_general3A_16 = arith.constant dense<0.000000e+00> : vector<256x1024xf32>
    %dot_general3A_17 = tpu.matmul %get3A_4, %get3A_15, %dot_general3A_16 {dimension_numbers = #tpu.dot_dimension_numbers<[1], [0], [0], [1], [0, 0, 1, 1], [], []>, transpose_lhs_hint = false} : vector<256x1024xf32>, vector<1024x1024xf32>, vector<256x1024xf32> -> vector<256x1024xf32>
    %slice3A = vector.extract_strided_slice %dot_general3A_10 {offsets = [0, 0], sizes = [256, 512], strides = [1, 1]} : vector<256x1024xf32> to vector<256x512xf32>
    %slice3A_18 = vector.extract_strided_slice %dot_general3A_10 {offsets = [0, 0], sizes = [256, 512], strides = [1, 1]} : vector<256x1024xf32> to vector<256x512xf32>
    %logistic3A = arith.negf %slice3A_18 : vector<256x512xf32>
    %logistic3A_19 = math.exp %logistic3A : vector<256x512xf32>
    %logistic3A_20 = arith.constant 1.000000e+00 : f32
    %logistic3A_21 = vector.broadcast %logistic3A_20 : f32 to vector<256x512xf32>
    %logistic3A_22 = arith.addf %logistic3A_21, %logistic3A_19 : vector<256x512xf32>
    %logistic3A_23 = arith.divf %logistic3A_21, %logistic3A_22 : vector<256x512xf32>
    %mul3A = arith.mulf %slice3A, %logistic3A_23 : vector<256x512xf32>
    %slice3A_24 = vector.extract_strided_slice %dot_general3A_10 {offsets = [0, 512], sizes = [256, 512], strides = [1, 1]} : vector<256x1024xf32> to vector<256x512xf32>
    %mul3A_25 = arith.mulf %mul3A, %slice3A_24 : vector<256x512xf32>
    %slice3A_26 = vector.extract_strided_slice %dot_general3A_17 {offsets = [0, 0], sizes = [256, 512], strides = [1, 1]} : vector<256x1024xf32> to vector<256x512xf32>
    %slice3A_27 = vector.extract_strided_slice %dot_general3A_17 {offsets = [0, 0], sizes = [256, 512], strides = [1, 1]} : vector<256x1024xf32> to vector<256x512xf32>
    %logistic3A_28 = arith.negf %slice3A_27 : vector<256x512xf32>
    %logistic3A_29 = math.exp %logistic3A_28 : vector<256x512xf32>
    %logistic3A_30 = arith.constant 1.000000e+00 : f32
    %logistic3A_31 = vector.broadcast %logistic3A_30 : f32 to vector<256x512xf32>
    %logistic3A_32 = arith.addf %logistic3A_31, %logistic3A_29 : vector<256x512xf32>
    %logistic3A_33 = arith.divf %logistic3A_31, %logistic3A_32 : vector<256x512xf32>
    %mul3A_34 = arith.mulf %slice3A_26, %logistic3A_33 : vector<256x512xf32>
    %slice3A_35 = vector.extract_strided_slice %dot_general3A_17 {offsets = [0, 512], sizes = [256, 512], strides = [1, 1]} : vector<256x1024xf32> to vector<256x512xf32>
    %mul3A_36 = arith.mulf %mul3A_34, %slice3A_35 : vector<256x512xf32>
    %get3A_37 = arith.constant 0 : index
    %get3A_38 = arith.constant 0 : index
    %get3A_39 = arith.constant 0 : index
    %get3A_40 = vector.load %arg4[%get3A_37, %get3A_38, %get3A_39] : memref<1x512x1024xf32, #tpu.memory_space<vmem>>, vector<1x512x1024xf32>
    %get3A_41 = vector.shape_cast %get3A_40 : vector<1x512x1024xf32> to vector<512x1024xf32>
    %dot_general3A_42 = arith.constant dense<0.000000e+00> : vector<256x1024xf32>
    %dot_general3A_43 = tpu.matmul %mul3A_25, %get3A_41, %dot_general3A_42 {dimension_numbers = #tpu.dot_dimension_numbers<[1], [0], [0], [1], [0, 0, 1, 1], [], []>, transpose_lhs_hint = false} : vector<256x512xf32>, vector<512x1024xf32>, vector<256x1024xf32> -> vector<256x1024xf32>
    %swap3A = arith.constant 0 : index
    %swap3A_44 = arith.constant 0 : index
    %swap3A_45 = vector.load %arg5[%swap3A, %swap3A_44] : memref<512x1024xf32, #tpu.memory_space<vmem>>, vector<256x1024xf32>
    tpu.vector_store %arg5[%swap3A, %swap3A_44], %dot_general3A_43 {strides = array<i32>} : memref<512x1024xf32, #tpu.memory_space<vmem>>, vector<256x1024xf32>,
    %get3A_46 = arith.constant 0 : index
    %get3A_47 = arith.constant 0 : index
    %get3A_48 = arith.constant 0 : index
    %get3A_49 = vector.load %arg4[%get3A_46, %get3A_47, %get3A_48] : memref<1x512x1024xf32, #tpu.memory_space<vmem>>, vector<1x512x1024xf32>
    %get3A_50 = vector.shape_cast %get3A_49 : vector<1x512x1024xf32> to vector<512x1024xf32>
    %dot_general3A_51 = arith.constant dense<0.000000e+00> : vector<256x1024xf32>
    %dot_general3A_52 = tpu.matmul %mul3A_36, %get3A_50, %dot_general3A_51 {dimension_numbers = #tpu.dot_dimension_numbers<[1], [0], [0], [1], [0, 0, 1, 1], [], []>, transpose_lhs_hint = false} : vector<256x512xf32>, vector<512x1024xf32>, vector<256x1024xf32> -> vector<256x1024xf32>
    %swap3A_53 = arith.constant 256 : index
    %swap3A_54 = arith.constant 0 : index
    %swap3A_55 = vector.load %arg5[%swap3A_53, %swap3A_54] : memref<512x1024xf32, #tpu.memory_space<vmem>>, vector<256x1024xf32>
    tpu.vector_store %arg5[%swap3A_53, %swap3A_54], %dot_general3A_52 {strides = array<i32>} : memref<512x1024xf32, #tpu.memory_space<vmem>>, vector<256x1024xf32>,
    return
  }
  func.func @transform_0(%arg0: i32, %arg1: memref<64xi32, #tpu.memory_space<smem>>) -> (i32, i32) {
    %c0_i32 = arith.constant 0 : i32
    %c0_i32_0 = arith.constant 0 : i32
    return %arg0, %c0_i32 : i32, i32
  }
  func.func @transform_1(%arg0: i32, %arg1: memref<64xi32, #tpu.memory_space<smem>>) -> (i32, i32, i32) {
    %mul3A = arith.constant 4 : i32
    %mul3A_0 = arith.muli %mul3A, %arg0 : i32
    %get3A = arith.index_cast %mul3A_0 : i32 to index
    %get3A_1 = memref.load %arg1[%get3A] : memref<64xi32, #tpu.memory_space<smem>>
    %c0_i32 = arith.constant 0 : i32
    %c0_i32_2 = arith.constant 0 : i32
    %c0_i32_3 = arith.constant 0 : i32
    return %get3A_1, %c0_i32, %c0_i32_2 : i32, i32, i32
  }
  func.func @transform_2(%arg0: i32, %arg1: memref<64xi32, #tpu.memory_space<smem>>) -> (i32, i32, i32) {
    %mul3A = arith.constant 4 : i32
    %mul3A_0 = arith.muli %mul3A, %arg0 : i32
    %get3A = arith.index_cast %mul3A_0 : i32 to index
    %get3A_1 = memref.load %arg1[%get3A] : memref<64xi32, #tpu.memory_space<smem>>
    %c0_i32 = arith.constant 0 : i32
    %c0_i32_2 = arith.constant 0 : i32
    %c0_i32_3 = arith.constant 0 : i32
    return %get3A_1, %c0_i32, %c0_i32_2 : i32, i32, i32
  }
  func.func @transform_3(%arg0: i32, %arg1: memref<64xi32, #tpu.memory_space<smem>>) -> (i32, i32) {
    %c0_i32 = arith.constant 0 : i32
    %c0_i32_0 = arith.constant 0 : i32
    return %arg0, %c0_i32 : i32, i32
  }
}

</mosaic_0001>

<sc_bundles>
// kernel: kernel.10.cloned.1.call-start
scs
__scs_entry_jumppad:
0x0: {  	(pc) =	sbr.rel $0x88, $3  }
0x1: {  	(tag) =	ssettag $0x0;
	lr =	simm.s32 $0x1  }
0x2: {  	[smem:$0x3F9B] =	sst lr;
	_ =	strace $0xD0000000  }
0x3: {  	_ = 	snop  }
0x4: {  	_ = 	snop  }
0x5: {  	_ = 	snop  }
0x6: {  	_ = 	snop  }
0x7: {  	_ = 	snop  }
__scs_overlays_trampoline_lowered:
0x8: {  	[smem:$0x3FAA] =	sst s0  }
0x9: {  	[smem:$0x3FAB] =	sst s1  }
0xa: {  	[smem:$0x3FAC] =	sst s2  }
0xb: {  	[smem:$0x3FAD] =	sst s3  }
0xc: {  	[smem:$0x3FAE] =	sst s4  }
0xd: {  	[smem:$0x3FAF] =	sst s5  }
0xe: {  	[smem:$0x3FB0] =	sst s6  }
0xf: {  	[smem:$0x3FB1] =	sst s7  }
0x10: {  	[smem:$0x3FB2] =	sst s8  }
0x11: {  	[smem:$0x3FB3] =	sst s9;
	s0 =	simm.s32 @!p0 $0x0  }
0x12: {  	s1 =	sld [smem:$0x3F99];
	s0 =	simm.s32 @p0 $0x1  }
0x13: {  	[smem:$0x3FB4] =	sst s0;
	s0 =	simm.s32 @!p1 $0x0  }
0x14: {  	s2 =	sld [smem:$0x3F98];
	s0 =	simm.s32 @p1 $0x1  }
0x15: {  	[smem:$0x3FB5] =	sst s0;
	s0 =	simm.s32 @!p2 $0x0  }
0x16: {  	s3 =	sld [smem:$0x3FDB];
	s0 =	simm.s32 @p2 $0x1  }
0x17: {  	s4 =	simm.s32 $0x1BF5;
	[smem:$0x3FB7] =	sst s0  }
0x18: {  	s0 =	sld [smem:$0x3F9A];
	_ =	swait.ge [sflag:s4], $0x0  }
0x19: {  	s7 =	sld [smem:$0x3F9B]  }
0x1a: {  	s8 =	sadd.s32 $0xFFFFE003, lr  }
0x1b: {  	s9 =	sadd.s32 $0xFFFFFEF7, lr;
	s5 =	simm.s32 $0xFFFFFFFF;
	p2 =	slt.u32 s8, $0xFFFFF086  }
0x1c: {  	p1 =	slt.u32 s9, $0xF7A;
	s5 =	simm.s32 @!p2 $0x0  }
0x1d: {  	s5 =	simm.s32 @p1 $0x1;
	p0 =	seq.s32 s7, s2  }
0x1e: {  	s7 =	smul.u32 @!p0 $0xF7A, s2;
	p2 =	seq.s32 @!p0 s5, $0x0  }
0x1f: {  	s9 =	smul.u32 $0xF7A, s1;
	s8 =	simm.s32 @!p0 $0x1BF5;
	p2 =	por !p2, p0  }
0x20: {  	[sflag:s8] =	ssyncset.s32 @!p0 $0xFFFFF086;
	s6 =	sadd.s32 @!p0 s3, s7;
	s7 =	simm.s32 @!p0 $0x108  }
0x21: {  	s3 =	sadd.s32 s3, s9;
	s6 =	sadd.s32 @!p0 $0x88, s6;
	s7 =	simm.s32 @p2 $0x1082  }
0x22: {  	[simem:s7], [sflag:s8] =	dma.local @!p0 [hbm:s6], $0xF7A  }
0x23: {  	s9 =	sor.u32 $0xD0000000, s2;
	s6 =	simm.s32 $0x108;
	_ =	swait.ge @!p0 [sflag:s8], $0x0  }
0x24: {  	s3 =	sadd.s32 $0x88, s3;
	s6 =	simm.s32 @!p1 $0x1082;
	[sflag:s4] =	ssyncset.s32 $0xFFFFF086  }
0x25: {  	[simem:s6], [sflag:s4] =	dma.local [hbm:s3], $0xF7A  }
0x26: {  	[smem:$0x3F9B] =	sst s1;
	(tag) =	ssettag s2;
	_ =	strace s9  }
0x27: {  	s1 =	sld [smem:$0x3FAB]  }
0x28: {  	s2 =	sld [smem:$0x3FAC]  }
0x29: {  	s4 =	sld [smem:$0x3FAE]  }
0x2a: {  	p0 =	seq.s32 s5, $0x0;
	s5 =	sld [smem:$0x3FAF]  }
0x2b: {  	s6 =	sld [smem:$0x3FB0]  }
0x2c: {  	s7 =	sld [smem:$0x3FB1]  }
0x2d: {  	s3 =	simm.s32 $0x108;
	s8 =	sld [smem:$0x3FB2]  }
0x2e: {  	s3 =	simm.s32 @!p0 $0x1082;
	s9 =	sld [smem:$0x3FB3]  }
0x2f: {  	lr =	sadd.s32 s0, s3;
	s0 =	sld [smem:$0x3FAA]  }
0x30: {  	s3 =	sld [smem:$0x3FAD]  }
0x31: {  	[smem:$0x3FB6] =	sst s10  }
0x32: {  	s10 =	sld [smem:$0x3FB4];
	_ =	sdelay $0x3  }
0x33: {  	p0 =	seq.s32 s10, $0x1;
	s10 =	sld [smem:$0x3FB6];
	_ =	sdelay $0x3  }
0x34: {  	[smem:$0x3FB6] =	sst s10  }
0x35: {  	s10 =	sld [smem:$0x3FB5];
	_ =	sdelay $0x3  }
0x36: {  	p1 =	seq.s32 s10, $0x1;
	s10 =	sld [smem:$0x3FB6];
	_ =	sdelay $0x3  }
0x37: {  	[smem:$0x3FB6] =	sst s10  }
0x38: {  	s10 =	sld [smem:$0x3FB7]  }
0x39: {  	_ = 	snop;
	(pc) =	sbr.ind lr, $3  }
0x3a: {  	_ = 	snop  }
0x3b: {  	_ = 	snop  }
0x3c: {  	p2 =	seq.s32 s10, $0x1;
	s10 =	sld [smem:$0x3FB6]  }
0x3d: {  	_ =	shalt  }
0x3e: {  	_ =	shalt  }
0x3f: {  	_ =	shalt  }
0x40: {  	_ =	shalt  }
0x41: {  	_ =	shalt  }
0x42: {  	_ =	shalt  }
0x43: {  	_ =	shalt  }
0x44: {  	_ =	shalt  }
0x45: {  	_ =	shalt  }
0x46: {  	_ =	shalt  }
0x47: {  	_ =	shalt  }
0x48: {  	_ =	shalt  }
0x49: {  	_ =	shalt  }
0x4a: {  	_ =	shalt  }
0x4b: {  	_ =	shalt  }
0x4c: {  	_ =	shalt  }
0x4d: {  	_ =	shalt  }
0x4e: {  	_ =	shalt  }
0x4f: {  	_ =	shalt  }
0x50: {  	_ =	shalt  }
0x51: {  	_ =	shalt  }
0x52: {  	_ =	shalt  }
0x53: {  	_ =	shalt  }
0x54: {  	_ =	shalt  }
0x55: {  	_ =	shalt  }
0x56: {  	_ =	shalt  }
0x57: {  	_ =	shalt  }
0x58: {  	_ =	shalt  }
0x59: {  	_ =	shalt  }
0x5a: {  	_ =	shalt  }
0x5b: {  	_ =	shalt  }
0x5c: {  	_ =	shalt  }
0x5d: {  	_ =	shalt  }
0x5e: {  	_ =	shalt  }
0x5f: {  	_ =	shalt  }
0x60: {  	_ =	shalt  }
0x61: {  	_ =	shalt  }
0x62: {  	_ =	shalt  }
0x63: {  	_ =	shalt  }
0x64: {  	_ =	shalt  }
0x65: {  	_ =	shalt  }
0x66: {  	_ =	shalt  }
0x67: {  	_ =	shalt  }
0x68: {  	_ =	shalt  }
0x69: {  	_ =	shalt  }
0x6a: {  	_ =	shalt  }
0x6b: {  	_ =	shalt  }
0x6c: {  	_ =	shalt  }
0x6d: {  	_ =	shalt  }
0x6e: {  	_ =	shalt  }
0x6f: {  	_ =	shalt  }
0x70: {  	_ =	shalt  }
0x71: {  	_ =	shalt  }
0x72: {  	_ =	shalt  }
0x73: {  	_ =	shalt  }
0x74: {  	_ =	shalt  }
0x75: {  	_ =	shalt  }
0x76: {  	_ =	shalt  }
0x77: {  	_ =	shalt  }
0x78: {  	_ =	shalt  }
0x79: {  	_ =	shalt  }
0x7a: {  	_ =	shalt  }
0x7b: {  	_ =	shalt  }
0x7c: {  	_ =	shalt  }
0x7d: {  	_ =	shalt  }
0x7e: {  	_ =	shalt  }
0x7f: {  	_ =	shalt  }
0x80: {  	_ =	shalt  }
0x81: {  	_ =	shalt  }
0x82: {  	_ =	shalt  }
0x83: {  	_ =	shalt  }
0x84: {  	_ =	shalt  }
0x85: {  	_ =	shalt  }
0x86: {  	_ =	shalt  }
0x87: {  	_ =	shalt  }
.Lfunc_end0:
.L_simem_size_0:
called_computation.1_lowered:
.L_overlay_start_0:
0x88: {  	s2 =	sld [smem:$0x3FD9]  }
0x89: {  	s3 =	sld [smem:$0x3FFE];
	_ =	sdelay $0x1  }
0x8a: {  	s1 =	srdreg.scid  }
0x8b: {  	s0 =	sand.u32 $0x1, s1  }
0x8c: {  	s17 =	sshll.u32 s0, $0xA;
	s2 =	sadd.s32 s3, s2  }
0x8d: {  	s2 =	sadd.s32 s2, s17  }
0x8e: {  	[smem:$0x3FC2] =	sst s2  }
0x8f: {  	_ = 	snop  }
0x90: {  	s2 =	sld [smem:$0x3FD0];
	(tm) =	ssettm $0x1  }
0x91: {  	s18 =	sld [smem:$0x3FFB];
	_ =	sdelay $0x3  }
0x92: {  	_ =	strace s18  }
0x93: {  	s3 =	sld [smem:$0x3FFC];
	_ =	sdelay $0x3  }
0x94: {  	_ =	strace s3  }
0x95: {  	s3 =	sld [smem:$0x3FFD];
	_ =	sdelay $0x3  }
0x96: {  	_ =	strace s3  }
0x97: {  	_ =	strace $0x8FFFFFFF  }
0x98: {  	s19 =	sld [smem:$0x3FDB];
	_ =	sdelay $0x1  }
0x99: {  	s4 =	simm.s32 $_scs_section_size  }
0x9a: {  	s5 =	simm.s32 $_size__tile_overlayer_lowered;
	s6 =	simm.s32 $_tile_overlayer_lowered  }
0x9b: {  	s22 =	simm.s32 $0x1BFF;
	s21 =	sshll.u32 s6, $0x1;
	s3 =	sadd.s32 s4, s19  }
0x9c: {  	s7 =	simm.s32 $0x0;
	s20 =	sshll.u32 s5, $0x1;
	s5 =	sadd.s32 s21, s3  }
0x9d: {  	[timem:s7], [sflag:s22] =	dma.local [hbm:s5], s20  }
0x9e: {  	_ =	swait.ge [sflag:s22], s20  }
0x9f: {  	s4 =	ssub.s32 $0x0, s20;
	[sflag:s22] =	ssyncset.done $0x0  }
0xa0: {  	[sflag:s22] =	ssyncadd.s32 s4;
	_ =	sdelay $0x1  }
0xa1: {  	s23 =	simm.s32 $0x1B8B  }
0xa2: {  	_ =	swait.ge [sflag:s23], $0x1  }
0xa3: {  	[sflag:s23] =	ssyncset.done $0x0  }
0xa4: {  	s25 =	simm.s32 $0x1B8E;
	s24 =	sld [smem:$0x3FFE];
	[sflag:s23] =	ssyncadd.s32 $0xFFFFFFFF  }
0xa5: {  	s26 =	simm.s32 $execute0_lowered;
	[smem:$0x3FD2] =	sst s25  }
0xa6: {  	s5 =	sshll.u32 s26, $0x1;
	_ =	strace $0x80000049;
	[dreg:$0x1] =	wrdreg $0xFFFFFFFF  }
0xa7: {  	s28 =	simm.s32 $_size_execute0_lowered;
	s3 =	sadd.s32 s3, s5;
	[dreg:$0x0] =	wrdreg $0x0  }
0xa8: {  	s5 =	sshll.u32 s28, $0x1;
	[dreg:$0x2] =	wrdreg s3  }
0xa9: {  	[dreg:$0x3] =	wrdreg s5  }
0xaa: {  	[dreg:$0x4] =	wrdreg $0xC0  }
0xab: {  	_ =	task [dreg:s7], $0x5FFFF  }
0xac: {  	[dreg:$0x1] =	wrdreg $0xFFFFFFFF  }
0xad: {  	[dreg:$0x0] =	wrdreg $0x60  }
0xae: {  	[dreg:$0x2] =	wrdreg s24  }
0xaf: {  	[dreg:$0x3] =	wrdreg s2  }
0xb0: {  	[dreg:$0x4] =	wrdreg $0x9  }
0xb1: {  	_ =	task.clear_ibuf [dreg:s7], $0x5FFFF;
	_ =	strace $0x90000049  }
0xb2: {  	s29 =	simm.s32 $0x9;
	_ =	strace $0x8000004B  }
0xb3: {  	_ =	swait.ge [sflag:s29], $0x1  }
0xb4: {  	[sflag:s29] =	ssyncadd.s32 $0xFFFFFFFF  }
0xb5: {  	_ =	strace $0x9000004B  }
0xb6: {  	_ =	sfence  }
0xb7: {  	s30 =	sld [smem:$0x0];
	_ =	sdelay $0x2  }
0xb8: {  	s31 =	sshll.u32 s1, $0xD;
	s1 =	sshrl.u32 s1, $0x2  }
0xb9: {  	s3 =	sand.u32 $0x4000, s31;
	s1 =	sadd.s32 s1, s30  }
0xba: {  	s0 =	sor.u32 s3, s0;
	s1 =	sshll.u32 s1, $0x11  }
0xbb: {  	s0 =	sor.u32 s1, s0  }
0xbc: {  	s0 =	sadd.s32 $0x8F2B, s0  }
0xbd: {  	[sflag:s0] =	ssyncadd.remote.s32 $0x1  }
0xbe: {  	_ =	sfence.sel $0xFFFF  }
0xbf: {  	[dreg:$0x0] =	wrdreg $0xFFFFFFFF;
	(pc) =	sbr.abs _section_cstart, $3  }
0xc0: {  	[dreg:$0x1] =	wrdreg $0xFFFFFFFF  }
0xc1: {  	_ =	task.clear_ibuf [dreg:s7], $0x2FFFF;
	_ =	strace $0x9FFFFFFF  }
0xc2: {  	(tm) =	ssettm $0x7FFFFFFF  }
0xc3: {  	_ =	shalt  }
tec
execute0_lowered:
.L_overlay_start_1:
0x0: {  	(tag) =	ssettag $0x1  }
0x1: {  	s0 =	rddreg [dreg:$0x0]  }
0x2: {  	s1 =	rddreg [dreg:$0x1];
	s2 =	simm.s32 $0x0  }
0x3: {  	s3 =	srdreg.scid;
	s5 =	stileid.u32;
	s15 =	simm.s32 $0x3  }
0x4: {  	s18 =	simm.s32 $0xB100;
	s19 =	simm.s32 $0xB900;
	s20 =	simm.s32 $0xC100  }
0x5: {  	s28 =	simm.s32 $0x11100;
	s29 =	simm.s32 $0x11900;
	s30 =	simm.s32 $0x12100  }
0x6: {  	s31 =	simm.s32 $0x2;
	[smem:$0x7FF] =	sst s2;
	s4 =	sand.u32 $0x1, s3  }
0x7: {  	s3 =	sadd.s32 $0x14A000, s0;
	s5 =	sshll.u32 s5, $0x7;
	s10 =	sadd.s32 $0x10A000, s0  }
0x8: {  	s9 =	sadd.s32 $0x14A300, s0;
	s6 =	sshll.u32 s4, $0x6;
	s4 =	ssub.s32 $0x2, s4  }
0x9: {  	_ =	strace $0x8000004A;
	s5 =	sor.u32 s6, s5;
	s8 =	sshrl.u32 s4, $0x1  }
0xa: {  	s6 =	sshrl.u32 s5, $0x3;
	s7 =	sshll.u32 s5, $0x4;
	s4 =	ssub.s32 s4, s8  }
0xb: {  	s8 =	sadd.s32 $0x14A200, s0;
	s5 =	sshll.u32 s5, $0x7;
	s6 =	sadd.s32 s6, s0  }
0xc: {  	s7 =	sadd.s32 s7, s0;
	s23 =	sadd.s32 s10, s5;
	s24 =	sor.u32 $0x1000, s5  }
0xd: {  	s5 =	sadd.s32 s1, s5;
	s26 =	smax.u32 s4, $0x1;
	[dreg:$0x6] =	wrdreg s23  }
0xe: {  	s4 =	simm.s32 $0xD900;
	s21 =	sadd.s32 $0x1C00, s6;
	[dreg:$0x7] =	wrdreg s5  }
0xf: {  	s6 =	sadd.s32 $0x1E00, s6;
	s22 =	sadd.s32 $0x2000, s7;
	[dreg:$0xa] =	wrdreg s26  }
0x10: {  	s7 =	sadd.s32 $0x14A100, s0;
	s25 =	sadd.s32 s10, s24;
	[dreg:$0x3] =	wrdreg s21  }
0x11: {  	v0 =	vlaneseq.u32;
	s0 =	sadd.s32 s1, s24;
	s23 =	simm.s32 $0xE100;
	[dreg:$0x4] =	wrdreg s6  }
0x12: {  	v1 =	vand.u32 $0x7, v0;
	v63 =	vshrl.u32 v0, $0x3;
	s5 =	simm.s32 $0xE900;
	s24 =	simm.s32 $0xF100;
	[dreg:$0x5] =	wrdreg s22  }
0x13: {  	v0 =	vor.u32 $0x8, v0;
	[tilespmem:$0x1FFD0] =	vst v1;
	v1 =	vmul.u32 $0x8, v63;
	s26 =	simm.s32 $0x10900;
	s10 =	simm.s32 $0x1;
	[dreg:$0x8] =	wrdreg s25  }
0x14: {  	[tilespmem:$0x1FFF0] =	vst v0;
	[dreg:$0x9] =	wrdreg s0;
	s21 =	simm.s32 $0xC900;
	s22 =	simm.s32 $0xD100  }
0x15: {  	vm0 =	vmmov $0xffff;
	[tilespmem:$0x1FFE0] =	vst v1;
	s6 =	simm.s32 $0xF900;
	s25 =	simm.s32 $0x10100;
	s0 =	simm.s32 $0x0  }
.LBB2_1:
0x16: {  	s1 =	rddreg [dreg:$0x3]  }
0x17: {  	[tilespmem:s2], [sflag:$0x3] =	stream.linear.gather [hbm4b:s1+s2], $0x40, $0x38;
	[tilespmem:$0x1A100] =	vst v63  }
0x18: {  	_ =	swait.ge [sflag:s15], $0x40  }
0x19: {  	[sflag:s15] =	ssyncset.done $0x0  }
0x1a: {  	s11 =	simm.s32 $0x80;
	s17 =	rddreg [dreg:$0x4];
	[sflag:s15] =	ssyncadd.s32 $0xFFFFFFC0  }
0x1b: {  	[tilespmem:s11], [sflag:$0x3] =	stream.linear.gather [hbm4b:s17+s2], $0x40, $0x38;
	[tilespmem:$0x1A100] =	vst v63  }
0x1c: {  	_ =	swait.ge [sflag:s15], $0x40  }
0x1d: {  	[sflag:s15] =	ssyncset.done $0x0  }
0x1e: {  	s11 =	simm.s32 $0x100;
	s12 =	rddreg [dreg:$0x5];
	[sflag:s15] =	ssyncadd.s32 $0xFFFFFFC0  }
0x1f: {  	[tilespmem:s11], [sflag:$0x3] =	stream.linear.gather [hbm4b:s12+s2], $0x2000, $0x38;
	[tilespmem:$0x1A100] =	vst v63  }
0x20: {  	_ =	swait.ge [sflag:s15], $0x2000  }
0x21: {  	[sflag:s15] =	ssyncset.done $0x0  }
0x22: {  	[sflag:s15] =	ssyncadd.s32 $0xFFFFE000  }
0x23: {  	v0 =	vld [tilespmem:$0x0];
	_ =	sdelay $0x2  }
0x24: {  	v2 =	vld [tilespmem:$0x1FFD0];
	_ =	sdelay $0x1  }
0x25: {  	v3 =	vld [tilespmem:$0x1FFE0];
	v1 =	vshll.u32 v0, $0x3  }
0x26: {  	v0 =	vand.u32 $0x7, v0;
	v1 =	vand.u32 $0xFFFFFFC0, v1  }
0x27: {  	v0 =	vor.u32 v0, v1  }
0x28: {  	v1 =	vperm.xlane v0, v2;
	_ =	sdelay $0x1  }
0x29: {  	v1 =	vadd.s32 v3, v1  }
0x2a: {  	v4 =	vld [tilespmem:$0x1FFF0];
	_ =	sdelay $0x2  }
0x2b: {  	s13 =	simm.s32 $0x2100  }
0x2c: {  	[tilespmem:s13], [sflag:$0x1] =	stream.indirect_vreg.gather [hbm4b:s3+s2], $0x80, v1, vm0, $0xb8;
	[tilespmem:$0x1A100] =	vst v63  }
0x2d: {  	s14 =	simm.s32 $0x2900;
	v0 =	vperm.xlane v0, v4  }
0x2e: {  	[tilespmem:s14], [sflag:$0x1] =	stream.indirect_vreg.gather [hbm4b:s7+s2], $0x80, v1, vm0, $0xb8;
	[tilespmem:$0x1A100] =	vst v63  }
0x2f: {  	s16 =	simm.s32 $0x3100;
	v0 =	vadd.s32 v3, v0  }
0x30: {  	[tilespmem:s16], [sflag:$0x1] =	stream.indirect_vreg.gather [hbm4b:s8+s2], $0x80, v1, vm0, $0xb8;
	[tilespmem:$0x1A100] =	vst v63  }
0x31: {  	s17 =	simm.s32 $0x3900  }
0x32: {  	[tilespmem:s17], [sflag:$0x1] =	stream.indirect_vreg.gather [hbm4b:s9+s2], $0x80, v1, vm0, $0xb8;
	[tilespmem:$0x1A100] =	vst v63  }
0x33: {  	s12 =	simm.s32 $0x4100  }
0x34: {  	[tilespmem:s12], [sflag:$0x1] =	stream.indirect_vreg.gather [hbm4b:s3+s2], $0x80, v0, vm0, $0xb8;
	[tilespmem:$0x1A100] =	vst v63  }
0x35: {  	s13 =	simm.s32 $0x4900  }
0x36: {  	[tilespmem:s13], [sflag:$0x1] =	stream.indirect_vreg.gather [hbm4b:s7+s2], $0x80, v0, vm0, $0xb8;
	[tilespmem:$0x1A100] =	vst v63  }
0x37: {  	s14 =	simm.s32 $0x5100  }
0x38: {  	[tilespmem:s14], [sflag:$0x1] =	stream.indirect_vreg.gather [hbm4b:s8+s2], $0x80, v0, vm0, $0xb8;
	[tilespmem:$0x1A100] =	vst v63  }
0x39: {  	s16 =	simm.s32 $0x5900  }
0x3a: {  	[tilespmem:s16], [sflag:$0x1] =	stream.indirect_vreg.gather [hbm4b:s9+s2], $0x80, v0, vm0, $0xb8;
	[tilespmem:$0x1A100] =	vst v63  }
0x3b: {  	v0 =	vld [tilespmem:$0x10];
	_ =	sdelay $0x4  }
0x3c: {  	v61 =	vshll.u32 v0, $0x3  }
0x3d: {  	v0 =	vand.u32 $0x7, v0;
	v1 =	vand.u32 $0xFFFFFFC0, v61  }
0x3e: {  	v0 =	vor.u32 v0, v1  }
0x3f: {  	v1 =	vperm.xlane v0, v2;
	_ =	sdelay $0x1  }
0x40: {  	v1 =	vadd.s32 v3, v1;
	_ =	sdelay $0x3  }
0x41: {  	s17 =	simm.s32 $0x6100  }
0x42: {  	[tilespmem:s17], [sflag:$0x1] =	stream.indirect_vreg.gather [hbm4b:s3+s2], $0x80, v1, vm0, $0xb8;
	[tilespmem:$0x1A100] =	vst v63  }
0x43: {  	s12 =	simm.s32 $0x6900;
	v0 =	vperm.xlane v0, v4  }
0x44: {  	[tilespmem:s12], [sflag:$0x1] =	stream.indirect_vreg.gather [hbm4b:s7+s2], $0x80, v1, vm0, $0xb8;
	[tilespmem:$0x1A100] =	vst v63  }
0x45: {  	s13 =	simm.s32 $0x7100;
	v0 =	vadd.s32 v3, v0  }
0x46: {  	[tilespmem:s13], [sflag:$0x1] =	stream.indirect_vreg.gather [hbm4b:s8+s2], $0x80, v1, vm0, $0xb8;
	[tilespmem:$0x1A100] =	vst v63  }
0x47: {  	s14 =	simm.s32 $0x7900  }
0x48: {  	[tilespmem:s14], [sflag:$0x1] =	stream.indirect_vreg.gather [hbm4b:s9+s2], $0x80, v1, vm0, $0xb8;
	[tilespmem:$0x1A100] =	vst v63  }
0x49: {  	s16 =	simm.s32 $0x8100  }
0x4a: {  	[tilespmem:s16], [sflag:$0x1] =	stream.indirect_vreg.gather [hbm4b:s3+s2], $0x80, v0, vm0, $0xb8;
	[tilespmem:$0x1A100] =	vst v63  }
0x4b: {  	s17 =	simm.s32 $0x8900  }
0x4c: {  	[tilespmem:s17], [sflag:$0x1] =	stream.indirect_vreg.gather [hbm4b:s7+s2], $0x80, v0, vm0, $0xb8;
	[tilespmem:$0x1A100] =	vst v63  }
0x4d: {  	s12 =	simm.s32 $0x9100  }
0x4e: {  	[tilespmem:s12], [sflag:$0x1] =	stream.indirect_vreg.gather [hbm4b:s8+s2], $0x80, v0, vm0, $0xb8;
	[tilespmem:$0x1A100] =	vst v63  }
0x4f: {  	s13 =	simm.s32 $0x9900  }
0x50: {  	[tilespmem:s13], [sflag:$0x1] =	stream.indirect_vreg.gather [hbm4b:s9+s2], $0x80, v0, vm0, $0xb8;
	[tilespmem:$0x1A100] =	vst v63  }
0x51: {  	v0 =	vld [tilespmem:$0x80];
	_ =	sdelay $0x4  }
0x52: {  	v62 =	vshll.u32 v0, $0x3  }
0x53: {  	v0 =	vand.u32 $0x7, v0;
	v1 =	vand.u32 $0xFFFFFFC0, v62  }
0x54: {  	v0 =	vor.u32 v0, v1  }
0x55: {  	v1 =	vperm.xlane v0, v2;
	_ =	sdelay $0x1  }
0x56: {  	v1 =	vadd.s32 v3, v1;
	_ =	sdelay $0x3  }
0x57: {  	s14 =	simm.s32 $0xA100  }
0x58: {  	[tilespmem:s14], [sflag:$0x2] =	stream.indirect_vreg.gather [hbm4b:s3+s2], $0x80, v1, vm0, $0xb8;
	[tilespmem:$0x1A100] =	vst v63  }
0x59: {  	s16 =	simm.s32 $0xA900;
	v0 =	vperm.xlane v0, v4  }
0x5a: {  	[tilespmem:s16], [sflag:$0x2] =	stream.indirect_vreg.gather [hbm4b:s7+s2], $0x80, v1, vm0, $0xb8;
	[tilespmem:$0x1A100] =	vst v63  }
0x5b: {  	v0 =	vadd.s32 v3, v0  }
0x5c: {  	[tilespmem:s18], [sflag:$0x2] =	stream.indirect_vreg.gather [hbm4b:s8+s2], $0x80, v1, vm0, $0xb8;
	[tilespmem:$0x1A100] =	vst v63  }
0x5d: {  	_ = 	snop  }
0x5e: {  	[tilespmem:s19], [sflag:$0x2] =	stream.indirect_vreg.gather [hbm4b:s9+s2], $0x80, v1, vm0, $0xb8;
	[tilespmem:$0x1A100] =	vst v63  }
0x5f: {  	_ = 	snop  }
0x60: {  	[tilespmem:s20], [sflag:$0x2] =	stream.indirect_vreg.gather [hbm4b:s3+s2], $0x80, v0, vm0, $0xb8;
	[tilespmem:$0x1A100] =	vst v63  }
0x61: {  	_ = 	snop  }
0x62: {  	[tilespmem:s21], [sflag:$0x2] =	stream.indirect_vreg.gather [hbm4b:s7+s2], $0x80, v0, vm0, $0xb8;
	[tilespmem:$0x1A100] =	vst v63  }
0x63: {  	_ = 	snop  }
0x64: {  	[tilespmem:s22], [sflag:$0x2] =	stream.indirect_vreg.gather [hbm4b:s8+s2], $0x80, v0, vm0, $0xb8;
	[tilespmem:$0x1A100] =	vst v63  }
0x65: {  	_ = 	snop  }
0x66: {  	[tilespmem:s4], [sflag:$0x2] =	stream.indirect_vreg.gather [hbm4b:s9+s2], $0x80, v0, vm0, $0xb8;
	[tilespmem:$0x1A100] =	vst v63  }
0x67: {  	v0 =	vld [tilespmem:$0x90];
	_ =	sdelay $0x4  }
0x68: {  	v63 =	vshll.u32 v0, $0x3  }
0x69: {  	v0 =	vand.u32 $0x7, v0;
	v1 =	vand.u32 $0xFFFFFFC0, v63  }
0x6a: {  	v0 =	vor.u32 v0, v1  }
0x6b: {  	v1 =	vperm.xlane v0, v2;
	_ =	sdelay $0x1  }
0x6c: {  	v1 =	vadd.s32 v3, v1;
	_ =	sdelay $0x4  }
0x6d: {  	[tilespmem:s23], [sflag:$0x2] =	stream.indirect_vreg.gather [hbm4b:s3+s2], $0x80, v1, vm0, $0xb8;
	[tilespmem:$0x1A100] =	vst v63  }
0x6e: {  	v0 =	vperm.xlane v0, v4  }
0x6f: {  	[tilespmem:s5], [sflag:$0x2] =	stream.indirect_vreg.gather [hbm4b:s7+s2], $0x80, v1, vm0, $0xb8;
	[tilespmem:$0x1A100] =	vst v63  }
0x70: {  	v0 =	vadd.s32 v3, v0  }
0x71: {  	[tilespmem:s24], [sflag:$0x2] =	stream.indirect_vreg.gather [hbm4b:s8+s2], $0x80, v1, vm0, $0xb8;
	[tilespmem:$0x1A100] =	vst v63  }
0x72: {  	_ = 	snop  }
0x73: {  	[tilespmem:s6], [sflag:$0x2] =	stream.indirect_vreg.gather [hbm4b:s9+s2], $0x80, v1, vm0, $0xb8;
	[tilespmem:$0x1A100] =	vst v63  }
0x74: {  	_ = 	snop  }
0x75: {  	[tilespmem:s25], [sflag:$0x2] =	stream.indirect_vreg.gather [hbm4b:s3+s2], $0x80, v0, vm0, $0xb8;
	[tilespmem:$0x1A100] =	vst v63  }
0x76: {  	_ = 	snop  }
0x77: {  	[tilespmem:s26], [sflag:$0x2] =	stream.indirect_vreg.gather [hbm4b:s7+s2], $0x80, v0, vm0, $0xb8;
	[tilespmem:$0x1A100] =	vst v63  }
0x78: {  	_ = 	snop  }
0x79: {  	[tilespmem:s28], [sflag:$0x2] =	stream.indirect_vreg.gather [hbm4b:s8+s2], $0x80, v0, vm0, $0xb8;
	[tilespmem:$0x1A100] =	vst v63  }
0x7a: {  	_ = 	snop  }
0x7b: {  	[tilespmem:s29], [sflag:$0x2] =	stream.indirect_vreg.gather [hbm4b:s9+s2], $0x80, v0, vm0, $0xb8;
	[tilespmem:$0x1A100] =	vst v63  }
0x7c: {  	s17 =	rddreg [dreg:$0x6]  }
0x7d: {  	[tilespmem:s30], [sflag:$0x3] =	stream.linear.gather [hbm4b:s17+s2], $0x8000, $0x38;
	[tilespmem:$0x1A100] =	vst v63  }
0x7e: {  	_ =	swait.ge [sflag:s15], $0x8000  }
0x7f: {  	[sflag:s15] =	ssyncset.done $0x0  }
0x80: {  	[sflag:s15] =	ssyncadd.s32 $0xFFFF8000  }
0x81: {  	_ =	swait.ge [sflag:s10], $0x8000  }
0x82: {  	[sflag:s10] =	ssyncset.done $0x0  }
0x83: {  	[sflag:s10] =	ssyncadd.s32 $0xFFFF8000  }
0x84: {  	_ =	swait.ge [sflag:s31], $0x8000  }
0x85: {  	s1 =	simm.s32 $0xFFFF8000;
	s12 =	simm.s32 $0x0;
	[sflag:s31] =	ssyncset.done $0x0  }
0x86: {  	s13 =	simm.s32 $0x0;
	s16 =	simm.s32 $0x0;
	[sflag:s31] =	ssyncadd.s32 $0xFFFF8000  }
.LBB2_2:
0x87: {  	s14 =	sadd.s32 $0x8000, s1  }
0x88: {  	s17 =	sand.u32 $0x380, s13;
	s14 =	sand.u32 $0x6000, s14  }
0x89: {  	v3 =	vld [tilespmem:s11+$0x0];
	s17 =	sor.u32 s17, s14  }
0x8a: {  	v9 =	vld [tilespmem:s17+$0x2100]  }
0x8b: {  	v21 =	vld [tilespmem:s17+$0xA100]  }
0x8c: {  	v12 =	vld [tilespmem:s17+$0x12100]  }
0x8d: {  	v11 =	vld [tilespmem:s17+$0x2110]  }
0x8e: {  	v15 =	vld [tilespmem:s17+$0xA110]  }
0x8f: {  	v19 =	vld [tilespmem:s17+$0x12110]  }
0x90: {  	v20 =	vld [tilespmem:s17+$0x2120]  }
0x91: {  	v18 =	vld [tilespmem:s17+$0xA120]  }
0x92: {  	v23 =	vld [tilespmem:s17+$0x12120]  }
0x93: {  	v24 =	vld [tilespmem:s17+$0x2130]  }
0x94: {  	v27 =	vld [tilespmem:s17+$0xA130]  }
0x95: {  	v29 =	vld [tilespmem:s17+$0x12130]  }
0x96: {  	v31 =	vld [tilespmem:s17+$0x2140]  }
0x97: {  	v33 =	vld [tilespmem:s17+$0xA140]  }
0x98: {  	v34 =	vld [tilespmem:s17+$0x12140]  }
0x99: {  	v35 =	vld [tilespmem:s17+$0x2150]  }
0x9a: {  	v39 =	vld [tilespmem:s17+$0xA150]  }
0x9b: {  	v42 =	vld [tilespmem:s17+$0x12150]  }
0x9c: {  	v43 =	vld [tilespmem:s17+$0x2160]  }
0x9d: {  	v44 =	vld [tilespmem:s17+$0xA160]  }
0x9e: {  	v47 =	vld [tilespmem:s17+$0x12160]  }
0x9f: {  	v48 =	vld [tilespmem:s17+$0x2170]  }
0xa0: {  	v51 =	vld [tilespmem:s17+$0xA170]  }
0xa1: {  	v53 =	vld [tilespmem:s17+$0x12170]  }
0xa2: {  	v58 =	vld [tilespmem:s17+$0x2500]  }
0xa3: {  	v26 =	vld [tilespmem:s17+$0xA500]  }
0xa4: {  	v37 =	vld [tilespmem:s17+$0x12500]  }
0xa5: {  	v1 =	vld [tilespmem:s17+$0x2510]  }
0xa6: {  	v17 =	vld [tilespmem:s17+$0xA510]  }
0xa7: {  	v41 =	vld [tilespmem:s17+$0x12510]  }
0xa8: {  	v2 =	vld [tilespmem:s17+$0x2520]  }
0xa9: {  	v28 =	vld [tilespmem:s17+$0xA520]  }
0xaa: {  	v45 =	vld [tilespmem:s17+$0x12520]  }
0xab: {  	v4 =	vld [tilespmem:s17+$0x2530]  }
0xac: {  	v32 =	vld [tilespmem:s17+$0xA530]  }
0xad: {  	v50 =	vld [tilespmem:s17+$0x12530]  }
0xae: {  	v5 =	vld [tilespmem:s17+$0x2540]  }
0xaf: {  	v52 =	vld [tilespmem:s17+$0xA540]  }
0xb0: {  	v61 =	vld [tilespmem:s17+$0x12540]  }
0xb1: {  	v6 =	vld [tilespmem:s17+$0x2550]  }
0xb2: {  	v54 =	vld [tilespmem:s17+$0xA550]  }
0xb3: {  	v62 =	vld [tilespmem:s17+$0x12550]  }
0xb4: {  	v7 =	vld [tilespmem:s17+$0x2560]  }
0xb5: {  	v56 =	vld [tilespmem:s17+$0xA560]  }
0xb6: {  	v63 =	vld [tilespmem:s17+$0x12560]  }
0xb7: {  	v8 =	vld [tilespmem:s17+$0x2570]  }
0xb8: {  	v60 =	vld [tilespmem:s17+$0xA570]  }
0xb9: {  	v0 =	vld [tilespmem:s17+$0x12570]  }
0xba: {  	v10 =	vld [tilespmem:s17+$0x2900]  }
0xbb: {  	v36 =	vld [tilespmem:s17+$0xA900]  }
0xbc: {  	v38 =	vld [tilespmem:s17+$0x12900]  }
0xbd: {  	v59 =	vld [tilespmem:s17+$0x2910]  }
0xbe: {  	v40 =	vld [tilespmem:s17+$0xA910]  }
0xbf: {  	v46 =	vld [tilespmem:s17+$0x12910]  }
0xc0: {  	v57 =	vld [tilespmem:s17+$0x2920]  }
0xc1: {  	v49 =	vld [tilespmem:s17+$0xA920]  }
0xc2: {  	v55 =	vld [tilespmem:s17+$0x12920]  }
0xc3: {  	v13 =	vld [tilespmem:s17+$0xA930]  }
0xc4: {  	v14 =	vld [tilespmem:s17+$0x12930]  }
0xc5: {  	v16 =	vld [tilespmem:s17+$0xA940]  }
0xc6: {  	v22 =	vld [tilespmem:s17+$0x12940]  }
0xc7: {  	v25 =	vld [tilespmem:s17+$0xA950]  }
0xc8: {  	v30 =	vld [tilespmem:s17+$0x12950];
	[tilespmem:$0x1FDE0] =	vst v0  }
0xc9: {  	[tilespmem:$0x1FE50] =	vst v55;
	v55 =	vld [tilespmem:s17+$0x2930]  }
0xca: {  	[tilespmem:$0x1FE20] =	vst v49;
	v49 =	vld [tilespmem:s17+$0x2940]  }
0xcb: {  	[tilespmem:$0x1FE30] =	vst v46;
	v46 =	vld [tilespmem:s17+$0x2950]  }
0xcc: {  	[tilespmem:$0x1FE00] =	vst v40;
	v40 =	vld [tilespmem:s17+$0x2960]  }
0xcd: {  	[tilespmem:$0x1FDF0] =	vst v36;
	v36 =	vld [tilespmem:s17+$0xA960]  }
0xce: {  	[tilespmem:$0x1FE10] =	vst v38;
	v38 =	vld [tilespmem:s17+$0x12960]  }
0xcf: {  	[tilespmem:$0x1FE40] =	vst v13;
	v13 =	vld [tilespmem:s17+$0xA970]  }
0xd0: {  	[tilespmem:$0x1FE60] =	vst v14;
	v14 =	vld [tilespmem:s17+$0x12970]  }
0xd1: {  	[tilespmem:$0x1FE80] =	vst v25;
	v25 =	vld [tilespmem:s17+$0x2D00]  }
0xd2: {  	[tilespmem:$0x1FE70] =	vst v16;
	v16 =	vld [tilespmem:s17+$0xAD00]  }
0xd3: {  	[tilespmem:$0x1FE90] =	vst v22;
	v22 =	vld [tilespmem:s17+$0x12D00]  }
0xd4: {  	v3 =	vsub.f32 $1.000000000e+00, v3;
	[tilespmem:$0x1FEB0] =	vst v30;
	v30 =	vld [tilespmem:s17+$0xAD10];
	v0 =	vsub.f32 v21, v9  }
0xd5: {  	v15 =	vsub.f32 v15, v11;
	v21 =	vld [tilespmem:s17+$0x2D60];
	v9 =	vadd.f32 v12, v9  }
0xd6: {  	v12 =	vsub.f32 v18, v20;
	v18 =	vld [tilespmem:s17+$0xAD60];
	v19 =	vadd.f32 v19, v11;
	v0 =	vmul.f32 v0, v3  }
0xd7: {  	v52 =	vsub.f32 v52, v5;
	v61 =	vadd.f32 v61, v5;
	v5 =	vld [tilespmem:s17+$0xB160];
	v15 =	vmul.f32 v15, v3  }
0xd8: {  	v0 =	vadd.f32 v0, v9;
	v9 =	vadd.f32 v23, v20;
	v20 =	vmul.f32 v12, v3;
	v12 =	vld [tilespmem:s17+$0x2D70]  }
0xd9: {  	v11 =	vadd.f32 v15, v19;
	v15 =	vadd.f32 v29, v24;
	v29 =	vld [tilespmem:s17+$0xAD70]  }
0xda: {  	v33 =	vsub.f32 v33, v31;
	v23 =	vld [tilespmem:s17+$0xB100]  }
0xdb: {  	v19 =	vld [tilespmem:s17+$0x13100]  }
0xdc: {  	v27 =	vsub.f32 v27, v24;
	v24 =	vmul.f32 v33, v3;
	v33 =	vld [tilespmem:s17+$0x3130]  }
0xdd: {  	[tilespmem:$0x1FED0] =	vst v38;
	v38 =	vld [tilespmem:s17+$0x2970]  }
0xde: {  	[tilespmem:$0x1FF10] =	vst v22;
	v22 =	vld [tilespmem:s17+$0x2D10]  }
0xdf: {  	[tilespmem:$0x1FEA0] =	vst v36;
	v36 =	vld [tilespmem:s17+$0x12D10]  }
0xe0: {  	[tilespmem:$0x1FEE0] =	vst v14;
	v14 =	vld [tilespmem:s17+$0x12D20]  }
0xe1: {  	[tilespmem:$0x1FEF0] =	vst v16;
	v16 =	vld [tilespmem:s17+$0x2D20]  }
0xe2: {  	[tilespmem:$0x1FF00] =	vst v30;
	v30 =	vld [tilespmem:s17+$0xAD30]  }
0xe3: {  	[tilespmem:$0x1FEC0] =	vst v13;
	v13 =	vld [tilespmem:s17+$0xAD20]  }
0xe4: {  	[tilespmem:$0x1FFA0] =	vst v18;
	v18 =	vld [tilespmem:s17+$0x12D60]  }
0xe5: {  	[tilespmem:$0x1FF50] =	vst v14;
	v14 =	vld [tilespmem:s17+$0x2D30]  }
0xe6: {  	[tilespmem:$0x1FF30] =	vst v36;
	v36 =	vld [tilespmem:s17+$0x12D30]  }
0xe7: {  	v39 =	vsub.f32 v39, v35;
	[tilespmem:$0x1FF40] =	vst v30;
	v30 =	vld [tilespmem:s17+$0x2D40]  }
0xe8: {  	v42 =	vadd.f32 v42, v35;
	v47 =	vadd.f32 v47, v43;
	[tilespmem:$0x1FF20] =	vst v13;
	v13 =	vld [tilespmem:s17+$0xAD40]  }
0xe9: {  	[tilespmem:$0x1FFC0] =	vst v18;
	v18 =	vadd.f32 v34, v31;
	v31 =	vsub.f32 v44, v43;
	v34 =	vld [tilespmem:s17+$0xB110]  }
0xea: {  	v44 =	vmul.f32 v39, v3;
	v39 =	vsub.f32 v51, v48;
	v51 =	vsub.f32 v26, v58;
	v26 =	vld [tilespmem:s17+$0x13110]  }
0xeb: {  	v48 =	vadd.f32 v53, v48;
	v53 =	vsub.f32 v17, v1;
	v17 =	vld [tilespmem:s17+$0xB120]  }
0xec: {  	v37 =	vadd.f32 v37, v58;
	v58 =	vsub.f32 v28, v2;
	v28 =	vld [tilespmem:s17+$0x13120]  }
0xed: {  	v1 =	vadd.f32 v41, v1;
	v18 =	vadd.f32 v24, v18;
	v24 =	vld [tilespmem:s17+$0x3120]  }
0xee: {  	v31 =	vmul.f32 v31, v3;
	v42 =	vadd.f32 v44, v42;
	v44 =	vmul.f32 v53, v3;
	v53 =	vld [tilespmem:s17+$0xB130]  }
0xef: {  	v35 =	vmul.f32 v39, v3;
	v39 =	vsub.f32 v56, v7;
	v56 =	vadd.f32 v62, v6;
	v62 =	vld [tilespmem:$0x1FDE0]  }
0xf0: {  	v32 =	vsub.f32 v32, v4;
	v41 =	vadd.f32 v44, v1;
	v44 =	vld [tilespmem:s17+$0x13130]  }
0xf1: {  	v43 =	vadd.f32 v31, v47;
	v47 =	vmul.f32 v58, v3;
	v58 =	vsub.f32 v54, v6;
	v6 =	vld [tilespmem:s17+$0x13140]  }
0xf2: {  	v35 =	vadd.f32 v35, v48;
	v48 =	vadd.f32 v50, v4;
	v4 =	vld [tilespmem:$0x1FDF0]  }
0xf3: {  	v31 =	vmul.f32 v51, v3;
	v51 =	vld [tilespmem:s17+$0x13150]  }
0xf4: {  	v54 =	vld [tilespmem:$0x1FE10]  }
0xf5: {  	[tilespmem:s17+$0x12150] =	vst v42;
	v42 =	vld [tilespmem:s17+$0x3520]  }
0xf6: {  	[tilespmem:$0x1FF60] =	vst v36;
	v36 =	vld [tilespmem:s17+$0x12D40]  }
0xf7: {  	v2 =	vadd.f32 v45, v2;
	[tilespmem:$0x1FF70] =	vst v13;
	v13 =	vld [tilespmem:s17+$0xAD50]  }
0xf8: {  	v50 =	vmul.f32 v32, v3;
	v37 =	vadd.f32 v31, v37;
	v31 =	vld [tilespmem:s17+$0x3140]  }
0xf9: {  	v32 =	vadd.f32 v47, v2;
	v2 =	vmul.f32 v52, v3;
	v47 =	vld [tilespmem:s17+$0xB140]  }
0xfa: {  	v45 =	vadd.f32 v50, v48;
	v1 =	vmul.f32 v58, v3;
	v58 =	vsub.f32 v60, v8;
	v48 =	vld [tilespmem:$0x1FE00]  }
0xfb: {  	v52 =	vadd.f32 v2, v61;
	v61 =	vmul.f32 v39, v3;
	v39 =	vld [tilespmem:s17+$0x3150]  }
0xfc: {  	v60 =	vadd.f32 v63, v7;
	v63 =	vmul.f32 v58, v3;
	v58 =	vld [tilespmem:s17+$0xB150]  }
0xfd: {  	v7 =	vadd.f32 v1, v56;
	v56 =	vld [tilespmem:$0x1FE20]  }
0xfe: {  	v1 =	vadd.f32 v62, v8;
	v62 =	vld [tilespmem:$0x1FE50]  }
0xff: {  	[tilespmem:s17+$0x12500] =	vst v37;
	v37 =	vld [tilespmem:$0x1FF50]  }
0x100: {  	v8 =	vadd.f32 v61, v60;
	v60 =	vld [tilespmem:$0x1FE30]  }
0x101: {  	[tilespmem:s17+$0x12520] =	vst v32;
	v32 =	vld [tilespmem:s17+$0x13530]  }
0x102: {  	[tilespmem:$0x1FF90] =	vst v36;
	v36 =	vld [tilespmem:s17+$0x2D50]  }
0x103: {  	[tilespmem:$0x1FF80] =	vst v13;
	v13 =	vld [tilespmem:s17+$0x12D50];
	v50 =	vadd.f32 v63, v1;
	v1 =	vsub.f32 v48, v59  }
0x104: {  	v2 =	vsub.f32 v4, v10;
	v4 =	vadd.f32 v54, v10;
	v61 =	vld [tilespmem:$0x1FE40]  }
0x105: {  	v48 =	vld [tilespmem:s17+$0x3160];
	v10 =	vsub.f32 v56, v57;
	v1 =	vmul.f32 v1, v3;
	v54 =	vadd.f32 v60, v59  }
0x106: {  	[tilespmem:s17+$0x12530] =	vst v45;
	v45 =	vld [tilespmem:$0x1FF80]  }
0x107: {  	v63 =	vmul.f32 v10, v3;
	v10 =	vadd.f32 v1, v54;
	v54 =	vld [tilespmem:$0x1FE60]  }
0x108: {  	v29 =	vsub.f32 v29, v12;
	[tilespmem:s17+$0x12540] =	vst v52;
	v52 =	vld [tilespmem:$0x1FF90]  }
0x109: {  	v2 =	vmul.f32 v2, v3;
	v47 =	vsub.f32 v47, v31;
	v6 =	vadd.f32 v6, v31;
	v31 =	vld [tilespmem:s17+$0x13920];
	[tilespmem:s17+$0x12570] =	vst v50  }
0x10a: {  	v50 =	vmul.f32 v29, v3;
	v29 =	vld [tilespmem:s17+$0xB550];
	[tilespmem:$0x1FFB0] =	vst v13;
	v13 =	vmul.f32 v27, v3;
	v27 =	vadd.f32 v20, v9  }
0x10b: {  	v20 =	vld [tilespmem:s17+$0x12D70];
	v60 =	vadd.f32 v2, v4;
	v2 =	vadd.f32 v62, v57  }
0x10c: {  	v56 =	vsub.f32 v61, v55;
	v1 =	vadd.f32 v54, v55;
	v55 =	vld [tilespmem:$0x1FE70]  }
0x10d: {  	v61 =	vadd.f32 v63, v2;
	v63 =	vld [tilespmem:$0x1FE90]  }
0x10e: {  	v62 =	vld [tilespmem:$0x1FE80]  }
0x10f: {  	v59 =	vld [tilespmem:s17+$0x13160]  }
0x110: {  	v57 =	vld [tilespmem:s17+$0x3170]  }
0x111: {  	v9 =	vadd.f32 v13, v15;
	v13 =	vld [tilespmem:s17+$0x3100];
	v54 =	vmul.f32 v56, v3;
	v4 =	vsub.f32 v55, v49  }
0x112: {  	[tilespmem:s17+$0x12100] =	vst v0;
	v0 =	vadd.f32 v63, v49;
	v63 =	vld [tilespmem:$0x1FEB0]  }
0x113: {  	v54 =	vadd.f32 v54, v1;
	v1 =	vsub.f32 v62, v46;
	v62 =	vld [tilespmem:$0x1FEA0];
	v49 =	vmul.f32 v4, v3  }
0x114: {  	v15 =	vld [tilespmem:s17+$0x3110]  }
0x115: {  	v0 =	vadd.f32 v49, v0;
	v49 =	vld [tilespmem:$0x1FED0]  }
0x116: {  	v2 =	vld [tilespmem:s17+$0x13170]  }
0x117: {  	[tilespmem:s17+$0x12920] =	vst v61;
	v61 =	vsub.f32 v53, v33;
	v53 =	vadd.f32 v51, v39;
	v51 =	vld [tilespmem:s17+$0x3950]  }
0x118: {  	[tilespmem:s17+$0x12110] =	vst v11;
	v11 =	vadd.f32 v63, v46;
	v63 =	vld [tilespmem:$0x1FEC0];
	v62 =	vsub.f32 v62, v40  }
0x119: {  	v12 =	vadd.f32 v20, v12;
	v20 =	vld [tilespmem:s17+$0x3560]  }
0x11a: {  	[tilespmem:s17+$0x12120] =	vst v27;
	v27 =	vadd.f32 v49, v40;
	v49 =	vmul.f32 v62, v3;
	v62 =	vld [tilespmem:$0x1FEE0]  }
0x11b: {  	v56 =	vld [tilespmem:s17+$0xB170];
	v23 =	vsub.f32 v23, v13  }
0x11c: {  	v13 =	vadd.f32 v19, v13;
	v19 =	vld [tilespmem:s17+$0x3570];
	v46 =	vmul.f32 v1, v3  }
0x11d: {  	[tilespmem:s17+$0x12900] =	vst v60;
	v60 =	vmul.f32 v23, v3;
	v23 =	vld [tilespmem:s17+$0xB560];
	v63 =	vsub.f32 v63, v38  }
0x11e: {  	[tilespmem:s17+$0x12130] =	vst v9;
	v55 =	vld [tilespmem:s17+$0x3500];
	v9 =	vadd.f32 v46, v11  }
0x11f: {  	[tilespmem:s17+$0x12140] =	vst v18;
	v63 =	vmul.f32 v63, v3;
	v18 =	vadd.f32 v49, v27;
	v49 =	vld [tilespmem:$0x1FEF0];
	v11 =	vadd.f32 v62, v38  }
0x120: {  	v62 =	vld [tilespmem:$0x1FF00]  }
0x121: {  	v11 =	vadd.f32 v63, v11;
	v63 =	vld [tilespmem:$0x1FF10]  }
0x122: {  	v1 =	vld [tilespmem:s17+$0x13500]  }
0x123: {  	v5 =	vsub.f32 v5, v48;
	v4 =	vld [tilespmem:s17+$0xB500]  }
0x124: {  	[tilespmem:s17+$0x12930] =	vst v54;
	v54 =	vsub.f32 v56, v57;
	v56 =	vadd.f32 v59, v48;
	v48 =	vld [tilespmem:s17+$0x13940]  }
0x125: {  	v38 =	vsub.f32 v62, v22;
	v62 =	vld [tilespmem:$0x1FF20]  }
0x126: {  	v27 =	vsub.f32 v49, v25;
	v25 =	vadd.f32 v63, v25;
	v63 =	vld [tilespmem:$0x1FF30]  }
0x127: {  	v46 =	vld [tilespmem:s17+$0xB510]  }
0x128: {  	v1 =	vadd.f32 v1, v55;
	v4 =	vsub.f32 v4, v55;
	v55 =	vld [tilespmem:s17+$0xB950]  }
0x129: {  	[tilespmem:s17+$0x12160] =	vst v43;
	v40 =	vld [tilespmem:s17+$0x3510]  }
0x12a: {  	[tilespmem:s17+$0x12960] =	vst v18;
	v18 =	vld [tilespmem:s17+$0x13570];
	v27 =	vmul.f32 v27, v3;
	v43 =	vsub.f32 v62, v16  }
0x12b: {  	v22 =	vadd.f32 v63, v22;
	v63 =	vld [tilespmem:$0x1FF40]  }
0x12c: {  	v25 =	vadd.f32 v27, v25;
	v27 =	vmul.f32 v43, v3;
	v43 =	vld [tilespmem:$0x1FF60]  }
0x12d: {  	v49 =	vld [tilespmem:s17+$0x13510]  }
0x12e: {  	[tilespmem:s17+$0x12170] =	vst v35;
	v35 =	vmul.f32 v38, v3;
	v62 =	vld [tilespmem:s17+$0xB520]  }
0x12f: {  	v16 =	vadd.f32 v37, v16;
	v37 =	vld [tilespmem:s17+$0x3530]  }
0x130: {  	[tilespmem:s17+$0x12D00] =	vst v25;
	v25 =	vld [tilespmem:s17+$0xB900];
	v22 =	vadd.f32 v35, v22  }
0x131: {  	v38 =	vsub.f32 v63, v14;
	v14 =	vadd.f32 v43, v14;
	v43 =	vld [tilespmem:$0x1FF70]  }
0x132: {  	v5 =	vmul.f32 v5, v3;
	[tilespmem:s17+$0x12910] =	vst v10;
	v35 =	vsub.f32 v45, v36;
	v45 =	vld [tilespmem:$0x1FFA0]  }
0x133: {  	v17 =	vsub.f32 v17, v24;
	v10 =	vadd.f32 v50, v12;
	[tilespmem:s17+$0x12D10] =	vst v22;
	v22 =	vld [tilespmem:s17+$0xB910]  }
0x134: {  	v2 =	vadd.f32 v2, v57;
	v57 =	vmul.f32 v54, v3;
	v5 =	vadd.f32 v5, v56;
	v63 =	vld [tilespmem:s17+$0x13520]  }
0x135: {  	[tilespmem:s17+$0x12510] =	vst v41;
	v23 =	vsub.f32 v23, v20;
	v16 =	vadd.f32 v27, v16;
	v41 =	vmul.f32 v38, v3;
	v38 =	vld [tilespmem:s17+$0xB530]  }
0x136: {  	v27 =	vsub.f32 v43, v30;
	v30 =	vadd.f32 v52, v30;
	v52 =	vld [tilespmem:$0x1FFB0]  }
0x137: {  	[tilespmem:s17+$0x12550] =	vst v7;
	v2 =	vadd.f32 v57, v2;
	v14 =	vadd.f32 v41, v14;
	v41 =	vld [tilespmem:s17+$0x3540]  }
0x138: {  	[tilespmem:s17+$0x12940] =	vst v0;
	v0 =	vadd.f32 v60, v13;
	v43 =	vsub.f32 v45, v21;
	v45 =	vld [tilespmem:s17+$0xB540];
	v27 =	vmul.f32 v27, v3  }
0x139: {  	[tilespmem:s17+$0x12560] =	vst v8;
	v4 =	vmul.f32 v4, v3;
	v59 =	vsub.f32 v62, v42;
	v63 =	vadd.f32 v63, v42;
	v42 =	vld [tilespmem:s17+$0x13930]  }
0x13a: {  	[tilespmem:s17+$0x12D70] =	vst v10;
	v60 =	vadd.f32 v49, v40;
	v8 =	vadd.f32 v27, v30;
	v30 =	vld [tilespmem:$0x1FFC0]  }
0x13b: {  	[tilespmem:s17+$0x12950] =	vst v9;
	v62 =	vadd.f32 v4, v1;
	v35 =	vmul.f32 v35, v3;
	v7 =	vadd.f32 v52, v36;
	v36 =	vld [tilespmem:s17+$0x13540]  }
0x13c: {  	[tilespmem:s17+$0x13160] =	vst v5;
	v52 =	vsub.f32 v34, v15;
	v15 =	vadd.f32 v26, v15;
	v34 =	vld [tilespmem:s17+$0x13560]  }
0x13d: {  	v17 =	vmul.f32 v17, v3;
	[tilespmem:s17+$0x12D30] =	vst v14;
	v14 =	vld [tilespmem:s17+$0x3920];
	v7 =	vadd.f32 v35, v7;
	v35 =	vadd.f32 v28, v24  }
0x13e: {  	[tilespmem:s17+$0x13170] =	vst v2;
	v27 =	vld [tilespmem:s17+$0x13550];
	v12 =	vmul.f32 v52, v3;
	v52 =	vsub.f32 v58, v39;
	v58 =	vsub.f32 v46, v40  }
0x13f: {  	v43 =	vmul.f32 v43, v3;
	[tilespmem:s17+$0x12D40] =	vst v8;
	v8 =	vld [tilespmem:s17+$0x13910];
	v40 =	vsub.f32 v45, v41;
	v21 =	vadd.f32 v30, v21  }
0x140: {  	[tilespmem:s17+$0x13100] =	vst v0;
	v24 =	vld [tilespmem:s17+$0xB570];
	v9 =	vadd.f32 v12, v15;
	v13 =	vadd.f32 v17, v35;
	v17 =	vmul.f32 v47, v3  }
0x141: {  	[tilespmem:s17+$0x12970] =	vst v11;
	v28 =	vld [tilespmem:s17+$0x13900];
	v12 =	vmul.f32 v52, v3;
	v45 =	vadd.f32 v36, v41;
	v49 =	vadd.f32 v34, v20  }
0x142: {  	v39 =	vld [tilespmem:s17+$0xB930];
	[tilespmem:s17+$0x12D50] =	vst v7;
	v7 =	vmul.f32 v58, v3;
	v21 =	vadd.f32 v43, v21;
	v43 =	vadd.f32 v44, v33  }
0x143: {  	[tilespmem:s17+$0x12D20] =	vst v16;
	v30 =	vld [tilespmem:s17+$0x3550];
	v4 =	vmul.f32 v40, v3;
	v6 =	vadd.f32 v17, v6;
	v12 =	vadd.f32 v12, v53  }
0x144: {  	[tilespmem:s17+$0x13500] =	vst v62;
	v15 =	vld [tilespmem:s17+$0x3900];
	v44 =	vmul.f32 v61, v3;
	v61 =	vsub.f32 v38, v37;
	v7 =	vadd.f32 v7, v60  }
0x145: {  	v35 =	vld [tilespmem:s17+$0x3930];
	v33 =	vmul.f32 v59, v3;
	[tilespmem:s17+$0x13110] =	vst v9;
	v37 =	vadd.f32 v32, v37;
	v53 =	vadd.f32 v18, v19  }
0x146: {  	v58 =	vld [tilespmem:s17+$0x13950];
	[tilespmem:s17+$0x13120] =	vst v13;
	v24 =	vsub.f32 v24, v19;
	v4 =	vadd.f32 v4, v45  }
0x147: {  	v46 =	vld [tilespmem:s17+$0xB940];
	v50 =	vadd.f32 v44, v43;
	[tilespmem:s17+$0x12D60] =	vst v21;
	v1 =	vadd.f32 v33, v63  }
0x148: {  	v17 =	vld [tilespmem:s17+$0x3910];
	[tilespmem:s17+$0x13140] =	vst v6;
	v43 =	vsub.f32 v29, v30;
	v47 =	vadd.f32 v27, v30  }
0x149: {  	v21 =	vld [tilespmem:s17+$0xB920];
	v38 =	vmul.f32 v61, v3;
	[tilespmem:s17+$0x13150] =	vst v12;
	v57 =	vsub.f32 v25, v15;
	v62 =	vadd.f32 v28, v15  }
0x14a: {  	v44 =	vld [tilespmem:s17+$0x3940];
	[tilespmem:s17+$0x13510] =	vst v7;
	v25 =	vadd.f32 v31, v14;
	v31 =	vadd.f32 v42, v35  }
0x14b: {  	v61 =	vld [tilespmem:s17+$0x3960];
	v54 =	vmul.f32 v24, v3;
	[tilespmem:s17+$0x13540] =	vst v4;
	v41 =	vadd.f32 v58, v51;
	v9 =	vadd.f32 v38, v37  }
0x14c: {  	v24 =	vld [tilespmem:s17+$0x3970];
	[tilespmem:s17+$0x13130] =	vst v50;
	v50 =	vmul.f32 v23, v3;
	v23 =	vsub.f32 v39, v35;
	v38 =	vsub.f32 v55, v51  }
0x14d: {  	v28 =	vld [tilespmem:s17+$0xB970];
	[tilespmem:s17+$0x13520] =	vst v1;
	v10 =	vmul.f32 v43, v3;
	v59 =	vadd.f32 v54, v53;
	v60 =	vsub.f32 v22, v17  }
0x14e: {  	v5 =	vmul.f32 v57, v3;
	v56 =	vadd.f32 v50, v49;
	[tilespmem:s17+$0x13530] =	vst v9;
	v63 =	vsub.f32 v21, v14;
	v21 =	vld [tilespmem:s17+$0xB960]  }
0x14f: {  	v36 =	vld [tilespmem:s17+$0x13970];
	v8 =	vadd.f32 v8, v17;
	v32 =	vmul.f32 v23, v3;
	v52 =	vadd.f32 v10, v47;
	[tilespmem:s17+$0x13570] =	vst v59  }
0x150: {  	v33 =	vld [tilespmem:s17+$0x13960];
	v42 =	vmul.f32 v38, v3;
	v1 =	vadd.f32 v5, v62;
	v35 =	vsub.f32 v46, v44;
	[tilespmem:s17+$0x13560] =	vst v56  }
0x151: {  	v22 =	vmul.f32 v60, v3;
	v39 =	vadd.f32 v48, v44;
	v37 =	vadd.f32 v32, v31;
	[tilespmem:s17+$0x13550] =	vst v52  }
0x152: {  	v43 =	vsub.f32 v28, v24;
	v2 =	vadd.f32 v42, v41;
	v26 =	vmul.f32 v63, v3;
	[tilespmem:s17+$0x13900] =	vst v1  }
0x153: {  	v30 =	vadd.f32 v22, v8;
	v4 =	vmul.f32 v35, v3;
	[tilespmem:s17+$0x13930] =	vst v37;
	v40 =	vsub.f32 v21, v61  }
0x154: {  	v5 =	vadd.f32 v36, v24;
	v47 =	vmul.f32 v43, v3;
	[tilespmem:s17+$0x13950] =	vst v2;
	v34 =	vadd.f32 v26, v25  }
0x155: {  	v45 =	vadd.f32 v33, v61;
	[tilespmem:s17+$0x13910] =	vst v30;
	v44 =	vadd.f32 v4, v39;
	v46 =	vmul.f32 v40, v3  }
0x156: {  	s14 =	sand.u32 $0x7, s12;
	v49 =	vadd.f32 v47, v5;
	[tilespmem:s17+$0x13920] =	vst v34  }
0x157: {  	s14 =	sshll.u32 s14, $0x7;
	[tilespmem:s17+$0x13940] =	vst v44;
	v48 =	vadd.f32 v46, v45  }
0x158: {  	s14 =	sadd.s32 s14, s16;
	[tilespmem:s17+$0x13970] =	vst v49  }
0x159: {  	[tilespmem:s17+$0x13960] =	vst v48;
	s17 =	sor.u32 $0x1C00, s14  }
0x15a: {  	v0 =	vld [tilespmem:s17+$0x2100]  }
0x15b: {  	v1 =	vld [tilespmem:s17+$0xA100];
	_ =	sdelay $0x1  }
0x15c: {  	v2 =	vld [tilespmem:s17+$0x12100];
	_ =	sdelay $0x2  }
0x15d: {  	v1 =	vsub.f32 v1, v0;
	_ =	sdelay $0x1  }
0x15e: {  	v0 =	vadd.f32 v2, v0;
	v1 =	vmul.f32 v1, v3;
	_ =	sdelay $0x1  }
0x15f: {  	v0 =	vadd.f32 v1, v0;
	_ =	sdelay $0x1  }
0x160: {  	[tilespmem:s17+$0x12100] =	vst v0;
	s17 =	sor.u32 $0x1C10, s14  }
0x161: {  	v0 =	vld [tilespmem:s17+$0x2100]  }
0x162: {  	v50 =	vld [tilespmem:s17+$0xA100];
	_ =	sdelay $0x1  }
0x163: {  	v51 =	vld [tilespmem:s17+$0x12100];
	_ =	sdelay $0x2  }
0x164: {  	v1 =	vsub.f32 v50, v0;
	_ =	sdelay $0x1  }
0x165: {  	v0 =	vadd.f32 v51, v0;
	v1 =	vmul.f32 v1, v3;
	_ =	sdelay $0x1  }
0x166: {  	v0 =	vadd.f32 v1, v0;
	_ =	sdelay $0x1  }
0x167: {  	[tilespmem:s17+$0x12100] =	vst v0;
	s17 =	sor.u32 $0x1C20, s14  }
0x168: {  	v0 =	vld [tilespmem:s17+$0x2100]  }
0x169: {  	v52 =	vld [tilespmem:s17+$0xA100];
	_ =	sdelay $0x1  }
0x16a: {  	v53 =	vld [tilespmem:s17+$0x12100];
	_ =	sdelay $0x2  }
0x16b: {  	v1 =	vsub.f32 v52, v0;
	_ =	sdelay $0x1  }
0x16c: {  	v0 =	vadd.f32 v53, v0;
	v1 =	vmul.f32 v1, v3;
	_ =	sdelay $0x1  }
0x16d: {  	v0 =	vadd.f32 v1, v0;
	_ =	sdelay $0x1  }
0x16e: {  	[tilespmem:s17+$0x12100] =	vst v0;
	s17 =	sor.u32 $0x1C30, s14  }
0x16f: {  	v0 =	vld [tilespmem:s17+$0x2100]  }
0x170: {  	v54 =	vld [tilespmem:s17+$0xA100];
	_ =	sdelay $0x1  }
0x171: {  	v55 =	vld [tilespmem:s17+$0x12100];
	_ =	sdelay $0x2  }
0x172: {  	v1 =	vsub.f32 v54, v0;
	_ =	sdelay $0x1  }
0x173: {  	v0 =	vadd.f32 v55, v0;
	v1 =	vmul.f32 v1, v3;
	_ =	sdelay $0x1  }
0x174: {  	v0 =	vadd.f32 v1, v0;
	_ =	sdelay $0x1  }
0x175: {  	[tilespmem:s17+$0x12100] =	vst v0;
	s17 =	sor.u32 $0x1C40, s14  }
0x176: {  	v0 =	vld [tilespmem:s17+$0x2100]  }
0x177: {  	v56 =	vld [tilespmem:s17+$0xA100];
	_ =	sdelay $0x1  }
0x178: {  	v57 =	vld [tilespmem:s17+$0x12100];
	_ =	sdelay $0x2  }
0x179: {  	v1 =	vsub.f32 v56, v0;
	_ =	sdelay $0x1  }
0x17a: {  	v0 =	vadd.f32 v57, v0;
	v1 =	vmul.f32 v1, v3;
	_ =	sdelay $0x1  }
0x17b: {  	v0 =	vadd.f32 v1, v0;
	_ =	sdelay $0x1  }
0x17c: {  	[tilespmem:s17+$0x12100] =	vst v0;
	s17 =	sor.u32 $0x1C50, s14  }
0x17d: {  	v0 =	vld [tilespmem:s17+$0x2100]  }
0x17e: {  	v58 =	vld [tilespmem:s17+$0xA100];
	_ =	sdelay $0x1  }
0x17f: {  	v59 =	vld [tilespmem:s17+$0x12100];
	_ =	sdelay $0x2  }
0x180: {  	v1 =	vsub.f32 v58, v0;
	_ =	sdelay $0x1  }
0x181: {  	v0 =	vadd.f32 v59, v0;
	v1 =	vmul.f32 v1, v3;
	_ =	sdelay $0x1  }
0x182: {  	v0 =	vadd.f32 v1, v0;
	_ =	sdelay $0x1  }
0x183: {  	[tilespmem:s17+$0x12100] =	vst v0;
	s17 =	sor.u32 $0x1C60, s14  }
0x184: {  	v0 =	vld [tilespmem:s17+$0x2100]  }
0x185: {  	v60 =	vld [tilespmem:s17+$0xA100];
	_ =	sdelay $0x1  }
0x186: {  	v61 =	vld [tilespmem:s17+$0x12100];
	_ =	sdelay $0x2  }
0x187: {  	v1 =	vsub.f32 v60, v0;
	_ =	sdelay $0x1  }
0x188: {  	v0 =	vadd.f32 v61, v0;
	v1 =	vmul.f32 v1, v3;
	_ =	sdelay $0x1  }
0x189: {  	v0 =	vadd.f32 v1, v0;
	_ =	sdelay $0x1  }
0x18a: {  	s14 =	sor.u32 $0x1C70, s14;
	[tilespmem:s17+$0x12100] =	vst v0  }
0x18b: {  	v0 =	vld [tilespmem:s14+$0x2100]  }
0x18c: {  	v62 =	vld [tilespmem:s14+$0xA100];
	_ =	sdelay $0x1  }
0x18d: {  	v63 =	vld [tilespmem:s14+$0x12100];
	_ =	sdelay $0x2  }
0x18e: {  	v1 =	vsub.f32 v62, v0  }
0x18f: {  	p0 =	sne.s32 s13, $0xF80  }
.Ltmp0:
0x190: {  	v0 =	vadd.f32 v63, v0;
	v1 =	vmul.f32 v1, v3;
	(pc) =	sbr.rel @p0 .LBB2_2-.Ltmp0, $4  }
0x191: {  	_ = 	snop  }
0x192: {  	v0 =	vadd.f32 v1, v0  }
0x193: {  	s1 =	sadd.s32 $0x400, s1;
	s11 =	sadd.s32 $0x80, s11  }
0x194: {  	s13 =	sadd.s32 $0x80, s13;
	s12 =	sadd.s32 $0x1, s12;
	s16 =	sadd.s32 $0x400, s16;
	[tilespmem:s14+$0x12100] =	vst v0  }
0x195: {  	s11 =	simm.s32 $0x0;
	s1 =	rddreg [dreg:$0x7]  }
0x196: {  	[hbm4b:s1+s11] =	stream.linear.scatter [tilespmem:s30], [sflag:$0x3], $0x8000, $0x38;
	[tilespmem:$0x1A100] =	vst v63  }
0x197: {  	_ =	swait.ge [sflag:s15], $0x8000  }
0x198: {  	[sflag:s15] =	ssyncset.done $0x0  }
0x199: {  	[sflag:s15] =	ssyncadd.s32 $0xFFFF8000  }
0x19a: {  	v0 =	vld [tilespmem:$0x20];
	_ =	sdelay $0x2  }
0x19b: {  	v2 =	vld [tilespmem:$0x1FFD0];
	_ =	sdelay $0x1  }
0x19c: {  	v3 =	vld [tilespmem:$0x1FFE0];
	v1 =	vshll.u32 v0, $0x3  }
0x19d: {  	v0 =	vand.u32 $0x7, v0;
	v1 =	vand.u32 $0xFFFFFFC0, v1  }
0x19e: {  	v0 =	vor.u32 v0, v1  }
0x19f: {  	v1 =	vperm.xlane v0, v2;
	_ =	sdelay $0x1  }
0x1a0: {  	v1 =	vadd.s32 v3, v1  }
0x1a1: {  	v4 =	vld [tilespmem:$0x1FFF0];
	_ =	sdelay $0x2  }
0x1a2: {  	s13 =	simm.s32 $0x2100  }
0x1a3: {  	[tilespmem:s13], [sflag:$0x1] =	stream.indirect_vreg.gather [hbm4b:s3+s11], $0x80, v1, vm0, $0xb8;
	[tilespmem:$0x1A100] =	vst v63  }
0x1a4: {  	s14 =	simm.s32 $0x2900;
	v0 =	vperm.xlane v0, v4  }
0x1a5: {  	[tilespmem:s14], [sflag:$0x1] =	stream.indirect_vreg.gather [hbm4b:s7+s11], $0x80, v1, vm0, $0xb8;
	[tilespmem:$0x1A100] =	vst v63  }
0x1a6: {  	s16 =	simm.s32 $0x3100;
	v0 =	vadd.s32 v3, v0  }
0x1a7: {  	[tilespmem:s16], [sflag:$0x1] =	stream.indirect_vreg.gather [hbm4b:s8+s11], $0x80, v1, vm0, $0xb8;
	[tilespmem:$0x1A100] =	vst v63  }
0x1a8: {  	s17 =	simm.s32 $0x3900  }
0x1a9: {  	[tilespmem:s17], [sflag:$0x1] =	stream.indirect_vreg.gather [hbm4b:s9+s11], $0x80, v1, vm0, $0xb8;
	[tilespmem:$0x1A100] =	vst v63  }
0x1aa: {  	s12 =	simm.s32 $0x4100  }
0x1ab: {  	[tilespmem:s12], [sflag:$0x1] =	stream.indirect_vreg.gather [hbm4b:s3+s11], $0x80, v0, vm0, $0xb8;
	[tilespmem:$0x1A100] =	vst v63  }
0x1ac: {  	s13 =	simm.s32 $0x4900  }
0x1ad: {  	[tilespmem:s13], [sflag:$0x1] =	stream.indirect_vreg.gather [hbm4b:s7+s11], $0x80, v0, vm0, $0xb8;
	[tilespmem:$0x1A100] =	vst v63  }
0x1ae: {  	s14 =	simm.s32 $0x5100  }
0x1af: {  	[tilespmem:s14], [sflag:$0x1] =	stream.indirect_vreg.gather [hbm4b:s8+s11], $0x80, v0, vm0, $0xb8;
	[tilespmem:$0x1A100] =	vst v63  }
0x1b0: {  	s16 =	simm.s32 $0x5900  }
0x1b1: {  	[tilespmem:s16], [sflag:$0x1] =	stream.indirect_vreg.gather [hbm4b:s9+s11], $0x80, v0, vm0, $0xb8;
	[tilespmem:$0x1A100] =	vst v63  }
0x1b2: {  	v0 =	vld [tilespmem:$0x30];
	_ =	sdelay $0x4  }
0x1b3: {  	v61 =	vshll.u32 v0, $0x3  }
0x1b4: {  	v0 =	vand.u32 $0x7, v0;
	v1 =	vand.u32 $0xFFFFFFC0, v61  }
0x1b5: {  	v0 =	vor.u32 v0, v1  }
0x1b6: {  	v1 =	vperm.xlane v0, v2;
	_ =	sdelay $0x1  }
0x1b7: {  	v1 =	vadd.s32 v3, v1;
	_ =	sdelay $0x3  }
0x1b8: {  	s17 =	simm.s32 $0x6100  }
0x1b9: {  	[tilespmem:s17], [sflag:$0x1] =	stream.indirect_vreg.gather [hbm4b:s3+s11], $0x80, v1, vm0, $0xb8;
	[tilespmem:$0x1A100] =	vst v63  }
0x1ba: {  	s12 =	simm.s32 $0x6900;
	v0 =	vperm.xlane v0, v4  }
0x1bb: {  	[tilespmem:s12], [sflag:$0x1] =	stream.indirect_vreg.gather [hbm4b:s7+s11], $0x80, v1, vm0, $0xb8;
	[tilespmem:$0x1A100] =	vst v63  }
0x1bc: {  	s13 =	simm.s32 $0x7100;
	v0 =	vadd.s32 v3, v0  }
0x1bd: {  	[tilespmem:s13], [sflag:$0x1] =	stream.indirect_vreg.gather [hbm4b:s8+s11], $0x80, v1, vm0, $0xb8;
	[tilespmem:$0x1A100] =	vst v63  }
0x1be: {  	s14 =	simm.s32 $0x7900  }
0x1bf: {  	[tilespmem:s14], [sflag:$0x1] =	stream.indirect_vreg.gather [hbm4b:s9+s11], $0x80, v1, vm0, $0xb8;
	[tilespmem:$0x1A100] =	vst v63  }
0x1c0: {  	s16 =	simm.s32 $0x8100  }
0x1c1: {  	[tilespmem:s16], [sflag:$0x1] =	stream.indirect_vreg.gather [hbm4b:s3+s11], $0x80, v0, vm0, $0xb8;
	[tilespmem:$0x1A100] =	vst v63  }
0x1c2: {  	s17 =	simm.s32 $0x8900  }
0x1c3: {  	[tilespmem:s17], [sflag:$0x1] =	stream.indirect_vreg.gather [hbm4b:s7+s11], $0x80, v0, vm0, $0xb8;
	[tilespmem:$0x1A100] =	vst v63  }
0x1c4: {  	s12 =	simm.s32 $0x9100  }
0x1c5: {  	[tilespmem:s12], [sflag:$0x1] =	stream.indirect_vreg.gather [hbm4b:s8+s11], $0x80, v0, vm0, $0xb8;
	[tilespmem:$0x1A100] =	vst v63  }
0x1c6: {  	s13 =	simm.s32 $0x9900  }
0x1c7: {  	[tilespmem:s13], [sflag:$0x1] =	stream.indirect_vreg.gather [hbm4b:s9+s11], $0x80, v0, vm0, $0xb8;
	[tilespmem:$0x1A100] =	vst v63  }
0x1c8: {  	v0 =	vld [tilespmem:$0xA0];
	_ =	sdelay $0x4  }
0x1c9: {  	v62 =	vshll.u32 v0, $0x3  }
0x1ca: {  	v0 =	vand.u32 $0x7, v0;
	v1 =	vand.u32 $0xFFFFFFC0, v62  }
0x1cb: {  	v0 =	vor.u32 v0, v1  }
0x1cc: {  	v1 =	vperm.xlane v0, v2;
	_ =	sdelay $0x1  }
0x1cd: {  	v1 =	vadd.s32 v3, v1;
	_ =	sdelay $0x3  }
0x1ce: {  	s14 =	simm.s32 $0xA100  }
0x1cf: {  	[tilespmem:s14], [sflag:$0x2] =	stream.indirect_vreg.gather [hbm4b:s3+s11], $0x80, v1, vm0, $0xb8;
	[tilespmem:$0x1A100] =	vst v63  }
0x1d0: {  	s16 =	simm.s32 $0xA900;
	v0 =	vperm.xlane v0, v4  }
0x1d1: {  	[tilespmem:s16], [sflag:$0x2] =	stream.indirect_vreg.gather [hbm4b:s7+s11], $0x80, v1, vm0, $0xb8;
	[tilespmem:$0x1A100] =	vst v63  }
0x1d2: {  	v0 =	vadd.s32 v3, v0  }
0x1d3: {  	[tilespmem:s18], [sflag:$0x2] =	stream.indirect_vreg.gather [hbm4b:s8+s11], $0x80, v1, vm0, $0xb8;
	[tilespmem:$0x1A100] =	vst v63  }
0x1d4: {  	_ = 	snop  }
0x1d5: {  	[tilespmem:s19], [sflag:$0x2] =	stream.indirect_vreg.gather [hbm4b:s9+s11], $0x80, v1, vm0, $0xb8;
	[tilespmem:$0x1A100] =	vst v63  }
0x1d6: {  	_ = 	snop  }
0x1d7: {  	[tilespmem:s20], [sflag:$0x2] =	stream.indirect_vreg.gather [hbm4b:s3+s11], $0x80, v0, vm0, $0xb8;
	[tilespmem:$0x1A100] =	vst v63  }
0x1d8: {  	_ = 	snop  }
0x1d9: {  	[tilespmem:s21], [sflag:$0x2] =	stream.indirect_vreg.gather [hbm4b:s7+s11], $0x80, v0, vm0, $0xb8;
	[tilespmem:$0x1A100] =	vst v63  }
0x1da: {  	_ = 	snop  }
0x1db: {  	[tilespmem:s22], [sflag:$0x2] =	stream.indirect_vreg.gather [hbm4b:s8+s11], $0x80, v0, vm0, $0xb8;
	[tilespmem:$0x1A100] =	vst v63  }
0x1dc: {  	_ = 	snop  }
0x1dd: {  	[tilespmem:s4], [sflag:$0x2] =	stream.indirect_vreg.gather [hbm4b:s9+s11], $0x80, v0, vm0, $0xb8;
	[tilespmem:$0x1A100] =	vst v63  }
0x1de: {  	v0 =	vld [tilespmem:$0xB0];
	_ =	sdelay $0x4  }
0x1df: {  	v63 =	vshll.u32 v0, $0x3  }
0x1e0: {  	v0 =	vand.u32 $0x7, v0;
	v1 =	vand.u32 $0xFFFFFFC0, v63  }
0x1e1: {  	v0 =	vor.u32 v0, v1  }
0x1e2: {  	v1 =	vperm.xlane v0, v2;
	_ =	sdelay $0x1  }
0x1e3: {  	v1 =	vadd.s32 v3, v1;
	_ =	sdelay $0x4  }
0x1e4: {  	[tilespmem:s23], [sflag:$0x2] =	stream.indirect_vreg.gather [hbm4b:s3+s11], $0x80, v1, vm0, $0xb8;
	[tilespmem:$0x1A100] =	vst v63  }
0x1e5: {  	v0 =	vperm.xlane v0, v4  }
0x1e6: {  	[tilespmem:s5], [sflag:$0x2] =	stream.indirect_vreg.gather [hbm4b:s7+s11], $0x80, v1, vm0, $0xb8;
	[tilespmem:$0x1A100] =	vst v63  }
0x1e7: {  	v0 =	vadd.s32 v3, v0  }
0x1e8: {  	[tilespmem:s24], [sflag:$0x2] =	stream.indirect_vreg.gather [hbm4b:s8+s11], $0x80, v1, vm0, $0xb8;
	[tilespmem:$0x1A100] =	vst v63  }
0x1e9: {  	_ = 	snop  }
0x1ea: {  	[tilespmem:s6], [sflag:$0x2] =	stream.indirect_vreg.gather [hbm4b:s9+s11], $0x80, v1, vm0, $0xb8;
	[tilespmem:$0x1A100] =	vst v63  }
0x1eb: {  	_ = 	snop  }
0x1ec: {  	[tilespmem:s25], [sflag:$0x2] =	stream.indirect_vreg.gather [hbm4b:s3+s11], $0x80, v0, vm0, $0xb8;
	[tilespmem:$0x1A100] =	vst v63  }
0x1ed: {  	_ = 	snop  }
0x1ee: {  	[tilespmem:s26], [sflag:$0x2] =	stream.indirect_vreg.gather [hbm4b:s7+s11], $0x80, v0, vm0, $0xb8;
	[tilespmem:$0x1A100] =	vst v63  }
0x1ef: {  	_ = 	snop  }
0x1f0: {  	[tilespmem:s28], [sflag:$0x2] =	stream.indirect_vreg.gather [hbm4b:s8+s11], $0x80, v0, vm0, $0xb8;
	[tilespmem:$0x1A100] =	vst v63  }
0x1f1: {  	_ = 	snop  }
0x1f2: {  	[tilespmem:s29], [sflag:$0x2] =	stream.indirect_vreg.gather [hbm4b:s9+s11], $0x80, v0, vm0, $0xb8;
	[tilespmem:$0x1A100] =	vst v63  }
0x1f3: {  	s17 =	rddreg [dreg:$0x8]  }
0x1f4: {  	[tilespmem:s30], [sflag:$0x3] =	stream.linear.gather [hbm4b:s17+s11], $0x8000, $0x38;
	[tilespmem:$0x1A100] =	vst v63  }
0x1f5: {  	_ =	swait.ge [sflag:s15], $0x8000  }
0x1f6: {  	[sflag:s15] =	ssyncset.done $0x0  }
0x1f7: {  	[sflag:s15] =	ssyncadd.s32 $0xFFFF8000  }
0x1f8: {  	_ =	swait.ge [sflag:s10], $0x8000  }
0x1f9: {  	[sflag:s10] =	ssyncset.done $0x0  }
0x1fa: {  	[sflag:s10] =	ssyncadd.s32 $0xFFFF8000  }
0x1fb: {  	_ =	swait.ge [sflag:s31], $0x8000  }
0x1fc: {  	s1 =	simm.s32 $0xFFFF8000;
	s12 =	simm.s32 $0x1100;
	[sflag:s31] =	ssyncset.done $0x0  }
0x1fd: {  	s13 =	simm.s32 $0x0;
	s16 =	simm.s32 $0x0;
	[sflag:s31] =	ssyncadd.s32 $0xFFFF8000  }
.LBB2_4:
0x1fe: {  	s14 =	sadd.s32 $0x8000, s1  }
0x1ff: {  	s17 =	sand.u32 $0x380, s13;
	s14 =	sand.u32 $0x6000, s14  }
0x200: {  	v3 =	vld [tilespmem:s12+$0x0];
	s17 =	sor.u32 s17, s14  }
0x201: {  	v9 =	vld [tilespmem:s17+$0x2100]  }
0x202: {  	v21 =	vld [tilespmem:s17+$0xA100]  }
0x203: {  	v12 =	vld [tilespmem:s17+$0x12100]  }
0x204: {  	v11 =	vld [tilespmem:s17+$0x2110]  }
0x205: {  	v15 =	vld [tilespmem:s17+$0xA110]  }
0x206: {  	v19 =	vld [tilespmem:s17+$0x12110]  }
0x207: {  	v20 =	vld [tilespmem:s17+$0x2120]  }
0x208: {  	v18 =	vld [tilespmem:s17+$0xA120]  }
0x209: {  	v23 =	vld [tilespmem:s17+$0x12120]  }
0x20a: {  	v24 =	vld [tilespmem:s17+$0x2130]  }
0x20b: {  	v27 =	vld [tilespmem:s17+$0xA130]  }
0x20c: {  	v29 =	vld [tilespmem:s17+$0x12130]  }
0x20d: {  	v31 =	vld [tilespmem:s17+$0x2140]  }
0x20e: {  	v33 =	vld [tilespmem:s17+$0xA140]  }
0x20f: {  	v34 =	vld [tilespmem:s17+$0x12140]  }
0x210: {  	v35 =	vld [tilespmem:s17+$0x2150]  }
0x211: {  	v39 =	vld [tilespmem:s17+$0xA150]  }
0x212: {  	v42 =	vld [tilespmem:s17+$0x12150]  }
0x213: {  	v43 =	vld [tilespmem:s17+$0x2160]  }
0x214: {  	v44 =	vld [tilespmem:s17+$0xA160]  }
0x215: {  	v47 =	vld [tilespmem:s17+$0x12160]  }
0x216: {  	v48 =	vld [tilespmem:s17+$0x2170]  }
0x217: {  	v51 =	vld [tilespmem:s17+$0xA170]  }
0x218: {  	v53 =	vld [tilespmem:s17+$0x12170]  }
0x219: {  	v58 =	vld [tilespmem:s17+$0x2500]  }
0x21a: {  	v26 =	vld [tilespmem:s17+$0xA500]  }
0x21b: {  	v37 =	vld [tilespmem:s17+$0x12500]  }
0x21c: {  	v1 =	vld [tilespmem:s17+$0x2510]  }
0x21d: {  	v17 =	vld [tilespmem:s17+$0xA510]  }
0x21e: {  	v41 =	vld [tilespmem:s17+$0x12510]  }
0x21f: {  	v2 =	vld [tilespmem:s17+$0x2520]  }
0x220: {  	v28 =	vld [tilespmem:s17+$0xA520]  }
0x221: {  	v45 =	vld [tilespmem:s17+$0x12520]  }
0x222: {  	v4 =	vld [tilespmem:s17+$0x2530]  }
0x223: {  	v32 =	vld [tilespmem:s17+$0xA530]  }
0x224: {  	v50 =	vld [tilespmem:s17+$0x12530]  }
0x225: {  	v5 =	vld [tilespmem:s17+$0x2540]  }
0x226: {  	v52 =	vld [tilespmem:s17+$0xA540]  }
0x227: {  	v61 =	vld [tilespmem:s17+$0x12540]  }
0x228: {  	v6 =	vld [tilespmem:s17+$0x2550]  }
0x229: {  	v54 =	vld [tilespmem:s17+$0xA550]  }
0x22a: {  	v62 =	vld [tilespmem:s17+$0x12550]  }
0x22b: {  	v7 =	vld [tilespmem:s17+$0x2560]  }
0x22c: {  	v56 =	vld [tilespmem:s17+$0xA560]  }
0x22d: {  	v63 =	vld [tilespmem:s17+$0x12560]  }
0x22e: {  	v8 =	vld [tilespmem:s17+$0x2570]  }
0x22f: {  	v60 =	vld [tilespmem:s17+$0xA570]  }
0x230: {  	v0 =	vld [tilespmem:s17+$0x12570]  }
0x231: {  	v10 =	vld [tilespmem:s17+$0x2900]  }
0x232: {  	v36 =	vld [tilespmem:s17+$0xA900]  }
0x233: {  	v38 =	vld [tilespmem:s17+$0x12900]  }
0x234: {  	v59 =	vld [tilespmem:s17+$0x2910]  }
0x235: {  	v40 =	vld [tilespmem:s17+$0xA910]  }
0x236: {  	v46 =	vld [tilespmem:s17+$0x12910]  }
0x237: {  	v57 =	vld [tilespmem:s17+$0x2920]  }
0x238: {  	v49 =	vld [tilespmem:s17+$0xA920]  }
0x239: {  	v55 =	vld [tilespmem:s17+$0x12920]  }
0x23a: {  	v13 =	vld [tilespmem:s17+$0xA930]  }
0x23b: {  	v14 =	vld [tilespmem:s17+$0x12930]  }
0x23c: {  	v16 =	vld [tilespmem:s17+$0xA940]  }
0x23d: {  	v22 =	vld [tilespmem:s17+$0x12940]  }
0x23e: {  	v25 =	vld [tilespmem:s17+$0xA950]  }
0x23f: {  	v30 =	vld [tilespmem:s17+$0x12950];
	[tilespmem:$0x1FBF0] =	vst v0  }
0x240: {  	[tilespmem:$0x1FC60] =	vst v55;
	v55 =	vld [tilespmem:s17+$0x2930]  }
0x241: {  	[tilespmem:$0x1FC30] =	vst v49;
	v49 =	vld [tilespmem:s17+$0x2940]  }
0x242: {  	[tilespmem:$0x1FC40] =	vst v46;
	v46 =	vld [tilespmem:s17+$0x2950]  }
0x243: {  	[tilespmem:$0x1FC10] =	vst v40;
	v40 =	vld [tilespmem:s17+$0x2960]  }
0x244: {  	[tilespmem:$0x1FC00] =	vst v36;
	v36 =	vld [tilespmem:s17+$0xA960]  }
0x245: {  	[tilespmem:$0x1FC20] =	vst v38;
	v38 =	vld [tilespmem:s17+$0x12960]  }
0x246: {  	[tilespmem:$0x1FC50] =	vst v13;
	v13 =	vld [tilespmem:s17+$0xA970]  }
0x247: {  	[tilespmem:$0x1FC70] =	vst v14;
	v14 =	vld [tilespmem:s17+$0x12970]  }
0x248: {  	[tilespmem:$0x1FC90] =	vst v25;
	v25 =	vld [tilespmem:s17+$0x2D00]  }
0x249: {  	[tilespmem:$0x1FC80] =	vst v16;
	v16 =	vld [tilespmem:s17+$0xAD00]  }
0x24a: {  	[tilespmem:$0x1FCA0] =	vst v22;
	v22 =	vld [tilespmem:s17+$0x12D00]  }
0x24b: {  	v3 =	vsub.f32 $1.000000000e+00, v3;
	[tilespmem:$0x1FCC0] =	vst v30;
	v30 =	vld [tilespmem:s17+$0xAD10];
	v0 =	vsub.f32 v21, v9  }
0x24c: {  	v15 =	vsub.f32 v15, v11;
	v21 =	vld [tilespmem:s17+$0x2D60];
	v9 =	vadd.f32 v12, v9  }
0x24d: {  	v12 =	vsub.f32 v18, v20;
	v18 =	vld [tilespmem:s17+$0xAD60];
	v19 =	vadd.f32 v19, v11;
	v0 =	vmul.f32 v0, v3  }
0x24e: {  	v52 =	vsub.f32 v52, v5;
	v61 =	vadd.f32 v61, v5;
	v5 =	vld [tilespmem:s17+$0xB160];
	v15 =	vmul.f32 v15, v3  }
0x24f: {  	v0 =	vadd.f32 v0, v9;
	v9 =	vadd.f32 v23, v20;
	v20 =	vmul.f32 v12, v3;
	v12 =	vld [tilespmem:s17+$0x2D70]  }
0x250: {  	v11 =	vadd.f32 v15, v19;
	v15 =	vadd.f32 v29, v24;
	v29 =	vld [tilespmem:s17+$0xAD70]  }
0x251: {  	v33 =	vsub.f32 v33, v31;
	v23 =	vld [tilespmem:s17+$0xB100]  }
0x252: {  	v19 =	vld [tilespmem:s17+$0x13100]  }
0x253: {  	v27 =	vsub.f32 v27, v24;
	v24 =	vmul.f32 v33, v3;
	v33 =	vld [tilespmem:s17+$0x3130]  }
0x254: {  	[tilespmem:$0x1FCE0] =	vst v38;
	v38 =	vld [tilespmem:s17+$0x2970]  }
0x255: {  	[tilespmem:$0x1FD20] =	vst v22;
	v22 =	vld [tilespmem:s17+$0x2D10]  }
0x256: {  	[tilespmem:$0x1FCB0] =	vst v36;
	v36 =	vld [tilespmem:s17+$0x12D10]  }
0x257: {  	[tilespmem:$0x1FCF0] =	vst v14;
	v14 =	vld [tilespmem:s17+$0x12D20]  }
0x258: {  	[tilespmem:$0x1FD00] =	vst v16;
	v16 =	vld [tilespmem:s17+$0x2D20]  }
0x259: {  	[tilespmem:$0x1FD10] =	vst v30;
	v30 =	vld [tilespmem:s17+$0xAD30]  }
0x25a: {  	[tilespmem:$0x1FCD0] =	vst v13;
	v13 =	vld [tilespmem:s17+$0xAD20]  }
0x25b: {  	[tilespmem:$0x1FDB0] =	vst v18;
	v18 =	vld [tilespmem:s17+$0x12D60]  }
0x25c: {  	[tilespmem:$0x1FD60] =	vst v14;
	v14 =	vld [tilespmem:s17+$0x2D30]  }
0x25d: {  	[tilespmem:$0x1FD40] =	vst v36;
	v36 =	vld [tilespmem:s17+$0x12D30]  }
0x25e: {  	v39 =	vsub.f32 v39, v35;
	[tilespmem:$0x1FD50] =	vst v30;
	v30 =	vld [tilespmem:s17+$0x2D40]  }
0x25f: {  	v42 =	vadd.f32 v42, v35;
	v47 =	vadd.f32 v47, v43;
	[tilespmem:$0x1FD30] =	vst v13;
	v13 =	vld [tilespmem:s17+$0xAD40]  }
0x260: {  	[tilespmem:$0x1FDD0] =	vst v18;
	v18 =	vadd.f32 v34, v31;
	v31 =	vsub.f32 v44, v43;
	v34 =	vld [tilespmem:s17+$0xB110]  }
0x261: {  	v44 =	vmul.f32 v39, v3;
	v39 =	vsub.f32 v51, v48;
	v51 =	vsub.f32 v26, v58;
	v26 =	vld [tilespmem:s17+$0x13110]  }
0x262: {  	v48 =	vadd.f32 v53, v48;
	v53 =	vsub.f32 v17, v1;
	v17 =	vld [tilespmem:s17+$0xB120]  }
0x263: {  	v37 =	vadd.f32 v37, v58;
	v58 =	vsub.f32 v28, v2;
	v28 =	vld [tilespmem:s17+$0x13120]  }
0x264: {  	v1 =	vadd.f32 v41, v1;
	v18 =	vadd.f32 v24, v18;
	v24 =	vld [tilespmem:s17+$0x3120]  }
0x265: {  	v31 =	vmul.f32 v31, v3;
	v42 =	vadd.f32 v44, v42;
	v44 =	vmul.f32 v53, v3;
	v53 =	vld [tilespmem:s17+$0xB130]  }
0x266: {  	v35 =	vmul.f32 v39, v3;
	v39 =	vsub.f32 v56, v7;
	v56 =	vadd.f32 v62, v6;
	v62 =	vld [tilespmem:$0x1FBF0]  }
0x267: {  	v32 =	vsub.f32 v32, v4;
	v41 =	vadd.f32 v44, v1;
	v44 =	vld [tilespmem:s17+$0x13130]  }
0x268: {  	v43 =	vadd.f32 v31, v47;
	v47 =	vmul.f32 v58, v3;
	v58 =	vsub.f32 v54, v6;
	v6 =	vld [tilespmem:s17+$0x13140]  }
0x269: {  	v35 =	vadd.f32 v35, v48;
	v48 =	vadd.f32 v50, v4;
	v4 =	vld [tilespmem:$0x1FC00]  }
0x26a: {  	v31 =	vmul.f32 v51, v3;
	v51 =	vld [tilespmem:s17+$0x13150]  }
0x26b: {  	v54 =	vld [tilespmem:$0x1FC20]  }
0x26c: {  	[tilespmem:s17+$0x12150] =	vst v42;
	v42 =	vld [tilespmem:s17+$0x3520]  }
0x26d: {  	[tilespmem:$0x1FD70] =	vst v36;
	v36 =	vld [tilespmem:s17+$0x12D40]  }
0x26e: {  	v2 =	vadd.f32 v45, v2;
	[tilespmem:$0x1FD80] =	vst v13;
	v13 =	vld [tilespmem:s17+$0xAD50]  }
0x26f: {  	v50 =	vmul.f32 v32, v3;
	v37 =	vadd.f32 v31, v37;
	v31 =	vld [tilespmem:s17+$0x3140]  }
0x270: {  	v32 =	vadd.f32 v47, v2;
	v2 =	vmul.f32 v52, v3;
	v47 =	vld [tilespmem:s17+$0xB140]  }
0x271: {  	v45 =	vadd.f32 v50, v48;
	v1 =	vmul.f32 v58, v3;
	v58 =	vsub.f32 v60, v8;
	v48 =	vld [tilespmem:$0x1FC10]  }
0x272: {  	v52 =	vadd.f32 v2, v61;
	v61 =	vmul.f32 v39, v3;
	v39 =	vld [tilespmem:s17+$0x3150]  }
0x273: {  	v60 =	vadd.f32 v63, v7;
	v63 =	vmul.f32 v58, v3;
	v58 =	vld [tilespmem:s17+$0xB150]  }
0x274: {  	v7 =	vadd.f32 v1, v56;
	v56 =	vld [tilespmem:$0x1FC30]  }
0x275: {  	v1 =	vadd.f32 v62, v8;
	v62 =	vld [tilespmem:$0x1FC60]  }
0x276: {  	[tilespmem:s17+$0x12500] =	vst v37;
	v37 =	vld [tilespmem:$0x1FD60]  }
0x277: {  	v8 =	vadd.f32 v61, v60;
	v60 =	vld [tilespmem:$0x1FC40]  }
0x278: {  	[tilespmem:s17+$0x12520] =	vst v32;
	v32 =	vld [tilespmem:s17+$0x13530]  }
0x279: {  	[tilespmem:$0x1FDA0] =	vst v36;
	v36 =	vld [tilespmem:s17+$0x2D50]  }
0x27a: {  	[tilespmem:$0x1FD90] =	vst v13;
	v13 =	vld [tilespmem:s17+$0x12D50];
	v50 =	vadd.f32 v63, v1;
	v1 =	vsub.f32 v48, v59  }
0x27b: {  	v2 =	vsub.f32 v4, v10;
	v4 =	vadd.f32 v54, v10;
	v61 =	vld [tilespmem:$0x1FC50]  }
0x27c: {  	v48 =	vld [tilespmem:s17+$0x3160];
	v10 =	vsub.f32 v56, v57;
	v1 =	vmul.f32 v1, v3;
	v54 =	vadd.f32 v60, v59  }
0x27d: {  	[tilespmem:s17+$0x12530] =	vst v45;
	v45 =	vld [tilespmem:$0x1FD90]  }
0x27e: {  	v63 =	vmul.f32 v10, v3;
	v10 =	vadd.f32 v1, v54;
	v54 =	vld [tilespmem:$0x1FC70]  }
0x27f: {  	v29 =	vsub.f32 v29, v12;
	[tilespmem:s17+$0x12540] =	vst v52;
	v52 =	vld [tilespmem:$0x1FDA0]  }
0x280: {  	v2 =	vmul.f32 v2, v3;
	v47 =	vsub.f32 v47, v31;
	v6 =	vadd.f32 v6, v31;
	v31 =	vld [tilespmem:s17+$0x13920];
	[tilespmem:s17+$0x12570] =	vst v50  }
0x281: {  	v50 =	vmul.f32 v29, v3;
	v29 =	vld [tilespmem:s17+$0xB550];
	[tilespmem:$0x1FDC0] =	vst v13;
	v13 =	vmul.f32 v27, v3;
	v27 =	vadd.f32 v20, v9  }
0x282: {  	v20 =	vld [tilespmem:s17+$0x12D70];
	v60 =	vadd.f32 v2, v4;
	v2 =	vadd.f32 v62, v57  }
0x283: {  	v56 =	vsub.f32 v61, v55;
	v1 =	vadd.f32 v54, v55;
	v55 =	vld [tilespmem:$0x1FC80]  }
0x284: {  	v61 =	vadd.f32 v63, v2;
	v63 =	vld [tilespmem:$0x1FCA0]  }
0x285: {  	v62 =	vld [tilespmem:$0x1FC90]  }
0x286: {  	v59 =	vld [tilespmem:s17+$0x13160]  }
0x287: {  	v57 =	vld [tilespmem:s17+$0x3170]  }
0x288: {  	v9 =	vadd.f32 v13, v15;
	v13 =	vld [tilespmem:s17+$0x3100];
	v54 =	vmul.f32 v56, v3;
	v4 =	vsub.f32 v55, v49  }
0x289: {  	[tilespmem:s17+$0x12100] =	vst v0;
	v0 =	vadd.f32 v63, v49;
	v63 =	vld [tilespmem:$0x1FCC0]  }
0x28a: {  	v54 =	vadd.f32 v54, v1;
	v1 =	vsub.f32 v62, v46;
	v62 =	vld [tilespmem:$0x1FCB0];
	v49 =	vmul.f32 v4, v3  }
0x28b: {  	v15 =	vld [tilespmem:s17+$0x3110]  }
0x28c: {  	v0 =	vadd.f32 v49, v0;
	v49 =	vld [tilespmem:$0x1FCE0]  }
0x28d: {  	v2 =	vld [tilespmem:s17+$0x13170]  }
0x28e: {  	[tilespmem:s17+$0x12920] =	vst v61;
	v61 =	vsub.f32 v53, v33;
	v53 =	vadd.f32 v51, v39;
	v51 =	vld [tilespmem:s17+$0x3950]  }
0x28f: {  	[tilespmem:s17+$0x12110] =	vst v11;
	v11 =	vadd.f32 v63, v46;
	v63 =	vld [tilespmem:$0x1FCD0];
	v62 =	vsub.f32 v62, v40  }
0x290: {  	v12 =	vadd.f32 v20, v12;
	v20 =	vld [tilespmem:s17+$0x3560]  }
0x291: {  	[tilespmem:s17+$0x12120] =	vst v27;
	v27 =	vadd.f32 v49, v40;
	v49 =	vmul.f32 v62, v3;
	v62 =	vld [tilespmem:$0x1FCF0]  }
0x292: {  	v56 =	vld [tilespmem:s17+$0xB170];
	v23 =	vsub.f32 v23, v13  }
0x293: {  	v13 =	vadd.f32 v19, v13;
	v19 =	vld [tilespmem:s17+$0x3570];
	v46 =	vmul.f32 v1, v3  }
0x294: {  	[tilespmem:s17+$0x12900] =	vst v60;
	v60 =	vmul.f32 v23, v3;
	v23 =	vld [tilespmem:s17+$0xB560];
	v63 =	vsub.f32 v63, v38  }
0x295: {  	[tilespmem:s17+$0x12130] =	vst v9;
	v55 =	vld [tilespmem:s17+$0x3500];
	v9 =	vadd.f32 v46, v11  }
0x296: {  	[tilespmem:s17+$0x12140] =	vst v18;
	v63 =	vmul.f32 v63, v3;
	v18 =	vadd.f32 v49, v27;
	v49 =	vld [tilespmem:$0x1FD00];
	v11 =	vadd.f32 v62, v38  }
0x297: {  	v62 =	vld [tilespmem:$0x1FD10]  }
0x298: {  	v11 =	vadd.f32 v63, v11;
	v63 =	vld [tilespmem:$0x1FD20]  }
0x299: {  	v1 =	vld [tilespmem:s17+$0x13500]  }
0x29a: {  	v5 =	vsub.f32 v5, v48;
	v4 =	vld [tilespmem:s17+$0xB500]  }
0x29b: {  	[tilespmem:s17+$0x12930] =	vst v54;
	v54 =	vsub.f32 v56, v57;
	v56 =	vadd.f32 v59, v48;
	v48 =	vld [tilespmem:s17+$0x13940]  }
0x29c: {  	v38 =	vsub.f32 v62, v22;
	v62 =	vld [tilespmem:$0x1FD30]  }
0x29d: {  	v27 =	vsub.f32 v49, v25;
	v25 =	vadd.f32 v63, v25;
	v63 =	vld [tilespmem:$0x1FD40]  }
0x29e: {  	v46 =	vld [tilespmem:s17+$0xB510]  }
0x29f: {  	v1 =	vadd.f32 v1, v55;
	v4 =	vsub.f32 v4, v55;
	v55 =	vld [tilespmem:s17+$0xB950]  }
0x2a0: {  	[tilespmem:s17+$0x12160] =	vst v43;
	v40 =	vld [tilespmem:s17+$0x3510]  }
0x2a1: {  	[tilespmem:s17+$0x12960] =	vst v18;
	v18 =	vld [tilespmem:s17+$0x13570];
	v27 =	vmul.f32 v27, v3;
	v43 =	vsub.f32 v62, v16  }
0x2a2: {  	v22 =	vadd.f32 v63, v22;
	v63 =	vld [tilespmem:$0x1FD50]  }
0x2a3: {  	v25 =	vadd.f32 v27, v25;
	v27 =	vmul.f32 v43, v3;
	v43 =	vld [tilespmem:$0x1FD70]  }
0x2a4: {  	v49 =	vld [tilespmem:s17+$0x13510]  }
0x2a5: {  	[tilespmem:s17+$0x12170] =	vst v35;
	v35 =	vmul.f32 v38, v3;
	v62 =	vld [tilespmem:s17+$0xB520]  }
0x2a6: {  	v16 =	vadd.f32 v37, v16;
	v37 =	vld [tilespmem:s17+$0x3530]  }
0x2a7: {  	[tilespmem:s17+$0x12D00] =	vst v25;
	v25 =	vld [tilespmem:s17+$0xB900];
	v22 =	vadd.f32 v35, v22  }
0x2a8: {  	v38 =	vsub.f32 v63, v14;
	v14 =	vadd.f32 v43, v14;
	v43 =	vld [tilespmem:$0x1FD80]  }
0x2a9: {  	v5 =	vmul.f32 v5, v3;
	[tilespmem:s17+$0x12910] =	vst v10;
	v35 =	vsub.f32 v45, v36;
	v45 =	vld [tilespmem:$0x1FDB0]  }
0x2aa: {  	v17 =	vsub.f32 v17, v24;
	v10 =	vadd.f32 v50, v12;
	[tilespmem:s17+$0x12D10] =	vst v22;
	v22 =	vld [tilespmem:s17+$0xB910]  }
0x2ab: {  	v2 =	vadd.f32 v2, v57;
	v57 =	vmul.f32 v54, v3;
	v5 =	vadd.f32 v5, v56;
	v63 =	vld [tilespmem:s17+$0x13520]  }
0x2ac: {  	[tilespmem:s17+$0x12510] =	vst v41;
	v23 =	vsub.f32 v23, v20;
	v16 =	vadd.f32 v27, v16;
	v41 =	vmul.f32 v38, v3;
	v38 =	vld [tilespmem:s17+$0xB530]  }
0x2ad: {  	v27 =	vsub.f32 v43, v30;
	v30 =	vadd.f32 v52, v30;
	v52 =	vld [tilespmem:$0x1FDC0]  }
0x2ae: {  	[tilespmem:s17+$0x12550] =	vst v7;
	v2 =	vadd.f32 v57, v2;
	v14 =	vadd.f32 v41, v14;
	v41 =	vld [tilespmem:s17+$0x3540]  }
0x2af: {  	[tilespmem:s17+$0x12940] =	vst v0;
	v0 =	vadd.f32 v60, v13;
	v43 =	vsub.f32 v45, v21;
	v45 =	vld [tilespmem:s17+$0xB540];
	v27 =	vmul.f32 v27, v3  }
0x2b0: {  	[tilespmem:s17+$0x12560] =	vst v8;
	v4 =	vmul.f32 v4, v3;
	v59 =	vsub.f32 v62, v42;
	v63 =	vadd.f32 v63, v42;
	v42 =	vld [tilespmem:s17+$0x13930]  }
0x2b1: {  	[tilespmem:s17+$0x12D70] =	vst v10;
	v60 =	vadd.f32 v49, v40;
	v8 =	vadd.f32 v27, v30;
	v30 =	vld [tilespmem:$0x1FDD0]  }
0x2b2: {  	[tilespmem:s17+$0x12950] =	vst v9;
	v62 =	vadd.f32 v4, v1;
	v35 =	vmul.f32 v35, v3;
	v7 =	vadd.f32 v52, v36;
	v36 =	vld [tilespmem:s17+$0x13540]  }
0x2b3: {  	[tilespmem:s17+$0x13160] =	vst v5;
	v52 =	vsub.f32 v34, v15;
	v15 =	vadd.f32 v26, v15;
	v34 =	vld [tilespmem:s17+$0x13560]  }
0x2b4: {  	v17 =	vmul.f32 v17, v3;
	[tilespmem:s17+$0x12D30] =	vst v14;
	v14 =	vld [tilespmem:s17+$0x3920];
	v7 =	vadd.f32 v35, v7;
	v35 =	vadd.f32 v28, v24  }
0x2b5: {  	[tilespmem:s17+$0x13170] =	vst v2;
	v27 =	vld [tilespmem:s17+$0x13550];
	v12 =	vmul.f32 v52, v3;
	v52 =	vsub.f32 v58, v39;
	v58 =	vsub.f32 v46, v40  }
0x2b6: {  	v43 =	vmul.f32 v43, v3;
	[tilespmem:s17+$0x12D40] =	vst v8;
	v8 =	vld [tilespmem:s17+$0x13910];
	v40 =	vsub.f32 v45, v41;
	v21 =	vadd.f32 v30, v21  }
0x2b7: {  	[tilespmem:s17+$0x13100] =	vst v0;
	v24 =	vld [tilespmem:s17+$0xB570];
	v9 =	vadd.f32 v12, v15;
	v13 =	vadd.f32 v17, v35;
	v17 =	vmul.f32 v47, v3  }
0x2b8: {  	[tilespmem:s17+$0x12970] =	vst v11;
	v28 =	vld [tilespmem:s17+$0x13900];
	v12 =	vmul.f32 v52, v3;
	v45 =	vadd.f32 v36, v41;
	v49 =	vadd.f32 v34, v20  }
0x2b9: {  	v39 =	vld [tilespmem:s17+$0xB930];
	[tilespmem:s17+$0x12D50] =	vst v7;
	v7 =	vmul.f32 v58, v3;
	v21 =	vadd.f32 v43, v21;
	v43 =	vadd.f32 v44, v33  }
0x2ba: {  	[tilespmem:s17+$0x12D20] =	vst v16;
	v30 =	vld [tilespmem:s17+$0x3550];
	v4 =	vmul.f32 v40, v3;
	v6 =	vadd.f32 v17, v6;
	v12 =	vadd.f32 v12, v53  }
0x2bb: {  	[tilespmem:s17+$0x13500] =	vst v62;
	v15 =	vld [tilespmem:s17+$0x3900];
	v44 =	vmul.f32 v61, v3;
	v61 =	vsub.f32 v38, v37;
	v7 =	vadd.f32 v7, v60  }
0x2bc: {  	v35 =	vld [tilespmem:s17+$0x3930];
	v33 =	vmul.f32 v59, v3;
	[tilespmem:s17+$0x13110] =	vst v9;
	v37 =	vadd.f32 v32, v37;
	v53 =	vadd.f32 v18, v19  }
0x2bd: {  	v58 =	vld [tilespmem:s17+$0x13950];
	[tilespmem:s17+$0x13120] =	vst v13;
	v24 =	vsub.f32 v24, v19;
	v4 =	vadd.f32 v4, v45  }
0x2be: {  	v46 =	vld [tilespmem:s17+$0xB940];
	v50 =	vadd.f32 v44, v43;
	[tilespmem:s17+$0x12D60] =	vst v21;
	v1 =	vadd.f32 v33, v63  }
0x2bf: {  	v17 =	vld [tilespmem:s17+$0x3910];
	[tilespmem:s17+$0x13140] =	vst v6;
	v43 =	vsub.f32 v29, v30;
	v47 =	vadd.f32 v27, v30  }
0x2c0: {  	v21 =	vld [tilespmem:s17+$0xB920];
	v38 =	vmul.f32 v61, v3;
	[tilespmem:s17+$0x13150] =	vst v12;
	v57 =	vsub.f32 v25, v15;
	v62 =	vadd.f32 v28, v15  }
0x2c1: {  	v44 =	vld [tilespmem:s17+$0x3940];
	[tilespmem:s17+$0x13510] =	vst v7;
	v25 =	vadd.f32 v31, v14;
	v31 =	vadd.f32 v42, v35  }
0x2c2: {  	v61 =	vld [tilespmem:s17+$0x3960];
	v54 =	vmul.f32 v24, v3;
	[tilespmem:s17+$0x13540] =	vst v4;
	v41 =	vadd.f32 v58, v51;
	v9 =	vadd.f32 v38, v37  }
0x2c3: {  	v24 =	vld [tilespmem:s17+$0x3970];
	[tilespmem:s17+$0x13130] =	vst v50;
	v50 =	vmul.f32 v23, v3;
	v23 =	vsub.f32 v39, v35;
	v38 =	vsub.f32 v55, v51  }
0x2c4: {  	v28 =	vld [tilespmem:s17+$0xB970];
	[tilespmem:s17+$0x13520] =	vst v1;
	v10 =	vmul.f32 v43, v3;
	v59 =	vadd.f32 v54, v53;
	v60 =	vsub.f32 v22, v17  }
0x2c5: {  	v5 =	vmul.f32 v57, v3;
	v56 =	vadd.f32 v50, v49;
	[tilespmem:s17+$0x13530] =	vst v9;
	v63 =	vsub.f32 v21, v14;
	v21 =	vld [tilespmem:s17+$0xB960]  }
0x2c6: {  	v36 =	vld [tilespmem:s17+$0x13970];
	v8 =	vadd.f32 v8, v17;
	v32 =	vmul.f32 v23, v3;
	v52 =	vadd.f32 v10, v47;
	[tilespmem:s17+$0x13570] =	vst v59  }
0x2c7: {  	v33 =	vld [tilespmem:s17+$0x13960];
	v42 =	vmul.f32 v38, v3;
	v1 =	vadd.f32 v5, v62;
	v35 =	vsub.f32 v46, v44;
	[tilespmem:s17+$0x13560] =	vst v56  }
0x2c8: {  	v22 =	vmul.f32 v60, v3;
	v39 =	vadd.f32 v48, v44;
	v37 =	vadd.f32 v32, v31;
	[tilespmem:s17+$0x13550] =	vst v52  }
0x2c9: {  	v43 =	vsub.f32 v28, v24;
	v2 =	vadd.f32 v42, v41;
	v26 =	vmul.f32 v63, v3;
	[tilespmem:s17+$0x13900] =	vst v1  }
0x2ca: {  	v30 =	vadd.f32 v22, v8;
	v4 =	vmul.f32 v35, v3;
	[tilespmem:s17+$0x13930] =	vst v37;
	v40 =	vsub.f32 v21, v61  }
0x2cb: {  	v5 =	vadd.f32 v36, v24;
	v47 =	vmul.f32 v43, v3;
	[tilespmem:s17+$0x13950] =	vst v2;
	v34 =	vadd.f32 v26, v25  }
0x2cc: {  	v45 =	vadd.f32 v33, v61;
	[tilespmem:s17+$0x13910] =	vst v30;
	v44 =	vadd.f32 v4, v39;
	v46 =	vmul.f32 v40, v3  }
0x2cd: {  	s14 =	sand.u32 $0x7, s11;
	v49 =	vadd.f32 v47, v5;
	[tilespmem:s17+$0x13920] =	vst v34  }
0x2ce: {  	s14 =	sshll.u32 s14, $0x7;
	[tilespmem:s17+$0x13940] =	vst v44;
	v48 =	vadd.f32 v46, v45  }
0x2cf: {  	s14 =	sadd.s32 s14, s16;
	[tilespmem:s17+$0x13970] =	vst v49  }
0x2d0: {  	[tilespmem:s17+$0x13960] =	vst v48;
	s17 =	sor.u32 $0x1C00, s14  }
0x2d1: {  	v0 =	vld [tilespmem:s17+$0x2100]  }
0x2d2: {  	v1 =	vld [tilespmem:s17+$0xA100];
	_ =	sdelay $0x1  }
0x2d3: {  	v2 =	vld [tilespmem:s17+$0x12100];
	_ =	sdelay $0x2  }
0x2d4: {  	v1 =	vsub.f32 v1, v0;
	_ =	sdelay $0x1  }
0x2d5: {  	v0 =	vadd.f32 v2, v0;
	v1 =	vmul.f32 v1, v3;
	_ =	sdelay $0x1  }
0x2d6: {  	v0 =	vadd.f32 v1, v0;
	_ =	sdelay $0x1  }
0x2d7: {  	[tilespmem:s17+$0x12100] =	vst v0;
	s17 =	sor.u32 $0x1C10, s14  }
0x2d8: {  	v0 =	vld [tilespmem:s17+$0x2100]  }
0x2d9: {  	v50 =	vld [tilespmem:s17+$0xA100];
	_ =	sdelay $0x1  }
0x2da: {  	v51 =	vld [tilespmem:s17+$0x12100];
	_ =	sdelay $0x2  }
0x2db: {  	v1 =	vsub.f32 v50, v0;
	_ =	sdelay $0x1  }
0x2dc: {  	v0 =	vadd.f32 v51, v0;
	v1 =	vmul.f32 v1, v3;
	_ =	sdelay $0x1  }
0x2dd: {  	v0 =	vadd.f32 v1, v0;
	_ =	sdelay $0x1  }
0x2de: {  	[tilespmem:s17+$0x12100] =	vst v0;
	s17 =	sor.u32 $0x1C20, s14  }
0x2df: {  	v0 =	vld [tilespmem:s17+$0x2100]  }
0x2e0: {  	v52 =	vld [tilespmem:s17+$0xA100];
	_ =	sdelay $0x1  }
0x2e1: {  	v53 =	vld [tilespmem:s17+$0x12100];
	_ =	sdelay $0x2  }
0x2e2: {  	v1 =	vsub.f32 v52, v0;
	_ =	sdelay $0x1  }
0x2e3: {  	v0 =	vadd.f32 v53, v0;
	v1 =	vmul.f32 v1, v3;
	_ =	sdelay $0x1  }
0x2e4: {  	v0 =	vadd.f32 v1, v0;
	_ =	sdelay $0x1  }
0x2e5: {  	[tilespmem:s17+$0x12100] =	vst v0;
	s17 =	sor.u32 $0x1C30, s14  }
0x2e6: {  	v0 =	vld [tilespmem:s17+$0x2100]  }
0x2e7: {  	v54 =	vld [tilespmem:s17+$0xA100];
	_ =	sdelay $0x1  }
0x2e8: {  	v55 =	vld [tilespmem:s17+$0x12100];
	_ =	sdelay $0x2  }
0x2e9: {  	v1 =	vsub.f32 v54, v0;
	_ =	sdelay $0x1  }
0x2ea: {  	v0 =	vadd.f32 v55, v0;
	v1 =	vmul.f32 v1, v3;
	_ =	sdelay $0x1  }
0x2eb: {  	v0 =	vadd.f32 v1, v0;
	_ =	sdelay $0x1  }
0x2ec: {  	[tilespmem:s17+$0x12100] =	vst v0;
	s17 =	sor.u32 $0x1C40, s14  }
0x2ed: {  	v0 =	vld [tilespmem:s17+$0x2100]  }
0x2ee: {  	v56 =	vld [tilespmem:s17+$0xA100];
	_ =	sdelay $0x1  }
0x2ef: {  	v57 =	vld [tilespmem:s17+$0x12100];
	_ =	sdelay $0x2  }
0x2f0: {  	v1 =	vsub.f32 v56, v0;
	_ =	sdelay $0x1  }
0x2f1: {  	v0 =	vadd.f32 v57, v0;
	v1 =	vmul.f32 v1, v3;
	_ =	sdelay $0x1  }
0x2f2: {  	v0 =	vadd.f32 v1, v0;
	_ =	sdelay $0x1  }
0x2f3: {  	[tilespmem:s17+$0x12100] =	vst v0;
	s17 =	sor.u32 $0x1C50, s14  }
0x2f4: {  	v0 =	vld [tilespmem:s17+$0x2100]  }
0x2f5: {  	v58 =	vld [tilespmem:s17+$0xA100];
	_ =	sdelay $0x1  }
0x2f6: {  	v59 =	vld [tilespmem:s17+$0x12100];
	_ =	sdelay $0x2  }
0x2f7: {  	v1 =	vsub.f32 v58, v0;
	_ =	sdelay $0x1  }
0x2f8: {  	v0 =	vadd.f32 v59, v0;
	v1 =	vmul.f32 v1, v3;
	_ =	sdelay $0x1  }
0x2f9: {  	v0 =	vadd.f32 v1, v0;
	_ =	sdelay $0x1  }
0x2fa: {  	[tilespmem:s17+$0x12100] =	vst v0;
	s17 =	sor.u32 $0x1C60, s14  }
0x2fb: {  	v0 =	vld [tilespmem:s17+$0x2100]  }
0x2fc: {  	v60 =	vld [tilespmem:s17+$0xA100];
	_ =	sdelay $0x1  }
0x2fd: {  	v61 =	vld [tilespmem:s17+$0x12100];
	_ =	sdelay $0x2  }
0x2fe: {  	v1 =	vsub.f32 v60, v0;
	_ =	sdelay $0x1  }
0x2ff: {  	v0 =	vadd.f32 v61, v0;
	v1 =	vmul.f32 v1, v3;
	_ =	sdelay $0x1  }
0x300: {  	v0 =	vadd.f32 v1, v0;
	_ =	sdelay $0x1  }
0x301: {  	s14 =	sor.u32 $0x1C70, s14;
	[tilespmem:s17+$0x12100] =	vst v0  }
0x302: {  	v0 =	vld [tilespmem:s14+$0x2100]  }
0x303: {  	v62 =	vld [tilespmem:s14+$0xA100];
	_ =	sdelay $0x1  }
0x304: {  	v63 =	vld [tilespmem:s14+$0x12100];
	_ =	sdelay $0x2  }
0x305: {  	v1 =	vsub.f32 v62, v0  }
0x306: {  	p0 =	sne.s32 s13, $0xF80  }
.Ltmp1:
0x307: {  	v0 =	vadd.f32 v63, v0;
	v1 =	vmul.f32 v1, v3;
	(pc) =	sbr.rel @p0 .LBB2_4-.Ltmp1, $4  }
0x308: {  	_ = 	snop  }
0x309: {  	v0 =	vadd.f32 v1, v0  }
0x30a: {  	s1 =	sadd.s32 $0x400, s1;
	s12 =	sadd.s32 $0x80, s12  }
0x30b: {  	s13 =	sadd.s32 $0x80, s13;
	s11 =	sadd.s32 $0x1, s11;
	s16 =	sadd.s32 $0x400, s16;
	[tilespmem:s14+$0x12100] =	vst v0  }
0x30c: {  	s1 =	rddreg [dreg:$0x9]  }
0x30d: {  	[hbm4b:s1+s2] =	stream.linear.scatter [tilespmem:s30], [sflag:$0x3], $0x8000, $0x38;
	[tilespmem:$0x1A100] =	vst v63  }
0x30e: {  	_ =	swait.ge [sflag:s15], $0x8000  }
0x30f: {  	s0 =	sadd.s32 $0x1, s0;
	s17 =	rddreg [dreg:$0xa]  }
0x310: {  	p0 =	sne.s32 s0, s17  }
.Ltmp2:
0x311: {  	_ = 	snop;
	(pc) =	sbr.rel @p0 .LBB2_1-.Ltmp2, $3  }
0x312: {  	_ =	sdelay $0x1  }
0x313: {  	[sflag:s15] =	ssyncset.done $0x0  }
0x314: {  	[sflag:s15] =	ssyncadd.s32 $0xFFFF8000  }
0x315: {  	_ =	sfence.sel $0x180000  }
0x316: {  	[bflag:$0x0] =	sbarrier.arrive $0xFFFF  }
0x317: {  	_ =	strace $0x9000004A  }
0x318: {  	s0 =	stileid.u32;
	[bflag:$0x2] =	sbarrier.arrive $0xFFFF  }
0x319: {  	p0 =	sne.s32 s0, $0x0;
	s0 =	rddreg [dreg:$0x2]  }
0x31a: {  	s0 =	sadd.s32 @!p0 $0x100000, s0  }
0x31b: {  	[sflag:s0] =	ssyncadd.tile.s32 @!p0 $0x1;
	_ =	shalt  }
.Lfunc_end2:
_tile_overlayer_lowered:
.L_overlay_start_2:
0x31c: {  	(tag) =	ssettag $0x2  }
0x31d: {  	s0 =	rddreg [dreg:$0x0];
	s2 =	stileid.u32  }
0x31e: {  	s1 =	rddreg [dreg:$0x1];
	p0 =	sne.s32 s2, $0x0  }
0x31f: {  	s3 =	rddreg [dreg:$0x2];
	[bflag:$0x3] =	sbarrier.arrive $0xFFFF;
	s2 =	simm.s32 @!p0 $0x1C03  }
0x320: {  	[timem:s3], [sflag:s2] =	dma.local @!p0 [hbm:s0], s1  }
0x321: {  	s0 =	simm.s32 @!p0 $0x3  }
0x322: {  	_ =	swait.ge @!p0 [sflag:s0], s1  }
0x323: {  	s1 =	ssub.s32 @!p0 $0x0, s1;
	[sflag:s0] =	ssyncset.done @!p0 $0x0  }
0x324: {  	[sflag:s0] =	ssyncadd.s32 @!p0 s1  }
0x325: {  	[bflag:$0x3] =	sbarrier.arrive $0xFFFF  }
0x326: {  	_ =	shalt  }

// kernel: kernel.7.cloned.1.call-start
scs
__scs_entry_jumppad:
0x0: {  	(pc) =	sbr.rel $0x88, $3  }
0x1: {  	(tag) =	ssettag $0x0;
	lr =	simm.s32 $0x1  }
0x2: {  	[smem:$0x3F9B] =	sst lr;
	_ =	strace $0xD0000000  }
0x3: {  	_ = 	snop  }
0x4: {  	_ = 	snop  }
0x5: {  	_ = 	snop  }
0x6: {  	_ = 	snop  }
0x7: {  	_ = 	snop  }
__scs_overlays_trampoline_lowered:
0x8: {  	[smem:$0x3FAA] =	sst s0  }
0x9: {  	[smem:$0x3FAB] =	sst s1  }
0xa: {  	[smem:$0x3FAC] =	sst s2  }
0xb: {  	[smem:$0x3FAD] =	sst s3  }
0xc: {  	[smem:$0x3FAE] =	sst s4  }
0xd: {  	[smem:$0x3FAF] =	sst s5  }
0xe: {  	[smem:$0x3FB0] =	sst s6  }
0xf: {  	[smem:$0x3FB1] =	sst s7  }
0x10: {  	[smem:$0x3FB2] =	sst s8  }
0x11: {  	[smem:$0x3FB3] =	sst s9;
	s0 =	simm.s32 @!p0 $0x0  }
0x12: {  	s1 =	sld [smem:$0x3F99];
	s0 =	simm.s32 @p0 $0x1  }
0x13: {  	[smem:$0x3FB4] =	sst s0;
	s0 =	simm.s32 @!p1 $0x0  }
0x14: {  	s2 =	sld [smem:$0x3F98];
	s0 =	simm.s32 @p1 $0x1  }
0x15: {  	[smem:$0x3FB5] =	sst s0;
	s0 =	simm.s32 @!p2 $0x0  }
0x16: {  	s3 =	sld [smem:$0x3FDB];
	s0 =	simm.s32 @p2 $0x1  }
0x17: {  	s4 =	simm.s32 $0x1BF5;
	[smem:$0x3FB7] =	sst s0  }
0x18: {  	s0 =	sld [smem:$0x3F9A];
	_ =	swait.ge [sflag:s4], $0x0  }
0x19: {  	s7 =	sld [smem:$0x3F9B]  }
0x1a: {  	s8 =	sadd.s32 $0xFFFFE003, lr  }
0x1b: {  	s9 =	sadd.s32 $0xFFFFFEF7, lr;
	s5 =	simm.s32 $0xFFFFFFFF;
	p2 =	slt.u32 s8, $0xFFFFF086  }
0x1c: {  	p1 =	slt.u32 s9, $0xF7A;
	s5 =	simm.s32 @!p2 $0x0  }
0x1d: {  	s5 =	simm.s32 @p1 $0x1;
	p0 =	seq.s32 s7, s2  }
0x1e: {  	s7 =	smul.u32 @!p0 $0xF7A, s2;
	p2 =	seq.s32 @!p0 s5, $0x0  }
0x1f: {  	s9 =	smul.u32 $0xF7A, s1;
	s8 =	simm.s32 @!p0 $0x1BF5;
	p2 =	por !p2, p0  }
0x20: {  	[sflag:s8] =	ssyncset.s32 @!p0 $0xFFFFF086;
	s6 =	sadd.s32 @!p0 s3, s7;
	s7 =	simm.s32 @!p0 $0x108  }
0x21: {  	s3 =	sadd.s32 s3, s9;
	s6 =	sadd.s32 @!p0 $0x88, s6;
	s7 =	simm.s32 @p2 $0x1082  }
0x22: {  	[simem:s7], [sflag:s8] =	dma.local @!p0 [hbm:s6], $0xF7A  }
0x23: {  	s9 =	sor.u32 $0xD0000000, s2;
	s6 =	simm.s32 $0x108;
	_ =	swait.ge @!p0 [sflag:s8], $0x0  }
0x24: {  	s3 =	sadd.s32 $0x88, s3;
	s6 =	simm.s32 @!p1 $0x1082;
	[sflag:s4] =	ssyncset.s32 $0xFFFFF086  }
0x25: {  	[simem:s6], [sflag:s4] =	dma.local [hbm:s3], $0xF7A  }
0x26: {  	[smem:$0x3F9B] =	sst s1;
	(tag) =	ssettag s2;
	_ =	strace s9  }
0x27: {  	s1 =	sld [smem:$0x3FAB]  }
0x28: {  	s2 =	sld [smem:$0x3FAC]  }
0x29: {  	s4 =	sld [smem:$0x3FAE]  }
0x2a: {  	p0 =	seq.s32 s5, $0x0;
	s5 =	sld [smem:$0x3FAF]  }
0x2b: {  	s6 =	sld [smem:$0x3FB0]  }
0x2c: {  	s7 =	sld [smem:$0x3FB1]  }
0x2d: {  	s3 =	simm.s32 $0x108;
	s8 =	sld [smem:$0x3FB2]  }
0x2e: {  	s3 =	simm.s32 @!p0 $0x1082;
	s9 =	sld [smem:$0x3FB3]  }
0x2f: {  	lr =	sadd.s32 s0, s3;
	s0 =	sld [smem:$0x3FAA]  }
0x30: {  	s3 =	sld [smem:$0x3FAD]  }
0x31: {  	[smem:$0x3FB6] =	sst s10  }
0x32: {  	s10 =	sld [smem:$0x3FB4];
	_ =	sdelay $0x3  }
0x33: {  	p0 =	seq.s32 s10, $0x1;
	s10 =	sld [smem:$0x3FB6];
	_ =	sdelay $0x3  }
0x34: {  	[smem:$0x3FB6] =	sst s10  }
0x35: {  	s10 =	sld [smem:$0x3FB5];
	_ =	sdelay $0x3  }
0x36: {  	p1 =	seq.s32 s10, $0x1;
	s10 =	sld [smem:$0x3FB6];
	_ =	sdelay $0x3  }
0x37: {  	[smem:$0x3FB6] =	sst s10  }
0x38: {  	s10 =	sld [smem:$0x3FB7]  }
0x39: {  	_ = 	snop;
	(pc) =	sbr.ind lr, $3  }
0x3a: {  	_ = 	snop  }
0x3b: {  	_ = 	snop  }
0x3c: {  	p2 =	seq.s32 s10, $0x1;
	s10 =	sld [smem:$0x3FB6]  }
0x3d: {  	_ =	shalt  }
0x3e: {  	_ =	shalt  }
0x3f: {  	_ =	shalt  }
0x40: {  	_ =	shalt  }
0x41: {  	_ =	shalt  }
0x42: {  	_ =	shalt  }
0x43: {  	_ =	shalt  }
0x44: {  	_ =	shalt  }
0x45: {  	_ =	shalt  }
0x46: {  	_ =	shalt  }
0x47: {  	_ =	shalt  }
0x48: {  	_ =	shalt  }
0x49: {  	_ =	shalt  }
0x4a: {  	_ =	shalt  }
0x4b: {  	_ =	shalt  }
0x4c: {  	_ =	shalt  }
0x4d: {  	_ =	shalt  }
0x4e: {  	_ =	shalt  }
0x4f: {  	_ =	shalt  }
0x50: {  	_ =	shalt  }
0x51: {  	_ =	shalt  }
0x52: {  	_ =	shalt  }
0x53: {  	_ =	shalt  }
0x54: {  	_ =	shalt  }
0x55: {  	_ =	shalt  }
0x56: {  	_ =	shalt  }
0x57: {  	_ =	shalt  }
0x58: {  	_ =	shalt  }
0x59: {  	_ =	shalt  }
0x5a: {  	_ =	shalt  }
0x5b: {  	_ =	shalt  }
0x5c: {  	_ =	shalt  }
0x5d: {  	_ =	shalt  }
0x5e: {  	_ =	shalt  }
0x5f: {  	_ =	shalt  }
0x60: {  	_ =	shalt  }
0x61: {  	_ =	shalt  }
0x62: {  	_ =	shalt  }
0x63: {  	_ =	shalt  }
0x64: {  	_ =	shalt  }
0x65: {  	_ =	shalt  }
0x66: {  	_ =	shalt  }
0x67: {  	_ =	shalt  }
0x68: {  	_ =	shalt  }
0x69: {  	_ =	shalt  }
0x6a: {  	_ =	shalt  }
0x6b: {  	_ =	shalt  }
0x6c: {  	_ =	shalt  }
0x6d: {  	_ =	shalt  }
0x6e: {  	_ =	shalt  }
0x6f: {  	_ =	shalt  }
0x70: {  	_ =	shalt  }
0x71: {  	_ =	shalt  }
0x72: {  	_ =	shalt  }
0x73: {  	_ =	shalt  }
0x74: {  	_ =	shalt  }
0x75: {  	_ =	shalt  }
0x76: {  	_ =	shalt  }
0x77: {  	_ =	shalt  }
0x78: {  	_ =	shalt  }
0x79: {  	_ =	shalt  }
0x7a: {  	_ =	shalt  }
0x7b: {  	_ =	shalt  }
0x7c: {  	_ =	shalt  }
0x7d: {  	_ =	shalt  }
0x7e: {  	_ =	shalt  }
0x7f: {  	_ =	shalt  }
0x80: {  	_ =	shalt  }
0x81: {  	_ =	shalt  }
0x82: {  	_ =	shalt  }
0x83: {  	_ =	shalt  }
0x84: {  	_ =	shalt  }
0x85: {  	_ =	shalt  }
0x86: {  	_ =	shalt  }
0x87: {  	_ =	shalt  }
.Lfunc_end0:
.L_simem_size_0:
called_computation_lowered:
.L_overlay_start_0:
0x88: {  	s2 =	sld [smem:$0x3FD9]  }
0x89: {  	s3 =	sld [smem:$0x3FFE];
	_ =	sdelay $0x1  }
0x8a: {  	s1 =	srdreg.scid  }
0x8b: {  	s0 =	sand.u32 $0x1, s1  }
0x8c: {  	s17 =	sshll.u32 s0, $0xA;
	s2 =	sadd.s32 s3, s2  }
0x8d: {  	s2 =	sadd.s32 s2, s17  }
0x8e: {  	[smem:$0x3FC2] =	sst s2  }
0x8f: {  	_ = 	snop  }
0x90: {  	s2 =	sld [smem:$0x3FC9];
	(tm) =	ssettm $0x1  }
0x91: {  	s18 =	sld [smem:$0x3FFB];
	_ =	sdelay $0x3  }
0x92: {  	_ =	strace s18  }
0x93: {  	s3 =	sld [smem:$0x3FFC];
	_ =	sdelay $0x3  }
0x94: {  	_ =	strace s3  }
0x95: {  	s3 =	sld [smem:$0x3FFD];
	_ =	sdelay $0x3  }
0x96: {  	_ =	strace s3  }
0x97: {  	_ =	strace $0x8FFFFFFF  }
0x98: {  	s19 =	sld [smem:$0x3FDB];
	_ =	sdelay $0x1  }
0x99: {  	s4 =	simm.s32 $_scs_section_size  }
0x9a: {  	s5 =	simm.s32 $_size__tile_overlayer_lowered;
	s6 =	simm.s32 $_tile_overlayer_lowered  }
0x9b: {  	s22 =	simm.s32 $0x1BFF;
	s21 =	sshll.u32 s6, $0x1;
	s3 =	sadd.s32 s4, s19  }
0x9c: {  	s7 =	simm.s32 $0x0;
	s20 =	sshll.u32 s5, $0x1;
	s5 =	sadd.s32 s21, s3  }
0x9d: {  	[timem:s7], [sflag:s22] =	dma.local [hbm:s5], s20  }
0x9e: {  	_ =	swait.ge [sflag:s22], s20  }
0x9f: {  	s4 =	ssub.s32 $0x0, s20;
	[sflag:s22] =	ssyncset.done $0x0  }
0xa0: {  	[sflag:s22] =	ssyncadd.s32 s4;
	_ =	sdelay $0x1  }
0xa1: {  	s23 =	simm.s32 $0x1B8B  }
0xa2: {  	_ =	swait.ge [sflag:s23], $0x1  }
0xa3: {  	[sflag:s23] =	ssyncset.done $0x0  }
0xa4: {  	s25 =	simm.s32 $0x1B8E;
	s24 =	sld [smem:$0x3FFE];
	[sflag:s23] =	ssyncadd.s32 $0xFFFFFFFF  }
0xa5: {  	s26 =	simm.s32 $execute0_lowered;
	[smem:$0x3FD2] =	sst s25  }
0xa6: {  	s5 =	sshll.u32 s26, $0x1;
	_ =	strace $0x80000046;
	[dreg:$0x1] =	wrdreg $0xFFFFFFFF  }
0xa7: {  	s28 =	simm.s32 $_size_execute0_lowered;
	s3 =	sadd.s32 s3, s5;
	[dreg:$0x0] =	wrdreg $0x0  }
0xa8: {  	s5 =	sshll.u32 s28, $0x1;
	[dreg:$0x2] =	wrdreg s3  }
0xa9: {  	[dreg:$0x3] =	wrdreg s5  }
0xaa: {  	[dreg:$0x4] =	wrdreg $0xC0  }
0xab: {  	_ =	task [dreg:s7], $0x5FFFF  }
0xac: {  	[dreg:$0x1] =	wrdreg $0xFFFFFFFF  }
0xad: {  	[dreg:$0x0] =	wrdreg $0x60  }
0xae: {  	[dreg:$0x2] =	wrdreg s2  }
0xaf: {  	[dreg:$0x3] =	wrdreg s24  }
0xb0: {  	[dreg:$0x4] =	wrdreg $0x9  }
0xb1: {  	_ =	task.clear_ibuf [dreg:s7], $0x5FFFF;
	_ =	strace $0x90000046  }
0xb2: {  	s29 =	simm.s32 $0x9;
	_ =	strace $0x80000048  }
0xb3: {  	_ =	swait.ge [sflag:s29], $0x1  }
0xb4: {  	[sflag:s29] =	ssyncadd.s32 $0xFFFFFFFF  }
0xb5: {  	_ =	strace $0x90000048  }
0xb6: {  	_ =	sfence  }
0xb7: {  	s30 =	sld [smem:$0x0];
	_ =	sdelay $0x2  }
0xb8: {  	s31 =	sshll.u32 s1, $0xD;
	s1 =	sshrl.u32 s1, $0x2  }
0xb9: {  	s3 =	sand.u32 $0x4000, s31;
	s1 =	sadd.s32 s1, s30  }
0xba: {  	s0 =	sor.u32 s3, s0;
	s1 =	sshll.u32 s1, $0x11  }
0xbb: {  	s0 =	sor.u32 s1, s0  }
0xbc: {  	s0 =	sadd.s32 $0x8F2B, s0  }
0xbd: {  	[sflag:s0] =	ssyncadd.remote.s32 $0x1  }
0xbe: {  	_ =	sfence.sel $0xFFFF  }
0xbf: {  	[dreg:$0x0] =	wrdreg $0xFFFFFFFF;
	(pc) =	sbr.abs _section_cstart, $3  }
0xc0: {  	[dreg:$0x1] =	wrdreg $0xFFFFFFFF  }
0xc1: {  	_ =	task.clear_ibuf [dreg:s7], $0x2FFFF;
	_ =	strace $0x9FFFFFFF  }
0xc2: {  	(tm) =	ssettm $0x7FFFFFFF  }
0xc3: {  	_ =	shalt  }
tec
execute0_lowered:
.L_overlay_start_1:
0x0: {  	(tag) =	ssettag $0x1  }
0x1: {  	s0 =	srdreg.scid  }
0x2: {  	s1 =	rddreg [dreg:$0x0];
	s2 =	stileid.u32  }
0x3: {  	s6 =	rddreg [dreg:$0x1];
	s26 =	simm.s32 $0x80;
	s18 =	simm.s32 $0x100  }
0x4: {  	s22 =	simm.s32 $0x1900;
	s23 =	simm.s32 $0x2100;
	s24 =	simm.s32 $0x2900  }
0x5: {  	s25 =	simm.s32 $0x3100;
	s28 =	simm.s32 $0x4100;
	s29 =	simm.s32 $0x4900  }
0x6: {  	s30 =	simm.s32 $0x5100;
	s31 =	simm.s32 $0x5900;
	s10 =	simm.s32 $0x7100  }
0x7: {  	s11 =	simm.s32 $0x7900;
	s12 =	simm.s32 $0x8100;
	s13 =	simm.s32 $0x8900  }
0x8: {  	s14 =	simm.s32 $0x9100;
	s15 =	simm.s32 $0x9900;
	s16 =	simm.s32 $0xA100  }
0x9: {  	s17 =	simm.s32 $0xA900;
	s9 =	simm.s32 $0xB100;
	s19 =	simm.s32 $0xB900  }
0xa: {  	s0 =	sand.u32 $0x1, s0;
	s3 =	sshll.u32 s2, $0x7;
	s2 =	simm.s32 $0x0  }
0xb: {  	s4 =	sshll.u32 s0, $0x6;
	[smem:$0x7FF] =	sst s2;
	s0 =	ssub.s32 $0x2, s0  }
0xc: {  	s4 =	sor.u32 s4, s3;
	_ =	strace $0x80000047;
	s7 =	sshrl.u32 s0, $0x1  }
0xd: {  	[dreg:$0x6] =	wrdreg s26;
	s3 =	sshrl.u32 s4, $0x3;
	s4 =	sshll.u32 s4, $0x7  }
0xe: {  	s26 =	simm.s32 $0x3900;
	s5 =	sadd.s32 s3, s6;
	s1 =	sadd.s32 s1, s4  }
0xf: {  	s0 =	ssub.s32 s0, s7;
	s8 =	sadd.s32 $0x1C00, s5;
	[dreg:$0x5] =	wrdreg s1  }
0x10: {  	v2 =	vlaneseq.u32;
	s3 =	sadd.s32 $0xA000, s6;
	s5 =	sadd.s32 $0x1E00, s5;
	[dreg:$0x3] =	wrdreg s8  }
0x11: {  	vm0 =	vmmov $0xffff;
	v1 =	vshrl.u32 v2, $0x3;
	s4 =	sadd.s32 $0xA100, s6;
	s7 =	smax.u32 s0, $0x1;
	[dreg:$0x4] =	wrdreg s5  }
0x12: {  	v0 =	vand.u32 $0x7, v2;
	v2 =	vor.u32 $0x8, v2;
	v1 =	vmul.u32 $0x8, v1;
	s5 =	sadd.s32 $0xA200, s6;
	s6 =	sadd.s32 $0xA300, s6;
	s8 =	simm.s32 $0x3  }
.LBB2_1:
0x13: {  	s20 =	rddreg [dreg:$0x3]  }
0x14: {  	[tilespmem:s2], [sflag:$0x3] =	stream.linear.gather [hbm4b:s20+s2], $0x40, $0x38;
	[tilespmem:$0x10100] =	vst v63  }
0x15: {  	_ =	swait.ge [sflag:s8], $0x40  }
0x16: {  	s0 =	rddreg [dreg:$0x4];
	[sflag:s8] =	ssyncset.done $0x0  }
0x17: {  	s21 =	rddreg [dreg:$0x6];
	[sflag:s8] =	ssyncadd.s32 $0xFFFFFFC0  }
0x18: {  	[tilespmem:s21], [sflag:$0x3] =	stream.linear.gather [hbm4b:s0+s2], $0x40, $0x38;
	[tilespmem:$0x10100] =	vst v63  }
0x19: {  	_ =	swait.ge [sflag:s8], $0x40  }
0x1a: {  	[sflag:s8] =	ssyncset.done $0x0  }
0x1b: {  	s1 =	rddreg [dreg:$0x5];
	[sflag:s8] =	ssyncadd.s32 $0xFFFFFFC0  }
0x1c: {  	[tilespmem:s18], [sflag:$0x3] =	stream.linear.gather [hbm4b:s1+s2], $0x10000, $0x38;
	[tilespmem:$0x10100] =	vst v63  }
0x1d: {  	_ =	swait.ge [sflag:s8], $0x10000  }
0x1e: {  	[sflag:s8] =	ssyncset.done $0x0  }
0x1f: {  	[sflag:s8] =	ssyncadd.s32 $0xFFFF0000  }
0x20: {  	v3 =	vld [tilespmem:$0x0];
	_ =	sdelay $0x4  }
0x21: {  	v4 =	vshll.u32 v3, $0x3  }
0x22: {  	v3 =	vand.u32 $0x7, v3;
	v4 =	vand.u32 $0xFFFFFFC0, v4  }
0x23: {  	v3 =	vor.u32 v3, v4  }
0x24: {  	v4 =	vperm.xlane v3, v0;
	_ =	sdelay $0x1  }
0x25: {  	v4 =	vadd.s32 v1, v4;
	_ =	sdelay $0x4  }
0x26: {  	[hbm4b:s3+s2] =	stream.indirect_vreg.scatter [tilespmem:s18], [sflag:$0x1], $0x80, v4, vm0, $0xb8;
	[tilespmem:$0x10100] =	vst v63  }
0x27: {  	s20 =	simm.s32 $0x900;
	v3 =	vperm.xlane v3, v2  }
0x28: {  	[hbm4b:s4+s2] =	stream.indirect_vreg.scatter [tilespmem:s20], [sflag:$0x1], $0x80, v4, vm0, $0xb8;
	[tilespmem:$0x10100] =	vst v63  }
0x29: {  	s21 =	simm.s32 $0x1100;
	v3 =	vadd.s32 v1, v3  }
0x2a: {  	[hbm4b:s5+s2] =	stream.indirect_vreg.scatter [tilespmem:s21], [sflag:$0x1], $0x80, v4, vm0, $0xb8;
	[tilespmem:$0x10100] =	vst v63  }
0x2b: {  	_ = 	snop  }
0x2c: {  	[hbm4b:s6+s2] =	stream.indirect_vreg.scatter [tilespmem:s22], [sflag:$0x1], $0x80, v4, vm0, $0xb8;
	[tilespmem:$0x10100] =	vst v63  }
0x2d: {  	_ = 	snop  }
0x2e: {  	[hbm4b:s3+s2] =	stream.indirect_vreg.scatter [tilespmem:s23], [sflag:$0x1], $0x80, v3, vm0, $0xb8;
	[tilespmem:$0x10100] =	vst v63  }
0x2f: {  	_ = 	snop  }
0x30: {  	[hbm4b:s4+s2] =	stream.indirect_vreg.scatter [tilespmem:s24], [sflag:$0x1], $0x80, v3, vm0, $0xb8;
	[tilespmem:$0x10100] =	vst v63  }
0x31: {  	_ = 	snop  }
0x32: {  	[hbm4b:s5+s2] =	stream.indirect_vreg.scatter [tilespmem:s25], [sflag:$0x1], $0x80, v3, vm0, $0xb8;
	[tilespmem:$0x10100] =	vst v63  }
0x33: {  	_ = 	snop  }
0x34: {  	[hbm4b:s6+s2] =	stream.indirect_vreg.scatter [tilespmem:s26], [sflag:$0x1], $0x80, v3, vm0, $0xb8;
	[tilespmem:$0x10100] =	vst v63  }
0x35: {  	v3 =	vld [tilespmem:$0x10];
	_ =	sdelay $0x4  }
0x36: {  	v57 =	vshll.u32 v3, $0x3  }
0x37: {  	v3 =	vand.u32 $0x7, v3;
	v4 =	vand.u32 $0xFFFFFFC0, v57  }
0x38: {  	v3 =	vor.u32 v3, v4  }
0x39: {  	v4 =	vperm.xlane v3, v0;
	_ =	sdelay $0x1  }
0x3a: {  	v4 =	vadd.s32 v1, v4;
	_ =	sdelay $0x4  }
0x3b: {  	[hbm4b:s3+s2] =	stream.indirect_vreg.scatter [tilespmem:s28], [sflag:$0x1], $0x80, v4, vm0, $0xb8;
	[tilespmem:$0x10100] =	vst v63  }
0x3c: {  	v3 =	vperm.xlane v3, v2  }
0x3d: {  	[hbm4b:s4+s2] =	stream.indirect_vreg.scatter [tilespmem:s29], [sflag:$0x1], $0x80, v4, vm0, $0xb8;
	[tilespmem:$0x10100] =	vst v63  }
0x3e: {  	v3 =	vadd.s32 v1, v3  }
0x3f: {  	[hbm4b:s5+s2] =	stream.indirect_vreg.scatter [tilespmem:s30], [sflag:$0x1], $0x80, v4, vm0, $0xb8;
	[tilespmem:$0x10100] =	vst v63  }
0x40: {  	_ = 	snop  }
0x41: {  	[hbm4b:s6+s2] =	stream.indirect_vreg.scatter [tilespmem:s31], [sflag:$0x1], $0x80, v4, vm0, $0xb8;
	[tilespmem:$0x10100] =	vst v63  }
0x42: {  	s1 =	simm.s32 $0x6100  }
0x43: {  	[hbm4b:s3+s2] =	stream.indirect_vreg.scatter [tilespmem:s1], [sflag:$0x1], $0x80, v3, vm0, $0xb8;
	[tilespmem:$0x10100] =	vst v63  }
0x44: {  	s0 =	simm.s32 $0x6900  }
0x45: {  	[hbm4b:s4+s2] =	stream.indirect_vreg.scatter [tilespmem:s0], [sflag:$0x1], $0x80, v3, vm0, $0xb8;
	[tilespmem:$0x10100] =	vst v63  }
0x46: {  	_ = 	snop  }
0x47: {  	[hbm4b:s5+s2] =	stream.indirect_vreg.scatter [tilespmem:s10], [sflag:$0x1], $0x80, v3, vm0, $0xb8;
	[tilespmem:$0x10100] =	vst v63  }
0x48: {  	_ = 	snop  }
0x49: {  	[hbm4b:s6+s2] =	stream.indirect_vreg.scatter [tilespmem:s11], [sflag:$0x1], $0x80, v3, vm0, $0xb8;
	[tilespmem:$0x10100] =	vst v63  }
0x4a: {  	v3 =	vld [tilespmem:$0x20];
	_ =	sdelay $0x4  }
0x4b: {  	v58 =	vshll.u32 v3, $0x3  }
0x4c: {  	v3 =	vand.u32 $0x7, v3;
	v4 =	vand.u32 $0xFFFFFFC0, v58  }
0x4d: {  	v3 =	vor.u32 v3, v4  }
0x4e: {  	v4 =	vperm.xlane v3, v0;
	_ =	sdelay $0x1  }
0x4f: {  	v4 =	vadd.s32 v1, v4;
	_ =	sdelay $0x4  }
0x50: {  	[hbm4b:s3+s2] =	stream.indirect_vreg.scatter [tilespmem:s12], [sflag:$0x1], $0x80, v4, vm0, $0xb8;
	[tilespmem:$0x10100] =	vst v63  }
0x51: {  	v3 =	vperm.xlane v3, v2  }
0x52: {  	[hbm4b:s4+s2] =	stream.indirect_vreg.scatter [tilespmem:s13], [sflag:$0x1], $0x80, v4, vm0, $0xb8;
	[tilespmem:$0x10100] =	vst v63  }
0x53: {  	v3 =	vadd.s32 v1, v3  }
0x54: {  	[hbm4b:s5+s2] =	stream.indirect_vreg.scatter [tilespmem:s14], [sflag:$0x1], $0x80, v4, vm0, $0xb8;
	[tilespmem:$0x10100] =	vst v63  }
0x55: {  	_ = 	snop  }
0x56: {  	[hbm4b:s6+s2] =	stream.indirect_vreg.scatter [tilespmem:s15], [sflag:$0x1], $0x80, v4, vm0, $0xb8;
	[tilespmem:$0x10100] =	vst v63  }
0x57: {  	_ = 	snop  }
0x58: {  	[hbm4b:s3+s2] =	stream.indirect_vreg.scatter [tilespmem:s16], [sflag:$0x1], $0x80, v3, vm0, $0xb8;
	[tilespmem:$0x10100] =	vst v63  }
0x59: {  	_ = 	snop  }
0x5a: {  	[hbm4b:s4+s2] =	stream.indirect_vreg.scatter [tilespmem:s17], [sflag:$0x1], $0x80, v3, vm0, $0xb8;
	[tilespmem:$0x10100] =	vst v63  }
0x5b: {  	_ = 	snop  }
0x5c: {  	[hbm4b:s5+s2] =	stream.indirect_vreg.scatter [tilespmem:s9], [sflag:$0x1], $0x80, v3, vm0, $0xb8;
	[tilespmem:$0x10100] =	vst v63  }
0x5d: {  	_ = 	snop  }
0x5e: {  	[hbm4b:s6+s2] =	stream.indirect_vreg.scatter [tilespmem:s19], [sflag:$0x1], $0x80, v3, vm0, $0xb8;
	[tilespmem:$0x10100] =	vst v63  }
0x5f: {  	v3 =	vld [tilespmem:$0x30];
	_ =	sdelay $0x4  }
0x60: {  	v59 =	vshll.u32 v3, $0x3  }
0x61: {  	v3 =	vand.u32 $0x7, v3;
	v4 =	vand.u32 $0xFFFFFFC0, v59  }
0x62: {  	v3 =	vor.u32 v3, v4  }
0x63: {  	v4 =	vperm.xlane v3, v0;
	_ =	sdelay $0x1  }
0x64: {  	v4 =	vadd.s32 v1, v4;
	_ =	sdelay $0x3  }
0x65: {  	s0 =	simm.s32 $0xC100  }
0x66: {  	[hbm4b:s3+s2] =	stream.indirect_vreg.scatter [tilespmem:s0], [sflag:$0x1], $0x80, v4, vm0, $0xb8;
	[tilespmem:$0x10100] =	vst v63  }
0x67: {  	v3 =	vperm.xlane v3, v2;
	s0 =	simm.s32 $0xC900  }
0x68: {  	[hbm4b:s4+s2] =	stream.indirect_vreg.scatter [tilespmem:s0], [sflag:$0x1], $0x80, v4, vm0, $0xb8;
	[tilespmem:$0x10100] =	vst v63  }
0x69: {  	v3 =	vadd.s32 v1, v3;
	s0 =	simm.s32 $0xD100  }
0x6a: {  	[hbm4b:s5+s2] =	stream.indirect_vreg.scatter [tilespmem:s0], [sflag:$0x1], $0x80, v4, vm0, $0xb8;
	[tilespmem:$0x10100] =	vst v63  }
0x6b: {  	s0 =	simm.s32 $0xD900  }
0x6c: {  	[hbm4b:s6+s2] =	stream.indirect_vreg.scatter [tilespmem:s0], [sflag:$0x1], $0x80, v4, vm0, $0xb8;
	[tilespmem:$0x10100] =	vst v63  }
0x6d: {  	s0 =	simm.s32 $0xE100  }
0x6e: {  	[hbm4b:s3+s2] =	stream.indirect_vreg.scatter [tilespmem:s0], [sflag:$0x1], $0x80, v3, vm0, $0xb8;
	[tilespmem:$0x10100] =	vst v63  }
0x6f: {  	s0 =	simm.s32 $0xE900  }
0x70: {  	[hbm4b:s4+s2] =	stream.indirect_vreg.scatter [tilespmem:s0], [sflag:$0x1], $0x80, v3, vm0, $0xb8;
	[tilespmem:$0x10100] =	vst v63  }
0x71: {  	s0 =	simm.s32 $0xF100  }
0x72: {  	[hbm4b:s5+s2] =	stream.indirect_vreg.scatter [tilespmem:s0], [sflag:$0x1], $0x80, v3, vm0, $0xb8;
	[tilespmem:$0x10100] =	vst v63  }
0x73: {  	s0 =	simm.s32 $0xF900  }
0x74: {  	[hbm4b:s6+s2] =	stream.indirect_vreg.scatter [tilespmem:s0], [sflag:$0x1], $0x80, v3, vm0, $0xb8;
	[tilespmem:$0x10100] =	vst v63  }
0x75: {  	v3 =	vld [tilespmem:$0x80];
	_ =	sdelay $0x4  }
0x76: {  	v60 =	vshll.u32 v3, $0x3  }
0x77: {  	v3 =	vand.u32 $0x7, v3;
	v4 =	vand.u32 $0xFFFFFFC0, v60  }
0x78: {  	v3 =	vor.u32 v3, v4  }
0x79: {  	v4 =	vperm.xlane v3, v0;
	_ =	sdelay $0x1  }
0x7a: {  	v4 =	vadd.s32 v1, v4;
	_ =	sdelay $0x4  }
0x7b: {  	[hbm4b:s3+s2] =	stream.indirect_vreg.scatter [tilespmem:s18], [sflag:$0x2], $0x80, v4, vm0, $0xb8;
	[tilespmem:$0x10100] =	vst v63  }
0x7c: {  	v3 =	vperm.xlane v3, v2  }
0x7d: {  	[hbm4b:s4+s2] =	stream.indirect_vreg.scatter [tilespmem:s20], [sflag:$0x2], $0x80, v4, vm0, $0xb8;
	[tilespmem:$0x10100] =	vst v63  }
0x7e: {  	v3 =	vadd.s32 v1, v3  }
0x7f: {  	[hbm4b:s5+s2] =	stream.indirect_vreg.scatter [tilespmem:s21], [sflag:$0x2], $0x80, v4, vm0, $0xb8;
	[tilespmem:$0x10100] =	vst v63  }
0x80: {  	_ = 	snop  }
0x81: {  	[hbm4b:s6+s2] =	stream.indirect_vreg.scatter [tilespmem:s22], [sflag:$0x2], $0x80, v4, vm0, $0xb8;
	[tilespmem:$0x10100] =	vst v63  }
0x82: {  	_ = 	snop  }
0x83: {  	[hbm4b:s3+s2] =	stream.indirect_vreg.scatter [tilespmem:s23], [sflag:$0x2], $0x80, v3, vm0, $0xb8;
	[tilespmem:$0x10100] =	vst v63  }
0x84: {  	_ = 	snop  }
0x85: {  	[hbm4b:s4+s2] =	stream.indirect_vreg.scatter [tilespmem:s24], [sflag:$0x2], $0x80, v3, vm0, $0xb8;
	[tilespmem:$0x10100] =	vst v63  }
0x86: {  	_ = 	snop  }
0x87: {  	[hbm4b:s5+s2] =	stream.indirect_vreg.scatter [tilespmem:s25], [sflag:$0x2], $0x80, v3, vm0, $0xb8;
	[tilespmem:$0x10100] =	vst v63  }
0x88: {  	_ = 	snop  }
0x89: {  	[hbm4b:s6+s2] =	stream.indirect_vreg.scatter [tilespmem:s26], [sflag:$0x2], $0x80, v3, vm0, $0xb8;
	[tilespmem:$0x10100] =	vst v63  }
0x8a: {  	v3 =	vld [tilespmem:$0x90];
	_ =	sdelay $0x4  }
0x8b: {  	v61 =	vshll.u32 v3, $0x3  }
0x8c: {  	v3 =	vand.u32 $0x7, v3;
	v4 =	vand.u32 $0xFFFFFFC0, v61  }
0x8d: {  	v3 =	vor.u32 v3, v4  }
0x8e: {  	v4 =	vperm.xlane v3, v0;
	_ =	sdelay $0x1  }
0x8f: {  	v4 =	vadd.s32 v1, v4;
	_ =	sdelay $0x4  }
0x90: {  	[hbm4b:s3+s2] =	stream.indirect_vreg.scatter [tilespmem:s28], [sflag:$0x2], $0x80, v4, vm0, $0xb8;
	[tilespmem:$0x10100] =	vst v63  }
0x91: {  	v3 =	vperm.xlane v3, v2  }
0x92: {  	[hbm4b:s4+s2] =	stream.indirect_vreg.scatter [tilespmem:s29], [sflag:$0x2], $0x80, v4, vm0, $0xb8;
	[tilespmem:$0x10100] =	vst v63  }
0x93: {  	v3 =	vadd.s32 v1, v3  }
0x94: {  	[hbm4b:s5+s2] =	stream.indirect_vreg.scatter [tilespmem:s30], [sflag:$0x2], $0x80, v4, vm0, $0xb8;
	[tilespmem:$0x10100] =	vst v63  }
0x95: {  	_ = 	snop  }
0x96: {  	[hbm4b:s6+s2] =	stream.indirect_vreg.scatter [tilespmem:s31], [sflag:$0x2], $0x80, v4, vm0, $0xb8;
	[tilespmem:$0x10100] =	vst v63  }
0x97: {  	_ = 	snop  }
0x98: {  	[hbm4b:s3+s2] =	stream.indirect_vreg.scatter [tilespmem:s1], [sflag:$0x2], $0x80, v3, vm0, $0xb8;
	[tilespmem:$0x10100] =	vst v63  }
0x99: {  	s20 =	simm.s32 $0x6900  }
0x9a: {  	[hbm4b:s4+s2] =	stream.indirect_vreg.scatter [tilespmem:s20], [sflag:$0x2], $0x80, v3, vm0, $0xb8;
	[tilespmem:$0x10100] =	vst v63  }
0x9b: {  	_ = 	snop  }
0x9c: {  	[hbm4b:s5+s2] =	stream.indirect_vreg.scatter [tilespmem:s10], [sflag:$0x2], $0x80, v3, vm0, $0xb8;
	[tilespmem:$0x10100] =	vst v63  }
0x9d: {  	_ = 	snop  }
0x9e: {  	[hbm4b:s6+s2] =	stream.indirect_vreg.scatter [tilespmem:s11], [sflag:$0x2], $0x80, v3, vm0, $0xb8;
	[tilespmem:$0x10100] =	vst v63  }
0x9f: {  	v3 =	vld [tilespmem:$0xA0];
	_ =	sdelay $0x4  }
0xa0: {  	v62 =	vshll.u32 v3, $0x3  }
0xa1: {  	v3 =	vand.u32 $0x7, v3;
	v4 =	vand.u32 $0xFFFFFFC0, v62  }
0xa2: {  	v3 =	vor.u32 v3, v4  }
0xa3: {  	v4 =	vperm.xlane v3, v0;
	_ =	sdelay $0x1  }
0xa4: {  	v4 =	vadd.s32 v1, v4;
	_ =	sdelay $0x4  }
0xa5: {  	[hbm4b:s3+s2] =	stream.indirect_vreg.scatter [tilespmem:s12], [sflag:$0x2], $0x80, v4, vm0, $0xb8;
	[tilespmem:$0x10100] =	vst v63  }
0xa6: {  	v3 =	vperm.xlane v3, v2  }
0xa7: {  	[hbm4b:s4+s2] =	stream.indirect_vreg.scatter [tilespmem:s13], [sflag:$0x2], $0x80, v4, vm0, $0xb8;
	[tilespmem:$0x10100] =	vst v63  }
0xa8: {  	v3 =	vadd.s32 v1, v3  }
0xa9: {  	[hbm4b:s5+s2] =	stream.indirect_vreg.scatter [tilespmem:s14], [sflag:$0x2], $0x80, v4, vm0, $0xb8;
	[tilespmem:$0x10100] =	vst v63  }
0xaa: {  	_ = 	snop  }
0xab: {  	[hbm4b:s6+s2] =	stream.indirect_vreg.scatter [tilespmem:s15], [sflag:$0x2], $0x80, v4, vm0, $0xb8;
	[tilespmem:$0x10100] =	vst v63  }
0xac: {  	_ = 	snop  }
0xad: {  	[hbm4b:s3+s2] =	stream.indirect_vreg.scatter [tilespmem:s16], [sflag:$0x2], $0x80, v3, vm0, $0xb8;
	[tilespmem:$0x10100] =	vst v63  }
0xae: {  	_ = 	snop  }
0xaf: {  	[hbm4b:s4+s2] =	stream.indirect_vreg.scatter [tilespmem:s17], [sflag:$0x2], $0x80, v3, vm0, $0xb8;
	[tilespmem:$0x10100] =	vst v63  }
0xb0: {  	_ = 	snop  }
0xb1: {  	[hbm4b:s5+s2] =	stream.indirect_vreg.scatter [tilespmem:s9], [sflag:$0x2], $0x80, v3, vm0, $0xb8;
	[tilespmem:$0x10100] =	vst v63  }
0xb2: {  	_ = 	snop  }
0xb3: {  	[hbm4b:s6+s2] =	stream.indirect_vreg.scatter [tilespmem:s19], [sflag:$0x2], $0x80, v3, vm0, $0xb8;
	[tilespmem:$0x10100] =	vst v63  }
0xb4: {  	v3 =	vld [tilespmem:$0xB0];
	_ =	sdelay $0x4  }
0xb5: {  	v63 =	vshll.u32 v3, $0x3  }
0xb6: {  	v3 =	vand.u32 $0x7, v3;
	v4 =	vand.u32 $0xFFFFFFC0, v63  }
0xb7: {  	v3 =	vor.u32 v3, v4  }
0xb8: {  	v4 =	vperm.xlane v3, v0;
	_ =	sdelay $0x1  }
0xb9: {  	v4 =	vadd.s32 v1, v4;
	_ =	sdelay $0x3  }
0xba: {  	s21 =	simm.s32 $0xC100  }
0xbb: {  	[hbm4b:s3+s2] =	stream.indirect_vreg.scatter [tilespmem:s21], [sflag:$0x2], $0x80, v4, vm0, $0xb8;
	[tilespmem:$0x10100] =	vst v63  }
0xbc: {  	s20 =	simm.s32 $0xC900;
	v3 =	vperm.xlane v3, v2  }
0xbd: {  	[hbm4b:s4+s2] =	stream.indirect_vreg.scatter [tilespmem:s20], [sflag:$0x2], $0x80, v4, vm0, $0xb8;
	[tilespmem:$0x10100] =	vst v63  }
0xbe: {  	v3 =	vadd.s32 v1, v3;
	s21 =	simm.s32 $0xD100  }
0xbf: {  	[hbm4b:s5+s2] =	stream.indirect_vreg.scatter [tilespmem:s21], [sflag:$0x2], $0x80, v4, vm0, $0xb8;
	[tilespmem:$0x10100] =	vst v63  }
0xc0: {  	s20 =	simm.s32 $0xD900  }
0xc1: {  	[hbm4b:s6+s2] =	stream.indirect_vreg.scatter [tilespmem:s20], [sflag:$0x2], $0x80, v4, vm0, $0xb8;
	[tilespmem:$0x10100] =	vst v63  }
0xc2: {  	s21 =	simm.s32 $0xE100  }
0xc3: {  	[hbm4b:s3+s2] =	stream.indirect_vreg.scatter [tilespmem:s21], [sflag:$0x2], $0x80, v3, vm0, $0xb8;
	[tilespmem:$0x10100] =	vst v63  }
0xc4: {  	s20 =	simm.s32 $0xE900  }
0xc5: {  	[hbm4b:s4+s2] =	stream.indirect_vreg.scatter [tilespmem:s20], [sflag:$0x2], $0x80, v3, vm0, $0xb8;
	[tilespmem:$0x10100] =	vst v63  }
0xc6: {  	s21 =	simm.s32 $0xF100  }
0xc7: {  	[hbm4b:s5+s2] =	stream.indirect_vreg.scatter [tilespmem:s21], [sflag:$0x2], $0x80, v3, vm0, $0xb8;
	[tilespmem:$0x10100] =	vst v63  }
0xc8: {  	s20 =	simm.s32 $0x1  }
0xc9: {  	[hbm4b:s6+s2] =	stream.indirect_vreg.scatter [tilespmem:s0], [sflag:$0x2], $0x80, v3, vm0, $0xb8;
	[tilespmem:$0x10100] =	vst v63  }
0xca: {  	p0 =	sne.s32 s7, $0x1;
	_ =	swait.ge [sflag:s20], $0x10000  }
.Ltmp0:
0xcb: {  	[sflag:s20] =	ssyncset.done $0x0;
	(pc) =	sbr.rel @p0 .LBB2_1-.Ltmp0, $4  }
0xcc: {  	s21 =	simm.s32 $0x2;
	[sflag:s20] =	ssyncadd.s32 $0xFFFF0000  }
0xcd: {  	_ =	swait.ge [sflag:s21], $0x10000  }
0xce: {  	[sflag:s21] =	ssyncset.done $0x0  }
0xcf: {  	s7 =	sadd.s32 $0xFFFFFFFF, s7;
	[sflag:s21] =	ssyncadd.s32 $0xFFFF0000  }
0xd0: {  	_ =	sfence.sel $0x180000  }
0xd1: {  	[bflag:$0x0] =	sbarrier.arrive $0xFFFF  }
0xd2: {  	_ =	strace $0x90000047  }
0xd3: {  	s0 =	stileid.u32;
	[bflag:$0x2] =	sbarrier.arrive $0xFFFF  }
0xd4: {  	p0 =	sne.s32 s0, $0x0;
	s0 =	rddreg [dreg:$0x2]  }
0xd5: {  	s0 =	sadd.s32 @!p0 $0x100000, s0  }
0xd6: {  	[sflag:s0] =	ssyncadd.tile.s32 @!p0 $0x1;
	_ =	shalt  }
.Lfunc_end2:
_tile_overlayer_lowered:
.L_overlay_start_2:
0xd7: {  	(tag) =	ssettag $0x2  }
0xd8: {  	s0 =	rddreg [dreg:$0x0];
	s2 =	stileid.u32  }
0xd9: {  	s1 =	rddreg [dreg:$0x1];
	p0 =	sne.s32 s2, $0x0  }
0xda: {  	s3 =	rddreg [dreg:$0x2];
	[bflag:$0x3] =	sbarrier.arrive $0xFFFF;
	s2 =	simm.s32 @!p0 $0x1C03  }
0xdb: {  	[timem:s3], [sflag:s2] =	dma.local @!p0 [hbm:s0], s1  }
0xdc: {  	s0 =	simm.s32 @!p0 $0x3  }
0xdd: {  	_ =	swait.ge @!p0 [sflag:s0], s1  }
0xde: {  	s1 =	ssub.s32 @!p0 $0x0, s1;
	[sflag:s0] =	ssyncset.done @!p0 $0x0  }
0xdf: {  	[sflag:s0] =	ssyncadd.s32 @!p0 s1  }
0xe0: {  	[bflag:$0x3] =	sbarrier.arrive $0xFFFF  }
0xe1: {  	_ =	shalt  }

</sc_bundles>
